<compile_context>
chip_gen: v7x
topology: tpu7x:2x2x1
jax: 0.10.2.dev20260603
libtpu: 0.0.44.dev20260713+nightly
codegen_flags: <defaults>
</compile_context>

<pallas_src>
import functools

import jax
import jax.numpy as jnp
from jax import lax
from jax.experimental import pallas as pl
from jax.experimental.pallas import tpu as pltpu
from jax.experimental.pallas import tpu_sc as plsc

_N = 10000
_E = 320000
_D = 128
_B = 8
_NPG = _N // _B
_NC = 2
_NS = 16
_NW = _NC * _NS
_EPT = _E // _NW
_K = 80
_NCHUNK = _EPT // _K
_NCHG = _E // _K
_NP = 10240
_RPT = _NP // _NS



def _pre_body(obs_ref, mean_ref, rstd_ref, wp_ref, bp_ref, dstr_ref,
              x0_ref, flg_ref):
    x = (obs_ref[...] - mean_ref[...]) * rstd_ref[...]
    x0_ref[...] = jnp.tanh(
        jnp.dot(x, wp_ref[...], preferred_element_type=jnp.float32) + bp_ref[...])
    hit = (dstr_ref[...] % _NPG == 0).astype(jnp.int32)
    flg_ref[0, 0, :] = jnp.max(hit, axis=1)


def _pre(obs, rn_mean, rn_rstd, W_pre, b_pre, dst_r):
    blk = 2000
    cblk = _NCHG // (_N // blk)
    return pl.pallas_call(
        _pre_body,
        grid=(_N // blk,),
        in_specs=[
            pl.BlockSpec((blk, _D), lambda i: (i, 0)),
            pl.BlockSpec((_D,), lambda i: (0,)),
            pl.BlockSpec((_D,), lambda i: (0,)),
            pl.BlockSpec((_D, _D), lambda i: (0, 0)),
            pl.BlockSpec((_D,), lambda i: (0,)),
            pl.BlockSpec((cblk, _K), lambda i: (i, 0)),
        ],
        out_specs=[
            pl.BlockSpec((blk, _D), lambda i: (i, 0)),
            pl.BlockSpec((1, 1, cblk), lambda i: (i, 0, 0)),
        ],
        out_shape=[
            jax.ShapeDtypeStruct((_N, _D), jnp.float32),
            jax.ShapeDtypeStruct((_N // blk, 1, cblk), jnp.int32),
        ],
    )(obs, rn_mean, rn_rstd, W_pre, b_pre, dst_r)



_KB = 128
_NF = _EPT // _KB
_TAIL = _EPT - _NF * _KB


def _agg1_body(src_hbm, dst_hbm, x0_hbm, agg_hbm, gsem, ssem, dsem, acc):
    def inner(sidxb, didxw, didxt, rows):
        cid = lax.axis_index("c")
        sid = lax.axis_index("s")
        w = cid * _NS + sid
        base = w * _EPT
        rbase = sid * _RPT

        @pl.loop(0, _KB)
        def _(r):
            for c in range(_D // 16):
                rows[0, r, pl.ds(c * 16, 16)] = jnp.zeros((16,), jnp.float32)

        @pl.loop(0, _RPT // _KB)
        def _(q):
            pltpu.sync_copy(rows.at[0], acc.at[pl.ds(rbase + q * _KB, _KB)])

        pltpu.sync_copy(src_hbm.at[pl.ds(base, _EPT)], sidxb)
        plsc.subcore_barrier()

        def dd(k, j):
            pltpu.async_copy(dst_hbm.at[pl.ds(base + k * _KB, _KB)],
                             didxw.at[j], dsem.at[j])

        def gath(k, j):
            pltpu.async_copy(
                x0_hbm.at[sidxb.at[pl.ds(k * _KB, _KB)]], rows.at[j], gsem.at[j])

        def scat(k, j):
            pltpu.async_copy(rows.at[j], acc.at[didxw.at[j]], ssem.at[j],
                             add=True)

        def wg(j):
            pltpu.make_async_copy(x0_hbm.at[sidxb.at[pl.ds(0, _KB)]],
                                  rows.at[j], gsem.at[j]).wait()

        def ws(j):
            pltpu.make_async_copy(rows.at[j], acc.at[didxw.at[0]],
                                  ssem.at[j]).wait()

        def wd(j):
            pltpu.make_async_copy(dst_hbm.at[pl.ds(base, _KB)], didxw.at[j],
                                  dsem.at[j]).wait()

        dd(0, 0)
        dd(1, 1)
        gath(0, 0)
        gath(1, 1)

        @pl.loop(0, _NF - 2, step=2)
        def _(o):
            wg(0)
            wd(0)
            scat(o, 0)
            ws(0)
            gath(o + 2, 0)
            dd(o + 2, 0)
            wg(1)
            wd(1)
            scat(o + 1, 1)
            ws(1)
            gath(o + 3, 1)
            dd(o + 3, 1)

        wg(0)
        wd(0)
        scat(_NF - 2, 0)
        ws(0)
        wg(1)
        wd(1)
        scat(_NF - 1, 1)
        ws(1)

        pltpu.sync_copy(dst_hbm.at[pl.ds(base + _NF * _KB, _TAIL)], didxt)
        pltpu.sync_copy(x0_hbm.at[sidxb.at[pl.ds(_NF * _KB, _TAIL)]],
                        rows.at[0].at[pl.ds(0, _TAIL)])
        pltpu.sync_copy(rows.at[0].at[pl.ds(0, _TAIL)], acc.at[didxt],
                        add=True)
        plsc.subcore_barrier()

        @pl.loop(0, _RPT // _KB)
        def _(q):
            pltpu.sync_copy(acc.at[pl.ds(rbase + q * _KB, _KB)],
                            agg_hbm.at[cid, pl.ds(rbase + q * _KB, _KB)])

    pl.run_scoped(
        inner,
        pltpu.VMEM((_EPT,), jnp.int32),
        pltpu.VMEM((2, _KB), jnp.int32),
        pltpu.VMEM((_TAIL,), jnp.int32),
        pltpu.VMEM((2, _KB, _D), jnp.float32),
    )


def _agg1(src, dst, x0):
    mesh = plsc.VectorSubcoreMesh(core_axis_name="c", subcore_axis_name="s")
    return pl.kernel(
        _agg1_body,
        out_type=jax.ShapeDtypeStruct((_NC, _NP, _D), jnp.float32),
        mesh=mesh,
        scratch_types=[
            pltpu.SemaphoreType.DMA((2,)),
            pltpu.SemaphoreType.DMA((2,)),
            pltpu.SemaphoreType.DMA((2,)),
            pltpu.VMEM_SHARED((_NP, _D), jnp.float32),
        ],
    )(src, dst, x0)



def _l1_body(x0_ref, agg_ref, ws_ref, wa_ref, b_ref, out_ref):
    a = agg_ref[0] + agg_ref[1]
    out_ref[...] = jnp.tanh(
        jnp.dot(x0_ref[...], ws_ref[...], preferred_element_type=jnp.float32)
        + jnp.dot(a, wa_ref[...], preferred_element_type=jnp.float32)
        + b_ref[...])


def _l1(x0, agg, Ws1, Wa1, b1):
    blk = 2000
    return pl.pallas_call(
        _l1_body,
        grid=(_N // blk,),
        in_specs=[
            pl.BlockSpec((blk, _D), lambda i: (i, 0)),
            pl.BlockSpec((_NC, blk, _D), lambda i: (0, i, 0)),
            pl.BlockSpec((_D, _D), lambda i: (0, 0)),
            pl.BlockSpec((_D, _D), lambda i: (0, 0)),
            pl.BlockSpec((_D,), lambda i: (0,)),
        ],
        out_specs=pl.BlockSpec((blk, _D), lambda i: (i, 0)),
        out_shape=jax.ShapeDtypeStruct((_N, _D), jnp.float32),
    )(x0, agg, Ws1, Wa1, b1)



def _agg2_body(src_hbm, dst_hbm, x1_hbm, flags_hbm, agg2_hbm,
               dstv, srcv, rows, sidx, gidx, flgv, acc2):
    cid = lax.axis_index("c")
    sid = lax.axis_index("s")
    w = cid * _NS + sid
    base = w * _EPT
    for r in range(16):
        for c in range(_D // 16):
            rows[r, pl.ds(c * 16, 16)] = jnp.zeros((16,), jnp.float32)
    pltpu.sync_copy(rows.at[pl.ds(0, 16)], acc2)
    pltpu.sync_copy(src_hbm.at[pl.ds(base, _EPT)], srcv)
    pltpu.sync_copy(dst_hbm.at[pl.ds(base, _EPT)], dstv)
    pltpu.sync_copy(flags_hbm.at[pl.ds(w * 128, 128)], flgv.at[pl.ds(0, 128)])
    plsc.subcore_barrier()

    def step(i, carry):
        fv = flgv[pl.ds(i, 16)]

        @pl.when(fv[0] > 0)
        def _():
            for c in range(_K // 16):
                d = dstv[pl.ds(i * _K + c * 16, 16)]
                s0 = srcv[pl.ds(i * _K + c * 16, 16)]
                m = (d % _NPG) == 0
                sidx[pl.ds(c * 16, 16)] = jnp.where(m, s0, 0)
                g = (d.astype(jnp.float32) * (1.0 / _NPG) + 0.5).astype(jnp.int32)
                gidx[pl.ds(c * 16, 16)] = jnp.where(m, g, _B)
            pltpu.sync_copy(x1_hbm.at[sidx], rows)
            pltpu.sync_copy(rows, acc2.at[gidx], add=True)

        return carry

    lax.fori_loop(0, _NCHUNK, step, 0)
    plsc.subcore_barrier()

    @pl.when(sid == 0)
    def _():
        pltpu.sync_copy(acc2, agg2_hbm.at[cid])


def _agg2(src, dst, x1, flags):
    mesh = plsc.VectorSubcoreMesh(core_axis_name="c", subcore_axis_name="s")
    return pl.kernel(
        _agg2_body,
        out_type=jax.ShapeDtypeStruct((_NC, 16, _D), jnp.float32),
        mesh=mesh,
        scratch_types=[
            pltpu.VMEM((_EPT,), jnp.int32),
            pltpu.VMEM((_EPT,), jnp.int32),
            pltpu.VMEM((_K, _D), jnp.float32),
            pltpu.VMEM((_K,), jnp.int32),
            pltpu.VMEM((_K,), jnp.int32),
            pltpu.VMEM((144,), jnp.int32),
            pltpu.VMEM_SHARED((16, _D), jnp.float32),
        ],
    )(src, dst, x1, flags)



def _tail_body(x1f_ref, agg2_ref, hf_ref, ob_ref, go_ref,
               ws2_ref, wa2_ref, b2_ref, wm_ref, bm_ref,
               wh_ref, bh_ref, wo_ref, bo_ref, wg_ref, bg_ref,
               wv_ref, bv_ref, out_ref):
    dot = functools.partial(jnp.dot, preferred_element_type=jnp.float32)
    agg2 = agg2_ref[0, :_B, :] + agg2_ref[1, :_B, :]
    x2 = jnp.tanh(dot(x1f_ref[...], ws2_ref[...]) + dot(agg2, wa2_ref[...])
                  + b2_ref[...])
    x3 = jnp.tanh(dot(x2, wm_ref[...]) + bm_ref[...])
    xh = jnp.tanh(dot(hf_ref[...], wh_ref[...]) + bh_ref[...])
    xo = jnp.tanh(dot(ob_ref[...], wo_ref[...]) + bo_ref[...])
    xg = jnp.tanh(dot(go_ref[...], wg_ref[...]) + bg_ref[...])
    cat = jnp.concatenate([x3, xh, xo, xg], axis=-1)
    out_ref[...] = dot(cat, wv_ref[...]) + bv_ref[...]


def _tail(x1f, agg2, hfield, obj, goal, Ws2, Wa2, b2, W_mlp, b_mlp,
          Wh, bh, Wo, bo, Wg, bg, Wv, bv):
    return pl.pallas_call(
        _tail_body,
        out_shape=jax.ShapeDtypeStruct((_B, 1), jnp.float32),
    )(x1f, agg2, hfield, obj, goal, Ws2, Wa2, b2, W_mlp, b_mlp,
      Wh, bh, Wo, bo, Wg, bg, Wv, bv)



def kernel(obs, edges, hfield, obj, goal, rn_mean, rn_rstd, W_pre, b_pre,
           Ws1, Wa1, b1, Ws2, Wa2, b2, W_mlp, b_mlp,
           Wh, bh, Wo, bo, Wg, bg, Wv, bv):
    src, dst = edges[0], edges[1]
    dst_r = dst.reshape(_NCHG, _K)
    x0, flags = _pre(obs, rn_mean, rn_rstd, W_pre, b_pre, dst_r)
    flags_p = jnp.pad(flags.reshape(_NW, _NCHUNK), ((0, 0), (0, 3))).reshape(-1)

    agg = _agg1(src, dst, x0)
    x1 = _l1(x0, agg, Ws1, Wa1, b1)
    agg2 = _agg2(src, dst, x1, flags_p)
    x1f = x1[::_NPG]
    return _tail(x1f, agg2, hfield, obj, goal, Ws2, Wa2, b2, W_mlp, b_mlp,
                 Wh, bh, Wo, bo, Wg, bg, Wv, bv)

# --- scband reference (transcript-rebuilt; emitter-appended) ---
"""Pipeline reference for scband-transform2-act-value-52733608460909 (READ-ONLY COPY).

The authoritative reference and input builder live on the scoring server;
editing this copy changes nothing except your own understanding.
"""

import jax, jax.numpy as jnp
import numpy as np

N = 10000
E = 320000
D = 128
B = 8
NPG = N // B
HF = 1024
OB = 64
GO = 32
ENC = 64


def setup_inputs(seed: int = 0) -> dict:
    key = jax.random.key(seed)
    ks = jax.random.split(key, 32)

    def w(i, shape):
        return jax.random.normal(ks[i], shape, dtype=jnp.float32) * 0.05

    inp = {}
    inp["obs"] = jax.random.normal(ks[0], (N, D), dtype=jnp.float32)
    inp["edges"] = jax.random.randint(ks[1], (2, E), 0, N, dtype=jnp.int32)
    inp["hfield"] = jax.random.normal(ks[2], (B, HF), dtype=jnp.float32)
    inp["obj"] = jax.random.normal(ks[3], (B, OB), dtype=jnp.float32)
    inp["goal"] = jax.random.normal(ks[4], (B, GO), dtype=jnp.float32)
    # RunningNorm params (inference-mode affine)
    inp["rn_mean"] = w(5, (D,))
    inp["rn_rstd"] = jax.random.uniform(ks[6], (D,), dtype=jnp.float32, minval=0.5, maxval=1.5)
    # pre_mlp
    inp["W_pre"] = w(7, (D, D)); inp["b_pre"] = jnp.zeros((D,), jnp.float32)
    # GNN layers (self transform + aggregated-neighbor transform)
    inp["Ws1"] = w(8, (D, D)); inp["Wa1"] = w(9, (D, D)); inp["b1"] = jnp.zeros((D,), jnp.float32)
    inp["Ws2"] = w(10, (D, D)); inp["Wa2"] = w(11, (D, D)); inp["b2"] = jnp.zeros((D,), jnp.float32)
    # post mlp
    inp["W_mlp"] = w(12, (D, D)); inp["b_mlp"] = jnp.zeros((D,), jnp.float32)
    # obs encoders
    inp["Wh"] = w(13, (HF, ENC)); inp["bh"] = jnp.zeros((ENC,), jnp.float32)
    inp["Wo"] = w(14, (OB, ENC)); inp["bo"] = jnp.zeros((ENC,), jnp.float32)
    inp["Wg"] = w(15, (GO, ENC)); inp["bg"] = jnp.zeros((ENC,), jnp.float32)
    # value head
    inp["Wv"] = w(16, (D + 3 * ENC, 1)); inp["bv"] = jnp.zeros((1,), jnp.float32)
    return inp


def reference(obs, edges, hfield, obj, goal, rn_mean, rn_rstd, W_pre, b_pre,
              Ws1, Wa1, b1, Ws2, Wa2, b2, W_mlp, b_mlp,
              Wh, bh, Wo, bo, Wg, bg, Wv, bv):
    # RunningNorm (inference affine form)
    x = (obs - rn_mean) * rn_rstd
    # pre_mlp
    x = jnp.tanh(x @ W_pre + b_pre)
    # GNNSimple: per-layer scatter-add aggregation over edges + linear transforms
    src = edges[0]
    dst = edges[1]
    for Ws, Wa, b in ((Ws1, Wa1, b1), (Ws2, Wa2, b2)):
        agg = jnp.zeros_like(x).at[dst].add(x[src])  # gather + scatter-add
        x = jnp.tanh(x @ Ws + agg @ Wa + b)
    # post mlp
    x = jnp.tanh(x @ W_mlp + b_mlp)
    # process_hfield_obj: per-graph encoders then repeat_interleave to nodes
    xh = jnp.tanh(hfield @ Wh + bh)
    xo = jnp.tanh(obj @ Wo + bo)
    xg = jnp.tanh(goal @ Wg + bg)
    x_ext = jnp.concatenate([xh, xo, xg], axis=-1)
    x_ext = jnp.repeat(x_ext, NPG, axis=0, total_repeat_length=N)
    x = jnp.concatenate([x, x_ext], axis=-1)
    v = x @ Wv + bv
    # select value at the first (root) node of each graph
    first = jnp.arange(B, dtype=jnp.int32) * NPG
    return v[first]

if __name__ == "__main__":
    import jax
    _d = setup_inputs()
    print(jax.jit(kernel)(*tuple(_d.values())))

</pallas_src>

<mosaic_0001>
#map = affine_map<(d0, d1) -> (0)>
#map1 = affine_map<(d0, d1) -> (0, 0)>
#map2 = affine_map<(d0, d1) -> (0, 0, 0)>
module attributes {stable_mosaic.version = 14 : i64} {
  func.func @_agg1_body(%arg0: i32, %arg1: i32, %arg2: memref<320000xi32, #tpu.memory_space<hbm>>, %arg3: memref<320000xi32, #tpu.memory_space<hbm>>, %arg4: memref<10000x128xf32, #tpu.memory_space<hbm>>, %arg5: memref<2x10240x128xf32, #tpu.memory_space<hbm>>, %arg6: memref<2x!tpu.dma_semaphore, #tpu.memory_space<semaphore_mem>>, %arg7: memref<2x!tpu.dma_semaphore, #tpu.memory_space<semaphore_mem>>, %arg8: memref<2x!tpu.dma_semaphore, #tpu.memory_space<semaphore_mem>>, %arg9: memref<10240x128xf32, #tpu.memory_space<vmem_shared>>) attributes {dimension_semantics = [#tpu.dimension_semantics<core_parallel>, #tpu.dimension_semantics<subcore_parallel>], iteration_bounds = array<i64: 2, 16>, scalar_prefetch = 0 : i64, scratch_operands = 4 : i64, tpu.core_type = #tpu.core_type<sc_vector_subcore>, window_params = [{transform_indices = #map}, {transform_indices = #map}, {transform_indices = #map1}, {transform_indices = #map2}]} {
    "tpu.region"() ({
      %run_scoped3A = memref.alloca() : memref<10000xi32, #tpu.memory_space<vmem>>
      %run_scoped3A_0 = memref.alloca() : memref<2x128xi32, #tpu.memory_space<vmem>>
      %run_scoped3A_1 = memref.alloca() : memref<16xi32, #tpu.memory_space<vmem>>
      %run_scoped3A_2 = memref.alloca() : memref<2x128x128xf32, #tpu.memory_space<vmem>>
      %mul3A = arith.constant 16 : i32
      %mul3A_3 = arith.muli %arg0, %mul3A : i32
      %add3A = arith.addi %mul3A_3, %arg1 : i32
      %mul3A_4 = arith.constant 10000 : i32
      %mul3A_5 = arith.muli %add3A, %mul3A_4 : i32
      %mul3A_6 = arith.constant 640 : i32
      %mul3A_7 = arith.muli %arg1, %mul3A_6 : i32
      %scan3A = arith.constant 0 : i32
      %scan3A_8 = arith.constant 128 : i32
      %scan3A_9 = arith.addi %scan3A, %scan3A_8 : i32
      %scan3A_10 = arith.constant 1 : i32
      scf.for %scan3A_194 = %scan3A to %scan3A_9 step %scan3A_10  : i32 {
        %mul3A_195 = arith.constant 1 : i32
        %mul3A_196 = arith.muli %scan3A_194, %mul3A_195 : i32
        %add3A_197 = arith.constant 0 : i32
        %add3A_198 = arith.addi %add3A_197, %mul3A_196 : i32
        %broadcast_in_dim3A = arith.constant 0.000000e+00 : f32
        %broadcast_in_dim3A_199 = vector.broadcast %broadcast_in_dim3A : f32 to vector<16xf32>
        %swap3A = arith.constant 0 : i32
        %swap3A_200 = arith.index_cast %swap3A : i32 to index
        %swap3A_201 = arith.index_cast %add3A_198 : i32 to index
        %swap3A_202 = arith.constant 0 : index
        %swap3A_203 = tpu.vector_load %run_scoped3A_2[%swap3A_200, %swap3A_201, %swap3A_202] {strides = array<i32>} : memref<2x128x128xf32, #tpu.memory_space<vmem>>, vector<1x1x16xf32>,
        %swap3A_204 = vector.shape_cast %swap3A_203 : vector<1x1x16xf32> to vector<16xf32>
        %swap3A_205 = vector.shape_cast %broadcast_in_dim3A_199 : vector<16xf32> to vector<1x1x16xf32>
        tpu.vector_store %run_scoped3A_2[%swap3A_200, %swap3A_201, %swap3A_202], %swap3A_205 {strides = array<i32>} : memref<2x128x128xf32, #tpu.memory_space<vmem>>, vector<1x1x16xf32>,
        %broadcast_in_dim3A_206 = arith.constant 0.000000e+00 : f32
        %broadcast_in_dim3A_207 = vector.broadcast %broadcast_in_dim3A_206 : f32 to vector<16xf32>
        %swap3A_208 = arith.constant 0 : i32
        %swap3A_209 = arith.index_cast %swap3A_208 : i32 to index
        %swap3A_210 = arith.index_cast %add3A_198 : i32 to index
        %swap3A_211 = arith.constant 16 : index
        %swap3A_212 = tpu.vector_load %run_scoped3A_2[%swap3A_209, %swap3A_210, %swap3A_211] {strides = array<i32>} : memref<2x128x128xf32, #tpu.memory_space<vmem>>, vector<1x1x16xf32>,
        %swap3A_213 = vector.shape_cast %swap3A_212 : vector<1x1x16xf32> to vector<16xf32>
        %swap3A_214 = vector.shape_cast %broadcast_in_dim3A_207 : vector<16xf32> to vector<1x1x16xf32>
        tpu.vector_store %run_scoped3A_2[%swap3A_209, %swap3A_210, %swap3A_211], %swap3A_214 {strides = array<i32>} : memref<2x128x128xf32, #tpu.memory_space<vmem>>, vector<1x1x16xf32>,
        %broadcast_in_dim3A_215 = arith.constant 0.000000e+00 : f32
        %broadcast_in_dim3A_216 = vector.broadcast %broadcast_in_dim3A_215 : f32 to vector<16xf32>
        %swap3A_217 = arith.constant 0 : i32
        %swap3A_218 = arith.index_cast %swap3A_217 : i32 to index
        %swap3A_219 = arith.index_cast %add3A_198 : i32 to index
        %swap3A_220 = arith.constant 32 : index
        %swap3A_221 = tpu.vector_load %run_scoped3A_2[%swap3A_218, %swap3A_219, %swap3A_220] {strides = array<i32>} : memref<2x128x128xf32, #tpu.memory_space<vmem>>, vector<1x1x16xf32>,
        %swap3A_222 = vector.shape_cast %swap3A_221 : vector<1x1x16xf32> to vector<16xf32>
        %swap3A_223 = vector.shape_cast %broadcast_in_dim3A_216 : vector<16xf32> to vector<1x1x16xf32>
        tpu.vector_store %run_scoped3A_2[%swap3A_218, %swap3A_219, %swap3A_220], %swap3A_223 {strides = array<i32>} : memref<2x128x128xf32, #tpu.memory_space<vmem>>, vector<1x1x16xf32>,
        %broadcast_in_dim3A_224 = arith.constant 0.000000e+00 : f32
        %broadcast_in_dim3A_225 = vector.broadcast %broadcast_in_dim3A_224 : f32 to vector<16xf32>
        %swap3A_226 = arith.constant 0 : i32
        %swap3A_227 = arith.index_cast %swap3A_226 : i32 to index
        %swap3A_228 = arith.index_cast %add3A_198 : i32 to index
        %swap3A_229 = arith.constant 48 : index
        %swap3A_230 = tpu.vector_load %run_scoped3A_2[%swap3A_227, %swap3A_228, %swap3A_229] {strides = array<i32>} : memref<2x128x128xf32, #tpu.memory_space<vmem>>, vector<1x1x16xf32>,
        %swap3A_231 = vector.shape_cast %swap3A_230 : vector<1x1x16xf32> to vector<16xf32>
        %swap3A_232 = vector.shape_cast %broadcast_in_dim3A_225 : vector<16xf32> to vector<1x1x16xf32>
        tpu.vector_store %run_scoped3A_2[%swap3A_227, %swap3A_228, %swap3A_229], %swap3A_232 {strides = array<i32>} : memref<2x128x128xf32, #tpu.memory_space<vmem>>, vector<1x1x16xf32>,
        %broadcast_in_dim3A_233 = arith.constant 0.000000e+00 : f32
        %broadcast_in_dim3A_234 = vector.broadcast %broadcast_in_dim3A_233 : f32 to vector<16xf32>
        %swap3A_235 = arith.constant 0 : i32
        %swap3A_236 = arith.index_cast %swap3A_235 : i32 to index
        %swap3A_237 = arith.index_cast %add3A_198 : i32 to index
        %swap3A_238 = arith.constant 64 : index
        %swap3A_239 = tpu.vector_load %run_scoped3A_2[%swap3A_236, %swap3A_237, %swap3A_238] {strides = array<i32>} : memref<2x128x128xf32, #tpu.memory_space<vmem>>, vector<1x1x16xf32>,
        %swap3A_240 = vector.shape_cast %swap3A_239 : vector<1x1x16xf32> to vector<16xf32>
        %swap3A_241 = vector.shape_cast %broadcast_in_dim3A_234 : vector<16xf32> to vector<1x1x16xf32>
        tpu.vector_store %run_scoped3A_2[%swap3A_236, %swap3A_237, %swap3A_238], %swap3A_241 {strides = array<i32>} : memref<2x128x128xf32, #tpu.memory_space<vmem>>, vector<1x1x16xf32>,
        %broadcast_in_dim3A_242 = arith.constant 0.000000e+00 : f32
        %broadcast_in_dim3A_243 = vector.broadcast %broadcast_in_dim3A_242 : f32 to vector<16xf32>
        %swap3A_244 = arith.constant 0 : i32
        %swap3A_245 = arith.index_cast %swap3A_244 : i32 to index
        %swap3A_246 = arith.index_cast %add3A_198 : i32 to index
        %swap3A_247 = arith.constant 80 : index
        %swap3A_248 = tpu.vector_load %run_scoped3A_2[%swap3A_245, %swap3A_246, %swap3A_247] {strides = array<i32>} : memref<2x128x128xf32, #tpu.memory_space<vmem>>, vector<1x1x16xf32>,
        %swap3A_249 = vector.shape_cast %swap3A_248 : vector<1x1x16xf32> to vector<16xf32>
        %swap3A_250 = vector.shape_cast %broadcast_in_dim3A_243 : vector<16xf32> to vector<1x1x16xf32>
        tpu.vector_store %run_scoped3A_2[%swap3A_245, %swap3A_246, %swap3A_247], %swap3A_250 {strides = array<i32>} : memref<2x128x128xf32, #tpu.memory_space<vmem>>, vector<1x1x16xf32>,
        %broadcast_in_dim3A_251 = arith.constant 0.000000e+00 : f32
        %broadcast_in_dim3A_252 = vector.broadcast %broadcast_in_dim3A_251 : f32 to vector<16xf32>
        %swap3A_253 = arith.constant 0 : i32
        %swap3A_254 = arith.index_cast %swap3A_253 : i32 to index
        %swap3A_255 = arith.index_cast %add3A_198 : i32 to index
        %swap3A_256 = arith.constant 96 : index
        %swap3A_257 = tpu.vector_load %run_scoped3A_2[%swap3A_254, %swap3A_255, %swap3A_256] {strides = array<i32>} : memref<2x128x128xf32, #tpu.memory_space<vmem>>, vector<1x1x16xf32>,
        %swap3A_258 = vector.shape_cast %swap3A_257 : vector<1x1x16xf32> to vector<16xf32>
        %swap3A_259 = vector.shape_cast %broadcast_in_dim3A_252 : vector<16xf32> to vector<1x1x16xf32>
        tpu.vector_store %run_scoped3A_2[%swap3A_254, %swap3A_255, %swap3A_256], %swap3A_259 {strides = array<i32>} : memref<2x128x128xf32, #tpu.memory_space<vmem>>, vector<1x1x16xf32>,
        %broadcast_in_dim3A_260 = arith.constant 0.000000e+00 : f32
        %broadcast_in_dim3A_261 = vector.broadcast %broadcast_in_dim3A_260 : f32 to vector<16xf32>
        %swap3A_262 = arith.constant 0 : i32
        %swap3A_263 = arith.index_cast %swap3A_262 : i32 to index
        %swap3A_264 = arith.index_cast %add3A_198 : i32 to index
        %swap3A_265 = arith.constant 112 : index
        %swap3A_266 = tpu.vector_load %run_scoped3A_2[%swap3A_263, %swap3A_264, %swap3A_265] {strides = array<i32>} : memref<2x128x128xf32, #tpu.memory_space<vmem>>, vector<1x1x16xf32>,
        %swap3A_267 = vector.shape_cast %swap3A_266 : vector<1x1x16xf32> to vector<16xf32>
        %swap3A_268 = vector.shape_cast %broadcast_in_dim3A_261 : vector<16xf32> to vector<1x1x16xf32>
        tpu.vector_store %run_scoped3A_2[%swap3A_263, %swap3A_264, %swap3A_265], %swap3A_268 {strides = array<i32>} : memref<2x128x128xf32, #tpu.memory_space<vmem>>, vector<1x1x16xf32>,
      }
      %scan3A_11 = arith.constant 128 : i32
      %scan3A_12 = arith.constant 0 : i32
      %scan3A_13 = arith.constant 5 : i32
      %scan3A_14 = arith.addi %scan3A_12, %scan3A_13 : i32
      %scan3A_15 = arith.constant 1 : i32
      scf.for %scan3A_194 = %scan3A_12 to %scan3A_14 step %scan3A_15  : i32 {
        %mul3A_195 = arith.constant 1 : i32
        %mul3A_196 = arith.muli %scan3A_194, %mul3A_195 : i32
        %add3A_197 = arith.constant 0 : i32
        %add3A_198 = arith.addi %add3A_197, %mul3A_196 : i32
        %mul3A_199 = arith.constant 128 : i32
        %mul3A_200 = arith.muli %add3A_198, %mul3A_199 : i32
        %add3A_201 = arith.addi %mul3A_7, %mul3A_200 : i32
        %run_scoped3A_202 = arith.constant 0 : i32
        "tpu.region"() ({
          %run_scoped3A_203 = tpu.sem_alloc : memref<!tpu.dma_semaphore, #tpu.memory_space<semaphore_mem>>
          %dma_start3A_204 = arith.constant 0 : i32
          %dma_start3A_205 = arith.constant 0 : i32
          %dma_start3A_206 = tpu.memref_slice %run_scoped3A_2[%run_scoped3A_202, %dma_start3A_204, %dma_start3A_205] : memref<2x128x128xf32, #tpu.memory_space<vmem>> -> memref<1x128x128xf32, #tpu.memory_space<vmem>>
          %dma_start3A_207 = tpu.memref_squeeze %dma_start3A_206 : memref<1x128x128xf32, #tpu.memory_space<vmem>> -> memref<128x128xf32, #tpu.memory_space<vmem>>
          %dma_start3A_208 = arith.constant 0 : i32
          %dma_start3A_209 = tpu.memref_slice %arg9[%add3A_201, %dma_start3A_208] : memref<10240x128xf32, #tpu.memory_space<vmem_shared>> -> memref<128x128xf32, #tpu.memory_space<vmem_shared>>
          %dma_start3A_210 = arith.constant 0 : i32
          %dma_start3A_211 = tpu.memref_slice %arg9[%add3A_201, %dma_start3A_210] : memref<10240x128xf32, #tpu.memory_space<vmem_shared>> -> memref<128x128xf32, #tpu.memory_space<vmem_shared>>
          %dma_start3A_212 = arith.constant 0 : i32
          %dma_start3A_213 = arith.constant 0 : i32
          %dma_start3A_214 = tpu.memref_slice %run_scoped3A_2[%run_scoped3A_202, %dma_start3A_212, %dma_start3A_213] : memref<2x128x128xf32, #tpu.memory_space<vmem>> -> memref<1x128x128xf32, #tpu.memory_space<vmem>>
          %dma_start3A_215 = tpu.memref_squeeze %dma_start3A_214 : memref<1x128x128xf32, #tpu.memory_space<vmem>> -> memref<128x128xf32, #tpu.memory_space<vmem>>
          tpu.enqueue_dma source(%dma_start3A_215 : memref<128x128xf32, #tpu.memory_space<vmem>>) target(%dma_start3A_211 : memref<128x128xf32, #tpu.memory_space<vmem_shared>>) target_semaphore(%run_scoped3A_203 : memref<!tpu.dma_semaphore, #tpu.memory_space<semaphore_mem>>)
          %dma_wait3A_216 = arith.constant 0 : i32
          %dma_wait3A_217 = arith.constant 0 : i32
          %dma_wait3A_218 = tpu.memref_slice %run_scoped3A_2[%run_scoped3A_202, %dma_wait3A_216, %dma_wait3A_217] : memref<2x128x128xf32, #tpu.memory_space<vmem>> -> memref<1x128x128xf32, #tpu.memory_space<vmem>>
          %dma_wait3A_219 = tpu.memref_squeeze %dma_wait3A_218 : memref<1x128x128xf32, #tpu.memory_space<vmem>> -> memref<128x128xf32, #tpu.memory_space<vmem>>
          %dma_wait3A_220 = arith.constant 0 : i32
          %dma_wait3A_221 = tpu.memref_slice %arg9[%add3A_201, %dma_wait3A_220] : memref<10240x128xf32, #tpu.memory_space<vmem_shared>> -> memref<128x128xf32, #tpu.memory_space<vmem_shared>>
          %dma_wait3A_222 = arith.constant 0 : i32
          %dma_wait3A_223 = tpu.memref_slice %arg9[%add3A_201, %dma_wait3A_222] : memref<10240x128xf32, #tpu.memory_space<vmem_shared>> -> memref<128x128xf32, #tpu.memory_space<vmem_shared>>
          %dma_wait3A_224 = arith.constant 0 : i32
          %dma_wait3A_225 = arith.constant 0 : i32
          %dma_wait3A_226 = tpu.memref_slice %run_scoped3A_2[%run_scoped3A_202, %dma_wait3A_224, %dma_wait3A_225] : memref<2x128x128xf32, #tpu.memory_space<vmem>> -> memref<1x128x128xf32, #tpu.memory_space<vmem>>
          %dma_wait3A_227 = tpu.memref_squeeze %dma_wait3A_226 : memref<1x128x128xf32, #tpu.memory_space<vmem>> -> memref<128x128xf32, #tpu.memory_space<vmem>>
          tpu.wait_dma2 semaphore(%run_scoped3A_203 : memref<!tpu.dma_semaphore, #tpu.memory_space<semaphore_mem>>) src(%dma_wait3A_227 : memref<128x128xf32, #tpu.memory_space<vmem>>) dst(%dma_wait3A_223 : memref<128x128xf32, #tpu.memory_space<vmem_shared>>)
          tpu.yield
        }) : () -> ()
      }
      %scan3A_16 = arith.constant 5 : i32
      "tpu.region"() ({
        %run_scoped3A_194 = tpu.sem_alloc : memref<!tpu.dma_semaphore, #tpu.memory_space<semaphore_mem>>
        %dma_start3A_195 = tpu.memref_slice %arg2[%mul3A_5] : memref<320000xi32, #tpu.memory_space<hbm>> -> memref<10000xi32, #tpu.memory_space<hbm>>
        %dma_start3A_196 = tpu.memref_slice %arg2[%mul3A_5] : memref<320000xi32, #tpu.memory_space<hbm>> -> memref<10000xi32, #tpu.memory_space<hbm>>
        tpu.enqueue_dma source(%dma_start3A_196 : memref<10000xi32, #tpu.memory_space<hbm>>) target(%run_scoped3A : memref<10000xi32, #tpu.memory_space<vmem>>) target_semaphore(%run_scoped3A_194 : memref<!tpu.dma_semaphore, #tpu.memory_space<semaphore_mem>>)
        %dma_wait3A_197 = tpu.memref_slice %arg2[%mul3A_5] : memref<320000xi32, #tpu.memory_space<hbm>> -> memref<10000xi32, #tpu.memory_space<hbm>>
        %dma_wait3A_198 = tpu.memref_slice %arg2[%mul3A_5] : memref<320000xi32, #tpu.memory_space<hbm>> -> memref<10000xi32, #tpu.memory_space<hbm>>
        tpu.wait_dma2 semaphore(%run_scoped3A_194 : memref<!tpu.dma_semaphore, #tpu.memory_space<semaphore_mem>>) src(%dma_wait3A_198 : memref<10000xi32, #tpu.memory_space<hbm>>) dst(%run_scoped3A : memref<10000xi32, #tpu.memory_space<vmem>>)
        tpu.yield
      }) : () -> ()
      %barrier3A = arith.constant 0 : index
      tpu.barrier barrier_id(%barrier3A)
      %add3A_17 = arith.constant 0 : i32
      %add3A_18 = arith.addi %mul3A_5, %add3A_17 : i32
      %dma_start3A = arith.constant 0 : i32
      %dma_start3A_19 = arith.constant 0 : i32
      %dma_start3A_20 = arith.constant 0 : i32
      %dma_start3A_21 = tpu.memref_slice %run_scoped3A_0[%dma_start3A, %dma_start3A_20] : memref<2x128xi32, #tpu.memory_space<vmem>> -> memref<1x128xi32, #tpu.memory_space<vmem>>
      %dma_start3A_22 = tpu.memref_squeeze %dma_start3A_21 : memref<1x128xi32, #tpu.memory_space<vmem>> -> memref<128xi32, #tpu.memory_space<vmem>>
      %dma_start3A_23 = tpu.memref_slice %arg3[%add3A_18] : memref<320000xi32, #tpu.memory_space<hbm>> -> memref<128xi32, #tpu.memory_space<hbm>>
      %dma_start3A_24 = tpu.memref_slice %arg8[%dma_start3A_19] : memref<2x!tpu.dma_semaphore, #tpu.memory_space<semaphore_mem>> -> memref<1x!tpu.dma_semaphore, #tpu.memory_space<semaphore_mem>>
      %dma_start3A_25 = tpu.memref_squeeze %dma_start3A_24 : memref<1x!tpu.dma_semaphore, #tpu.memory_space<semaphore_mem>> -> memref<!tpu.dma_semaphore, #tpu.memory_space<semaphore_mem>>
      %dma_start3A_26 = arith.constant 0 : i32
      %dma_start3A_27 = tpu.memref_slice %run_scoped3A_0[%dma_start3A, %dma_start3A_26] : memref<2x128xi32, #tpu.memory_space<vmem>> -> memref<1x128xi32, #tpu.memory_space<vmem>>
      %dma_start3A_28 = tpu.memref_squeeze %dma_start3A_27 : memref<1x128xi32, #tpu.memory_space<vmem>> -> memref<128xi32, #tpu.memory_space<vmem>>
      %dma_start3A_29 = tpu.memref_slice %arg3[%add3A_18] : memref<320000xi32, #tpu.memory_space<hbm>> -> memref<128xi32, #tpu.memory_space<hbm>>
      tpu.enqueue_dma source(%dma_start3A_29 : memref<128xi32, #tpu.memory_space<hbm>>) target(%dma_start3A_28 : memref<128xi32, #tpu.memory_space<vmem>>) target_semaphore(%dma_start3A_25 : memref<!tpu.dma_semaphore, #tpu.memory_space<semaphore_mem>>)
      %add3A_30 = arith.constant 128 : i32
      %add3A_31 = arith.addi %mul3A_5, %add3A_30 : i32
      %dma_start3A_32 = arith.constant 1 : i32
      %dma_start3A_33 = arith.constant 1 : i32
      %dma_start3A_34 = arith.constant 0 : i32
      %dma_start3A_35 = tpu.memref_slice %run_scoped3A_0[%dma_start3A_32, %dma_start3A_34] : memref<2x128xi32, #tpu.memory_space<vmem>> -> memref<1x128xi32, #tpu.memory_space<vmem>>
      %dma_start3A_36 = tpu.memref_squeeze %dma_start3A_35 : memref<1x128xi32, #tpu.memory_space<vmem>> -> memref<128xi32, #tpu.memory_space<vmem>>
      %dma_start3A_37 = tpu.memref_slice %arg3[%add3A_31] : memref<320000xi32, #tpu.memory_space<hbm>> -> memref<128xi32, #tpu.memory_space<hbm>>
      %dma_start3A_38 = tpu.memref_slice %arg8[%dma_start3A_33] : memref<2x!tpu.dma_semaphore, #tpu.memory_space<semaphore_mem>> -> memref<1x!tpu.dma_semaphore, #tpu.memory_space<semaphore_mem>>
      %dma_start3A_39 = tpu.memref_squeeze %dma_start3A_38 : memref<1x!tpu.dma_semaphore, #tpu.memory_space<semaphore_mem>> -> memref<!tpu.dma_semaphore, #tpu.memory_space<semaphore_mem>>
      %dma_start3A_40 = arith.constant 0 : i32
      %dma_start3A_41 = tpu.memref_slice %run_scoped3A_0[%dma_start3A_32, %dma_start3A_40] : memref<2x128xi32, #tpu.memory_space<vmem>> -> memref<1x128xi32, #tpu.memory_space<vmem>>
      %dma_start3A_42 = tpu.memref_squeeze %dma_start3A_41 : memref<1x128xi32, #tpu.memory_space<vmem>> -> memref<128xi32, #tpu.memory_space<vmem>>
      %dma_start3A_43 = tpu.memref_slice %arg3[%add3A_31] : memref<320000xi32, #tpu.memory_space<hbm>> -> memref<128xi32, #tpu.memory_space<hbm>>
      tpu.enqueue_dma source(%dma_start3A_43 : memref<128xi32, #tpu.memory_space<hbm>>) target(%dma_start3A_42 : memref<128xi32, #tpu.memory_space<vmem>>) target_semaphore(%dma_start3A_39 : memref<!tpu.dma_semaphore, #tpu.memory_space<semaphore_mem>>)
      %dma_start3A_44 = arith.constant 0 : i32
      %dma_start3A_45 = arith.constant 0 : i32
      %dma_start3A_46 = arith.constant 0 : i32
      %dma_start3A_47 = arith.constant 0 : i32
      %dma_start3A_48 = tpu.memref_slice %run_scoped3A_2[%dma_start3A_44, %dma_start3A_46, %dma_start3A_47] : memref<2x128x128xf32, #tpu.memory_space<vmem>> -> memref<1x128x128xf32, #tpu.memory_space<vmem>>
      %dma_start3A_49 = tpu.memref_squeeze %dma_start3A_48 : memref<1x128x128xf32, #tpu.memory_space<vmem>> -> memref<128x128xf32, #tpu.memory_space<vmem>>
      %dma_start3A_50 = arith.constant 0 : i32
      %dma_start3A_51 = tpu.memref_slice %run_scoped3A[%dma_start3A_50] : memref<10000xi32, #tpu.memory_space<vmem>> -> memref<128xi32, #tpu.memory_space<vmem>>
      %dma_start3A_52 = arith.constant 0 : i32
      %dma_start3A_53 = arith.constant 0 : i32
      %dma_start3A_54 = tpu.memref_slice %arg4[%dma_start3A_52, %dma_start3A_53] : memref<10000x128xf32, #tpu.memory_space<hbm>> -> memref<10000x128xf32, #tpu.memory_space<hbm>>
      %dma_start3A_55 = tpu.memref_slice %arg6[%dma_start3A_45] : memref<2x!tpu.dma_semaphore, #tpu.memory_space<semaphore_mem>> -> memref<1x!tpu.dma_semaphore, #tpu.memory_space<semaphore_mem>>
      %dma_start3A_56 = tpu.memref_squeeze %dma_start3A_55 : memref<1x!tpu.dma_semaphore, #tpu.memory_space<semaphore_mem>> -> memref<!tpu.dma_semaphore, #tpu.memory_space<semaphore_mem>>
      tpu.enqueue_indirect_dma source(%dma_start3A_54 : memref<10000x128xf32, #tpu.memory_space<hbm>>) target(%dma_start3A_49 : memref<128x128xf32, #tpu.memory_space<vmem>>) offsets(%dma_start3A_51 : memref<128xi32, #tpu.memory_space<vmem>>) semaphore(%dma_start3A_56 : memref<!tpu.dma_semaphore, #tpu.memory_space<semaphore_mem>>)
      %dma_start3A_57 = arith.constant 1 : i32
      %dma_start3A_58 = arith.constant 1 : i32
      %dma_start3A_59 = arith.constant 0 : i32
      %dma_start3A_60 = arith.constant 0 : i32
      %dma_start3A_61 = tpu.memref_slice %run_scoped3A_2[%dma_start3A_57, %dma_start3A_59, %dma_start3A_60] : memref<2x128x128xf32, #tpu.memory_space<vmem>> -> memref<1x128x128xf32, #tpu.memory_space<vmem>>
      %dma_start3A_62 = tpu.memref_squeeze %dma_start3A_61 : memref<1x128x128xf32, #tpu.memory_space<vmem>> -> memref<128x128xf32, #tpu.memory_space<vmem>>
      %dma_start3A_63 = arith.constant 128 : i32
      %dma_start3A_64 = tpu.memref_slice %run_scoped3A[%dma_start3A_63] : memref<10000xi32, #tpu.memory_space<vmem>> -> memref<128xi32, #tpu.memory_space<vmem>>
      %dma_start3A_65 = arith.constant 0 : i32
      %dma_start3A_66 = arith.constant 0 : i32
      %dma_start3A_67 = tpu.memref_slice %arg4[%dma_start3A_65, %dma_start3A_66] : memref<10000x128xf32, #tpu.memory_space<hbm>> -> memref<10000x128xf32, #tpu.memory_space<hbm>>
      %dma_start3A_68 = tpu.memref_slice %arg6[%dma_start3A_58] : memref<2x!tpu.dma_semaphore, #tpu.memory_space<semaphore_mem>> -> memref<1x!tpu.dma_semaphore, #tpu.memory_space<semaphore_mem>>
      %dma_start3A_69 = tpu.memref_squeeze %dma_start3A_68 : memref<1x!tpu.dma_semaphore, #tpu.memory_space<semaphore_mem>> -> memref<!tpu.dma_semaphore, #tpu.memory_space<semaphore_mem>>
      tpu.enqueue_indirect_dma source(%dma_start3A_67 : memref<10000x128xf32, #tpu.memory_space<hbm>>) target(%dma_start3A_62 : memref<128x128xf32, #tpu.memory_space<vmem>>) offsets(%dma_start3A_64 : memref<128xi32, #tpu.memory_space<vmem>>) semaphore(%dma_start3A_69 : memref<!tpu.dma_semaphore, #tpu.memory_space<semaphore_mem>>)
      %scan3A_70 = arith.constant 0 : i32
      %scan3A_71 = arith.constant 38 : i32
      %scan3A_72 = arith.addi %scan3A_70, %scan3A_71 : i32
      %scan3A_73 = arith.constant 1 : i32
      scf.for %scan3A_194 = %scan3A_70 to %scan3A_72 step %scan3A_73  : i32 {
        %mul3A_195 = arith.constant 2 : i32
        %mul3A_196 = arith.muli %scan3A_194, %mul3A_195 : i32
        %add3A_197 = arith.constant 0 : i32
        %add3A_198 = arith.addi %add3A_197, %mul3A_196 : i32
        %dma_wait3A_199 = arith.constant 0 : i32
        %dma_wait3A_200 = arith.constant 0 : i32
        %dma_wait3A_201 = arith.constant 0 : i32
        %dma_wait3A_202 = arith.constant 0 : i32
        %dma_wait3A_203 = tpu.memref_slice %run_scoped3A_2[%dma_wait3A_199, %dma_wait3A_201, %dma_wait3A_202] : memref<2x128x128xf32, #tpu.memory_space<vmem>> -> memref<1x128x128xf32, #tpu.memory_space<vmem>>
        %dma_wait3A_204 = tpu.memref_squeeze %dma_wait3A_203 : memref<1x128x128xf32, #tpu.memory_space<vmem>> -> memref<128x128xf32, #tpu.memory_space<vmem>>
        %dma_wait3A_205 = arith.constant 0 : i32
        %dma_wait3A_206 = tpu.memref_slice %run_scoped3A[%dma_wait3A_205] : memref<10000xi32, #tpu.memory_space<vmem>> -> memref<128xi32, #tpu.memory_space<vmem>>
        %dma_wait3A_207 = arith.constant 0 : i32
        %dma_wait3A_208 = arith.constant 0 : i32
        %dma_wait3A_209 = tpu.memref_slice %arg4[%dma_wait3A_207, %dma_wait3A_208] : memref<10000x128xf32, #tpu.memory_space<hbm>> -> memref<10000x128xf32, #tpu.memory_space<hbm>>
        %dma_wait3A_210 = tpu.memref_slice %arg6[%dma_wait3A_200] : memref<2x!tpu.dma_semaphore, #tpu.memory_space<semaphore_mem>> -> memref<1x!tpu.dma_semaphore, #tpu.memory_space<semaphore_mem>>
        %dma_wait3A_211 = tpu.memref_squeeze %dma_wait3A_210 : memref<1x!tpu.dma_semaphore, #tpu.memory_space<semaphore_mem>> -> memref<!tpu.dma_semaphore, #tpu.memory_space<semaphore_mem>>
        tpu.wait_indirect_dma semaphore(%dma_wait3A_211 : memref<!tpu.dma_semaphore, #tpu.memory_space<semaphore_mem>>) src(%dma_wait3A_209 : memref<10000x128xf32, #tpu.memory_space<hbm>>) dst(%dma_wait3A_204 : memref<128x128xf32, #tpu.memory_space<vmem>>)
        %dma_wait3A_212 = arith.constant 0 : i32
        %dma_wait3A_213 = arith.constant 0 : i32
        %dma_wait3A_214 = arith.constant 0 : i32
        %dma_wait3A_215 = tpu.memref_slice %run_scoped3A_0[%dma_wait3A_212, %dma_wait3A_214] : memref<2x128xi32, #tpu.memory_space<vmem>> -> memref<1x128xi32, #tpu.memory_space<vmem>>
        %dma_wait3A_216 = tpu.memref_squeeze %dma_wait3A_215 : memref<1x128xi32, #tpu.memory_space<vmem>> -> memref<128xi32, #tpu.memory_space<vmem>>
        %dma_wait3A_217 = tpu.memref_slice %arg3[%mul3A_5] : memref<320000xi32, #tpu.memory_space<hbm>> -> memref<128xi32, #tpu.memory_space<hbm>>
        %dma_wait3A_218 = tpu.memref_slice %arg8[%dma_wait3A_213] : memref<2x!tpu.dma_semaphore, #tpu.memory_space<semaphore_mem>> -> memref<1x!tpu.dma_semaphore, #tpu.memory_space<semaphore_mem>>
        %dma_wait3A_219 = tpu.memref_squeeze %dma_wait3A_218 : memref<1x!tpu.dma_semaphore, #tpu.memory_space<semaphore_mem>> -> memref<!tpu.dma_semaphore, #tpu.memory_space<semaphore_mem>>
        %dma_wait3A_220 = arith.constant 0 : i32
        %dma_wait3A_221 = tpu.memref_slice %run_scoped3A_0[%dma_wait3A_212, %dma_wait3A_220] : memref<2x128xi32, #tpu.memory_space<vmem>> -> memref<1x128xi32, #tpu.memory_space<vmem>>
        %dma_wait3A_222 = tpu.memref_squeeze %dma_wait3A_221 : memref<1x128xi32, #tpu.memory_space<vmem>> -> memref<128xi32, #tpu.memory_space<vmem>>
        %dma_wait3A_223 = tpu.memref_slice %arg3[%mul3A_5] : memref<320000xi32, #tpu.memory_space<hbm>> -> memref<128xi32, #tpu.memory_space<hbm>>
        tpu.wait_dma2 semaphore(%dma_wait3A_219 : memref<!tpu.dma_semaphore, #tpu.memory_space<semaphore_mem>>) src(%dma_wait3A_223 : memref<128xi32, #tpu.memory_space<hbm>>) dst(%dma_wait3A_222 : memref<128xi32, #tpu.memory_space<vmem>>)
        %dma_start3A_224 = arith.constant 0 : i32
        %dma_start3A_225 = arith.constant 0 : i32
        %dma_start3A_226 = arith.constant 0 : i32
        %dma_start3A_227 = arith.constant 0 : i32
        %dma_start3A_228 = arith.constant 0 : i32
        %dma_start3A_229 = tpu.memref_slice %run_scoped3A_2[%dma_start3A_224, %dma_start3A_227, %dma_start3A_228] : memref<2x128x128xf32, #tpu.memory_space<vmem>> -> memref<1x128x128xf32, #tpu.memory_space<vmem>>
        %dma_start3A_230 = tpu.memref_squeeze %dma_start3A_229 : memref<1x128x128xf32, #tpu.memory_space<vmem>> -> memref<128x128xf32, #tpu.memory_space<vmem>>
        %dma_start3A_231 = arith.constant 0 : i32
        %dma_start3A_232 = tpu.memref_slice %run_scoped3A_0[%dma_start3A_225, %dma_start3A_231] : memref<2x128xi32, #tpu.memory_space<vmem>> -> memref<1x128xi32, #tpu.memory_space<vmem>>
        %dma_start3A_233 = tpu.memref_squeeze %dma_start3A_232 : memref<1x128xi32, #tpu.memory_space<vmem>> -> memref<128xi32, #tpu.memory_space<vmem>>
        %dma_start3A_234 = arith.constant 0 : i32
        %dma_start3A_235 = arith.constant 0 : i32
        %dma_start3A_236 = tpu.memref_slice %arg9[%dma_start3A_234, %dma_start3A_235] : memref<10240x128xf32, #tpu.memory_space<vmem_shared>> -> memref<10240x128xf32, #tpu.memory_space<vmem_shared>>
        %dma_start3A_237 = tpu.memref_slice %arg7[%dma_start3A_226] : memref<2x!tpu.dma_semaphore, #tpu.memory_space<semaphore_mem>> -> memref<1x!tpu.dma_semaphore, #tpu.memory_space<semaphore_mem>>
        %dma_start3A_238 = tpu.memref_squeeze %dma_start3A_237 : memref<1x!tpu.dma_semaphore, #tpu.memory_space<semaphore_mem>> -> memref<!tpu.dma_semaphore, #tpu.memory_space<semaphore_mem>>
        tpu.enqueue_indirect_dma source(%dma_start3A_230 : memref<128x128xf32, #tpu.memory_space<vmem>>) target(%dma_start3A_236 : memref<10240x128xf32, #tpu.memory_space<vmem_shared>>) offsets(%dma_start3A_233 : memref<128xi32, #tpu.memory_space<vmem>>) semaphore(%dma_start3A_238 : memref<!tpu.dma_semaphore, #tpu.memory_space<semaphore_mem>>) {add = true}
        %dma_wait3A_239 = arith.constant 0 : i32
        %dma_wait3A_240 = arith.constant 0 : i32
        %dma_wait3A_241 = arith.constant 0 : i32
        %dma_wait3A_242 = arith.constant 0 : i32
        %dma_wait3A_243 = arith.constant 0 : i32
        %dma_wait3A_244 = tpu.memref_slice %run_scoped3A_2[%dma_wait3A_239, %dma_wait3A_242, %dma_wait3A_243] : memref<2x128x128xf32, #tpu.memory_space<vmem>> -> memref<1x128x128xf32, #tpu.memory_space<vmem>>
        %dma_wait3A_245 = tpu.memref_squeeze %dma_wait3A_244 : memref<1x128x128xf32, #tpu.memory_space<vmem>> -> memref<128x128xf32, #tpu.memory_space<vmem>>
        %dma_wait3A_246 = arith.constant 0 : i32
        %dma_wait3A_247 = tpu.memref_slice %run_scoped3A_0[%dma_wait3A_240, %dma_wait3A_246] : memref<2x128xi32, #tpu.memory_space<vmem>> -> memref<1x128xi32, #tpu.memory_space<vmem>>
        %dma_wait3A_248 = tpu.memref_squeeze %dma_wait3A_247 : memref<1x128xi32, #tpu.memory_space<vmem>> -> memref<128xi32, #tpu.memory_space<vmem>>
        %dma_wait3A_249 = arith.constant 0 : i32
        %dma_wait3A_250 = arith.constant 0 : i32
        %dma_wait3A_251 = tpu.memref_slice %arg9[%dma_wait3A_249, %dma_wait3A_250] : memref<10240x128xf32, #tpu.memory_space<vmem_shared>> -> memref<10240x128xf32, #tpu.memory_space<vmem_shared>>
        %dma_wait3A_252 = tpu.memref_slice %arg7[%dma_wait3A_241] : memref<2x!tpu.dma_semaphore, #tpu.memory_space<semaphore_mem>> -> memref<1x!tpu.dma_semaphore, #tpu.memory_space<semaphore_mem>>
        %dma_wait3A_253 = tpu.memref_squeeze %dma_wait3A_252 : memref<1x!tpu.dma_semaphore, #tpu.memory_space<semaphore_mem>> -> memref<!tpu.dma_semaphore, #tpu.memory_space<semaphore_mem>>
        tpu.wait_indirect_dma semaphore(%dma_wait3A_253 : memref<!tpu.dma_semaphore, #tpu.memory_space<semaphore_mem>>) src(%dma_wait3A_245 : memref<128x128xf32, #tpu.memory_space<vmem>>) dst(%dma_wait3A_251 : memref<10240x128xf32, #tpu.memory_space<vmem_shared>>)
        %add3A_254 = arith.constant 2 : i32
        %add3A_255 = arith.addi %add3A_198, %add3A_254 : i32
        %mul3A_256 = arith.constant 128 : i32
        %mul3A_257 = arith.muli %add3A_255, %mul3A_256 : i32
        %dma_start3A_258 = arith.constant 0 : i32
        %dma_start3A_259 = arith.constant 0 : i32
        %dma_start3A_260 = arith.constant 0 : i32
        %dma_start3A_261 = arith.constant 0 : i32
        %dma_start3A_262 = tpu.memref_slice %run_scoped3A_2[%dma_start3A_258, %dma_start3A_260, %dma_start3A_261] : memref<2x128x128xf32, #tpu.memory_space<vmem>> -> memref<1x128x128xf32, #tpu.memory_space<vmem>>
        %dma_start3A_263 = tpu.memref_squeeze %dma_start3A_262 : memref<1x128x128xf32, #tpu.memory_space<vmem>> -> memref<128x128xf32, #tpu.memory_space<vmem>>
        %dma_start3A_264 = tpu.memref_slice %run_scoped3A[%mul3A_257] : memref<10000xi32, #tpu.memory_space<vmem>> -> memref<128xi32, #tpu.memory_space<vmem>>
        %dma_start3A_265 = arith.constant 0 : i32
        %dma_start3A_266 = arith.constant 0 : i32
        %dma_start3A_267 = tpu.memref_slice %arg4[%dma_start3A_265, %dma_start3A_266] : memref<10000x128xf32, #tpu.memory_space<hbm>> -> memref<10000x128xf32, #tpu.memory_space<hbm>>
        %dma_start3A_268 = tpu.memref_slice %arg6[%dma_start3A_259] : memref<2x!tpu.dma_semaphore, #tpu.memory_space<semaphore_mem>> -> memref<1x!tpu.dma_semaphore, #tpu.memory_space<semaphore_mem>>
        %dma_start3A_269 = tpu.memref_squeeze %dma_start3A_268 : memref<1x!tpu.dma_semaphore, #tpu.memory_space<semaphore_mem>> -> memref<!tpu.dma_semaphore, #tpu.memory_space<semaphore_mem>>
        tpu.enqueue_indirect_dma source(%dma_start3A_267 : memref<10000x128xf32, #tpu.memory_space<hbm>>) target(%dma_start3A_263 : memref<128x128xf32, #tpu.memory_space<vmem>>) offsets(%dma_start3A_264 : memref<128xi32, #tpu.memory_space<vmem>>) semaphore(%dma_start3A_269 : memref<!tpu.dma_semaphore, #tpu.memory_space<semaphore_mem>>)
        %add3A_270 = arith.constant 2 : i32
        %add3A_271 = arith.addi %add3A_198, %add3A_270 : i32
        %mul3A_272 = arith.constant 128 : i32
        %mul3A_273 = arith.muli %add3A_271, %mul3A_272 : i32
        %add3A_274 = arith.addi %mul3A_5, %mul3A_273 : i32
        %dma_start3A_275 = arith.constant 0 : i32
        %dma_start3A_276 = arith.constant 0 : i32
        %dma_start3A_277 = arith.constant 0 : i32
        %dma_start3A_278 = tpu.memref_slice %run_scoped3A_0[%dma_start3A_275, %dma_start3A_277] : memref<2x128xi32, #tpu.memory_space<vmem>> -> memref<1x128xi32, #tpu.memory_space<vmem>>
        %dma_start3A_279 = tpu.memref_squeeze %dma_start3A_278 : memref<1x128xi32, #tpu.memory_space<vmem>> -> memref<128xi32, #tpu.memory_space<vmem>>
        %dma_start3A_280 = tpu.memref_slice %arg3[%add3A_274] : memref<320000xi32, #tpu.memory_space<hbm>> -> memref<128xi32, #tpu.memory_space<hbm>>
        %dma_start3A_281 = tpu.memref_slice %arg8[%dma_start3A_276] : memref<2x!tpu.dma_semaphore, #tpu.memory_space<semaphore_mem>> -> memref<1x!tpu.dma_semaphore, #tpu.memory_space<semaphore_mem>>
        %dma_start3A_282 = tpu.memref_squeeze %dma_start3A_281 : memref<1x!tpu.dma_semaphore, #tpu.memory_space<semaphore_mem>> -> memref<!tpu.dma_semaphore, #tpu.memory_space<semaphore_mem>>
        %dma_start3A_283 = arith.constant 0 : i32
        %dma_start3A_284 = tpu.memref_slice %run_scoped3A_0[%dma_start3A_275, %dma_start3A_283] : memref<2x128xi32, #tpu.memory_space<vmem>> -> memref<1x128xi32, #tpu.memory_space<vmem>>
        %dma_start3A_285 = tpu.memref_squeeze %dma_start3A_284 : memref<1x128xi32, #tpu.memory_space<vmem>> -> memref<128xi32, #tpu.memory_space<vmem>>
        %dma_start3A_286 = tpu.memref_slice %arg3[%add3A_274] : memref<320000xi32, #tpu.memory_space<hbm>> -> memref<128xi32, #tpu.memory_space<hbm>>
        tpu.enqueue_dma source(%dma_start3A_286 : memref<128xi32, #tpu.memory_space<hbm>>) target(%dma_start3A_285 : memref<128xi32, #tpu.memory_space<vmem>>) target_semaphore(%dma_start3A_282 : memref<!tpu.dma_semaphore, #tpu.memory_space<semaphore_mem>>)
        %dma_wait3A_287 = arith.constant 1 : i32
        %dma_wait3A_288 = arith.constant 1 : i32
        %dma_wait3A_289 = arith.constant 0 : i32
        %dma_wait3A_290 = arith.constant 0 : i32
        %dma_wait3A_291 = tpu.memref_slice %run_scoped3A_2[%dma_wait3A_287, %dma_wait3A_289, %dma_wait3A_290] : memref<2x128x128xf32, #tpu.memory_space<vmem>> -> memref<1x128x128xf32, #tpu.memory_space<vmem>>
        %dma_wait3A_292 = tpu.memref_squeeze %dma_wait3A_291 : memref<1x128x128xf32, #tpu.memory_space<vmem>> -> memref<128x128xf32, #tpu.memory_space<vmem>>
        %dma_wait3A_293 = arith.constant 0 : i32
        %dma_wait3A_294 = tpu.memref_slice %run_scoped3A[%dma_wait3A_293] : memref<10000xi32, #tpu.memory_space<vmem>> -> memref<128xi32, #tpu.memory_space<vmem>>
        %dma_wait3A_295 = arith.constant 0 : i32
        %dma_wait3A_296 = arith.constant 0 : i32
        %dma_wait3A_297 = tpu.memref_slice %arg4[%dma_wait3A_295, %dma_wait3A_296] : memref<10000x128xf32, #tpu.memory_space<hbm>> -> memref<10000x128xf32, #tpu.memory_space<hbm>>
        %dma_wait3A_298 = tpu.memref_slice %arg6[%dma_wait3A_288] : memref<2x!tpu.dma_semaphore, #tpu.memory_space<semaphore_mem>> -> memref<1x!tpu.dma_semaphore, #tpu.memory_space<semaphore_mem>>
        %dma_wait3A_299 = tpu.memref_squeeze %dma_wait3A_298 : memref<1x!tpu.dma_semaphore, #tpu.memory_space<semaphore_mem>> -> memref<!tpu.dma_semaphore, #tpu.memory_space<semaphore_mem>>
        tpu.wait_indirect_dma semaphore(%dma_wait3A_299 : memref<!tpu.dma_semaphore, #tpu.memory_space<semaphore_mem>>) src(%dma_wait3A_297 : memref<10000x128xf32, #tpu.memory_space<hbm>>) dst(%dma_wait3A_292 : memref<128x128xf32, #tpu.memory_space<vmem>>)
        %dma_wait3A_300 = arith.constant 1 : i32
        %dma_wait3A_301 = arith.constant 1 : i32
        %dma_wait3A_302 = arith.constant 0 : i32
        %dma_wait3A_303 = tpu.memref_slice %run_scoped3A_0[%dma_wait3A_300, %dma_wait3A_302] : memref<2x128xi32, #tpu.memory_space<vmem>> -> memref<1x128xi32, #tpu.memory_space<vmem>>
        %dma_wait3A_304 = tpu.memref_squeeze %dma_wait3A_303 : memref<1x128xi32, #tpu.memory_space<vmem>> -> memref<128xi32, #tpu.memory_space<vmem>>
        %dma_wait3A_305 = tpu.memref_slice %arg3[%mul3A_5] : memref<320000xi32, #tpu.memory_space<hbm>> -> memref<128xi32, #tpu.memory_space<hbm>>
        %dma_wait3A_306 = tpu.memref_slice %arg8[%dma_wait3A_301] : memref<2x!tpu.dma_semaphore, #tpu.memory_space<semaphore_mem>> -> memref<1x!tpu.dma_semaphore, #tpu.memory_space<semaphore_mem>>
        %dma_wait3A_307 = tpu.memref_squeeze %dma_wait3A_306 : memref<1x!tpu.dma_semaphore, #tpu.memory_space<semaphore_mem>> -> memref<!tpu.dma_semaphore, #tpu.memory_space<semaphore_mem>>
        %dma_wait3A_308 = arith.constant 0 : i32
        %dma_wait3A_309 = tpu.memref_slice %run_scoped3A_0[%dma_wait3A_300, %dma_wait3A_308] : memref<2x128xi32, #tpu.memory_space<vmem>> -> memref<1x128xi32, #tpu.memory_space<vmem>>
        %dma_wait3A_310 = tpu.memref_squeeze %dma_wait3A_309 : memref<1x128xi32, #tpu.memory_space<vmem>> -> memref<128xi32, #tpu.memory_space<vmem>>
        %dma_wait3A_311 = tpu.memref_slice %arg3[%mul3A_5] : memref<320000xi32, #tpu.memory_space<hbm>> -> memref<128xi32, #tpu.memory_space<hbm>>
        tpu.wait_dma2 semaphore(%dma_wait3A_307 : memref<!tpu.dma_semaphore, #tpu.memory_space<semaphore_mem>>) src(%dma_wait3A_311 : memref<128xi32, #tpu.memory_space<hbm>>) dst(%dma_wait3A_310 : memref<128xi32, #tpu.memory_space<vmem>>)
        %add3A_312 = arith.constant 1 : i32
        %add3A_313 = arith.addi %add3A_198, %add3A_312 : i32
        %dma_start3A_314 = arith.constant 1 : i32
        %dma_start3A_315 = arith.constant 1 : i32
        %dma_start3A_316 = arith.constant 1 : i32
        %dma_start3A_317 = arith.constant 0 : i32
        %dma_start3A_318 = arith.constant 0 : i32
        %dma_start3A_319 = tpu.memref_slice %run_scoped3A_2[%dma_start3A_314, %dma_start3A_317, %dma_start3A_318] : memref<2x128x128xf32, #tpu.memory_space<vmem>> -> memref<1x128x128xf32, #tpu.memory_space<vmem>>
        %dma_start3A_320 = tpu.memref_squeeze %dma_start3A_319 : memref<1x128x128xf32, #tpu.memory_space<vmem>> -> memref<128x128xf32, #tpu.memory_space<vmem>>
        %dma_start3A_321 = arith.constant 0 : i32
        %dma_start3A_322 = tpu.memref_slice %run_scoped3A_0[%dma_start3A_315, %dma_start3A_321] : memref<2x128xi32, #tpu.memory_space<vmem>> -> memref<1x128xi32, #tpu.memory_space<vmem>>
        %dma_start3A_323 = tpu.memref_squeeze %dma_start3A_322 : memref<1x128xi32, #tpu.memory_space<vmem>> -> memref<128xi32, #tpu.memory_space<vmem>>
        %dma_start3A_324 = arith.constant 0 : i32
        %dma_start3A_325 = arith.constant 0 : i32
        %dma_start3A_326 = tpu.memref_slice %arg9[%dma_start3A_324, %dma_start3A_325] : memref<10240x128xf32, #tpu.memory_space<vmem_shared>> -> memref<10240x128xf32, #tpu.memory_space<vmem_shared>>
        %dma_start3A_327 = tpu.memref_slice %arg7[%dma_start3A_316] : memref<2x!tpu.dma_semaphore, #tpu.memory_space<semaphore_mem>> -> memref<1x!tpu.dma_semaphore, #tpu.memory_space<semaphore_mem>>
        %dma_start3A_328 = tpu.memref_squeeze %dma_start3A_327 : memref<1x!tpu.dma_semaphore, #tpu.memory_space<semaphore_mem>> -> memref<!tpu.dma_semaphore, #tpu.memory_space<semaphore_mem>>
        tpu.enqueue_indirect_dma source(%dma_start3A_320 : memref<128x128xf32, #tpu.memory_space<vmem>>) target(%dma_start3A_326 : memref<10240x128xf32, #tpu.memory_space<vmem_shared>>) offsets(%dma_start3A_323 : memref<128xi32, #tpu.memory_space<vmem>>) semaphore(%dma_start3A_328 : memref<!tpu.dma_semaphore, #tpu.memory_space<semaphore_mem>>) {add = true}
        %dma_wait3A_329 = arith.constant 1 : i32
        %dma_wait3A_330 = arith.constant 0 : i32
        %dma_wait3A_331 = arith.constant 1 : i32
        %dma_wait3A_332 = arith.constant 0 : i32
        %dma_wait3A_333 = arith.constant 0 : i32
        %dma_wait3A_334 = tpu.memref_slice %run_scoped3A_2[%dma_wait3A_329, %dma_wait3A_332, %dma_wait3A_333] : memref<2x128x128xf32, #tpu.memory_space<vmem>> -> memref<1x128x128xf32, #tpu.memory_space<vmem>>
        %dma_wait3A_335 = tpu.memref_squeeze %dma_wait3A_334 : memref<1x128x128xf32, #tpu.memory_space<vmem>> -> memref<128x128xf32, #tpu.memory_space<vmem>>
        %dma_wait3A_336 = arith.constant 0 : i32
        %dma_wait3A_337 = tpu.memref_slice %run_scoped3A_0[%dma_wait3A_330, %dma_wait3A_336] : memref<2x128xi32, #tpu.memory_space<vmem>> -> memref<1x128xi32, #tpu.memory_space<vmem>>
        %dma_wait3A_338 = tpu.memref_squeeze %dma_wait3A_337 : memref<1x128xi32, #tpu.memory_space<vmem>> -> memref<128xi32, #tpu.memory_space<vmem>>
        %dma_wait3A_339 = arith.constant 0 : i32
        %dma_wait3A_340 = arith.constant 0 : i32
        %dma_wait3A_341 = tpu.memref_slice %arg9[%dma_wait3A_339, %dma_wait3A_340] : memref<10240x128xf32, #tpu.memory_space<vmem_shared>> -> memref<10240x128xf32, #tpu.memory_space<vmem_shared>>
        %dma_wait3A_342 = tpu.memref_slice %arg7[%dma_wait3A_331] : memref<2x!tpu.dma_semaphore, #tpu.memory_space<semaphore_mem>> -> memref<1x!tpu.dma_semaphore, #tpu.memory_space<semaphore_mem>>
        %dma_wait3A_343 = tpu.memref_squeeze %dma_wait3A_342 : memref<1x!tpu.dma_semaphore, #tpu.memory_space<semaphore_mem>> -> memref<!tpu.dma_semaphore, #tpu.memory_space<semaphore_mem>>
        tpu.wait_indirect_dma semaphore(%dma_wait3A_343 : memref<!tpu.dma_semaphore, #tpu.memory_space<semaphore_mem>>) src(%dma_wait3A_335 : memref<128x128xf32, #tpu.memory_space<vmem>>) dst(%dma_wait3A_341 : memref<10240x128xf32, #tpu.memory_space<vmem_shared>>)
        %add3A_344 = arith.constant 3 : i32
        %add3A_345 = arith.addi %add3A_198, %add3A_344 : i32
        %mul3A_346 = arith.constant 128 : i32
        %mul3A_347 = arith.muli %add3A_345, %mul3A_346 : i32
        %dma_start3A_348 = arith.constant 1 : i32
        %dma_start3A_349 = arith.constant 1 : i32
        %dma_start3A_350 = arith.constant 0 : i32
        %dma_start3A_351 = arith.constant 0 : i32
        %dma_start3A_352 = tpu.memref_slice %run_scoped3A_2[%dma_start3A_348, %dma_start3A_350, %dma_start3A_351] : memref<2x128x128xf32, #tpu.memory_space<vmem>> -> memref<1x128x128xf32, #tpu.memory_space<vmem>>
        %dma_start3A_353 = tpu.memref_squeeze %dma_start3A_352 : memref<1x128x128xf32, #tpu.memory_space<vmem>> -> memref<128x128xf32, #tpu.memory_space<vmem>>
        %dma_start3A_354 = tpu.memref_slice %run_scoped3A[%mul3A_347] : memref<10000xi32, #tpu.memory_space<vmem>> -> memref<128xi32, #tpu.memory_space<vmem>>
        %dma_start3A_355 = arith.constant 0 : i32
        %dma_start3A_356 = arith.constant 0 : i32
        %dma_start3A_357 = tpu.memref_slice %arg4[%dma_start3A_355, %dma_start3A_356] : memref<10000x128xf32, #tpu.memory_space<hbm>> -> memref<10000x128xf32, #tpu.memory_space<hbm>>
        %dma_start3A_358 = tpu.memref_slice %arg6[%dma_start3A_349] : memref<2x!tpu.dma_semaphore, #tpu.memory_space<semaphore_mem>> -> memref<1x!tpu.dma_semaphore, #tpu.memory_space<semaphore_mem>>
        %dma_start3A_359 = tpu.memref_squeeze %dma_start3A_358 : memref<1x!tpu.dma_semaphore, #tpu.memory_space<semaphore_mem>> -> memref<!tpu.dma_semaphore, #tpu.memory_space<semaphore_mem>>
        tpu.enqueue_indirect_dma source(%dma_start3A_357 : memref<10000x128xf32, #tpu.memory_space<hbm>>) target(%dma_start3A_353 : memref<128x128xf32, #tpu.memory_space<vmem>>) offsets(%dma_start3A_354 : memref<128xi32, #tpu.memory_space<vmem>>) semaphore(%dma_start3A_359 : memref<!tpu.dma_semaphore, #tpu.memory_space<semaphore_mem>>)
        %add3A_360 = arith.constant 3 : i32
        %add3A_361 = arith.addi %add3A_198, %add3A_360 : i32
        %mul3A_362 = arith.constant 128 : i32
        %mul3A_363 = arith.muli %add3A_361, %mul3A_362 : i32
        %add3A_364 = arith.addi %mul3A_5, %mul3A_363 : i32
        %dma_start3A_365 = arith.constant 1 : i32
        %dma_start3A_366 = arith.constant 1 : i32
        %dma_start3A_367 = arith.constant 0 : i32
        %dma_start3A_368 = tpu.memref_slice %run_scoped3A_0[%dma_start3A_365, %dma_start3A_367] : memref<2x128xi32, #tpu.memory_space<vmem>> -> memref<1x128xi32, #tpu.memory_space<vmem>>
        %dma_start3A_369 = tpu.memref_squeeze %dma_start3A_368 : memref<1x128xi32, #tpu.memory_space<vmem>> -> memref<128xi32, #tpu.memory_space<vmem>>
        %dma_start3A_370 = tpu.memref_slice %arg3[%add3A_364] : memref<320000xi32, #tpu.memory_space<hbm>> -> memref<128xi32, #tpu.memory_space<hbm>>
        %dma_start3A_371 = tpu.memref_slice %arg8[%dma_start3A_366] : memref<2x!tpu.dma_semaphore, #tpu.memory_space<semaphore_mem>> -> memref<1x!tpu.dma_semaphore, #tpu.memory_space<semaphore_mem>>
        %dma_start3A_372 = tpu.memref_squeeze %dma_start3A_371 : memref<1x!tpu.dma_semaphore, #tpu.memory_space<semaphore_mem>> -> memref<!tpu.dma_semaphore, #tpu.memory_space<semaphore_mem>>
        %dma_start3A_373 = arith.constant 0 : i32
        %dma_start3A_374 = tpu.memref_slice %run_scoped3A_0[%dma_start3A_365, %dma_start3A_373] : memref<2x128xi32, #tpu.memory_space<vmem>> -> memref<1x128xi32, #tpu.memory_space<vmem>>
        %dma_start3A_375 = tpu.memref_squeeze %dma_start3A_374 : memref<1x128xi32, #tpu.memory_space<vmem>> -> memref<128xi32, #tpu.memory_space<vmem>>
        %dma_start3A_376 = tpu.memref_slice %arg3[%add3A_364] : memref<320000xi32, #tpu.memory_space<hbm>> -> memref<128xi32, #tpu.memory_space<hbm>>
        tpu.enqueue_dma source(%dma_start3A_376 : memref<128xi32, #tpu.memory_space<hbm>>) target(%dma_start3A_375 : memref<128xi32, #tpu.memory_space<vmem>>) target_semaphore(%dma_start3A_372 : memref<!tpu.dma_semaphore, #tpu.memory_space<semaphore_mem>>)
      }
      %scan3A_74 = arith.constant 38 : i32
      %dma_wait3A = arith.constant 0 : i32
      %dma_wait3A_75 = arith.constant 0 : i32
      %dma_wait3A_76 = arith.constant 0 : i32
      %dma_wait3A_77 = arith.constant 0 : i32
      %dma_wait3A_78 = tpu.memref_slice %run_scoped3A_2[%dma_wait3A, %dma_wait3A_76, %dma_wait3A_77] : memref<2x128x128xf32, #tpu.memory_space<vmem>> -> memref<1x128x128xf32, #tpu.memory_space<vmem>>
      %dma_wait3A_79 = tpu.memref_squeeze %dma_wait3A_78 : memref<1x128x128xf32, #tpu.memory_space<vmem>> -> memref<128x128xf32, #tpu.memory_space<vmem>>
      %dma_wait3A_80 = arith.constant 0 : i32
      %dma_wait3A_81 = tpu.memref_slice %run_scoped3A[%dma_wait3A_80] : memref<10000xi32, #tpu.memory_space<vmem>> -> memref<128xi32, #tpu.memory_space<vmem>>
      %dma_wait3A_82 = arith.constant 0 : i32
      %dma_wait3A_83 = arith.constant 0 : i32
      %dma_wait3A_84 = tpu.memref_slice %arg4[%dma_wait3A_82, %dma_wait3A_83] : memref<10000x128xf32, #tpu.memory_space<hbm>> -> memref<10000x128xf32, #tpu.memory_space<hbm>>
      %dma_wait3A_85 = tpu.memref_slice %arg6[%dma_wait3A_75] : memref<2x!tpu.dma_semaphore, #tpu.memory_space<semaphore_mem>> -> memref<1x!tpu.dma_semaphore, #tpu.memory_space<semaphore_mem>>
      %dma_wait3A_86 = tpu.memref_squeeze %dma_wait3A_85 : memref<1x!tpu.dma_semaphore, #tpu.memory_space<semaphore_mem>> -> memref<!tpu.dma_semaphore, #tpu.memory_space<semaphore_mem>>
      tpu.wait_indirect_dma semaphore(%dma_wait3A_86 : memref<!tpu.dma_semaphore, #tpu.memory_space<semaphore_mem>>) src(%dma_wait3A_84 : memref<10000x128xf32, #tpu.memory_space<hbm>>) dst(%dma_wait3A_79 : memref<128x128xf32, #tpu.memory_space<vmem>>)
      %dma_wait3A_87 = arith.constant 0 : i32
      %dma_wait3A_88 = arith.constant 0 : i32
      %dma_wait3A_89 = arith.constant 0 : i32
      %dma_wait3A_90 = tpu.memref_slice %run_scoped3A_0[%dma_wait3A_87, %dma_wait3A_89] : memref<2x128xi32, #tpu.memory_space<vmem>> -> memref<1x128xi32, #tpu.memory_space<vmem>>
      %dma_wait3A_91 = tpu.memref_squeeze %dma_wait3A_90 : memref<1x128xi32, #tpu.memory_space<vmem>> -> memref<128xi32, #tpu.memory_space<vmem>>
      %dma_wait3A_92 = tpu.memref_slice %arg3[%mul3A_5] : memref<320000xi32, #tpu.memory_space<hbm>> -> memref<128xi32, #tpu.memory_space<hbm>>
      %dma_wait3A_93 = tpu.memref_slice %arg8[%dma_wait3A_88] : memref<2x!tpu.dma_semaphore, #tpu.memory_space<semaphore_mem>> -> memref<1x!tpu.dma_semaphore, #tpu.memory_space<semaphore_mem>>
      %dma_wait3A_94 = tpu.memref_squeeze %dma_wait3A_93 : memref<1x!tpu.dma_semaphore, #tpu.memory_space<semaphore_mem>> -> memref<!tpu.dma_semaphore, #tpu.memory_space<semaphore_mem>>
      %dma_wait3A_95 = arith.constant 0 : i32
      %dma_wait3A_96 = tpu.memref_slice %run_scoped3A_0[%dma_wait3A_87, %dma_wait3A_95] : memref<2x128xi32, #tpu.memory_space<vmem>> -> memref<1x128xi32, #tpu.memory_space<vmem>>
      %dma_wait3A_97 = tpu.memref_squeeze %dma_wait3A_96 : memref<1x128xi32, #tpu.memory_space<vmem>> -> memref<128xi32, #tpu.memory_space<vmem>>
      %dma_wait3A_98 = tpu.memref_slice %arg3[%mul3A_5] : memref<320000xi32, #tpu.memory_space<hbm>> -> memref<128xi32, #tpu.memory_space<hbm>>
      tpu.wait_dma2 semaphore(%dma_wait3A_94 : memref<!tpu.dma_semaphore, #tpu.memory_space<semaphore_mem>>) src(%dma_wait3A_98 : memref<128xi32, #tpu.memory_space<hbm>>) dst(%dma_wait3A_97 : memref<128xi32, #tpu.memory_space<vmem>>)
      %dma_start3A_99 = arith.constant 0 : i32
      %dma_start3A_100 = arith.constant 0 : i32
      %dma_start3A_101 = arith.constant 0 : i32
      %dma_start3A_102 = arith.constant 0 : i32
      %dma_start3A_103 = arith.constant 0 : i32
      %dma_start3A_104 = tpu.memref_slice %run_scoped3A_2[%dma_start3A_99, %dma_start3A_102, %dma_start3A_103] : memref<2x128x128xf32, #tpu.memory_space<vmem>> -> memref<1x128x128xf32, #tpu.memory_space<vmem>>
      %dma_start3A_105 = tpu.memref_squeeze %dma_start3A_104 : memref<1x128x128xf32, #tpu.memory_space<vmem>> -> memref<128x128xf32, #tpu.memory_space<vmem>>
      %dma_start3A_106 = arith.constant 0 : i32
      %dma_start3A_107 = tpu.memref_slice %run_scoped3A_0[%dma_start3A_100, %dma_start3A_106] : memref<2x128xi32, #tpu.memory_space<vmem>> -> memref<1x128xi32, #tpu.memory_space<vmem>>
      %dma_start3A_108 = tpu.memref_squeeze %dma_start3A_107 : memref<1x128xi32, #tpu.memory_space<vmem>> -> memref<128xi32, #tpu.memory_space<vmem>>
      %dma_start3A_109 = arith.constant 0 : i32
      %dma_start3A_110 = arith.constant 0 : i32
      %dma_start3A_111 = tpu.memref_slice %arg9[%dma_start3A_109, %dma_start3A_110] : memref<10240x128xf32, #tpu.memory_space<vmem_shared>> -> memref<10240x128xf32, #tpu.memory_space<vmem_shared>>
      %dma_start3A_112 = tpu.memref_slice %arg7[%dma_start3A_101] : memref<2x!tpu.dma_semaphore, #tpu.memory_space<semaphore_mem>> -> memref<1x!tpu.dma_semaphore, #tpu.memory_space<semaphore_mem>>
      %dma_start3A_113 = tpu.memref_squeeze %dma_start3A_112 : memref<1x!tpu.dma_semaphore, #tpu.memory_space<semaphore_mem>> -> memref<!tpu.dma_semaphore, #tpu.memory_space<semaphore_mem>>
      tpu.enqueue_indirect_dma source(%dma_start3A_105 : memref<128x128xf32, #tpu.memory_space<vmem>>) target(%dma_start3A_111 : memref<10240x128xf32, #tpu.memory_space<vmem_shared>>) offsets(%dma_start3A_108 : memref<128xi32, #tpu.memory_space<vmem>>) semaphore(%dma_start3A_113 : memref<!tpu.dma_semaphore, #tpu.memory_space<semaphore_mem>>) {add = true}
      %dma_wait3A_114 = arith.constant 0 : i32
      %dma_wait3A_115 = arith.constant 0 : i32
      %dma_wait3A_116 = arith.constant 0 : i32
      %dma_wait3A_117 = arith.constant 0 : i32
      %dma_wait3A_118 = arith.constant 0 : i32
      %dma_wait3A_119 = tpu.memref_slice %run_scoped3A_2[%dma_wait3A_114, %dma_wait3A_117, %dma_wait3A_118] : memref<2x128x128xf32, #tpu.memory_space<vmem>> -> memref<1x128x128xf32, #tpu.memory_space<vmem>>
      %dma_wait3A_120 = tpu.memref_squeeze %dma_wait3A_119 : memref<1x128x128xf32, #tpu.memory_space<vmem>> -> memref<128x128xf32, #tpu.memory_space<vmem>>
      %dma_wait3A_121 = arith.constant 0 : i32
      %dma_wait3A_122 = tpu.memref_slice %run_scoped3A_0[%dma_wait3A_115, %dma_wait3A_121] : memref<2x128xi32, #tpu.memory_space<vmem>> -> memref<1x128xi32, #tpu.memory_space<vmem>>
      %dma_wait3A_123 = tpu.memref_squeeze %dma_wait3A_122 : memref<1x128xi32, #tpu.memory_space<vmem>> -> memref<128xi32, #tpu.memory_space<vmem>>
      %dma_wait3A_124 = arith.constant 0 : i32
      %dma_wait3A_125 = arith.constant 0 : i32
      %dma_wait3A_126 = tpu.memref_slice %arg9[%dma_wait3A_124, %dma_wait3A_125] : memref<10240x128xf32, #tpu.memory_space<vmem_shared>> -> memref<10240x128xf32, #tpu.memory_space<vmem_shared>>
      %dma_wait3A_127 = tpu.memref_slice %arg7[%dma_wait3A_116] : memref<2x!tpu.dma_semaphore, #tpu.memory_space<semaphore_mem>> -> memref<1x!tpu.dma_semaphore, #tpu.memory_space<semaphore_mem>>
      %dma_wait3A_128 = tpu.memref_squeeze %dma_wait3A_127 : memref<1x!tpu.dma_semaphore, #tpu.memory_space<semaphore_mem>> -> memref<!tpu.dma_semaphore, #tpu.memory_space<semaphore_mem>>
      tpu.wait_indirect_dma semaphore(%dma_wait3A_128 : memref<!tpu.dma_semaphore, #tpu.memory_space<semaphore_mem>>) src(%dma_wait3A_120 : memref<128x128xf32, #tpu.memory_space<vmem>>) dst(%dma_wait3A_126 : memref<10240x128xf32, #tpu.memory_space<vmem_shared>>)
      %dma_wait3A_129 = arith.constant 1 : i32
      %dma_wait3A_130 = arith.constant 1 : i32
      %dma_wait3A_131 = arith.constant 0 : i32
      %dma_wait3A_132 = arith.constant 0 : i32
      %dma_wait3A_133 = tpu.memref_slice %run_scoped3A_2[%dma_wait3A_129, %dma_wait3A_131, %dma_wait3A_132] : memref<2x128x128xf32, #tpu.memory_space<vmem>> -> memref<1x128x128xf32, #tpu.memory_space<vmem>>
      %dma_wait3A_134 = tpu.memref_squeeze %dma_wait3A_133 : memref<1x128x128xf32, #tpu.memory_space<vmem>> -> memref<128x128xf32, #tpu.memory_space<vmem>>
      %dma_wait3A_135 = arith.constant 0 : i32
      %dma_wait3A_136 = tpu.memref_slice %run_scoped3A[%dma_wait3A_135] : memref<10000xi32, #tpu.memory_space<vmem>> -> memref<128xi32, #tpu.memory_space<vmem>>
      %dma_wait3A_137 = arith.constant 0 : i32
      %dma_wait3A_138 = arith.constant 0 : i32
      %dma_wait3A_139 = tpu.memref_slice %arg4[%dma_wait3A_137, %dma_wait3A_138] : memref<10000x128xf32, #tpu.memory_space<hbm>> -> memref<10000x128xf32, #tpu.memory_space<hbm>>
      %dma_wait3A_140 = tpu.memref_slice %arg6[%dma_wait3A_130] : memref<2x!tpu.dma_semaphore, #tpu.memory_space<semaphore_mem>> -> memref<1x!tpu.dma_semaphore, #tpu.memory_space<semaphore_mem>>
      %dma_wait3A_141 = tpu.memref_squeeze %dma_wait3A_140 : memref<1x!tpu.dma_semaphore, #tpu.memory_space<semaphore_mem>> -> memref<!tpu.dma_semaphore, #tpu.memory_space<semaphore_mem>>
      tpu.wait_indirect_dma semaphore(%dma_wait3A_141 : memref<!tpu.dma_semaphore, #tpu.memory_space<semaphore_mem>>) src(%dma_wait3A_139 : memref<10000x128xf32, #tpu.memory_space<hbm>>) dst(%dma_wait3A_134 : memref<128x128xf32, #tpu.memory_space<vmem>>)
      %dma_wait3A_142 = arith.constant 1 : i32
      %dma_wait3A_143 = arith.constant 1 : i32
      %dma_wait3A_144 = arith.constant 0 : i32
      %dma_wait3A_145 = tpu.memref_slice %run_scoped3A_0[%dma_wait3A_142, %dma_wait3A_144] : memref<2x128xi32, #tpu.memory_space<vmem>> -> memref<1x128xi32, #tpu.memory_space<vmem>>
      %dma_wait3A_146 = tpu.memref_squeeze %dma_wait3A_145 : memref<1x128xi32, #tpu.memory_space<vmem>> -> memref<128xi32, #tpu.memory_space<vmem>>
      %dma_wait3A_147 = tpu.memref_slice %arg3[%mul3A_5] : memref<320000xi32, #tpu.memory_space<hbm>> -> memref<128xi32, #tpu.memory_space<hbm>>
      %dma_wait3A_148 = tpu.memref_slice %arg8[%dma_wait3A_143] : memref<2x!tpu.dma_semaphore, #tpu.memory_space<semaphore_mem>> -> memref<1x!tpu.dma_semaphore, #tpu.memory_space<semaphore_mem>>
      %dma_wait3A_149 = tpu.memref_squeeze %dma_wait3A_148 : memref<1x!tpu.dma_semaphore, #tpu.memory_space<semaphore_mem>> -> memref<!tpu.dma_semaphore, #tpu.memory_space<semaphore_mem>>
      %dma_wait3A_150 = arith.constant 0 : i32
      %dma_wait3A_151 = tpu.memref_slice %run_scoped3A_0[%dma_wait3A_142, %dma_wait3A_150] : memref<2x128xi32, #tpu.memory_space<vmem>> -> memref<1x128xi32, #tpu.memory_space<vmem>>
      %dma_wait3A_152 = tpu.memref_squeeze %dma_wait3A_151 : memref<1x128xi32, #tpu.memory_space<vmem>> -> memref<128xi32, #tpu.memory_space<vmem>>
      %dma_wait3A_153 = tpu.memref_slice %arg3[%mul3A_5] : memref<320000xi32, #tpu.memory_space<hbm>> -> memref<128xi32, #tpu.memory_space<hbm>>
      tpu.wait_dma2 semaphore(%dma_wait3A_149 : memref<!tpu.dma_semaphore, #tpu.memory_space<semaphore_mem>>) src(%dma_wait3A_153 : memref<128xi32, #tpu.memory_space<hbm>>) dst(%dma_wait3A_152 : memref<128xi32, #tpu.memory_space<vmem>>)
      %dma_start3A_154 = arith.constant 1 : i32
      %dma_start3A_155 = arith.constant 1 : i32
      %dma_start3A_156 = arith.constant 1 : i32
      %dma_start3A_157 = arith.constant 0 : i32
      %dma_start3A_158 = arith.constant 0 : i32
      %dma_start3A_159 = tpu.memref_slice %run_scoped3A_2[%dma_start3A_154, %dma_start3A_157, %dma_start3A_158] : memref<2x128x128xf32, #tpu.memory_space<vmem>> -> memref<1x128x128xf32, #tpu.memory_space<vmem>>
      %dma_start3A_160 = tpu.memref_squeeze %dma_start3A_159 : memref<1x128x128xf32, #tpu.memory_space<vmem>> -> memref<128x128xf32, #tpu.memory_space<vmem>>
      %dma_start3A_161 = arith.constant 0 : i32
      %dma_start3A_162 = tpu.memref_slice %run_scoped3A_0[%dma_start3A_155, %dma_start3A_161] : memref<2x128xi32, #tpu.memory_space<vmem>> -> memref<1x128xi32, #tpu.memory_space<vmem>>
      %dma_start3A_163 = tpu.memref_squeeze %dma_start3A_162 : memref<1x128xi32, #tpu.memory_space<vmem>> -> memref<128xi32, #tpu.memory_space<vmem>>
      %dma_start3A_164 = arith.constant 0 : i32
      %dma_start3A_165 = arith.constant 0 : i32
      %dma_start3A_166 = tpu.memref_slice %arg9[%dma_start3A_164, %dma_start3A_165] : memref<10240x128xf32, #tpu.memory_space<vmem_shared>> -> memref<10240x128xf32, #tpu.memory_space<vmem_shared>>
      %dma_start3A_167 = tpu.memref_slice %arg7[%dma_start3A_156] : memref<2x!tpu.dma_semaphore, #tpu.memory_space<semaphore_mem>> -> memref<1x!tpu.dma_semaphore, #tpu.memory_space<semaphore_mem>>
      %dma_start3A_168 = tpu.memref_squeeze %dma_start3A_167 : memref<1x!tpu.dma_semaphore, #tpu.memory_space<semaphore_mem>> -> memref<!tpu.dma_semaphore, #tpu.memory_space<semaphore_mem>>
      tpu.enqueue_indirect_dma source(%dma_start3A_160 : memref<128x128xf32, #tpu.memory_space<vmem>>) target(%dma_start3A_166 : memref<10240x128xf32, #tpu.memory_space<vmem_shared>>) offsets(%dma_start3A_163 : memref<128xi32, #tpu.memory_space<vmem>>) semaphore(%dma_start3A_168 : memref<!tpu.dma_semaphore, #tpu.memory_space<semaphore_mem>>) {add = true}
      %dma_wait3A_169 = arith.constant 1 : i32
      %dma_wait3A_170 = arith.constant 0 : i32
      %dma_wait3A_171 = arith.constant 1 : i32
      %dma_wait3A_172 = arith.constant 0 : i32
      %dma_wait3A_173 = arith.constant 0 : i32
      %dma_wait3A_174 = tpu.memref_slice %run_scoped3A_2[%dma_wait3A_169, %dma_wait3A_172, %dma_wait3A_173] : memref<2x128x128xf32, #tpu.memory_space<vmem>> -> memref<1x128x128xf32, #tpu.memory_space<vmem>>
      %dma_wait3A_175 = tpu.memref_squeeze %dma_wait3A_174 : memref<1x128x128xf32, #tpu.memory_space<vmem>> -> memref<128x128xf32, #tpu.memory_space<vmem>>
      %dma_wait3A_176 = arith.constant 0 : i32
      %dma_wait3A_177 = tpu.memref_slice %run_scoped3A_0[%dma_wait3A_170, %dma_wait3A_176] : memref<2x128xi32, #tpu.memory_space<vmem>> -> memref<1x128xi32, #tpu.memory_space<vmem>>
      %dma_wait3A_178 = tpu.memref_squeeze %dma_wait3A_177 : memref<1x128xi32, #tpu.memory_space<vmem>> -> memref<128xi32, #tpu.memory_space<vmem>>
      %dma_wait3A_179 = arith.constant 0 : i32
      %dma_wait3A_180 = arith.constant 0 : i32
      %dma_wait3A_181 = tpu.memref_slice %arg9[%dma_wait3A_179, %dma_wait3A_180] : memref<10240x128xf32, #tpu.memory_space<vmem_shared>> -> memref<10240x128xf32, #tpu.memory_space<vmem_shared>>
      %dma_wait3A_182 = tpu.memref_slice %arg7[%dma_wait3A_171] : memref<2x!tpu.dma_semaphore, #tpu.memory_space<semaphore_mem>> -> memref<1x!tpu.dma_semaphore, #tpu.memory_space<semaphore_mem>>
      %dma_wait3A_183 = tpu.memref_squeeze %dma_wait3A_182 : memref<1x!tpu.dma_semaphore, #tpu.memory_space<semaphore_mem>> -> memref<!tpu.dma_semaphore, #tpu.memory_space<semaphore_mem>>
      tpu.wait_indirect_dma semaphore(%dma_wait3A_183 : memref<!tpu.dma_semaphore, #tpu.memory_space<semaphore_mem>>) src(%dma_wait3A_175 : memref<128x128xf32, #tpu.memory_space<vmem>>) dst(%dma_wait3A_181 : memref<10240x128xf32, #tpu.memory_space<vmem_shared>>)
      %add3A_184 = arith.constant 9984 : i32
      %add3A_185 = arith.addi %mul3A_5, %add3A_184 : i32
      "tpu.region"() ({
        %run_scoped3A_194 = tpu.sem_alloc : memref<!tpu.dma_semaphore, #tpu.memory_space<semaphore_mem>>
        %dma_start3A_195 = tpu.memref_slice %arg3[%add3A_185] : memref<320000xi32, #tpu.memory_space<hbm>> -> memref<16xi32, #tpu.memory_space<hbm>>
        %dma_start3A_196 = tpu.memref_slice %arg3[%add3A_185] : memref<320000xi32, #tpu.memory_space<hbm>> -> memref<16xi32, #tpu.memory_space<hbm>>
        tpu.enqueue_dma source(%dma_start3A_196 : memref<16xi32, #tpu.memory_space<hbm>>) target(%run_scoped3A_1 : memref<16xi32, #tpu.memory_space<vmem>>) target_semaphore(%run_scoped3A_194 : memref<!tpu.dma_semaphore, #tpu.memory_space<semaphore_mem>>)
        %dma_wait3A_197 = tpu.memref_slice %arg3[%add3A_185] : memref<320000xi32, #tpu.memory_space<hbm>> -> memref<16xi32, #tpu.memory_space<hbm>>
        %dma_wait3A_198 = tpu.memref_slice %arg3[%add3A_185] : memref<320000xi32, #tpu.memory_space<hbm>> -> memref<16xi32, #tpu.memory_space<hbm>>
        tpu.wait_dma2 semaphore(%run_scoped3A_194 : memref<!tpu.dma_semaphore, #tpu.memory_space<semaphore_mem>>) src(%dma_wait3A_198 : memref<16xi32, #tpu.memory_space<hbm>>) dst(%run_scoped3A_1 : memref<16xi32, #tpu.memory_space<vmem>>)
        tpu.yield
      }) : () -> ()
      %run_scoped3A_186 = arith.constant 0 : i32
      "tpu.region"() ({
        %run_scoped3A_194 = tpu.sem_alloc : memref<!tpu.dma_semaphore, #tpu.memory_space<semaphore_mem>>
        %dma_start3A_195 = arith.constant 0 : i32
        %dma_start3A_196 = arith.constant 0 : i32
        %dma_start3A_197 = tpu.memref_slice %run_scoped3A_2[%run_scoped3A_186, %dma_start3A_195, %dma_start3A_196] : memref<2x128x128xf32, #tpu.memory_space<vmem>> -> memref<1x128x128xf32, #tpu.memory_space<vmem>>
        %dma_start3A_198 = tpu.memref_squeeze %dma_start3A_197 : memref<1x128x128xf32, #tpu.memory_space<vmem>> -> memref<128x128xf32, #tpu.memory_space<vmem>>
        %dma_start3A_199 = arith.constant 0 : i32
        %dma_start3A_200 = arith.constant 0 : i32
        %dma_start3A_201 = tpu.memref_slice %dma_start3A_198[%dma_start3A_199, %dma_start3A_200] : memref<128x128xf32, #tpu.memory_space<vmem>> -> memref<16x128xf32, #tpu.memory_space<vmem>>
        %dma_start3A_202 = arith.constant 9984 : i32
        %dma_start3A_203 = tpu.memref_slice %run_scoped3A[%dma_start3A_202] : memref<10000xi32, #tpu.memory_space<vmem>> -> memref<16xi32, #tpu.memory_space<vmem>>
        %dma_start3A_204 = arith.constant 0 : i32
        %dma_start3A_205 = arith.constant 0 : i32
        %dma_start3A_206 = tpu.memref_slice %arg4[%dma_start3A_204, %dma_start3A_205] : memref<10000x128xf32, #tpu.memory_space<hbm>> -> memref<10000x128xf32, #tpu.memory_space<hbm>>
        tpu.enqueue_indirect_dma source(%dma_start3A_206 : memref<10000x128xf32, #tpu.memory_space<hbm>>) target(%dma_start3A_201 : memref<16x128xf32, #tpu.memory_space<vmem>>) offsets(%dma_start3A_203 : memref<16xi32, #tpu.memory_space<vmem>>) semaphore(%run_scoped3A_194 : memref<!tpu.dma_semaphore, #tpu.memory_space<semaphore_mem>>)
        %dma_wait3A_207 = arith.constant 0 : i32
        %dma_wait3A_208 = arith.constant 0 : i32
        %dma_wait3A_209 = tpu.memref_slice %run_scoped3A_2[%run_scoped3A_186, %dma_wait3A_207, %dma_wait3A_208] : memref<2x128x128xf32, #tpu.memory_space<vmem>> -> memref<1x128x128xf32, #tpu.memory_space<vmem>>
        %dma_wait3A_210 = tpu.memref_squeeze %dma_wait3A_209 : memref<1x128x128xf32, #tpu.memory_space<vmem>> -> memref<128x128xf32, #tpu.memory_space<vmem>>
        %dma_wait3A_211 = arith.constant 0 : i32
        %dma_wait3A_212 = arith.constant 0 : i32
        %dma_wait3A_213 = tpu.memref_slice %dma_wait3A_210[%dma_wait3A_211, %dma_wait3A_212] : memref<128x128xf32, #tpu.memory_space<vmem>> -> memref<16x128xf32, #tpu.memory_space<vmem>>
        %dma_wait3A_214 = arith.constant 9984 : i32
        %dma_wait3A_215 = tpu.memref_slice %run_scoped3A[%dma_wait3A_214] : memref<10000xi32, #tpu.memory_space<vmem>> -> memref<16xi32, #tpu.memory_space<vmem>>
        %dma_wait3A_216 = arith.constant 0 : i32
        %dma_wait3A_217 = arith.constant 0 : i32
        %dma_wait3A_218 = tpu.memref_slice %arg4[%dma_wait3A_216, %dma_wait3A_217] : memref<10000x128xf32, #tpu.memory_space<hbm>> -> memref<10000x128xf32, #tpu.memory_space<hbm>>
        tpu.wait_indirect_dma semaphore(%run_scoped3A_194 : memref<!tpu.dma_semaphore, #tpu.memory_space<semaphore_mem>>) src(%dma_wait3A_218 : memref<10000x128xf32, #tpu.memory_space<hbm>>) dst(%dma_wait3A_213 : memref<16x128xf32, #tpu.memory_space<vmem>>)
        tpu.yield
      }) : () -> ()
      %run_scoped3A_187 = arith.constant 0 : i32
      "tpu.region"() ({
        %run_scoped3A_194 = tpu.sem_alloc : memref<!tpu.dma_semaphore, #tpu.memory_space<semaphore_mem>>
        %dma_start3A_195 = arith.constant 0 : i32
        %dma_start3A_196 = arith.constant 0 : i32
        %dma_start3A_197 = tpu.memref_slice %run_scoped3A_2[%run_scoped3A_187, %dma_start3A_195, %dma_start3A_196] : memref<2x128x128xf32, #tpu.memory_space<vmem>> -> memref<1x128x128xf32, #tpu.memory_space<vmem>>
        %dma_start3A_198 = tpu.memref_squeeze %dma_start3A_197 : memref<1x128x128xf32, #tpu.memory_space<vmem>> -> memref<128x128xf32, #tpu.memory_space<vmem>>
        %dma_start3A_199 = arith.constant 0 : i32
        %dma_start3A_200 = arith.constant 0 : i32
        %dma_start3A_201 = tpu.memref_slice %dma_start3A_198[%dma_start3A_199, %dma_start3A_200] : memref<128x128xf32, #tpu.memory_space<vmem>> -> memref<16x128xf32, #tpu.memory_space<vmem>>
        %dma_start3A_202 = arith.constant 0 : i32
        %dma_start3A_203 = arith.constant 0 : i32
        %dma_start3A_204 = tpu.memref_slice %arg9[%dma_start3A_202, %dma_start3A_203] : memref<10240x128xf32, #tpu.memory_space<vmem_shared>> -> memref<10240x128xf32, #tpu.memory_space<vmem_shared>>
        tpu.enqueue_indirect_dma source(%dma_start3A_201 : memref<16x128xf32, #tpu.memory_space<vmem>>) target(%dma_start3A_204 : memref<10240x128xf32, #tpu.memory_space<vmem_shared>>) offsets(%run_scoped3A_1 : memref<16xi32, #tpu.memory_space<vmem>>) semaphore(%run_scoped3A_194 : memref<!tpu.dma_semaphore, #tpu.memory_space<semaphore_mem>>) {add = true}
        %dma_wait3A_205 = arith.constant 0 : i32
        %dma_wait3A_206 = arith.constant 0 : i32
        %dma_wait3A_207 = tpu.memref_slice %run_scoped3A_2[%run_scoped3A_187, %dma_wait3A_205, %dma_wait3A_206] : memref<2x128x128xf32, #tpu.memory_space<vmem>> -> memref<1x128x128xf32, #tpu.memory_space<vmem>>
        %dma_wait3A_208 = tpu.memref_squeeze %dma_wait3A_207 : memref<1x128x128xf32, #tpu.memory_space<vmem>> -> memref<128x128xf32, #tpu.memory_space<vmem>>
        %dma_wait3A_209 = arith.constant 0 : i32
        %dma_wait3A_210 = arith.constant 0 : i32
        %dma_wait3A_211 = tpu.memref_slice %dma_wait3A_208[%dma_wait3A_209, %dma_wait3A_210] : memref<128x128xf32, #tpu.memory_space<vmem>> -> memref<16x128xf32, #tpu.memory_space<vmem>>
        %dma_wait3A_212 = arith.constant 0 : i32
        %dma_wait3A_213 = arith.constant 0 : i32
        %dma_wait3A_214 = tpu.memref_slice %arg9[%dma_wait3A_212, %dma_wait3A_213] : memref<10240x128xf32, #tpu.memory_space<vmem_shared>> -> memref<10240x128xf32, #tpu.memory_space<vmem_shared>>
        tpu.wait_indirect_dma semaphore(%run_scoped3A_194 : memref<!tpu.dma_semaphore, #tpu.memory_space<semaphore_mem>>) src(%dma_wait3A_211 : memref<16x128xf32, #tpu.memory_space<vmem>>) dst(%dma_wait3A_214 : memref<10240x128xf32, #tpu.memory_space<vmem_shared>>)
        tpu.yield
      }) : () -> ()
      %barrier3A_188 = arith.constant 0 : index
      tpu.barrier barrier_id(%barrier3A_188)
      %scan3A_189 = arith.constant 0 : i32
      %scan3A_190 = arith.constant 5 : i32
      %scan3A_191 = arith.addi %scan3A_189, %scan3A_190 : i32
      %scan3A_192 = arith.constant 1 : i32
      scf.for %scan3A_194 = %scan3A_189 to %scan3A_191 step %scan3A_192  : i32 {
        %mul3A_195 = arith.constant 1 : i32
        %mul3A_196 = arith.muli %scan3A_194, %mul3A_195 : i32
        %add3A_197 = arith.constant 0 : i32
        %add3A_198 = arith.addi %add3A_197, %mul3A_196 : i32
        %mul3A_199 = arith.constant 128 : i32
        %mul3A_200 = arith.muli %add3A_198, %mul3A_199 : i32
        %add3A_201 = arith.addi %mul3A_7, %mul3A_200 : i32
        %mul3A_202 = arith.constant 128 : i32
        %mul3A_203 = arith.muli %add3A_198, %mul3A_202 : i32
        %add3A_204 = arith.addi %mul3A_7, %mul3A_203 : i32
        "tpu.region"() ({
          %run_scoped3A_205 = tpu.sem_alloc : memref<!tpu.dma_semaphore, #tpu.memory_space<semaphore_mem>>
          %dma_start3A_206 = arith.constant 0 : i32
          %dma_start3A_207 = tpu.memref_slice %arg5[%arg0, %add3A_204, %dma_start3A_206] : memref<2x10240x128xf32, #tpu.memory_space<hbm>> -> memref<1x128x128xf32, #tpu.memory_space<hbm>>
          %dma_start3A_208 = tpu.memref_squeeze %dma_start3A_207 : memref<1x128x128xf32, #tpu.memory_space<hbm>> -> memref<128x128xf32, #tpu.memory_space<hbm>>
          %dma_start3A_209 = arith.constant 0 : i32
          %dma_start3A_210 = tpu.memref_slice %arg9[%add3A_201, %dma_start3A_209] : memref<10240x128xf32, #tpu.memory_space<vmem_shared>> -> memref<128x128xf32, #tpu.memory_space<vmem_shared>>
          tpu.enqueue_dma source(%dma_start3A_210 : memref<128x128xf32, #tpu.memory_space<vmem_shared>>) target(%dma_start3A_208 : memref<128x128xf32, #tpu.memory_space<hbm>>) target_semaphore(%run_scoped3A_205 : memref<!tpu.dma_semaphore, #tpu.memory_space<semaphore_mem>>)
          %dma_wait3A_211 = arith.constant 0 : i32
          %dma_wait3A_212 = tpu.memref_slice %arg5[%arg0, %add3A_204, %dma_wait3A_211] : memref<2x10240x128xf32, #tpu.memory_space<hbm>> -> memref<1x128x128xf32, #tpu.memory_space<hbm>>
          %dma_wait3A_213 = tpu.memref_squeeze %dma_wait3A_212 : memref<1x128x128xf32, #tpu.memory_space<hbm>> -> memref<128x128xf32, #tpu.memory_space<hbm>>
          %dma_wait3A_214 = arith.constant 0 : i32
          %dma_wait3A_215 = tpu.memref_slice %arg9[%add3A_201, %dma_wait3A_214] : memref<10240x128xf32, #tpu.memory_space<vmem_shared>> -> memref<128x128xf32, #tpu.memory_space<vmem_shared>>
          tpu.wait_dma2 semaphore(%run_scoped3A_205 : memref<!tpu.dma_semaphore, #tpu.memory_space<semaphore_mem>>) src(%dma_wait3A_215 : memref<128x128xf32, #tpu.memory_space<vmem_shared>>) dst(%dma_wait3A_213 : memref<128x128xf32, #tpu.memory_space<hbm>>)
          tpu.yield
        }) : () -> ()
      }
      %scan3A_193 = arith.constant 5 : i32
      tpu.yield
    }) : () -> ()
    return
  }
}

#map = affine_map<(d0, d1) -> (0)>
#map1 = affine_map<(d0, d1) -> (0, 0)>
#map2 = affine_map<(d0, d1) -> (0, 0, 0)>
module attributes {stable_mosaic.version = 14 : i64} {
  func.func @_agg2_body(%arg0: i32, %arg1: i32, %arg2: memref<320000xi32, #tpu.memory_space<hbm>>, %arg3: memref<320000xi32, #tpu.memory_space<hbm>>, %arg4: memref<10000x128xf32, #tpu.memory_space<hbm>>, %arg5: memref<4096xi32, #tpu.memory_space<hbm>>, %arg6: memref<2x16x128xf32, #tpu.memory_space<hbm>>, %arg7: memref<10000xi32, #tpu.memory_space<vmem>>, %arg8: memref<10000xi32, #tpu.memory_space<vmem>>, %arg9: memref<80x128xf32, #tpu.memory_space<vmem>>, %arg10: memref<80xi32, #tpu.memory_space<vmem>>, %arg11: memref<80xi32, #tpu.memory_space<vmem>>, %arg12: memref<144xi32, #tpu.memory_space<vmem>>, %arg13: memref<16x128xf32, #tpu.memory_space<vmem_shared>>) attributes {dimension_semantics = [#tpu.dimension_semantics<core_parallel>, #tpu.dimension_semantics<subcore_parallel>], iteration_bounds = array<i64: 2, 16>, scalar_prefetch = 0 : i64, scratch_operands = 7 : i64, tpu.core_type = #tpu.core_type<sc_vector_subcore>, window_params = [{transform_indices = #map}, {transform_indices = #map}, {transform_indices = #map1}, {transform_indices = #map}, {transform_indices = #map2}]} {
    %mul3A = arith.constant 16 : i32
    %mul3A_0 = arith.muli %arg0, %mul3A : i32
    %add3A = arith.addi %mul3A_0, %arg1 : i32
    %mul3A_1 = arith.constant 10000 : i32
    %mul3A_2 = arith.muli %add3A, %mul3A_1 : i32
    %broadcast_in_dim3A = arith.constant 0.000000e+00 : f32
    %broadcast_in_dim3A_3 = vector.broadcast %broadcast_in_dim3A : f32 to vector<16xf32>
    %swap3A = arith.constant 0 : i32
    %swap3A_4 = arith.index_cast %swap3A : i32 to index
    %swap3A_5 = arith.constant 0 : index
    %swap3A_6 = tpu.vector_load %arg9[%swap3A_4, %swap3A_5] {strides = array<i32>} : memref<80x128xf32, #tpu.memory_space<vmem>>, vector<1x16xf32>,
    %swap3A_7 = vector.shape_cast %swap3A_6 : vector<1x16xf32> to vector<16xf32>
    %swap3A_8 = vector.shape_cast %broadcast_in_dim3A_3 : vector<16xf32> to vector<1x16xf32>
    tpu.vector_store %arg9[%swap3A_4, %swap3A_5], %swap3A_8 {strides = array<i32>} : memref<80x128xf32, #tpu.memory_space<vmem>>, vector<1x16xf32>,
    %broadcast_in_dim3A_9 = arith.constant 0.000000e+00 : f32
    %broadcast_in_dim3A_10 = vector.broadcast %broadcast_in_dim3A_9 : f32 to vector<16xf32>
    %swap3A_11 = arith.constant 0 : i32
    %swap3A_12 = arith.index_cast %swap3A_11 : i32 to index
    %swap3A_13 = arith.constant 16 : index
    %swap3A_14 = tpu.vector_load %arg9[%swap3A_12, %swap3A_13] {strides = array<i32>} : memref<80x128xf32, #tpu.memory_space<vmem>>, vector<1x16xf32>,
    %swap3A_15 = vector.shape_cast %swap3A_14 : vector<1x16xf32> to vector<16xf32>
    %swap3A_16 = vector.shape_cast %broadcast_in_dim3A_10 : vector<16xf32> to vector<1x16xf32>
    tpu.vector_store %arg9[%swap3A_12, %swap3A_13], %swap3A_16 {strides = array<i32>} : memref<80x128xf32, #tpu.memory_space<vmem>>, vector<1x16xf32>,
    %broadcast_in_dim3A_17 = arith.constant 0.000000e+00 : f32
    %broadcast_in_dim3A_18 = vector.broadcast %broadcast_in_dim3A_17 : f32 to vector<16xf32>
    %swap3A_19 = arith.constant 0 : i32
    %swap3A_20 = arith.index_cast %swap3A_19 : i32 to index
    %swap3A_21 = arith.constant 32 : index
    %swap3A_22 = tpu.vector_load %arg9[%swap3A_20, %swap3A_21] {strides = array<i32>} : memref<80x128xf32, #tpu.memory_space<vmem>>, vector<1x16xf32>,
    %swap3A_23 = vector.shape_cast %swap3A_22 : vector<1x16xf32> to vector<16xf32>
    %swap3A_24 = vector.shape_cast %broadcast_in_dim3A_18 : vector<16xf32> to vector<1x16xf32>
    tpu.vector_store %arg9[%swap3A_20, %swap3A_21], %swap3A_24 {strides = array<i32>} : memref<80x128xf32, #tpu.memory_space<vmem>>, vector<1x16xf32>,
    %broadcast_in_dim3A_25 = arith.constant 0.000000e+00 : f32
    %broadcast_in_dim3A_26 = vector.broadcast %broadcast_in_dim3A_25 : f32 to vector<16xf32>
    %swap3A_27 = arith.constant 0 : i32
    %swap3A_28 = arith.index_cast %swap3A_27 : i32 to index
    %swap3A_29 = arith.constant 48 : index
    %swap3A_30 = tpu.vector_load %arg9[%swap3A_28, %swap3A_29] {strides = array<i32>} : memref<80x128xf32, #tpu.memory_space<vmem>>, vector<1x16xf32>,
    %swap3A_31 = vector.shape_cast %swap3A_30 : vector<1x16xf32> to vector<16xf32>
    %swap3A_32 = vector.shape_cast %broadcast_in_dim3A_26 : vector<16xf32> to vector<1x16xf32>
    tpu.vector_store %arg9[%swap3A_28, %swap3A_29], %swap3A_32 {strides = array<i32>} : memref<80x128xf32, #tpu.memory_space<vmem>>, vector<1x16xf32>,
    %broadcast_in_dim3A_33 = arith.constant 0.000000e+00 : f32
    %broadcast_in_dim3A_34 = vector.broadcast %broadcast_in_dim3A_33 : f32 to vector<16xf32>
    %swap3A_35 = arith.constant 0 : i32
    %swap3A_36 = arith.index_cast %swap3A_35 : i32 to index
    %swap3A_37 = arith.constant 64 : index
    %swap3A_38 = tpu.vector_load %arg9[%swap3A_36, %swap3A_37] {strides = array<i32>} : memref<80x128xf32, #tpu.memory_space<vmem>>, vector<1x16xf32>,
    %swap3A_39 = vector.shape_cast %swap3A_38 : vector<1x16xf32> to vector<16xf32>
    %swap3A_40 = vector.shape_cast %broadcast_in_dim3A_34 : vector<16xf32> to vector<1x16xf32>
    tpu.vector_store %arg9[%swap3A_36, %swap3A_37], %swap3A_40 {strides = array<i32>} : memref<80x128xf32, #tpu.memory_space<vmem>>, vector<1x16xf32>,
    %broadcast_in_dim3A_41 = arith.constant 0.000000e+00 : f32
    %broadcast_in_dim3A_42 = vector.broadcast %broadcast_in_dim3A_41 : f32 to vector<16xf32>
    %swap3A_43 = arith.constant 0 : i32
    %swap3A_44 = arith.index_cast %swap3A_43 : i32 to index
    %swap3A_45 = arith.constant 80 : index
    %swap3A_46 = tpu.vector_load %arg9[%swap3A_44, %swap3A_45] {strides = array<i32>} : memref<80x128xf32, #tpu.memory_space<vmem>>, vector<1x16xf32>,
    %swap3A_47 = vector.shape_cast %swap3A_46 : vector<1x16xf32> to vector<16xf32>
    %swap3A_48 = vector.shape_cast %broadcast_in_dim3A_42 : vector<16xf32> to vector<1x16xf32>
    tpu.vector_store %arg9[%swap3A_44, %swap3A_45], %swap3A_48 {strides = array<i32>} : memref<80x128xf32, #tpu.memory_space<vmem>>, vector<1x16xf32>,
    %broadcast_in_dim3A_49 = arith.constant 0.000000e+00 : f32
    %broadcast_in_dim3A_50 = vector.broadcast %broadcast_in_dim3A_49 : f32 to vector<16xf32>
    %swap3A_51 = arith.constant 0 : i32
    %swap3A_52 = arith.index_cast %swap3A_51 : i32 to index
    %swap3A_53 = arith.constant 96 : index
    %swap3A_54 = tpu.vector_load %arg9[%swap3A_52, %swap3A_53] {strides = array<i32>} : memref<80x128xf32, #tpu.memory_space<vmem>>, vector<1x16xf32>,
    %swap3A_55 = vector.shape_cast %swap3A_54 : vector<1x16xf32> to vector<16xf32>
    %swap3A_56 = vector.shape_cast %broadcast_in_dim3A_50 : vector<16xf32> to vector<1x16xf32>
    tpu.vector_store %arg9[%swap3A_52, %swap3A_53], %swap3A_56 {strides = array<i32>} : memref<80x128xf32, #tpu.memory_space<vmem>>, vector<1x16xf32>,
    %broadcast_in_dim3A_57 = arith.constant 0.000000e+00 : f32
    %broadcast_in_dim3A_58 = vector.broadcast %broadcast_in_dim3A_57 : f32 to vector<16xf32>
    %swap3A_59 = arith.constant 0 : i32
    %swap3A_60 = arith.index_cast %swap3A_59 : i32 to index
    %swap3A_61 = arith.constant 112 : index
    %swap3A_62 = tpu.vector_load %arg9[%swap3A_60, %swap3A_61] {strides = array<i32>} : memref<80x128xf32, #tpu.memory_space<vmem>>, vector<1x16xf32>,
    %swap3A_63 = vector.shape_cast %swap3A_62 : vector<1x16xf32> to vector<16xf32>
    %swap3A_64 = vector.shape_cast %broadcast_in_dim3A_58 : vector<16xf32> to vector<1x16xf32>
    tpu.vector_store %arg9[%swap3A_60, %swap3A_61], %swap3A_64 {strides = array<i32>} : memref<80x128xf32, #tpu.memory_space<vmem>>, vector<1x16xf32>,
    %broadcast_in_dim3A_65 = arith.constant 0.000000e+00 : f32
    %broadcast_in_dim3A_66 = vector.broadcast %broadcast_in_dim3A_65 : f32 to vector<16xf32>
    %swap3A_67 = arith.constant 1 : i32
    %swap3A_68 = arith.index_cast %swap3A_67 : i32 to index
    %swap3A_69 = arith.constant 0 : index
    %swap3A_70 = tpu.vector_load %arg9[%swap3A_68, %swap3A_69] {strides = array<i32>} : memref<80x128xf32, #tpu.memory_space<vmem>>, vector<1x16xf32>,
    %swap3A_71 = vector.shape_cast %swap3A_70 : vector<1x16xf32> to vector<16xf32>
    %swap3A_72 = vector.shape_cast %broadcast_in_dim3A_66 : vector<16xf32> to vector<1x16xf32>
    tpu.vector_store %arg9[%swap3A_68, %swap3A_69], %swap3A_72 {strides = array<i32>} : memref<80x128xf32, #tpu.memory_space<vmem>>, vector<1x16xf32>,
    %broadcast_in_dim3A_73 = arith.constant 0.000000e+00 : f32
    %broadcast_in_dim3A_74 = vector.broadcast %broadcast_in_dim3A_73 : f32 to vector<16xf32>
    %swap3A_75 = arith.constant 1 : i32
    %swap3A_76 = arith.index_cast %swap3A_75 : i32 to index
    %swap3A_77 = arith.constant 16 : index
    %swap3A_78 = tpu.vector_load %arg9[%swap3A_76, %swap3A_77] {strides = array<i32>} : memref<80x128xf32, #tpu.memory_space<vmem>>, vector<1x16xf32>,
    %swap3A_79 = vector.shape_cast %swap3A_78 : vector<1x16xf32> to vector<16xf32>
    %swap3A_80 = vector.shape_cast %broadcast_in_dim3A_74 : vector<16xf32> to vector<1x16xf32>
    tpu.vector_store %arg9[%swap3A_76, %swap3A_77], %swap3A_80 {strides = array<i32>} : memref<80x128xf32, #tpu.memory_space<vmem>>, vector<1x16xf32>,
    %broadcast_in_dim3A_81 = arith.constant 0.000000e+00 : f32
    %broadcast_in_dim3A_82 = vector.broadcast %broadcast_in_dim3A_81 : f32 to vector<16xf32>
    %swap3A_83 = arith.constant 1 : i32
    %swap3A_84 = arith.index_cast %swap3A_83 : i32 to index
    %swap3A_85 = arith.constant 32 : index
    %swap3A_86 = tpu.vector_load %arg9[%swap3A_84, %swap3A_85] {strides = array<i32>} : memref<80x128xf32, #tpu.memory_space<vmem>>, vector<1x16xf32>,
    %swap3A_87 = vector.shape_cast %swap3A_86 : vector<1x16xf32> to vector<16xf32>
    %swap3A_88 = vector.shape_cast %broadcast_in_dim3A_82 : vector<16xf32> to vector<1x16xf32>
    tpu.vector_store %arg9[%swap3A_84, %swap3A_85], %swap3A_88 {strides = array<i32>} : memref<80x128xf32, #tpu.memory_space<vmem>>, vector<1x16xf32>,
    %broadcast_in_dim3A_89 = arith.constant 0.000000e+00 : f32
    %broadcast_in_dim3A_90 = vector.broadcast %broadcast_in_dim3A_89 : f32 to vector<16xf32>
    %swap3A_91 = arith.constant 1 : i32
    %swap3A_92 = arith.index_cast %swap3A_91 : i32 to index
    %swap3A_93 = arith.constant 48 : index
    %swap3A_94 = tpu.vector_load %arg9[%swap3A_92, %swap3A_93] {strides = array<i32>} : memref<80x128xf32, #tpu.memory_space<vmem>>, vector<1x16xf32>,
    %swap3A_95 = vector.shape_cast %swap3A_94 : vector<1x16xf32> to vector<16xf32>
    %swap3A_96 = vector.shape_cast %broadcast_in_dim3A_90 : vector<16xf32> to vector<1x16xf32>
    tpu.vector_store %arg9[%swap3A_92, %swap3A_93], %swap3A_96 {strides = array<i32>} : memref<80x128xf32, #tpu.memory_space<vmem>>, vector<1x16xf32>,
    %broadcast_in_dim3A_97 = arith.constant 0.000000e+00 : f32
    %broadcast_in_dim3A_98 = vector.broadcast %broadcast_in_dim3A_97 : f32 to vector<16xf32>
    %swap3A_99 = arith.constant 1 : i32
    %swap3A_100 = arith.index_cast %swap3A_99 : i32 to index
    %swap3A_101 = arith.constant 64 : index
    %swap3A_102 = tpu.vector_load %arg9[%swap3A_100, %swap3A_101] {strides = array<i32>} : memref<80x128xf32, #tpu.memory_space<vmem>>, vector<1x16xf32>,
    %swap3A_103 = vector.shape_cast %swap3A_102 : vector<1x16xf32> to vector<16xf32>
    %swap3A_104 = vector.shape_cast %broadcast_in_dim3A_98 : vector<16xf32> to vector<1x16xf32>
    tpu.vector_store %arg9[%swap3A_100, %swap3A_101], %swap3A_104 {strides = array<i32>} : memref<80x128xf32, #tpu.memory_space<vmem>>, vector<1x16xf32>,
    %broadcast_in_dim3A_105 = arith.constant 0.000000e+00 : f32
    %broadcast_in_dim3A_106 = vector.broadcast %broadcast_in_dim3A_105 : f32 to vector<16xf32>
    %swap3A_107 = arith.constant 1 : i32
    %swap3A_108 = arith.index_cast %swap3A_107 : i32 to index
    %swap3A_109 = arith.constant 80 : index
    %swap3A_110 = tpu.vector_load %arg9[%swap3A_108, %swap3A_109] {strides = array<i32>} : memref<80x128xf32, #tpu.memory_space<vmem>>, vector<1x16xf32>,
    %swap3A_111 = vector.shape_cast %swap3A_110 : vector<1x16xf32> to vector<16xf32>
    %swap3A_112 = vector.shape_cast %broadcast_in_dim3A_106 : vector<16xf32> to vector<1x16xf32>
    tpu.vector_store %arg9[%swap3A_108, %swap3A_109], %swap3A_112 {strides = array<i32>} : memref<80x128xf32, #tpu.memory_space<vmem>>, vector<1x16xf32>,
    %broadcast_in_dim3A_113 = arith.constant 0.000000e+00 : f32
    %broadcast_in_dim3A_114 = vector.broadcast %broadcast_in_dim3A_113 : f32 to vector<16xf32>
    %swap3A_115 = arith.constant 1 : i32
    %swap3A_116 = arith.index_cast %swap3A_115 : i32 to index
    %swap3A_117 = arith.constant 96 : index
    %swap3A_118 = tpu.vector_load %arg9[%swap3A_116, %swap3A_117] {strides = array<i32>} : memref<80x128xf32, #tpu.memory_space<vmem>>, vector<1x16xf32>,
    %swap3A_119 = vector.shape_cast %swap3A_118 : vector<1x16xf32> to vector<16xf32>
    %swap3A_120 = vector.shape_cast %broadcast_in_dim3A_114 : vector<16xf32> to vector<1x16xf32>
    tpu.vector_store %arg9[%swap3A_116, %swap3A_117], %swap3A_120 {strides = array<i32>} : memref<80x128xf32, #tpu.memory_space<vmem>>, vector<1x16xf32>,
    %broadcast_in_dim3A_121 = arith.constant 0.000000e+00 : f32
    %broadcast_in_dim3A_122 = vector.broadcast %broadcast_in_dim3A_121 : f32 to vector<16xf32>
    %swap3A_123 = arith.constant 1 : i32
    %swap3A_124 = arith.index_cast %swap3A_123 : i32 to index
    %swap3A_125 = arith.constant 112 : index
    %swap3A_126 = tpu.vector_load %arg9[%swap3A_124, %swap3A_125] {strides = array<i32>} : memref<80x128xf32, #tpu.memory_space<vmem>>, vector<1x16xf32>,
    %swap3A_127 = vector.shape_cast %swap3A_126 : vector<1x16xf32> to vector<16xf32>
    %swap3A_128 = vector.shape_cast %broadcast_in_dim3A_122 : vector<16xf32> to vector<1x16xf32>
    tpu.vector_store %arg9[%swap3A_124, %swap3A_125], %swap3A_128 {strides = array<i32>} : memref<80x128xf32, #tpu.memory_space<vmem>>, vector<1x16xf32>,
    %broadcast_in_dim3A_129 = arith.constant 0.000000e+00 : f32
    %broadcast_in_dim3A_130 = vector.broadcast %broadcast_in_dim3A_129 : f32 to vector<16xf32>
    %swap3A_131 = arith.constant 2 : i32
    %swap3A_132 = arith.index_cast %swap3A_131 : i32 to index
    %swap3A_133 = arith.constant 0 : index
    %swap3A_134 = tpu.vector_load %arg9[%swap3A_132, %swap3A_133] {strides = array<i32>} : memref<80x128xf32, #tpu.memory_space<vmem>>, vector<1x16xf32>,
    %swap3A_135 = vector.shape_cast %swap3A_134 : vector<1x16xf32> to vector<16xf32>
    %swap3A_136 = vector.shape_cast %broadcast_in_dim3A_130 : vector<16xf32> to vector<1x16xf32>
    tpu.vector_store %arg9[%swap3A_132, %swap3A_133], %swap3A_136 {strides = array<i32>} : memref<80x128xf32, #tpu.memory_space<vmem>>, vector<1x16xf32>,
    %broadcast_in_dim3A_137 = arith.constant 0.000000e+00 : f32
    %broadcast_in_dim3A_138 = vector.broadcast %broadcast_in_dim3A_137 : f32 to vector<16xf32>
    %swap3A_139 = arith.constant 2 : i32
    %swap3A_140 = arith.index_cast %swap3A_139 : i32 to index
    %swap3A_141 = arith.constant 16 : index
    %swap3A_142 = tpu.vector_load %arg9[%swap3A_140, %swap3A_141] {strides = array<i32>} : memref<80x128xf32, #tpu.memory_space<vmem>>, vector<1x16xf32>,
    %swap3A_143 = vector.shape_cast %swap3A_142 : vector<1x16xf32> to vector<16xf32>
    %swap3A_144 = vector.shape_cast %broadcast_in_dim3A_138 : vector<16xf32> to vector<1x16xf32>
    tpu.vector_store %arg9[%swap3A_140, %swap3A_141], %swap3A_144 {strides = array<i32>} : memref<80x128xf32, #tpu.memory_space<vmem>>, vector<1x16xf32>,
    %broadcast_in_dim3A_145 = arith.constant 0.000000e+00 : f32
    %broadcast_in_dim3A_146 = vector.broadcast %broadcast_in_dim3A_145 : f32 to vector<16xf32>
    %swap3A_147 = arith.constant 2 : i32
    %swap3A_148 = arith.index_cast %swap3A_147 : i32 to index
    %swap3A_149 = arith.constant 32 : index
    %swap3A_150 = tpu.vector_load %arg9[%swap3A_148, %swap3A_149] {strides = array<i32>} : memref<80x128xf32, #tpu.memory_space<vmem>>, vector<1x16xf32>,
    %swap3A_151 = vector.shape_cast %swap3A_150 : vector<1x16xf32> to vector<16xf32>
    %swap3A_152 = vector.shape_cast %broadcast_in_dim3A_146 : vector<16xf32> to vector<1x16xf32>
    tpu.vector_store %arg9[%swap3A_148, %swap3A_149], %swap3A_152 {strides = array<i32>} : memref<80x128xf32, #tpu.memory_space<vmem>>, vector<1x16xf32>,
    %broadcast_in_dim3A_153 = arith.constant 0.000000e+00 : f32
    %broadcast_in_dim3A_154 = vector.broadcast %broadcast_in_dim3A_153 : f32 to vector<16xf32>
    %swap3A_155 = arith.constant 2 : i32
    %swap3A_156 = arith.index_cast %swap3A_155 : i32 to index
    %swap3A_157 = arith.constant 48 : index
    %swap3A_158 = tpu.vector_load %arg9[%swap3A_156, %swap3A_157] {strides = array<i32>} : memref<80x128xf32, #tpu.memory_space<vmem>>, vector<1x16xf32>,
    %swap3A_159 = vector.shape_cast %swap3A_158 : vector<1x16xf32> to vector<16xf32>
    %swap3A_160 = vector.shape_cast %broadcast_in_dim3A_154 : vector<16xf32> to vector<1x16xf32>
    tpu.vector_store %arg9[%swap3A_156, %swap3A_157], %swap3A_160 {strides = array<i32>} : memref<80x128xf32, #tpu.memory_space<vmem>>, vector<1x16xf32>,
    %broadcast_in_dim3A_161 = arith.constant 0.000000e+00 : f32
    %broadcast_in_dim3A_162 = vector.broadcast %broadcast_in_dim3A_161 : f32 to vector<16xf32>
    %swap3A_163 = arith.constant 2 : i32
    %swap3A_164 = arith.index_cast %swap3A_163 : i32 to index
    %swap3A_165 = arith.constant 64 : index
    %swap3A_166 = tpu.vector_load %arg9[%swap3A_164, %swap3A_165] {strides = array<i32>} : memref<80x128xf32, #tpu.memory_space<vmem>>, vector<1x16xf32>,
    %swap3A_167 = vector.shape_cast %swap3A_166 : vector<1x16xf32> to vector<16xf32>
    %swap3A_168 = vector.shape_cast %broadcast_in_dim3A_162 : vector<16xf32> to vector<1x16xf32>
    tpu.vector_store %arg9[%swap3A_164, %swap3A_165], %swap3A_168 {strides = array<i32>} : memref<80x128xf32, #tpu.memory_space<vmem>>, vector<1x16xf32>,
    %broadcast_in_dim3A_169 = arith.constant 0.000000e+00 : f32
    %broadcast_in_dim3A_170 = vector.broadcast %broadcast_in_dim3A_169 : f32 to vector<16xf32>
    %swap3A_171 = arith.constant 2 : i32
    %swap3A_172 = arith.index_cast %swap3A_171 : i32 to index
    %swap3A_173 = arith.constant 80 : index
    %swap3A_174 = tpu.vector_load %arg9[%swap3A_172, %swap3A_173] {strides = array<i32>} : memref<80x128xf32, #tpu.memory_space<vmem>>, vector<1x16xf32>,
    %swap3A_175 = vector.shape_cast %swap3A_174 : vector<1x16xf32> to vector<16xf32>
    %swap3A_176 = vector.shape_cast %broadcast_in_dim3A_170 : vector<16xf32> to vector<1x16xf32>
    tpu.vector_store %arg9[%swap3A_172, %swap3A_173], %swap3A_176 {strides = array<i32>} : memref<80x128xf32, #tpu.memory_space<vmem>>, vector<1x16xf32>,
    %broadcast_in_dim3A_177 = arith.constant 0.000000e+00 : f32
    %broadcast_in_dim3A_178 = vector.broadcast %broadcast_in_dim3A_177 : f32 to vector<16xf32>
    %swap3A_179 = arith.constant 2 : i32
    %swap3A_180 = arith.index_cast %swap3A_179 : i32 to index
    %swap3A_181 = arith.constant 96 : index
    %swap3A_182 = tpu.vector_load %arg9[%swap3A_180, %swap3A_181] {strides = array<i32>} : memref<80x128xf32, #tpu.memory_space<vmem>>, vector<1x16xf32>,
    %swap3A_183 = vector.shape_cast %swap3A_182 : vector<1x16xf32> to vector<16xf32>
    %swap3A_184 = vector.shape_cast %broadcast_in_dim3A_178 : vector<16xf32> to vector<1x16xf32>
    tpu.vector_store %arg9[%swap3A_180, %swap3A_181], %swap3A_184 {strides = array<i32>} : memref<80x128xf32, #tpu.memory_space<vmem>>, vector<1x16xf32>,
    %broadcast_in_dim3A_185 = arith.constant 0.000000e+00 : f32
    %broadcast_in_dim3A_186 = vector.broadcast %broadcast_in_dim3A_185 : f32 to vector<16xf32>
    %swap3A_187 = arith.constant 2 : i32
    %swap3A_188 = arith.index_cast %swap3A_187 : i32 to index
    %swap3A_189 = arith.constant 112 : index
    %swap3A_190 = tpu.vector_load %arg9[%swap3A_188, %swap3A_189] {strides = array<i32>} : memref<80x128xf32, #tpu.memory_space<vmem>>, vector<1x16xf32>,
    %swap3A_191 = vector.shape_cast %swap3A_190 : vector<1x16xf32> to vector<16xf32>
    %swap3A_192 = vector.shape_cast %broadcast_in_dim3A_186 : vector<16xf32> to vector<1x16xf32>
    tpu.vector_store %arg9[%swap3A_188, %swap3A_189], %swap3A_192 {strides = array<i32>} : memref<80x128xf32, #tpu.memory_space<vmem>>, vector<1x16xf32>,
    %broadcast_in_dim3A_193 = arith.constant 0.000000e+00 : f32
    %broadcast_in_dim3A_194 = vector.broadcast %broadcast_in_dim3A_193 : f32 to vector<16xf32>
    %swap3A_195 = arith.constant 3 : i32
    %swap3A_196 = arith.index_cast %swap3A_195 : i32 to index
    %swap3A_197 = arith.constant 0 : index
    %swap3A_198 = tpu.vector_load %arg9[%swap3A_196, %swap3A_197] {strides = array<i32>} : memref<80x128xf32, #tpu.memory_space<vmem>>, vector<1x16xf32>,
    %swap3A_199 = vector.shape_cast %swap3A_198 : vector<1x16xf32> to vector<16xf32>
    %swap3A_200 = vector.shape_cast %broadcast_in_dim3A_194 : vector<16xf32> to vector<1x16xf32>
    tpu.vector_store %arg9[%swap3A_196, %swap3A_197], %swap3A_200 {strides = array<i32>} : memref<80x128xf32, #tpu.memory_space<vmem>>, vector<1x16xf32>,
    %broadcast_in_dim3A_201 = arith.constant 0.000000e+00 : f32
    %broadcast_in_dim3A_202 = vector.broadcast %broadcast_in_dim3A_201 : f32 to vector<16xf32>
    %swap3A_203 = arith.constant 3 : i32
    %swap3A_204 = arith.index_cast %swap3A_203 : i32 to index
    %swap3A_205 = arith.constant 16 : index
    %swap3A_206 = tpu.vector_load %arg9[%swap3A_204, %swap3A_205] {strides = array<i32>} : memref<80x128xf32, #tpu.memory_space<vmem>>, vector<1x16xf32>,
    %swap3A_207 = vector.shape_cast %swap3A_206 : vector<1x16xf32> to vector<16xf32>
    %swap3A_208 = vector.shape_cast %broadcast_in_dim3A_202 : vector<16xf32> to vector<1x16xf32>
    tpu.vector_store %arg9[%swap3A_204, %swap3A_205], %swap3A_208 {strides = array<i32>} : memref<80x128xf32, #tpu.memory_space<vmem>>, vector<1x16xf32>,
    %broadcast_in_dim3A_209 = arith.constant 0.000000e+00 : f32
    %broadcast_in_dim3A_210 = vector.broadcast %broadcast_in_dim3A_209 : f32 to vector<16xf32>
    %swap3A_211 = arith.constant 3 : i32
    %swap3A_212 = arith.index_cast %swap3A_211 : i32 to index
    %swap3A_213 = arith.constant 32 : index
    %swap3A_214 = tpu.vector_load %arg9[%swap3A_212, %swap3A_213] {strides = array<i32>} : memref<80x128xf32, #tpu.memory_space<vmem>>, vector<1x16xf32>,
    %swap3A_215 = vector.shape_cast %swap3A_214 : vector<1x16xf32> to vector<16xf32>
    %swap3A_216 = vector.shape_cast %broadcast_in_dim3A_210 : vector<16xf32> to vector<1x16xf32>
    tpu.vector_store %arg9[%swap3A_212, %swap3A_213], %swap3A_216 {strides = array<i32>} : memref<80x128xf32, #tpu.memory_space<vmem>>, vector<1x16xf32>,
    %broadcast_in_dim3A_217 = arith.constant 0.000000e+00 : f32
    %broadcast_in_dim3A_218 = vector.broadcast %broadcast_in_dim3A_217 : f32 to vector<16xf32>
    %swap3A_219 = arith.constant 3 : i32
    %swap3A_220 = arith.index_cast %swap3A_219 : i32 to index
    %swap3A_221 = arith.constant 48 : index
    %swap3A_222 = tpu.vector_load %arg9[%swap3A_220, %swap3A_221] {strides = array<i32>} : memref<80x128xf32, #tpu.memory_space<vmem>>, vector<1x16xf32>,
    %swap3A_223 = vector.shape_cast %swap3A_222 : vector<1x16xf32> to vector<16xf32>
    %swap3A_224 = vector.shape_cast %broadcast_in_dim3A_218 : vector<16xf32> to vector<1x16xf32>
    tpu.vector_store %arg9[%swap3A_220, %swap3A_221], %swap3A_224 {strides = array<i32>} : memref<80x128xf32, #tpu.memory_space<vmem>>, vector<1x16xf32>,
    %broadcast_in_dim3A_225 = arith.constant 0.000000e+00 : f32
    %broadcast_in_dim3A_226 = vector.broadcast %broadcast_in_dim3A_225 : f32 to vector<16xf32>
    %swap3A_227 = arith.constant 3 : i32
    %swap3A_228 = arith.index_cast %swap3A_227 : i32 to index
    %swap3A_229 = arith.constant 64 : index
    %swap3A_230 = tpu.vector_load %arg9[%swap3A_228, %swap3A_229] {strides = array<i32>} : memref<80x128xf32, #tpu.memory_space<vmem>>, vector<1x16xf32>,
    %swap3A_231 = vector.shape_cast %swap3A_230 : vector<1x16xf32> to vector<16xf32>
    %swap3A_232 = vector.shape_cast %broadcast_in_dim3A_226 : vector<16xf32> to vector<1x16xf32>
    tpu.vector_store %arg9[%swap3A_228, %swap3A_229], %swap3A_232 {strides = array<i32>} : memref<80x128xf32, #tpu.memory_space<vmem>>, vector<1x16xf32>,
    %broadcast_in_dim3A_233 = arith.constant 0.000000e+00 : f32
    %broadcast_in_dim3A_234 = vector.broadcast %broadcast_in_dim3A_233 : f32 to vector<16xf32>
    %swap3A_235 = arith.constant 3 : i32
    %swap3A_236 = arith.index_cast %swap3A_235 : i32 to index
    %swap3A_237 = arith.constant 80 : index
    %swap3A_238 = tpu.vector_load %arg9[%swap3A_236, %swap3A_237] {strides = array<i32>} : memref<80x128xf32, #tpu.memory_space<vmem>>, vector<1x16xf32>,
    %swap3A_239 = vector.shape_cast %swap3A_238 : vector<1x16xf32> to vector<16xf32>
    %swap3A_240 = vector.shape_cast %broadcast_in_dim3A_234 : vector<16xf32> to vector<1x16xf32>
    tpu.vector_store %arg9[%swap3A_236, %swap3A_237], %swap3A_240 {strides = array<i32>} : memref<80x128xf32, #tpu.memory_space<vmem>>, vector<1x16xf32>,
    %broadcast_in_dim3A_241 = arith.constant 0.000000e+00 : f32
    %broadcast_in_dim3A_242 = vector.broadcast %broadcast_in_dim3A_241 : f32 to vector<16xf32>
    %swap3A_243 = arith.constant 3 : i32
    %swap3A_244 = arith.index_cast %swap3A_243 : i32 to index
    %swap3A_245 = arith.constant 96 : index
    %swap3A_246 = tpu.vector_load %arg9[%swap3A_244, %swap3A_245] {strides = array<i32>} : memref<80x128xf32, #tpu.memory_space<vmem>>, vector<1x16xf32>,
    %swap3A_247 = vector.shape_cast %swap3A_246 : vector<1x16xf32> to vector<16xf32>
    %swap3A_248 = vector.shape_cast %broadcast_in_dim3A_242 : vector<16xf32> to vector<1x16xf32>
    tpu.vector_store %arg9[%swap3A_244, %swap3A_245], %swap3A_248 {strides = array<i32>} : memref<80x128xf32, #tpu.memory_space<vmem>>, vector<1x16xf32>,
    %broadcast_in_dim3A_249 = arith.constant 0.000000e+00 : f32
    %broadcast_in_dim3A_250 = vector.broadcast %broadcast_in_dim3A_249 : f32 to vector<16xf32>
    %swap3A_251 = arith.constant 3 : i32
    %swap3A_252 = arith.index_cast %swap3A_251 : i32 to index
    %swap3A_253 = arith.constant 112 : index
    %swap3A_254 = tpu.vector_load %arg9[%swap3A_252, %swap3A_253] {strides = array<i32>} : memref<80x128xf32, #tpu.memory_space<vmem>>, vector<1x16xf32>,
    %swap3A_255 = vector.shape_cast %swap3A_254 : vector<1x16xf32> to vector<16xf32>
    %swap3A_256 = vector.shape_cast %broadcast_in_dim3A_250 : vector<16xf32> to vector<1x16xf32>
    tpu.vector_store %arg9[%swap3A_252, %swap3A_253], %swap3A_256 {strides = array<i32>} : memref<80x128xf32, #tpu.memory_space<vmem>>, vector<1x16xf32>,
    %broadcast_in_dim3A_257 = arith.constant 0.000000e+00 : f32
    %broadcast_in_dim3A_258 = vector.broadcast %broadcast_in_dim3A_257 : f32 to vector<16xf32>
    %swap3A_259 = arith.constant 4 : i32
    %swap3A_260 = arith.index_cast %swap3A_259 : i32 to index
    %swap3A_261 = arith.constant 0 : index
    %swap3A_262 = tpu.vector_load %arg9[%swap3A_260, %swap3A_261] {strides = array<i32>} : memref<80x128xf32, #tpu.memory_space<vmem>>, vector<1x16xf32>,
    %swap3A_263 = vector.shape_cast %swap3A_262 : vector<1x16xf32> to vector<16xf32>
    %swap3A_264 = vector.shape_cast %broadcast_in_dim3A_258 : vector<16xf32> to vector<1x16xf32>
    tpu.vector_store %arg9[%swap3A_260, %swap3A_261], %swap3A_264 {strides = array<i32>} : memref<80x128xf32, #tpu.memory_space<vmem>>, vector<1x16xf32>,
    %broadcast_in_dim3A_265 = arith.constant 0.000000e+00 : f32
    %broadcast_in_dim3A_266 = vector.broadcast %broadcast_in_dim3A_265 : f32 to vector<16xf32>
    %swap3A_267 = arith.constant 4 : i32
    %swap3A_268 = arith.index_cast %swap3A_267 : i32 to index
    %swap3A_269 = arith.constant 16 : index
    %swap3A_270 = tpu.vector_load %arg9[%swap3A_268, %swap3A_269] {strides = array<i32>} : memref<80x128xf32, #tpu.memory_space<vmem>>, vector<1x16xf32>,
    %swap3A_271 = vector.shape_cast %swap3A_270 : vector<1x16xf32> to vector<16xf32>
    %swap3A_272 = vector.shape_cast %broadcast_in_dim3A_266 : vector<16xf32> to vector<1x16xf32>
    tpu.vector_store %arg9[%swap3A_268, %swap3A_269], %swap3A_272 {strides = array<i32>} : memref<80x128xf32, #tpu.memory_space<vmem>>, vector<1x16xf32>,
    %broadcast_in_dim3A_273 = arith.constant 0.000000e+00 : f32
    %broadcast_in_dim3A_274 = vector.broadcast %broadcast_in_dim3A_273 : f32 to vector<16xf32>
    %swap3A_275 = arith.constant 4 : i32
    %swap3A_276 = arith.index_cast %swap3A_275 : i32 to index
    %swap3A_277 = arith.constant 32 : index
    %swap3A_278 = tpu.vector_load %arg9[%swap3A_276, %swap3A_277] {strides = array<i32>} : memref<80x128xf32, #tpu.memory_space<vmem>>, vector<1x16xf32>,
    %swap3A_279 = vector.shape_cast %swap3A_278 : vector<1x16xf32> to vector<16xf32>
    %swap3A_280 = vector.shape_cast %broadcast_in_dim3A_274 : vector<16xf32> to vector<1x16xf32>
    tpu.vector_store %arg9[%swap3A_276, %swap3A_277], %swap3A_280 {strides = array<i32>} : memref<80x128xf32, #tpu.memory_space<vmem>>, vector<1x16xf32>,
    %broadcast_in_dim3A_281 = arith.constant 0.000000e+00 : f32
    %broadcast_in_dim3A_282 = vector.broadcast %broadcast_in_dim3A_281 : f32 to vector<16xf32>
    %swap3A_283 = arith.constant 4 : i32
    %swap3A_284 = arith.index_cast %swap3A_283 : i32 to index
    %swap3A_285 = arith.constant 48 : index
    %swap3A_286 = tpu.vector_load %arg9[%swap3A_284, %swap3A_285] {strides = array<i32>} : memref<80x128xf32, #tpu.memory_space<vmem>>, vector<1x16xf32>,
    %swap3A_287 = vector.shape_cast %swap3A_286 : vector<1x16xf32> to vector<16xf32>
    %swap3A_288 = vector.shape_cast %broadcast_in_dim3A_282 : vector<16xf32> to vector<1x16xf32>
    tpu.vector_store %arg9[%swap3A_284, %swap3A_285], %swap3A_288 {strides = array<i32>} : memref<80x128xf32, #tpu.memory_space<vmem>>, vector<1x16xf32>,
    %broadcast_in_dim3A_289 = arith.constant 0.000000e+00 : f32
    %broadcast_in_dim3A_290 = vector.broadcast %broadcast_in_dim3A_289 : f32 to vector<16xf32>
    %swap3A_291 = arith.constant 4 : i32
    %swap3A_292 = arith.index_cast %swap3A_291 : i32 to index
    %swap3A_293 = arith.constant 64 : index
    %swap3A_294 = tpu.vector_load %arg9[%swap3A_292, %swap3A_293] {strides = array<i32>} : memref<80x128xf32, #tpu.memory_space<vmem>>, vector<1x16xf32>,
    %swap3A_295 = vector.shape_cast %swap3A_294 : vector<1x16xf32> to vector<16xf32>
    %swap3A_296 = vector.shape_cast %broadcast_in_dim3A_290 : vector<16xf32> to vector<1x16xf32>
    tpu.vector_store %arg9[%swap3A_292, %swap3A_293], %swap3A_296 {strides = array<i32>} : memref<80x128xf32, #tpu.memory_space<vmem>>, vector<1x16xf32>,
    %broadcast_in_dim3A_297 = arith.constant 0.000000e+00 : f32
    %broadcast_in_dim3A_298 = vector.broadcast %broadcast_in_dim3A_297 : f32 to vector<16xf32>
    %swap3A_299 = arith.constant 4 : i32
    %swap3A_300 = arith.index_cast %swap3A_299 : i32 to index
    %swap3A_301 = arith.constant 80 : index
    %swap3A_302 = tpu.vector_load %arg9[%swap3A_300, %swap3A_301] {strides = array<i32>} : memref<80x128xf32, #tpu.memory_space<vmem>>, vector<1x16xf32>,
    %swap3A_303 = vector.shape_cast %swap3A_302 : vector<1x16xf32> to vector<16xf32>
    %swap3A_304 = vector.shape_cast %broadcast_in_dim3A_298 : vector<16xf32> to vector<1x16xf32>
    tpu.vector_store %arg9[%swap3A_300, %swap3A_301], %swap3A_304 {strides = array<i32>} : memref<80x128xf32, #tpu.memory_space<vmem>>, vector<1x16xf32>,
    %broadcast_in_dim3A_305 = arith.constant 0.000000e+00 : f32
    %broadcast_in_dim3A_306 = vector.broadcast %broadcast_in_dim3A_305 : f32 to vector<16xf32>
    %swap3A_307 = arith.constant 4 : i32
    %swap3A_308 = arith.index_cast %swap3A_307 : i32 to index
    %swap3A_309 = arith.constant 96 : index
    %swap3A_310 = tpu.vector_load %arg9[%swap3A_308, %swap3A_309] {strides = array<i32>} : memref<80x128xf32, #tpu.memory_space<vmem>>, vector<1x16xf32>,
    %swap3A_311 = vector.shape_cast %swap3A_310 : vector<1x16xf32> to vector<16xf32>
    %swap3A_312 = vector.shape_cast %broadcast_in_dim3A_306 : vector<16xf32> to vector<1x16xf32>
    tpu.vector_store %arg9[%swap3A_308, %swap3A_309], %swap3A_312 {strides = array<i32>} : memref<80x128xf32, #tpu.memory_space<vmem>>, vector<1x16xf32>,
    %broadcast_in_dim3A_313 = arith.constant 0.000000e+00 : f32
    %broadcast_in_dim3A_314 = vector.broadcast %broadcast_in_dim3A_313 : f32 to vector<16xf32>
    %swap3A_315 = arith.constant 4 : i32
    %swap3A_316 = arith.index_cast %swap3A_315 : i32 to index
    %swap3A_317 = arith.constant 112 : index
    %swap3A_318 = tpu.vector_load %arg9[%swap3A_316, %swap3A_317] {strides = array<i32>} : memref<80x128xf32, #tpu.memory_space<vmem>>, vector<1x16xf32>,
    %swap3A_319 = vector.shape_cast %swap3A_318 : vector<1x16xf32> to vector<16xf32>
    %swap3A_320 = vector.shape_cast %broadcast_in_dim3A_314 : vector<16xf32> to vector<1x16xf32>
    tpu.vector_store %arg9[%swap3A_316, %swap3A_317], %swap3A_320 {strides = array<i32>} : memref<80x128xf32, #tpu.memory_space<vmem>>, vector<1x16xf32>,
    %broadcast_in_dim3A_321 = arith.constant 0.000000e+00 : f32
    %broadcast_in_dim3A_322 = vector.broadcast %broadcast_in_dim3A_321 : f32 to vector<16xf32>
    %swap3A_323 = arith.constant 5 : i32
    %swap3A_324 = arith.index_cast %swap3A_323 : i32 to index
    %swap3A_325 = arith.constant 0 : index
    %swap3A_326 = tpu.vector_load %arg9[%swap3A_324, %swap3A_325] {strides = array<i32>} : memref<80x128xf32, #tpu.memory_space<vmem>>, vector<1x16xf32>,
    %swap3A_327 = vector.shape_cast %swap3A_326 : vector<1x16xf32> to vector<16xf32>
    %swap3A_328 = vector.shape_cast %broadcast_in_dim3A_322 : vector<16xf32> to vector<1x16xf32>
    tpu.vector_store %arg9[%swap3A_324, %swap3A_325], %swap3A_328 {strides = array<i32>} : memref<80x128xf32, #tpu.memory_space<vmem>>, vector<1x16xf32>,
    %broadcast_in_dim3A_329 = arith.constant 0.000000e+00 : f32
    %broadcast_in_dim3A_330 = vector.broadcast %broadcast_in_dim3A_329 : f32 to vector<16xf32>
    %swap3A_331 = arith.constant 5 : i32
    %swap3A_332 = arith.index_cast %swap3A_331 : i32 to index
    %swap3A_333 = arith.constant 16 : index
    %swap3A_334 = tpu.vector_load %arg9[%swap3A_332, %swap3A_333] {strides = array<i32>} : memref<80x128xf32, #tpu.memory_space<vmem>>, vector<1x16xf32>,
    %swap3A_335 = vector.shape_cast %swap3A_334 : vector<1x16xf32> to vector<16xf32>
    %swap3A_336 = vector.shape_cast %broadcast_in_dim3A_330 : vector<16xf32> to vector<1x16xf32>
    tpu.vector_store %arg9[%swap3A_332, %swap3A_333], %swap3A_336 {strides = array<i32>} : memref<80x128xf32, #tpu.memory_space<vmem>>, vector<1x16xf32>,
    %broadcast_in_dim3A_337 = arith.constant 0.000000e+00 : f32
    %broadcast_in_dim3A_338 = vector.broadcast %broadcast_in_dim3A_337 : f32 to vector<16xf32>
    %swap3A_339 = arith.constant 5 : i32
    %swap3A_340 = arith.index_cast %swap3A_339 : i32 to index
    %swap3A_341 = arith.constant 32 : index
    %swap3A_342 = tpu.vector_load %arg9[%swap3A_340, %swap3A_341] {strides = array<i32>} : memref<80x128xf32, #tpu.memory_space<vmem>>, vector<1x16xf32>,
    %swap3A_343 = vector.shape_cast %swap3A_342 : vector<1x16xf32> to vector<16xf32>
    %swap3A_344 = vector.shape_cast %broadcast_in_dim3A_338 : vector<16xf32> to vector<1x16xf32>
    tpu.vector_store %arg9[%swap3A_340, %swap3A_341], %swap3A_344 {strides = array<i32>} : memref<80x128xf32, #tpu.memory_space<vmem>>, vector<1x16xf32>,
    %broadcast_in_dim3A_345 = arith.constant 0.000000e+00 : f32
    %broadcast_in_dim3A_346 = vector.broadcast %broadcast_in_dim3A_345 : f32 to vector<16xf32>
    %swap3A_347 = arith.constant 5 : i32
    %swap3A_348 = arith.index_cast %swap3A_347 : i32 to index
    %swap3A_349 = arith.constant 48 : index
    %swap3A_350 = tpu.vector_load %arg9[%swap3A_348, %swap3A_349] {strides = array<i32>} : memref<80x128xf32, #tpu.memory_space<vmem>>, vector<1x16xf32>,
    %swap3A_351 = vector.shape_cast %swap3A_350 : vector<1x16xf32> to vector<16xf32>
    %swap3A_352 = vector.shape_cast %broadcast_in_dim3A_346 : vector<16xf32> to vector<1x16xf32>
    tpu.vector_store %arg9[%swap3A_348, %swap3A_349], %swap3A_352 {strides = array<i32>} : memref<80x128xf32, #tpu.memory_space<vmem>>, vector<1x16xf32>,
    %broadcast_in_dim3A_353 = arith.constant 0.000000e+00 : f32
    %broadcast_in_dim3A_354 = vector.broadcast %broadcast_in_dim3A_353 : f32 to vector<16xf32>
    %swap3A_355 = arith.constant 5 : i32
    %swap3A_356 = arith.index_cast %swap3A_355 : i32 to index
    %swap3A_357 = arith.constant 64 : index
    %swap3A_358 = tpu.vector_load %arg9[%swap3A_356, %swap3A_357] {strides = array<i32>} : memref<80x128xf32, #tpu.memory_space<vmem>>, vector<1x16xf32>,
    %swap3A_359 = vector.shape_cast %swap3A_358 : vector<1x16xf32> to vector<16xf32>
    %swap3A_360 = vector.shape_cast %broadcast_in_dim3A_354 : vector<16xf32> to vector<1x16xf32>
    tpu.vector_store %arg9[%swap3A_356, %swap3A_357], %swap3A_360 {strides = array<i32>} : memref<80x128xf32, #tpu.memory_space<vmem>>, vector<1x16xf32>,
    %broadcast_in_dim3A_361 = arith.constant 0.000000e+00 : f32
    %broadcast_in_dim3A_362 = vector.broadcast %broadcast_in_dim3A_361 : f32 to vector<16xf32>
    %swap3A_363 = arith.constant 5 : i32
    %swap3A_364 = arith.index_cast %swap3A_363 : i32 to index
    %swap3A_365 = arith.constant 80 : index
    %swap3A_366 = tpu.vector_load %arg9[%swap3A_364, %swap3A_365] {strides = array<i32>} : memref<80x128xf32, #tpu.memory_space<vmem>>, vector<1x16xf32>,
    %swap3A_367 = vector.shape_cast %swap3A_366 : vector<1x16xf32> to vector<16xf32>
    %swap3A_368 = vector.shape_cast %broadcast_in_dim3A_362 : vector<16xf32> to vector<1x16xf32>
    tpu.vector_store %arg9[%swap3A_364, %swap3A_365], %swap3A_368 {strides = array<i32>} : memref<80x128xf32, #tpu.memory_space<vmem>>, vector<1x16xf32>,
    %broadcast_in_dim3A_369 = arith.constant 0.000000e+00 : f32
    %broadcast_in_dim3A_370 = vector.broadcast %broadcast_in_dim3A_369 : f32 to vector<16xf32>
    %swap3A_371 = arith.constant 5 : i32
    %swap3A_372 = arith.index_cast %swap3A_371 : i32 to index
    %swap3A_373 = arith.constant 96 : index
    %swap3A_374 = tpu.vector_load %arg9[%swap3A_372, %swap3A_373] {strides = array<i32>} : memref<80x128xf32, #tpu.memory_space<vmem>>, vector<1x16xf32>,
    %swap3A_375 = vector.shape_cast %swap3A_374 : vector<1x16xf32> to vector<16xf32>
    %swap3A_376 = vector.shape_cast %broadcast_in_dim3A_370 : vector<16xf32> to vector<1x16xf32>
    tpu.vector_store %arg9[%swap3A_372, %swap3A_373], %swap3A_376 {strides = array<i32>} : memref<80x128xf32, #tpu.memory_space<vmem>>, vector<1x16xf32>,
    %broadcast_in_dim3A_377 = arith.constant 0.000000e+00 : f32
    %broadcast_in_dim3A_378 = vector.broadcast %broadcast_in_dim3A_377 : f32 to vector<16xf32>
    %swap3A_379 = arith.constant 5 : i32
    %swap3A_380 = arith.index_cast %swap3A_379 : i32 to index
    %swap3A_381 = arith.constant 112 : index
    %swap3A_382 = tpu.vector_load %arg9[%swap3A_380, %swap3A_381] {strides = array<i32>} : memref<80x128xf32, #tpu.memory_space<vmem>>, vector<1x16xf32>,
    %swap3A_383 = vector.shape_cast %swap3A_382 : vector<1x16xf32> to vector<16xf32>
    %swap3A_384 = vector.shape_cast %broadcast_in_dim3A_378 : vector<16xf32> to vector<1x16xf32>
    tpu.vector_store %arg9[%swap3A_380, %swap3A_381], %swap3A_384 {strides = array<i32>} : memref<80x128xf32, #tpu.memory_space<vmem>>, vector<1x16xf32>,
    %broadcast_in_dim3A_385 = arith.constant 0.000000e+00 : f32
    %broadcast_in_dim3A_386 = vector.broadcast %broadcast_in_dim3A_385 : f32 to vector<16xf32>
    %swap3A_387 = arith.constant 6 : i32
    %swap3A_388 = arith.index_cast %swap3A_387 : i32 to index
    %swap3A_389 = arith.constant 0 : index
    %swap3A_390 = tpu.vector_load %arg9[%swap3A_388, %swap3A_389] {strides = array<i32>} : memref<80x128xf32, #tpu.memory_space<vmem>>, vector<1x16xf32>,
    %swap3A_391 = vector.shape_cast %swap3A_390 : vector<1x16xf32> to vector<16xf32>
    %swap3A_392 = vector.shape_cast %broadcast_in_dim3A_386 : vector<16xf32> to vector<1x16xf32>
    tpu.vector_store %arg9[%swap3A_388, %swap3A_389], %swap3A_392 {strides = array<i32>} : memref<80x128xf32, #tpu.memory_space<vmem>>, vector<1x16xf32>,
    %broadcast_in_dim3A_393 = arith.constant 0.000000e+00 : f32
    %broadcast_in_dim3A_394 = vector.broadcast %broadcast_in_dim3A_393 : f32 to vector<16xf32>
    %swap3A_395 = arith.constant 6 : i32
    %swap3A_396 = arith.index_cast %swap3A_395 : i32 to index
    %swap3A_397 = arith.constant 16 : index
    %swap3A_398 = tpu.vector_load %arg9[%swap3A_396, %swap3A_397] {strides = array<i32>} : memref<80x128xf32, #tpu.memory_space<vmem>>, vector<1x16xf32>,
    %swap3A_399 = vector.shape_cast %swap3A_398 : vector<1x16xf32> to vector<16xf32>
    %swap3A_400 = vector.shape_cast %broadcast_in_dim3A_394 : vector<16xf32> to vector<1x16xf32>
    tpu.vector_store %arg9[%swap3A_396, %swap3A_397], %swap3A_400 {strides = array<i32>} : memref<80x128xf32, #tpu.memory_space<vmem>>, vector<1x16xf32>,
    %broadcast_in_dim3A_401 = arith.constant 0.000000e+00 : f32
    %broadcast_in_dim3A_402 = vector.broadcast %broadcast_in_dim3A_401 : f32 to vector<16xf32>
    %swap3A_403 = arith.constant 6 : i32
    %swap3A_404 = arith.index_cast %swap3A_403 : i32 to index
    %swap3A_405 = arith.constant 32 : index
    %swap3A_406 = tpu.vector_load %arg9[%swap3A_404, %swap3A_405] {strides = array<i32>} : memref<80x128xf32, #tpu.memory_space<vmem>>, vector<1x16xf32>,
    %swap3A_407 = vector.shape_cast %swap3A_406 : vector<1x16xf32> to vector<16xf32>
    %swap3A_408 = vector.shape_cast %broadcast_in_dim3A_402 : vector<16xf32> to vector<1x16xf32>
    tpu.vector_store %arg9[%swap3A_404, %swap3A_405], %swap3A_408 {strides = array<i32>} : memref<80x128xf32, #tpu.memory_space<vmem>>, vector<1x16xf32>,
    %broadcast_in_dim3A_409 = arith.constant 0.000000e+00 : f32
    %broadcast_in_dim3A_410 = vector.broadcast %broadcast_in_dim3A_409 : f32 to vector<16xf32>
    %swap3A_411 = arith.constant 6 : i32
    %swap3A_412 = arith.index_cast %swap3A_411 : i32 to index
    %swap3A_413 = arith.constant 48 : index
    %swap3A_414 = tpu.vector_load %arg9[%swap3A_412, %swap3A_413] {strides = array<i32>} : memref<80x128xf32, #tpu.memory_space<vmem>>, vector<1x16xf32>,
    %swap3A_415 = vector.shape_cast %swap3A_414 : vector<1x16xf32> to vector<16xf32>
    %swap3A_416 = vector.shape_cast %broadcast_in_dim3A_410 : vector<16xf32> to vector<1x16xf32>
    tpu.vector_store %arg9[%swap3A_412, %swap3A_413], %swap3A_416 {strides = array<i32>} : memref<80x128xf32, #tpu.memory_space<vmem>>, vector<1x16xf32>,
    %broadcast_in_dim3A_417 = arith.constant 0.000000e+00 : f32
    %broadcast_in_dim3A_418 = vector.broadcast %broadcast_in_dim3A_417 : f32 to vector<16xf32>
    %swap3A_419 = arith.constant 6 : i32
    %swap3A_420 = arith.index_cast %swap3A_419 : i32 to index
    %swap3A_421 = arith.constant 64 : index
    %swap3A_422 = tpu.vector_load %arg9[%swap3A_420, %swap3A_421] {strides = array<i32>} : memref<80x128xf32, #tpu.memory_space<vmem>>, vector<1x16xf32>,
    %swap3A_423 = vector.shape_cast %swap3A_422 : vector<1x16xf32> to vector<16xf32>
    %swap3A_424 = vector.shape_cast %broadcast_in_dim3A_418 : vector<16xf32> to vector<1x16xf32>
    tpu.vector_store %arg9[%swap3A_420, %swap3A_421], %swap3A_424 {strides = array<i32>} : memref<80x128xf32, #tpu.memory_space<vmem>>, vector<1x16xf32>,
    %broadcast_in_dim3A_425 = arith.constant 0.000000e+00 : f32
    %broadcast_in_dim3A_426 = vector.broadcast %broadcast_in_dim3A_425 : f32 to vector<16xf32>
    %swap3A_427 = arith.constant 6 : i32
    %swap3A_428 = arith.index_cast %swap3A_427 : i32 to index
    %swap3A_429 = arith.constant 80 : index
    %swap3A_430 = tpu.vector_load %arg9[%swap3A_428, %swap3A_429] {strides = array<i32>} : memref<80x128xf32, #tpu.memory_space<vmem>>, vector<1x16xf32>,
    %swap3A_431 = vector.shape_cast %swap3A_430 : vector<1x16xf32> to vector<16xf32>
    %swap3A_432 = vector.shape_cast %broadcast_in_dim3A_426 : vector<16xf32> to vector<1x16xf32>
    tpu.vector_store %arg9[%swap3A_428, %swap3A_429], %swap3A_432 {strides = array<i32>} : memref<80x128xf32, #tpu.memory_space<vmem>>, vector<1x16xf32>,
    %broadcast_in_dim3A_433 = arith.constant 0.000000e+00 : f32
    %broadcast_in_dim3A_434 = vector.broadcast %broadcast_in_dim3A_433 : f32 to vector<16xf32>
    %swap3A_435 = arith.constant 6 : i32
    %swap3A_436 = arith.index_cast %swap3A_435 : i32 to index
    %swap3A_437 = arith.constant 96 : index
    %swap3A_438 = tpu.vector_load %arg9[%swap3A_436, %swap3A_437] {strides = array<i32>} : memref<80x128xf32, #tpu.memory_space<vmem>>, vector<1x16xf32>,
    %swap3A_439 = vector.shape_cast %swap3A_438 : vector<1x16xf32> to vector<16xf32>
    %swap3A_440 = vector.shape_cast %broadcast_in_dim3A_434 : vector<16xf32> to vector<1x16xf32>
    tpu.vector_store %arg9[%swap3A_436, %swap3A_437], %swap3A_440 {strides = array<i32>} : memref<80x128xf32, #tpu.memory_space<vmem>>, vector<1x16xf32>,
    %broadcast_in_dim3A_441 = arith.constant 0.000000e+00 : f32
    %broadcast_in_dim3A_442 = vector.broadcast %broadcast_in_dim3A_441 : f32 to vector<16xf32>
    %swap3A_443 = arith.constant 6 : i32
    %swap3A_444 = arith.index_cast %swap3A_443 : i32 to index
    %swap3A_445 = arith.constant 112 : index
    %swap3A_446 = tpu.vector_load %arg9[%swap3A_444, %swap3A_445] {strides = array<i32>} : memref<80x128xf32, #tpu.memory_space<vmem>>, vector<1x16xf32>,
    %swap3A_447 = vector.shape_cast %swap3A_446 : vector<1x16xf32> to vector<16xf32>
    %swap3A_448 = vector.shape_cast %broadcast_in_dim3A_442 : vector<16xf32> to vector<1x16xf32>
    tpu.vector_store %arg9[%swap3A_444, %swap3A_445], %swap3A_448 {strides = array<i32>} : memref<80x128xf32, #tpu.memory_space<vmem>>, vector<1x16xf32>,
    %broadcast_in_dim3A_449 = arith.constant 0.000000e+00 : f32
    %broadcast_in_dim3A_450 = vector.broadcast %broadcast_in_dim3A_449 : f32 to vector<16xf32>
    %swap3A_451 = arith.constant 7 : i32
    %swap3A_452 = arith.index_cast %swap3A_451 : i32 to index
    %swap3A_453 = arith.constant 0 : index
    %swap3A_454 = tpu.vector_load %arg9[%swap3A_452, %swap3A_453] {strides = array<i32>} : memref<80x128xf32, #tpu.memory_space<vmem>>, vector<1x16xf32>,
    %swap3A_455 = vector.shape_cast %swap3A_454 : vector<1x16xf32> to vector<16xf32>
    %swap3A_456 = vector.shape_cast %broadcast_in_dim3A_450 : vector<16xf32> to vector<1x16xf32>
    tpu.vector_store %arg9[%swap3A_452, %swap3A_453], %swap3A_456 {strides = array<i32>} : memref<80x128xf32, #tpu.memory_space<vmem>>, vector<1x16xf32>,
    %broadcast_in_dim3A_457 = arith.constant 0.000000e+00 : f32
    %broadcast_in_dim3A_458 = vector.broadcast %broadcast_in_dim3A_457 : f32 to vector<16xf32>
    %swap3A_459 = arith.constant 7 : i32
    %swap3A_460 = arith.index_cast %swap3A_459 : i32 to index
    %swap3A_461 = arith.constant 16 : index
    %swap3A_462 = tpu.vector_load %arg9[%swap3A_460, %swap3A_461] {strides = array<i32>} : memref<80x128xf32, #tpu.memory_space<vmem>>, vector<1x16xf32>,
    %swap3A_463 = vector.shape_cast %swap3A_462 : vector<1x16xf32> to vector<16xf32>
    %swap3A_464 = vector.shape_cast %broadcast_in_dim3A_458 : vector<16xf32> to vector<1x16xf32>
    tpu.vector_store %arg9[%swap3A_460, %swap3A_461], %swap3A_464 {strides = array<i32>} : memref<80x128xf32, #tpu.memory_space<vmem>>, vector<1x16xf32>,
    %broadcast_in_dim3A_465 = arith.constant 0.000000e+00 : f32
    %broadcast_in_dim3A_466 = vector.broadcast %broadcast_in_dim3A_465 : f32 to vector<16xf32>
    %swap3A_467 = arith.constant 7 : i32
    %swap3A_468 = arith.index_cast %swap3A_467 : i32 to index
    %swap3A_469 = arith.constant 32 : index
    %swap3A_470 = tpu.vector_load %arg9[%swap3A_468, %swap3A_469] {strides = array<i32>} : memref<80x128xf32, #tpu.memory_space<vmem>>, vector<1x16xf32>,
    %swap3A_471 = vector.shape_cast %swap3A_470 : vector<1x16xf32> to vector<16xf32>
    %swap3A_472 = vector.shape_cast %broadcast_in_dim3A_466 : vector<16xf32> to vector<1x16xf32>
    tpu.vector_store %arg9[%swap3A_468, %swap3A_469], %swap3A_472 {strides = array<i32>} : memref<80x128xf32, #tpu.memory_space<vmem>>, vector<1x16xf32>,
    %broadcast_in_dim3A_473 = arith.constant 0.000000e+00 : f32
    %broadcast_in_dim3A_474 = vector.broadcast %broadcast_in_dim3A_473 : f32 to vector<16xf32>
    %swap3A_475 = arith.constant 7 : i32
    %swap3A_476 = arith.index_cast %swap3A_475 : i32 to index
    %swap3A_477 = arith.constant 48 : index
    %swap3A_478 = tpu.vector_load %arg9[%swap3A_476, %swap3A_477] {strides = array<i32>} : memref<80x128xf32, #tpu.memory_space<vmem>>, vector<1x16xf32>,
    %swap3A_479 = vector.shape_cast %swap3A_478 : vector<1x16xf32> to vector<16xf32>
    %swap3A_480 = vector.shape_cast %broadcast_in_dim3A_474 : vector<16xf32> to vector<1x16xf32>
    tpu.vector_store %arg9[%swap3A_476, %swap3A_477], %swap3A_480 {strides = array<i32>} : memref<80x128xf32, #tpu.memory_space<vmem>>, vector<1x16xf32>,
    %broadcast_in_dim3A_481 = arith.constant 0.000000e+00 : f32
    %broadcast_in_dim3A_482 = vector.broadcast %broadcast_in_dim3A_481 : f32 to vector<16xf32>
    %swap3A_483 = arith.constant 7 : i32
    %swap3A_484 = arith.index_cast %swap3A_483 : i32 to index
    %swap3A_485 = arith.constant 64 : index
    %swap3A_486 = tpu.vector_load %arg9[%swap3A_484, %swap3A_485] {strides = array<i32>} : memref<80x128xf32, #tpu.memory_space<vmem>>, vector<1x16xf32>,
    %swap3A_487 = vector.shape_cast %swap3A_486 : vector<1x16xf32> to vector<16xf32>
    %swap3A_488 = vector.shape_cast %broadcast_in_dim3A_482 : vector<16xf32> to vector<1x16xf32>
    tpu.vector_store %arg9[%swap3A_484, %swap3A_485], %swap3A_488 {strides = array<i32>} : memref<80x128xf32, #tpu.memory_space<vmem>>, vector<1x16xf32>,
    %broadcast_in_dim3A_489 = arith.constant 0.000000e+00 : f32
    %broadcast_in_dim3A_490 = vector.broadcast %broadcast_in_dim3A_489 : f32 to vector<16xf32>
    %swap3A_491 = arith.constant 7 : i32
    %swap3A_492 = arith.index_cast %swap3A_491 : i32 to index
    %swap3A_493 = arith.constant 80 : index
    %swap3A_494 = tpu.vector_load %arg9[%swap3A_492, %swap3A_493] {strides = array<i32>} : memref<80x128xf32, #tpu.memory_space<vmem>>, vector<1x16xf32>,
    %swap3A_495 = vector.shape_cast %swap3A_494 : vector<1x16xf32> to vector<16xf32>
    %swap3A_496 = vector.shape_cast %broadcast_in_dim3A_490 : vector<16xf32> to vector<1x16xf32>
    tpu.vector_store %arg9[%swap3A_492, %swap3A_493], %swap3A_496 {strides = array<i32>} : memref<80x128xf32, #tpu.memory_space<vmem>>, vector<1x16xf32>,
    %broadcast_in_dim3A_497 = arith.constant 0.000000e+00 : f32
    %broadcast_in_dim3A_498 = vector.broadcast %broadcast_in_dim3A_497 : f32 to vector<16xf32>
    %swap3A_499 = arith.constant 7 : i32
    %swap3A_500 = arith.index_cast %swap3A_499 : i32 to index
    %swap3A_501 = arith.constant 96 : index
    %swap3A_502 = tpu.vector_load %arg9[%swap3A_500, %swap3A_501] {strides = array<i32>} : memref<80x128xf32, #tpu.memory_space<vmem>>, vector<1x16xf32>,
    %swap3A_503 = vector.shape_cast %swap3A_502 : vector<1x16xf32> to vector<16xf32>
    %swap3A_504 = vector.shape_cast %broadcast_in_dim3A_498 : vector<16xf32> to vector<1x16xf32>
    tpu.vector_store %arg9[%swap3A_500, %swap3A_501], %swap3A_504 {strides = array<i32>} : memref<80x128xf32, #tpu.memory_space<vmem>>, vector<1x16xf32>,
    %broadcast_in_dim3A_505 = arith.constant 0.000000e+00 : f32
    %broadcast_in_dim3A_506 = vector.broadcast %broadcast_in_dim3A_505 : f32 to vector<16xf32>
    %swap3A_507 = arith.constant 7 : i32
    %swap3A_508 = arith.index_cast %swap3A_507 : i32 to index
    %swap3A_509 = arith.constant 112 : index
    %swap3A_510 = tpu.vector_load %arg9[%swap3A_508, %swap3A_509] {strides = array<i32>} : memref<80x128xf32, #tpu.memory_space<vmem>>, vector<1x16xf32>,
    %swap3A_511 = vector.shape_cast %swap3A_510 : vector<1x16xf32> to vector<16xf32>
    %swap3A_512 = vector.shape_cast %broadcast_in_dim3A_506 : vector<16xf32> to vector<1x16xf32>
    tpu.vector_store %arg9[%swap3A_508, %swap3A_509], %swap3A_512 {strides = array<i32>} : memref<80x128xf32, #tpu.memory_space<vmem>>, vector<1x16xf32>,
    %broadcast_in_dim3A_513 = arith.constant 0.000000e+00 : f32
    %broadcast_in_dim3A_514 = vector.broadcast %broadcast_in_dim3A_513 : f32 to vector<16xf32>
    %swap3A_515 = arith.constant 8 : i32
    %swap3A_516 = arith.index_cast %swap3A_515 : i32 to index
    %swap3A_517 = arith.constant 0 : index
    %swap3A_518 = tpu.vector_load %arg9[%swap3A_516, %swap3A_517] {strides = array<i32>} : memref<80x128xf32, #tpu.memory_space<vmem>>, vector<1x16xf32>,
    %swap3A_519 = vector.shape_cast %swap3A_518 : vector<1x16xf32> to vector<16xf32>
    %swap3A_520 = vector.shape_cast %broadcast_in_dim3A_514 : vector<16xf32> to vector<1x16xf32>
    tpu.vector_store %arg9[%swap3A_516, %swap3A_517], %swap3A_520 {strides = array<i32>} : memref<80x128xf32, #tpu.memory_space<vmem>>, vector<1x16xf32>,
    %broadcast_in_dim3A_521 = arith.constant 0.000000e+00 : f32
    %broadcast_in_dim3A_522 = vector.broadcast %broadcast_in_dim3A_521 : f32 to vector<16xf32>
    %swap3A_523 = arith.constant 8 : i32
    %swap3A_524 = arith.index_cast %swap3A_523 : i32 to index
    %swap3A_525 = arith.constant 16 : index
    %swap3A_526 = tpu.vector_load %arg9[%swap3A_524, %swap3A_525] {strides = array<i32>} : memref<80x128xf32, #tpu.memory_space<vmem>>, vector<1x16xf32>,
    %swap3A_527 = vector.shape_cast %swap3A_526 : vector<1x16xf32> to vector<16xf32>
    %swap3A_528 = vector.shape_cast %broadcast_in_dim3A_522 : vector<16xf32> to vector<1x16xf32>
    tpu.vector_store %arg9[%swap3A_524, %swap3A_525], %swap3A_528 {strides = array<i32>} : memref<80x128xf32, #tpu.memory_space<vmem>>, vector<1x16xf32>,
    %broadcast_in_dim3A_529 = arith.constant 0.000000e+00 : f32
    %broadcast_in_dim3A_530 = vector.broadcast %broadcast_in_dim3A_529 : f32 to vector<16xf32>
    %swap3A_531 = arith.constant 8 : i32
    %swap3A_532 = arith.index_cast %swap3A_531 : i32 to index
    %swap3A_533 = arith.constant 32 : index
    %swap3A_534 = tpu.vector_load %arg9[%swap3A_532, %swap3A_533] {strides = array<i32>} : memref<80x128xf32, #tpu.memory_space<vmem>>, vector<1x16xf32>,
    %swap3A_535 = vector.shape_cast %swap3A_534 : vector<1x16xf32> to vector<16xf32>
    %swap3A_536 = vector.shape_cast %broadcast_in_dim3A_530 : vector<16xf32> to vector<1x16xf32>
    tpu.vector_store %arg9[%swap3A_532, %swap3A_533], %swap3A_536 {strides = array<i32>} : memref<80x128xf32, #tpu.memory_space<vmem>>, vector<1x16xf32>,
    %broadcast_in_dim3A_537 = arith.constant 0.000000e+00 : f32
    %broadcast_in_dim3A_538 = vector.broadcast %broadcast_in_dim3A_537 : f32 to vector<16xf32>
    %swap3A_539 = arith.constant 8 : i32
    %swap3A_540 = arith.index_cast %swap3A_539 : i32 to index
    %swap3A_541 = arith.constant 48 : index
    %swap3A_542 = tpu.vector_load %arg9[%swap3A_540, %swap3A_541] {strides = array<i32>} : memref<80x128xf32, #tpu.memory_space<vmem>>, vector<1x16xf32>,
    %swap3A_543 = vector.shape_cast %swap3A_542 : vector<1x16xf32> to vector<16xf32>
    %swap3A_544 = vector.shape_cast %broadcast_in_dim3A_538 : vector<16xf32> to vector<1x16xf32>
    tpu.vector_store %arg9[%swap3A_540, %swap3A_541], %swap3A_544 {strides = array<i32>} : memref<80x128xf32, #tpu.memory_space<vmem>>, vector<1x16xf32>,
    %broadcast_in_dim3A_545 = arith.constant 0.000000e+00 : f32
    %broadcast_in_dim3A_546 = vector.broadcast %broadcast_in_dim3A_545 : f32 to vector<16xf32>
    %swap3A_547 = arith.constant 8 : i32
    %swap3A_548 = arith.index_cast %swap3A_547 : i32 to index
    %swap3A_549 = arith.constant 64 : index
    %swap3A_550 = tpu.vector_load %arg9[%swap3A_548, %swap3A_549] {strides = array<i32>} : memref<80x128xf32, #tpu.memory_space<vmem>>, vector<1x16xf32>,
    %swap3A_551 = vector.shape_cast %swap3A_550 : vector<1x16xf32> to vector<16xf32>
    %swap3A_552 = vector.shape_cast %broadcast_in_dim3A_546 : vector<16xf32> to vector<1x16xf32>
    tpu.vector_store %arg9[%swap3A_548, %swap3A_549], %swap3A_552 {strides = array<i32>} : memref<80x128xf32, #tpu.memory_space<vmem>>, vector<1x16xf32>,
    %broadcast_in_dim3A_553 = arith.constant 0.000000e+00 : f32
    %broadcast_in_dim3A_554 = vector.broadcast %broadcast_in_dim3A_553 : f32 to vector<16xf32>
    %swap3A_555 = arith.constant 8 : i32
    %swap3A_556 = arith.index_cast %swap3A_555 : i32 to index
    %swap3A_557 = arith.constant 80 : index
    %swap3A_558 = tpu.vector_load %arg9[%swap3A_556, %swap3A_557] {strides = array<i32>} : memref<80x128xf32, #tpu.memory_space<vmem>>, vector<1x16xf32>,
    %swap3A_559 = vector.shape_cast %swap3A_558 : vector<1x16xf32> to vector<16xf32>
    %swap3A_560 = vector.shape_cast %broadcast_in_dim3A_554 : vector<16xf32> to vector<1x16xf32>
    tpu.vector_store %arg9[%swap3A_556, %swap3A_557], %swap3A_560 {strides = array<i32>} : memref<80x128xf32, #tpu.memory_space<vmem>>, vector<1x16xf32>,
    %broadcast_in_dim3A_561 = arith.constant 0.000000e+00 : f32
    %broadcast_in_dim3A_562 = vector.broadcast %broadcast_in_dim3A_561 : f32 to vector<16xf32>
    %swap3A_563 = arith.constant 8 : i32
    %swap3A_564 = arith.index_cast %swap3A_563 : i32 to index
    %swap3A_565 = arith.constant 96 : index
    %swap3A_566 = tpu.vector_load %arg9[%swap3A_564, %swap3A_565] {strides = array<i32>} : memref<80x128xf32, #tpu.memory_space<vmem>>, vector<1x16xf32>,
    %swap3A_567 = vector.shape_cast %swap3A_566 : vector<1x16xf32> to vector<16xf32>
    %swap3A_568 = vector.shape_cast %broadcast_in_dim3A_562 : vector<16xf32> to vector<1x16xf32>
    tpu.vector_store %arg9[%swap3A_564, %swap3A_565], %swap3A_568 {strides = array<i32>} : memref<80x128xf32, #tpu.memory_space<vmem>>, vector<1x16xf32>,
    %broadcast_in_dim3A_569 = arith.constant 0.000000e+00 : f32
    %broadcast_in_dim3A_570 = vector.broadcast %broadcast_in_dim3A_569 : f32 to vector<16xf32>
    %swap3A_571 = arith.constant 8 : i32
    %swap3A_572 = arith.index_cast %swap3A_571 : i32 to index
    %swap3A_573 = arith.constant 112 : index
    %swap3A_574 = tpu.vector_load %arg9[%swap3A_572, %swap3A_573] {strides = array<i32>} : memref<80x128xf32, #tpu.memory_space<vmem>>, vector<1x16xf32>,
    %swap3A_575 = vector.shape_cast %swap3A_574 : vector<1x16xf32> to vector<16xf32>
    %swap3A_576 = vector.shape_cast %broadcast_in_dim3A_570 : vector<16xf32> to vector<1x16xf32>
    tpu.vector_store %arg9[%swap3A_572, %swap3A_573], %swap3A_576 {strides = array<i32>} : memref<80x128xf32, #tpu.memory_space<vmem>>, vector<1x16xf32>,
    %broadcast_in_dim3A_577 = arith.constant 0.000000e+00 : f32
    %broadcast_in_dim3A_578 = vector.broadcast %broadcast_in_dim3A_577 : f32 to vector<16xf32>
    %swap3A_579 = arith.constant 9 : i32
    %swap3A_580 = arith.index_cast %swap3A_579 : i32 to index
    %swap3A_581 = arith.constant 0 : index
    %swap3A_582 = tpu.vector_load %arg9[%swap3A_580, %swap3A_581] {strides = array<i32>} : memref<80x128xf32, #tpu.memory_space<vmem>>, vector<1x16xf32>,
    %swap3A_583 = vector.shape_cast %swap3A_582 : vector<1x16xf32> to vector<16xf32>
    %swap3A_584 = vector.shape_cast %broadcast_in_dim3A_578 : vector<16xf32> to vector<1x16xf32>
    tpu.vector_store %arg9[%swap3A_580, %swap3A_581], %swap3A_584 {strides = array<i32>} : memref<80x128xf32, #tpu.memory_space<vmem>>, vector<1x16xf32>,
    %broadcast_in_dim3A_585 = arith.constant 0.000000e+00 : f32
    %broadcast_in_dim3A_586 = vector.broadcast %broadcast_in_dim3A_585 : f32 to vector<16xf32>
    %swap3A_587 = arith.constant 9 : i32
    %swap3A_588 = arith.index_cast %swap3A_587 : i32 to index
    %swap3A_589 = arith.constant 16 : index
    %swap3A_590 = tpu.vector_load %arg9[%swap3A_588, %swap3A_589] {strides = array<i32>} : memref<80x128xf32, #tpu.memory_space<vmem>>, vector<1x16xf32>,
    %swap3A_591 = vector.shape_cast %swap3A_590 : vector<1x16xf32> to vector<16xf32>
    %swap3A_592 = vector.shape_cast %broadcast_in_dim3A_586 : vector<16xf32> to vector<1x16xf32>
    tpu.vector_store %arg9[%swap3A_588, %swap3A_589], %swap3A_592 {strides = array<i32>} : memref<80x128xf32, #tpu.memory_space<vmem>>, vector<1x16xf32>,
    %broadcast_in_dim3A_593 = arith.constant 0.000000e+00 : f32
    %broadcast_in_dim3A_594 = vector.broadcast %broadcast_in_dim3A_593 : f32 to vector<16xf32>
    %swap3A_595 = arith.constant 9 : i32
    %swap3A_596 = arith.index_cast %swap3A_595 : i32 to index
    %swap3A_597 = arith.constant 32 : index
    %swap3A_598 = tpu.vector_load %arg9[%swap3A_596, %swap3A_597] {strides = array<i32>} : memref<80x128xf32, #tpu.memory_space<vmem>>, vector<1x16xf32>,
    %swap3A_599 = vector.shape_cast %swap3A_598 : vector<1x16xf32> to vector<16xf32>
    %swap3A_600 = vector.shape_cast %broadcast_in_dim3A_594 : vector<16xf32> to vector<1x16xf32>
    tpu.vector_store %arg9[%swap3A_596, %swap3A_597], %swap3A_600 {strides = array<i32>} : memref<80x128xf32, #tpu.memory_space<vmem>>, vector<1x16xf32>,
    %broadcast_in_dim3A_601 = arith.constant 0.000000e+00 : f32
    %broadcast_in_dim3A_602 = vector.broadcast %broadcast_in_dim3A_601 : f32 to vector<16xf32>
    %swap3A_603 = arith.constant 9 : i32
    %swap3A_604 = arith.index_cast %swap3A_603 : i32 to index
    %swap3A_605 = arith.constant 48 : index
    %swap3A_606 = tpu.vector_load %arg9[%swap3A_604, %swap3A_605] {strides = array<i32>} : memref<80x128xf32, #tpu.memory_space<vmem>>, vector<1x16xf32>,
    %swap3A_607 = vector.shape_cast %swap3A_606 : vector<1x16xf32> to vector<16xf32>
    %swap3A_608 = vector.shape_cast %broadcast_in_dim3A_602 : vector<16xf32> to vector<1x16xf32>
    tpu.vector_store %arg9[%swap3A_604, %swap3A_605], %swap3A_608 {strides = array<i32>} : memref<80x128xf32, #tpu.memory_space<vmem>>, vector<1x16xf32>,
    %broadcast_in_dim3A_609 = arith.constant 0.000000e+00 : f32
    %broadcast_in_dim3A_610 = vector.broadcast %broadcast_in_dim3A_609 : f32 to vector<16xf32>
    %swap3A_611 = arith.constant 9 : i32
    %swap3A_612 = arith.index_cast %swap3A_611 : i32 to index
    %swap3A_613 = arith.constant 64 : index
    %swap3A_614 = tpu.vector_load %arg9[%swap3A_612, %swap3A_613] {strides = array<i32>} : memref<80x128xf32, #tpu.memory_space<vmem>>, vector<1x16xf32>,
    %swap3A_615 = vector.shape_cast %swap3A_614 : vector<1x16xf32> to vector<16xf32>
    %swap3A_616 = vector.shape_cast %broadcast_in_dim3A_610 : vector<16xf32> to vector<1x16xf32>
    tpu.vector_store %arg9[%swap3A_612, %swap3A_613], %swap3A_616 {strides = array<i32>} : memref<80x128xf32, #tpu.memory_space<vmem>>, vector<1x16xf32>,
    %broadcast_in_dim3A_617 = arith.constant 0.000000e+00 : f32
    %broadcast_in_dim3A_618 = vector.broadcast %broadcast_in_dim3A_617 : f32 to vector<16xf32>
    %swap3A_619 = arith.constant 9 : i32
    %swap3A_620 = arith.index_cast %swap3A_619 : i32 to index
    %swap3A_621 = arith.constant 80 : index
    %swap3A_622 = tpu.vector_load %arg9[%swap3A_620, %swap3A_621] {strides = array<i32>} : memref<80x128xf32, #tpu.memory_space<vmem>>, vector<1x16xf32>,
    %swap3A_623 = vector.shape_cast %swap3A_622 : vector<1x16xf32> to vector<16xf32>
    %swap3A_624 = vector.shape_cast %broadcast_in_dim3A_618 : vector<16xf32> to vector<1x16xf32>
    tpu.vector_store %arg9[%swap3A_620, %swap3A_621], %swap3A_624 {strides = array<i32>} : memref<80x128xf32, #tpu.memory_space<vmem>>, vector<1x16xf32>,
    %broadcast_in_dim3A_625 = arith.constant 0.000000e+00 : f32
    %broadcast_in_dim3A_626 = vector.broadcast %broadcast_in_dim3A_625 : f32 to vector<16xf32>
    %swap3A_627 = arith.constant 9 : i32
    %swap3A_628 = arith.index_cast %swap3A_627 : i32 to index
    %swap3A_629 = arith.constant 96 : index
    %swap3A_630 = tpu.vector_load %arg9[%swap3A_628, %swap3A_629] {strides = array<i32>} : memref<80x128xf32, #tpu.memory_space<vmem>>, vector<1x16xf32>,
    %swap3A_631 = vector.shape_cast %swap3A_630 : vector<1x16xf32> to vector<16xf32>
    %swap3A_632 = vector.shape_cast %broadcast_in_dim3A_626 : vector<16xf32> to vector<1x16xf32>
    tpu.vector_store %arg9[%swap3A_628, %swap3A_629], %swap3A_632 {strides = array<i32>} : memref<80x128xf32, #tpu.memory_space<vmem>>, vector<1x16xf32>,
    %broadcast_in_dim3A_633 = arith.constant 0.000000e+00 : f32
    %broadcast_in_dim3A_634 = vector.broadcast %broadcast_in_dim3A_633 : f32 to vector<16xf32>
    %swap3A_635 = arith.constant 9 : i32
    %swap3A_636 = arith.index_cast %swap3A_635 : i32 to index
    %swap3A_637 = arith.constant 112 : index
    %swap3A_638 = tpu.vector_load %arg9[%swap3A_636, %swap3A_637] {strides = array<i32>} : memref<80x128xf32, #tpu.memory_space<vmem>>, vector<1x16xf32>,
    %swap3A_639 = vector.shape_cast %swap3A_638 : vector<1x16xf32> to vector<16xf32>
    %swap3A_640 = vector.shape_cast %broadcast_in_dim3A_634 : vector<16xf32> to vector<1x16xf32>
    tpu.vector_store %arg9[%swap3A_636, %swap3A_637], %swap3A_640 {strides = array<i32>} : memref<80x128xf32, #tpu.memory_space<vmem>>, vector<1x16xf32>,
    %broadcast_in_dim3A_641 = arith.constant 0.000000e+00 : f32
    %broadcast_in_dim3A_642 = vector.broadcast %broadcast_in_dim3A_641 : f32 to vector<16xf32>
    %swap3A_643 = arith.constant 10 : i32
    %swap3A_644 = arith.index_cast %swap3A_643 : i32 to index
    %swap3A_645 = arith.constant 0 : index
    %swap3A_646 = tpu.vector_load %arg9[%swap3A_644, %swap3A_645] {strides = array<i32>} : memref<80x128xf32, #tpu.memory_space<vmem>>, vector<1x16xf32>,
    %swap3A_647 = vector.shape_cast %swap3A_646 : vector<1x16xf32> to vector<16xf32>
    %swap3A_648 = vector.shape_cast %broadcast_in_dim3A_642 : vector<16xf32> to vector<1x16xf32>
    tpu.vector_store %arg9[%swap3A_644, %swap3A_645], %swap3A_648 {strides = array<i32>} : memref<80x128xf32, #tpu.memory_space<vmem>>, vector<1x16xf32>,
    %broadcast_in_dim3A_649 = arith.constant 0.000000e+00 : f32
    %broadcast_in_dim3A_650 = vector.broadcast %broadcast_in_dim3A_649 : f32 to vector<16xf32>
    %swap3A_651 = arith.constant 10 : i32
    %swap3A_652 = arith.index_cast %swap3A_651 : i32 to index
    %swap3A_653 = arith.constant 16 : index
    %swap3A_654 = tpu.vector_load %arg9[%swap3A_652, %swap3A_653] {strides = array<i32>} : memref<80x128xf32, #tpu.memory_space<vmem>>, vector<1x16xf32>,
    %swap3A_655 = vector.shape_cast %swap3A_654 : vector<1x16xf32> to vector<16xf32>
    %swap3A_656 = vector.shape_cast %broadcast_in_dim3A_650 : vector<16xf32> to vector<1x16xf32>
    tpu.vector_store %arg9[%swap3A_652, %swap3A_653], %swap3A_656 {strides = array<i32>} : memref<80x128xf32, #tpu.memory_space<vmem>>, vector<1x16xf32>,
    %broadcast_in_dim3A_657 = arith.constant 0.000000e+00 : f32
    %broadcast_in_dim3A_658 = vector.broadcast %broadcast_in_dim3A_657 : f32 to vector<16xf32>
    %swap3A_659 = arith.constant 10 : i32
    %swap3A_660 = arith.index_cast %swap3A_659 : i32 to index
    %swap3A_661 = arith.constant 32 : index
    %swap3A_662 = tpu.vector_load %arg9[%swap3A_660, %swap3A_661] {strides = array<i32>} : memref<80x128xf32, #tpu.memory_space<vmem>>, vector<1x16xf32>,
    %swap3A_663 = vector.shape_cast %swap3A_662 : vector<1x16xf32> to vector<16xf32>
    %swap3A_664 = vector.shape_cast %broadcast_in_dim3A_658 : vector<16xf32> to vector<1x16xf32>
    tpu.vector_store %arg9[%swap3A_660, %swap3A_661], %swap3A_664 {strides = array<i32>} : memref<80x128xf32, #tpu.memory_space<vmem>>, vector<1x16xf32>,
    %broadcast_in_dim3A_665 = arith.constant 0.000000e+00 : f32
    %broadcast_in_dim3A_666 = vector.broadcast %broadcast_in_dim3A_665 : f32 to vector<16xf32>
    %swap3A_667 = arith.constant 10 : i32
    %swap3A_668 = arith.index_cast %swap3A_667 : i32 to index
    %swap3A_669 = arith.constant 48 : index
    %swap3A_670 = tpu.vector_load %arg9[%swap3A_668, %swap3A_669] {strides = array<i32>} : memref<80x128xf32, #tpu.memory_space<vmem>>, vector<1x16xf32>,
    %swap3A_671 = vector.shape_cast %swap3A_670 : vector<1x16xf32> to vector<16xf32>
    %swap3A_672 = vector.shape_cast %broadcast_in_dim3A_666 : vector<16xf32> to vector<1x16xf32>
    tpu.vector_store %arg9[%swap3A_668, %swap3A_669], %swap3A_672 {strides = array<i32>} : memref<80x128xf32, #tpu.memory_space<vmem>>, vector<1x16xf32>,
    %broadcast_in_dim3A_673 = arith.constant 0.000000e+00 : f32
    %broadcast_in_dim3A_674 = vector.broadcast %broadcast_in_dim3A_673 : f32 to vector<16xf32>
    %swap3A_675 = arith.constant 10 : i32
    %swap3A_676 = arith.index_cast %swap3A_675 : i32 to index
    %swap3A_677 = arith.constant 64 : index
    %swap3A_678 = tpu.vector_load %arg9[%swap3A_676, %swap3A_677] {strides = array<i32>} : memref<80x128xf32, #tpu.memory_space<vmem>>, vector<1x16xf32>,
    %swap3A_679 = vector.shape_cast %swap3A_678 : vector<1x16xf32> to vector<16xf32>
    %swap3A_680 = vector.shape_cast %broadcast_in_dim3A_674 : vector<16xf32> to vector<1x16xf32>
    tpu.vector_store %arg9[%swap3A_676, %swap3A_677], %swap3A_680 {strides = array<i32>} : memref<80x128xf32, #tpu.memory_space<vmem>>, vector<1x16xf32>,
    %broadcast_in_dim3A_681 = arith.constant 0.000000e+00 : f32
    %broadcast_in_dim3A_682 = vector.broadcast %broadcast_in_dim3A_681 : f32 to vector<16xf32>
    %swap3A_683 = arith.constant 10 : i32
    %swap3A_684 = arith.index_cast %swap3A_683 : i32 to index
    %swap3A_685 = arith.constant 80 : index
    %swap3A_686 = tpu.vector_load %arg9[%swap3A_684, %swap3A_685] {strides = array<i32>} : memref<80x128xf32, #tpu.memory_space<vmem>>, vector<1x16xf32>,
    %swap3A_687 = vector.shape_cast %swap3A_686 : vector<1x16xf32> to vector<16xf32>
    %swap3A_688 = vector.shape_cast %broadcast_in_dim3A_682 : vector<16xf32> to vector<1x16xf32>
    tpu.vector_store %arg9[%swap3A_684, %swap3A_685], %swap3A_688 {strides = array<i32>} : memref<80x128xf32, #tpu.memory_space<vmem>>, vector<1x16xf32>,
    %broadcast_in_dim3A_689 = arith.constant 0.000000e+00 : f32
    %broadcast_in_dim3A_690 = vector.broadcast %broadcast_in_dim3A_689 : f32 to vector<16xf32>
    %swap3A_691 = arith.constant 10 : i32
    %swap3A_692 = arith.index_cast %swap3A_691 : i32 to index
    %swap3A_693 = arith.constant 96 : index
    %swap3A_694 = tpu.vector_load %arg9[%swap3A_692, %swap3A_693] {strides = array<i32>} : memref<80x128xf32, #tpu.memory_space<vmem>>, vector<1x16xf32>,
    %swap3A_695 = vector.shape_cast %swap3A_694 : vector<1x16xf32> to vector<16xf32>
    %swap3A_696 = vector.shape_cast %broadcast_in_dim3A_690 : vector<16xf32> to vector<1x16xf32>
    tpu.vector_store %arg9[%swap3A_692, %swap3A_693], %swap3A_696 {strides = array<i32>} : memref<80x128xf32, #tpu.memory_space<vmem>>, vector<1x16xf32>,
    %broadcast_in_dim3A_697 = arith.constant 0.000000e+00 : f32
    %broadcast_in_dim3A_698 = vector.broadcast %broadcast_in_dim3A_697 : f32 to vector<16xf32>
    %swap3A_699 = arith.constant 10 : i32
    %swap3A_700 = arith.index_cast %swap3A_699 : i32 to index
    %swap3A_701 = arith.constant 112 : index
    %swap3A_702 = tpu.vector_load %arg9[%swap3A_700, %swap3A_701] {strides = array<i32>} : memref<80x128xf32, #tpu.memory_space<vmem>>, vector<1x16xf32>,
    %swap3A_703 = vector.shape_cast %swap3A_702 : vector<1x16xf32> to vector<16xf32>
    %swap3A_704 = vector.shape_cast %broadcast_in_dim3A_698 : vector<16xf32> to vector<1x16xf32>
    tpu.vector_store %arg9[%swap3A_700, %swap3A_701], %swap3A_704 {strides = array<i32>} : memref<80x128xf32, #tpu.memory_space<vmem>>, vector<1x16xf32>,
    %broadcast_in_dim3A_705 = arith.constant 0.000000e+00 : f32
    %broadcast_in_dim3A_706 = vector.broadcast %broadcast_in_dim3A_705 : f32 to vector<16xf32>
    %swap3A_707 = arith.constant 11 : i32
    %swap3A_708 = arith.index_cast %swap3A_707 : i32 to index
    %swap3A_709 = arith.constant 0 : index
    %swap3A_710 = tpu.vector_load %arg9[%swap3A_708, %swap3A_709] {strides = array<i32>} : memref<80x128xf32, #tpu.memory_space<vmem>>, vector<1x16xf32>,
    %swap3A_711 = vector.shape_cast %swap3A_710 : vector<1x16xf32> to vector<16xf32>
    %swap3A_712 = vector.shape_cast %broadcast_in_dim3A_706 : vector<16xf32> to vector<1x16xf32>
    tpu.vector_store %arg9[%swap3A_708, %swap3A_709], %swap3A_712 {strides = array<i32>} : memref<80x128xf32, #tpu.memory_space<vmem>>, vector<1x16xf32>,
    %broadcast_in_dim3A_713 = arith.constant 0.000000e+00 : f32
    %broadcast_in_dim3A_714 = vector.broadcast %broadcast_in_dim3A_713 : f32 to vector<16xf32>
    %swap3A_715 = arith.constant 11 : i32
    %swap3A_716 = arith.index_cast %swap3A_715 : i32 to index
    %swap3A_717 = arith.constant 16 : index
    %swap3A_718 = tpu.vector_load %arg9[%swap3A_716, %swap3A_717] {strides = array<i32>} : memref<80x128xf32, #tpu.memory_space<vmem>>, vector<1x16xf32>,
    %swap3A_719 = vector.shape_cast %swap3A_718 : vector<1x16xf32> to vector<16xf32>
    %swap3A_720 = vector.shape_cast %broadcast_in_dim3A_714 : vector<16xf32> to vector<1x16xf32>
    tpu.vector_store %arg9[%swap3A_716, %swap3A_717], %swap3A_720 {strides = array<i32>} : memref<80x128xf32, #tpu.memory_space<vmem>>, vector<1x16xf32>,
    %broadcast_in_dim3A_721 = arith.constant 0.000000e+00 : f32
    %broadcast_in_dim3A_722 = vector.broadcast %broadcast_in_dim3A_721 : f32 to vector<16xf32>
    %swap3A_723 = arith.constant 11 : i32
    %swap3A_724 = arith.index_cast %swap3A_723 : i32 to index
    %swap3A_725 = arith.constant 32 : index
    %swap3A_726 = tpu.vector_load %arg9[%swap3A_724, %swap3A_725] {strides = array<i32>} : memref<80x128xf32, #tpu.memory_space<vmem>>, vector<1x16xf32>,
    %swap3A_727 = vector.shape_cast %swap3A_726 : vector<1x16xf32> to vector<16xf32>
    %swap3A_728 = vector.shape_cast %broadcast_in_dim3A_722 : vector<16xf32> to vector<1x16xf32>
    tpu.vector_store %arg9[%swap3A_724, %swap3A_725], %swap3A_728 {strides = array<i32>} : memref<80x128xf32, #tpu.memory_space<vmem>>, vector<1x16xf32>,
    %broadcast_in_dim3A_729 = arith.constant 0.000000e+00 : f32
    %broadcast_in_dim3A_730 = vector.broadcast %broadcast_in_dim3A_729 : f32 to vector<16xf32>
    %swap3A_731 = arith.constant 11 : i32
    %swap3A_732 = arith.index_cast %swap3A_731 : i32 to index
    %swap3A_733 = arith.constant 48 : index
    %swap3A_734 = tpu.vector_load %arg9[%swap3A_732, %swap3A_733] {strides = array<i32>} : memref<80x128xf32, #tpu.memory_space<vmem>>, vector<1x16xf32>,
    %swap3A_735 = vector.shape_cast %swap3A_734 : vector<1x16xf32> to vector<16xf32>
    %swap3A_736 = vector.shape_cast %broadcast_in_dim3A_730 : vector<16xf32> to vector<1x16xf32>
    tpu.vector_store %arg9[%swap3A_732, %swap3A_733], %swap3A_736 {strides = array<i32>} : memref<80x128xf32, #tpu.memory_space<vmem>>, vector<1x16xf32>,
    %broadcast_in_dim3A_737 = arith.constant 0.000000e+00 : f32
    %broadcast_in_dim3A_738 = vector.broadcast %broadcast_in_dim3A_737 : f32 to vector<16xf32>
    %swap3A_739 = arith.constant 11 : i32
    %swap3A_740 = arith.index_cast %swap3A_739 : i32 to index
    %swap3A_741 = arith.constant 64 : index
    %swap3A_742 = tpu.vector_load %arg9[%swap3A_740, %swap3A_741] {strides = array<i32>} : memref<80x128xf32, #tpu.memory_space<vmem>>, vector<1x16xf32>,
    %swap3A_743 = vector.shape_cast %swap3A_742 : vector<1x16xf32> to vector<16xf32>
    %swap3A_744 = vector.shape_cast %broadcast_in_dim3A_738 : vector<16xf32> to vector<1x16xf32>
    tpu.vector_store %arg9[%swap3A_740, %swap3A_741], %swap3A_744 {strides = array<i32>} : memref<80x128xf32, #tpu.memory_space<vmem>>, vector<1x16xf32>,
    %broadcast_in_dim3A_745 = arith.constant 0.000000e+00 : f32
    %broadcast_in_dim3A_746 = vector.broadcast %broadcast_in_dim3A_745 : f32 to vector<16xf32>
    %swap3A_747 = arith.constant 11 : i32
    %swap3A_748 = arith.index_cast %swap3A_747 : i32 to index
    %swap3A_749 = arith.constant 80 : index
    %swap3A_750 = tpu.vector_load %arg9[%swap3A_748, %swap3A_749] {strides = array<i32>} : memref<80x128xf32, #tpu.memory_space<vmem>>, vector<1x16xf32>,
    %swap3A_751 = vector.shape_cast %swap3A_750 : vector<1x16xf32> to vector<16xf32>
    %swap3A_752 = vector.shape_cast %broadcast_in_dim3A_746 : vector<16xf32> to vector<1x16xf32>
    tpu.vector_store %arg9[%swap3A_748, %swap3A_749], %swap3A_752 {strides = array<i32>} : memref<80x128xf32, #tpu.memory_space<vmem>>, vector<1x16xf32>,
    %broadcast_in_dim3A_753 = arith.constant 0.000000e+00 : f32
    %broadcast_in_dim3A_754 = vector.broadcast %broadcast_in_dim3A_753 : f32 to vector<16xf32>
    %swap3A_755 = arith.constant 11 : i32
    %swap3A_756 = arith.index_cast %swap3A_755 : i32 to index
    %swap3A_757 = arith.constant 96 : index
    %swap3A_758 = tpu.vector_load %arg9[%swap3A_756, %swap3A_757] {strides = array<i32>} : memref<80x128xf32, #tpu.memory_space<vmem>>, vector<1x16xf32>,
    %swap3A_759 = vector.shape_cast %swap3A_758 : vector<1x16xf32> to vector<16xf32>
    %swap3A_760 = vector.shape_cast %broadcast_in_dim3A_754 : vector<16xf32> to vector<1x16xf32>
    tpu.vector_store %arg9[%swap3A_756, %swap3A_757], %swap3A_760 {strides = array<i32>} : memref<80x128xf32, #tpu.memory_space<vmem>>, vector<1x16xf32>,
    %broadcast_in_dim3A_761 = arith.constant 0.000000e+00 : f32
    %broadcast_in_dim3A_762 = vector.broadcast %broadcast_in_dim3A_761 : f32 to vector<16xf32>
    %swap3A_763 = arith.constant 11 : i32
    %swap3A_764 = arith.index_cast %swap3A_763 : i32 to index
    %swap3A_765 = arith.constant 112 : index
    %swap3A_766 = tpu.vector_load %arg9[%swap3A_764, %swap3A_765] {strides = array<i32>} : memref<80x128xf32, #tpu.memory_space<vmem>>, vector<1x16xf32>,
    %swap3A_767 = vector.shape_cast %swap3A_766 : vector<1x16xf32> to vector<16xf32>
    %swap3A_768 = vector.shape_cast %broadcast_in_dim3A_762 : vector<16xf32> to vector<1x16xf32>
    tpu.vector_store %arg9[%swap3A_764, %swap3A_765], %swap3A_768 {strides = array<i32>} : memref<80x128xf32, #tpu.memory_space<vmem>>, vector<1x16xf32>,
    %broadcast_in_dim3A_769 = arith.constant 0.000000e+00 : f32
    %broadcast_in_dim3A_770 = vector.broadcast %broadcast_in_dim3A_769 : f32 to vector<16xf32>
    %swap3A_771 = arith.constant 12 : i32
    %swap3A_772 = arith.index_cast %swap3A_771 : i32 to index
    %swap3A_773 = arith.constant 0 : index
    %swap3A_774 = tpu.vector_load %arg9[%swap3A_772, %swap3A_773] {strides = array<i32>} : memref<80x128xf32, #tpu.memory_space<vmem>>, vector<1x16xf32>,
    %swap3A_775 = vector.shape_cast %swap3A_774 : vector<1x16xf32> to vector<16xf32>
    %swap3A_776 = vector.shape_cast %broadcast_in_dim3A_770 : vector<16xf32> to vector<1x16xf32>
    tpu.vector_store %arg9[%swap3A_772, %swap3A_773], %swap3A_776 {strides = array<i32>} : memref<80x128xf32, #tpu.memory_space<vmem>>, vector<1x16xf32>,
    %broadcast_in_dim3A_777 = arith.constant 0.000000e+00 : f32
    %broadcast_in_dim3A_778 = vector.broadcast %broadcast_in_dim3A_777 : f32 to vector<16xf32>
    %swap3A_779 = arith.constant 12 : i32
    %swap3A_780 = arith.index_cast %swap3A_779 : i32 to index
    %swap3A_781 = arith.constant 16 : index
    %swap3A_782 = tpu.vector_load %arg9[%swap3A_780, %swap3A_781] {strides = array<i32>} : memref<80x128xf32, #tpu.memory_space<vmem>>, vector<1x16xf32>,
    %swap3A_783 = vector.shape_cast %swap3A_782 : vector<1x16xf32> to vector<16xf32>
    %swap3A_784 = vector.shape_cast %broadcast_in_dim3A_778 : vector<16xf32> to vector<1x16xf32>
    tpu.vector_store %arg9[%swap3A_780, %swap3A_781], %swap3A_784 {strides = array<i32>} : memref<80x128xf32, #tpu.memory_space<vmem>>, vector<1x16xf32>,
    %broadcast_in_dim3A_785 = arith.constant 0.000000e+00 : f32
    %broadcast_in_dim3A_786 = vector.broadcast %broadcast_in_dim3A_785 : f32 to vector<16xf32>
    %swap3A_787 = arith.constant 12 : i32
    %swap3A_788 = arith.index_cast %swap3A_787 : i32 to index
    %swap3A_789 = arith.constant 32 : index
    %swap3A_790 = tpu.vector_load %arg9[%swap3A_788, %swap3A_789] {strides = array<i32>} : memref<80x128xf32, #tpu.memory_space<vmem>>, vector<1x16xf32>,
    %swap3A_791 = vector.shape_cast %swap3A_790 : vector<1x16xf32> to vector<16xf32>
    %swap3A_792 = vector.shape_cast %broadcast_in_dim3A_786 : vector<16xf32> to vector<1x16xf32>
    tpu.vector_store %arg9[%swap3A_788, %swap3A_789], %swap3A_792 {strides = array<i32>} : memref<80x128xf32, #tpu.memory_space<vmem>>, vector<1x16xf32>,
    %broadcast_in_dim3A_793 = arith.constant 0.000000e+00 : f32
    %broadcast_in_dim3A_794 = vector.broadcast %broadcast_in_dim3A_793 : f32 to vector<16xf32>
    %swap3A_795 = arith.constant 12 : i32
    %swap3A_796 = arith.index_cast %swap3A_795 : i32 to index
    %swap3A_797 = arith.constant 48 : index
    %swap3A_798 = tpu.vector_load %arg9[%swap3A_796, %swap3A_797] {strides = array<i32>} : memref<80x128xf32, #tpu.memory_space<vmem>>, vector<1x16xf32>,
    %swap3A_799 = vector.shape_cast %swap3A_798 : vector<1x16xf32> to vector<16xf32>
    %swap3A_800 = vector.shape_cast %broadcast_in_dim3A_794 : vector<16xf32> to vector<1x16xf32>
    tpu.vector_store %arg9[%swap3A_796, %swap3A_797], %swap3A_800 {strides = array<i32>} : memref<80x128xf32, #tpu.memory_space<vmem>>, vector<1x16xf32>,
    %broadcast_in_dim3A_801 = arith.constant 0.000000e+00 : f32
    %broadcast_in_dim3A_802 = vector.broadcast %broadcast_in_dim3A_801 : f32 to vector<16xf32>
    %swap3A_803 = arith.constant 12 : i32
    %swap3A_804 = arith.index_cast %swap3A_803 : i32 to index
    %swap3A_805 = arith.constant 64 : index
    %swap3A_806 = tpu.vector_load %arg9[%swap3A_804, %swap3A_805] {strides = array<i32>} : memref<80x128xf32, #tpu.memory_space<vmem>>, vector<1x16xf32>,
    %swap3A_807 = vector.shape_cast %swap3A_806 : vector<1x16xf32> to vector<16xf32>
    %swap3A_808 = vector.shape_cast %broadcast_in_dim3A_802 : vector<16xf32> to vector<1x16xf32>
    tpu.vector_store %arg9[%swap3A_804, %swap3A_805], %swap3A_808 {strides = array<i32>} : memref<80x128xf32, #tpu.memory_space<vmem>>, vector<1x16xf32>,
    %broadcast_in_dim3A_809 = arith.constant 0.000000e+00 : f32
    %broadcast_in_dim3A_810 = vector.broadcast %broadcast_in_dim3A_809 : f32 to vector<16xf32>
    %swap3A_811 = arith.constant 12 : i32
    %swap3A_812 = arith.index_cast %swap3A_811 : i32 to index
    %swap3A_813 = arith.constant 80 : index
    %swap3A_814 = tpu.vector_load %arg9[%swap3A_812, %swap3A_813] {strides = array<i32>} : memref<80x128xf32, #tpu.memory_space<vmem>>, vector<1x16xf32>,
    %swap3A_815 = vector.shape_cast %swap3A_814 : vector<1x16xf32> to vector<16xf32>
    %swap3A_816 = vector.shape_cast %broadcast_in_dim3A_810 : vector<16xf32> to vector<1x16xf32>
    tpu.vector_store %arg9[%swap3A_812, %swap3A_813], %swap3A_816 {strides = array<i32>} : memref<80x128xf32, #tpu.memory_space<vmem>>, vector<1x16xf32>,
    %broadcast_in_dim3A_817 = arith.constant 0.000000e+00 : f32
    %broadcast_in_dim3A_818 = vector.broadcast %broadcast_in_dim3A_817 : f32 to vector<16xf32>
    %swap3A_819 = arith.constant 12 : i32
    %swap3A_820 = arith.index_cast %swap3A_819 : i32 to index
    %swap3A_821 = arith.constant 96 : index
    %swap3A_822 = tpu.vector_load %arg9[%swap3A_820, %swap3A_821] {strides = array<i32>} : memref<80x128xf32, #tpu.memory_space<vmem>>, vector<1x16xf32>,
    %swap3A_823 = vector.shape_cast %swap3A_822 : vector<1x16xf32> to vector<16xf32>
    %swap3A_824 = vector.shape_cast %broadcast_in_dim3A_818 : vector<16xf32> to vector<1x16xf32>
    tpu.vector_store %arg9[%swap3A_820, %swap3A_821], %swap3A_824 {strides = array<i32>} : memref<80x128xf32, #tpu.memory_space<vmem>>, vector<1x16xf32>,
    %broadcast_in_dim3A_825 = arith.constant 0.000000e+00 : f32
    %broadcast_in_dim3A_826 = vector.broadcast %broadcast_in_dim3A_825 : f32 to vector<16xf32>
    %swap3A_827 = arith.constant 12 : i32
    %swap3A_828 = arith.index_cast %swap3A_827 : i32 to index
    %swap3A_829 = arith.constant 112 : index
    %swap3A_830 = tpu.vector_load %arg9[%swap3A_828, %swap3A_829] {strides = array<i32>} : memref<80x128xf32, #tpu.memory_space<vmem>>, vector<1x16xf32>,
    %swap3A_831 = vector.shape_cast %swap3A_830 : vector<1x16xf32> to vector<16xf32>
    %swap3A_832 = vector.shape_cast %broadcast_in_dim3A_826 : vector<16xf32> to vector<1x16xf32>
    tpu.vector_store %arg9[%swap3A_828, %swap3A_829], %swap3A_832 {strides = array<i32>} : memref<80x128xf32, #tpu.memory_space<vmem>>, vector<1x16xf32>,
    %broadcast_in_dim3A_833 = arith.constant 0.000000e+00 : f32
    %broadcast_in_dim3A_834 = vector.broadcast %broadcast_in_dim3A_833 : f32 to vector<16xf32>
    %swap3A_835 = arith.constant 13 : i32
    %swap3A_836 = arith.index_cast %swap3A_835 : i32 to index
    %swap3A_837 = arith.constant 0 : index
    %swap3A_838 = tpu.vector_load %arg9[%swap3A_836, %swap3A_837] {strides = array<i32>} : memref<80x128xf32, #tpu.memory_space<vmem>>, vector<1x16xf32>,
    %swap3A_839 = vector.shape_cast %swap3A_838 : vector<1x16xf32> to vector<16xf32>
    %swap3A_840 = vector.shape_cast %broadcast_in_dim3A_834 : vector<16xf32> to vector<1x16xf32>
    tpu.vector_store %arg9[%swap3A_836, %swap3A_837], %swap3A_840 {strides = array<i32>} : memref<80x128xf32, #tpu.memory_space<vmem>>, vector<1x16xf32>,
    %broadcast_in_dim3A_841 = arith.constant 0.000000e+00 : f32
    %broadcast_in_dim3A_842 = vector.broadcast %broadcast_in_dim3A_841 : f32 to vector<16xf32>
    %swap3A_843 = arith.constant 13 : i32
    %swap3A_844 = arith.index_cast %swap3A_843 : i32 to index
    %swap3A_845 = arith.constant 16 : index
    %swap3A_846 = tpu.vector_load %arg9[%swap3A_844, %swap3A_845] {strides = array<i32>} : memref<80x128xf32, #tpu.memory_space<vmem>>, vector<1x16xf32>,
    %swap3A_847 = vector.shape_cast %swap3A_846 : vector<1x16xf32> to vector<16xf32>
    %swap3A_848 = vector.shape_cast %broadcast_in_dim3A_842 : vector<16xf32> to vector<1x16xf32>
    tpu.vector_store %arg9[%swap3A_844, %swap3A_845], %swap3A_848 {strides = array<i32>} : memref<80x128xf32, #tpu.memory_space<vmem>>, vector<1x16xf32>,
    %broadcast_in_dim3A_849 = arith.constant 0.000000e+00 : f32
    %broadcast_in_dim3A_850 = vector.broadcast %broadcast_in_dim3A_849 : f32 to vector<16xf32>
    %swap3A_851 = arith.constant 13 : i32
    %swap3A_852 = arith.index_cast %swap3A_851 : i32 to index
    %swap3A_853 = arith.constant 32 : index
    %swap3A_854 = tpu.vector_load %arg9[%swap3A_852, %swap3A_853] {strides = array<i32>} : memref<80x128xf32, #tpu.memory_space<vmem>>, vector<1x16xf32>,
    %swap3A_855 = vector.shape_cast %swap3A_854 : vector<1x16xf32> to vector<16xf32>
    %swap3A_856 = vector.shape_cast %broadcast_in_dim3A_850 : vector<16xf32> to vector<1x16xf32>
    tpu.vector_store %arg9[%swap3A_852, %swap3A_853], %swap3A_856 {strides = array<i32>} : memref<80x128xf32, #tpu.memory_space<vmem>>, vector<1x16xf32>,
    %broadcast_in_dim3A_857 = arith.constant 0.000000e+00 : f32
    %broadcast_in_dim3A_858 = vector.broadcast %broadcast_in_dim3A_857 : f32 to vector<16xf32>
    %swap3A_859 = arith.constant 13 : i32
    %swap3A_860 = arith.index_cast %swap3A_859 : i32 to index
    %swap3A_861 = arith.constant 48 : index
    %swap3A_862 = tpu.vector_load %arg9[%swap3A_860, %swap3A_861] {strides = array<i32>} : memref<80x128xf32, #tpu.memory_space<vmem>>, vector<1x16xf32>,
    %swap3A_863 = vector.shape_cast %swap3A_862 : vector<1x16xf32> to vector<16xf32>
    %swap3A_864 = vector.shape_cast %broadcast_in_dim3A_858 : vector<16xf32> to vector<1x16xf32>
    tpu.vector_store %arg9[%swap3A_860, %swap3A_861], %swap3A_864 {strides = array<i32>} : memref<80x128xf32, #tpu.memory_space<vmem>>, vector<1x16xf32>,
    %broadcast_in_dim3A_865 = arith.constant 0.000000e+00 : f32
    %broadcast_in_dim3A_866 = vector.broadcast %broadcast_in_dim3A_865 : f32 to vector<16xf32>
    %swap3A_867 = arith.constant 13 : i32
    %swap3A_868 = arith.index_cast %swap3A_867 : i32 to index
    %swap3A_869 = arith.constant 64 : index
    %swap3A_870 = tpu.vector_load %arg9[%swap3A_868, %swap3A_869] {strides = array<i32>} : memref<80x128xf32, #tpu.memory_space<vmem>>, vector<1x16xf32>,
    %swap3A_871 = vector.shape_cast %swap3A_870 : vector<1x16xf32> to vector<16xf32>
    %swap3A_872 = vector.shape_cast %broadcast_in_dim3A_866 : vector<16xf32> to vector<1x16xf32>
    tpu.vector_store %arg9[%swap3A_868, %swap3A_869], %swap3A_872 {strides = array<i32>} : memref<80x128xf32, #tpu.memory_space<vmem>>, vector<1x16xf32>,
    %broadcast_in_dim3A_873 = arith.constant 0.000000e+00 : f32
    %broadcast_in_dim3A_874 = vector.broadcast %broadcast_in_dim3A_873 : f32 to vector<16xf32>
    %swap3A_875 = arith.constant 13 : i32
    %swap3A_876 = arith.index_cast %swap3A_875 : i32 to index
    %swap3A_877 = arith.constant 80 : index
    %swap3A_878 = tpu.vector_load %arg9[%swap3A_876, %swap3A_877] {strides = array<i32>} : memref<80x128xf32, #tpu.memory_space<vmem>>, vector<1x16xf32>,
    %swap3A_879 = vector.shape_cast %swap3A_878 : vector<1x16xf32> to vector<16xf32>
    %swap3A_880 = vector.shape_cast %broadcast_in_dim3A_874 : vector<16xf32> to vector<1x16xf32>
    tpu.vector_store %arg9[%swap3A_876, %swap3A_877], %swap3A_880 {strides = array<i32>} : memref<80x128xf32, #tpu.memory_space<vmem>>, vector<1x16xf32>,
    %broadcast_in_dim3A_881 = arith.constant 0.000000e+00 : f32
    %broadcast_in_dim3A_882 = vector.broadcast %broadcast_in_dim3A_881 : f32 to vector<16xf32>
    %swap3A_883 = arith.constant 13 : i32
    %swap3A_884 = arith.index_cast %swap3A_883 : i32 to index
    %swap3A_885 = arith.constant 96 : index
    %swap3A_886 = tpu.vector_load %arg9[%swap3A_884, %swap3A_885] {strides = array<i32>} : memref<80x128xf32, #tpu.memory_space<vmem>>, vector<1x16xf32>,
    %swap3A_887 = vector.shape_cast %swap3A_886 : vector<1x16xf32> to vector<16xf32>
    %swap3A_888 = vector.shape_cast %broadcast_in_dim3A_882 : vector<16xf32> to vector<1x16xf32>
    tpu.vector_store %arg9[%swap3A_884, %swap3A_885], %swap3A_888 {strides = array<i32>} : memref<80x128xf32, #tpu.memory_space<vmem>>, vector<1x16xf32>,
    %broadcast_in_dim3A_889 = arith.constant 0.000000e+00 : f32
    %broadcast_in_dim3A_890 = vector.broadcast %broadcast_in_dim3A_889 : f32 to vector<16xf32>
    %swap3A_891 = arith.constant 13 : i32
    %swap3A_892 = arith.index_cast %swap3A_891 : i32 to index
    %swap3A_893 = arith.constant 112 : index
    %swap3A_894 = tpu.vector_load %arg9[%swap3A_892, %swap3A_893] {strides = array<i32>} : memref<80x128xf32, #tpu.memory_space<vmem>>, vector<1x16xf32>,
    %swap3A_895 = vector.shape_cast %swap3A_894 : vector<1x16xf32> to vector<16xf32>
    %swap3A_896 = vector.shape_cast %broadcast_in_dim3A_890 : vector<16xf32> to vector<1x16xf32>
    tpu.vector_store %arg9[%swap3A_892, %swap3A_893], %swap3A_896 {strides = array<i32>} : memref<80x128xf32, #tpu.memory_space<vmem>>, vector<1x16xf32>,
    %broadcast_in_dim3A_897 = arith.constant 0.000000e+00 : f32
    %broadcast_in_dim3A_898 = vector.broadcast %broadcast_in_dim3A_897 : f32 to vector<16xf32>
    %swap3A_899 = arith.constant 14 : i32
    %swap3A_900 = arith.index_cast %swap3A_899 : i32 to index
    %swap3A_901 = arith.constant 0 : index
    %swap3A_902 = tpu.vector_load %arg9[%swap3A_900, %swap3A_901] {strides = array<i32>} : memref<80x128xf32, #tpu.memory_space<vmem>>, vector<1x16xf32>,
    %swap3A_903 = vector.shape_cast %swap3A_902 : vector<1x16xf32> to vector<16xf32>
    %swap3A_904 = vector.shape_cast %broadcast_in_dim3A_898 : vector<16xf32> to vector<1x16xf32>
    tpu.vector_store %arg9[%swap3A_900, %swap3A_901], %swap3A_904 {strides = array<i32>} : memref<80x128xf32, #tpu.memory_space<vmem>>, vector<1x16xf32>,
    %broadcast_in_dim3A_905 = arith.constant 0.000000e+00 : f32
    %broadcast_in_dim3A_906 = vector.broadcast %broadcast_in_dim3A_905 : f32 to vector<16xf32>
    %swap3A_907 = arith.constant 14 : i32
    %swap3A_908 = arith.index_cast %swap3A_907 : i32 to index
    %swap3A_909 = arith.constant 16 : index
    %swap3A_910 = tpu.vector_load %arg9[%swap3A_908, %swap3A_909] {strides = array<i32>} : memref<80x128xf32, #tpu.memory_space<vmem>>, vector<1x16xf32>,
    %swap3A_911 = vector.shape_cast %swap3A_910 : vector<1x16xf32> to vector<16xf32>
    %swap3A_912 = vector.shape_cast %broadcast_in_dim3A_906 : vector<16xf32> to vector<1x16xf32>
    tpu.vector_store %arg9[%swap3A_908, %swap3A_909], %swap3A_912 {strides = array<i32>} : memref<80x128xf32, #tpu.memory_space<vmem>>, vector<1x16xf32>,
    %broadcast_in_dim3A_913 = arith.constant 0.000000e+00 : f32
    %broadcast_in_dim3A_914 = vector.broadcast %broadcast_in_dim3A_913 : f32 to vector<16xf32>
    %swap3A_915 = arith.constant 14 : i32
    %swap3A_916 = arith.index_cast %swap3A_915 : i32 to index
    %swap3A_917 = arith.constant 32 : index
    %swap3A_918 = tpu.vector_load %arg9[%swap3A_916, %swap3A_917] {strides = array<i32>} : memref<80x128xf32, #tpu.memory_space<vmem>>, vector<1x16xf32>,
    %swap3A_919 = vector.shape_cast %swap3A_918 : vector<1x16xf32> to vector<16xf32>
    %swap3A_920 = vector.shape_cast %broadcast_in_dim3A_914 : vector<16xf32> to vector<1x16xf32>
    tpu.vector_store %arg9[%swap3A_916, %swap3A_917], %swap3A_920 {strides = array<i32>} : memref<80x128xf32, #tpu.memory_space<vmem>>, vector<1x16xf32>,
    %broadcast_in_dim3A_921 = arith.constant 0.000000e+00 : f32
    %broadcast_in_dim3A_922 = vector.broadcast %broadcast_in_dim3A_921 : f32 to vector<16xf32>
    %swap3A_923 = arith.constant 14 : i32
    %swap3A_924 = arith.index_cast %swap3A_923 : i32 to index
    %swap3A_925 = arith.constant 48 : index
    %swap3A_926 = tpu.vector_load %arg9[%swap3A_924, %swap3A_925] {strides = array<i32>} : memref<80x128xf32, #tpu.memory_space<vmem>>, vector<1x16xf32>,
    %swap3A_927 = vector.shape_cast %swap3A_926 : vector<1x16xf32> to vector<16xf32>
    %swap3A_928 = vector.shape_cast %broadcast_in_dim3A_922 : vector<16xf32> to vector<1x16xf32>
    tpu.vector_store %arg9[%swap3A_924, %swap3A_925], %swap3A_928 {strides = array<i32>} : memref<80x128xf32, #tpu.memory_space<vmem>>, vector<1x16xf32>,
    %broadcast_in_dim3A_929 = arith.constant 0.000000e+00 : f32
    %broadcast_in_dim3A_930 = vector.broadcast %broadcast_in_dim3A_929 : f32 to vector<16xf32>
    %swap3A_931 = arith.constant 14 : i32
    %swap3A_932 = arith.index_cast %swap3A_931 : i32 to index
    %swap3A_933 = arith.constant 64 : index
    %swap3A_934 = tpu.vector_load %arg9[%swap3A_932, %swap3A_933] {strides = array<i32>} : memref<80x128xf32, #tpu.memory_space<vmem>>, vector<1x16xf32>,
    %swap3A_935 = vector.shape_cast %swap3A_934 : vector<1x16xf32> to vector<16xf32>
    %swap3A_936 = vector.shape_cast %broadcast_in_dim3A_930 : vector<16xf32> to vector<1x16xf32>
    tpu.vector_store %arg9[%swap3A_932, %swap3A_933], %swap3A_936 {strides = array<i32>} : memref<80x128xf32, #tpu.memory_space<vmem>>, vector<1x16xf32>,
    %broadcast_in_dim3A_937 = arith.constant 0.000000e+00 : f32
    %broadcast_in_dim3A_938 = vector.broadcast %broadcast_in_dim3A_937 : f32 to vector<16xf32>
    %swap3A_939 = arith.constant 14 : i32
    %swap3A_940 = arith.index_cast %swap3A_939 : i32 to index
    %swap3A_941 = arith.constant 80 : index
    %swap3A_942 = tpu.vector_load %arg9[%swap3A_940, %swap3A_941] {strides = array<i32>} : memref<80x128xf32, #tpu.memory_space<vmem>>, vector<1x16xf32>,
    %swap3A_943 = vector.shape_cast %swap3A_942 : vector<1x16xf32> to vector<16xf32>
    %swap3A_944 = vector.shape_cast %broadcast_in_dim3A_938 : vector<16xf32> to vector<1x16xf32>
    tpu.vector_store %arg9[%swap3A_940, %swap3A_941], %swap3A_944 {strides = array<i32>} : memref<80x128xf32, #tpu.memory_space<vmem>>, vector<1x16xf32>,
    %broadcast_in_dim3A_945 = arith.constant 0.000000e+00 : f32
    %broadcast_in_dim3A_946 = vector.broadcast %broadcast_in_dim3A_945 : f32 to vector<16xf32>
    %swap3A_947 = arith.constant 14 : i32
    %swap3A_948 = arith.index_cast %swap3A_947 : i32 to index
    %swap3A_949 = arith.constant 96 : index
    %swap3A_950 = tpu.vector_load %arg9[%swap3A_948, %swap3A_949] {strides = array<i32>} : memref<80x128xf32, #tpu.memory_space<vmem>>, vector<1x16xf32>,
    %swap3A_951 = vector.shape_cast %swap3A_950 : vector<1x16xf32> to vector<16xf32>
    %swap3A_952 = vector.shape_cast %broadcast_in_dim3A_946 : vector<16xf32> to vector<1x16xf32>
    tpu.vector_store %arg9[%swap3A_948, %swap3A_949], %swap3A_952 {strides = array<i32>} : memref<80x128xf32, #tpu.memory_space<vmem>>, vector<1x16xf32>,
    %broadcast_in_dim3A_953 = arith.constant 0.000000e+00 : f32
    %broadcast_in_dim3A_954 = vector.broadcast %broadcast_in_dim3A_953 : f32 to vector<16xf32>
    %swap3A_955 = arith.constant 14 : i32
    %swap3A_956 = arith.index_cast %swap3A_955 : i32 to index
    %swap3A_957 = arith.constant 112 : index
    %swap3A_958 = tpu.vector_load %arg9[%swap3A_956, %swap3A_957] {strides = array<i32>} : memref<80x128xf32, #tpu.memory_space<vmem>>, vector<1x16xf32>,
    %swap3A_959 = vector.shape_cast %swap3A_958 : vector<1x16xf32> to vector<16xf32>
    %swap3A_960 = vector.shape_cast %broadcast_in_dim3A_954 : vector<16xf32> to vector<1x16xf32>
    tpu.vector_store %arg9[%swap3A_956, %swap3A_957], %swap3A_960 {strides = array<i32>} : memref<80x128xf32, #tpu.memory_space<vmem>>, vector<1x16xf32>,
    %broadcast_in_dim3A_961 = arith.constant 0.000000e+00 : f32
    %broadcast_in_dim3A_962 = vector.broadcast %broadcast_in_dim3A_961 : f32 to vector<16xf32>
    %swap3A_963 = arith.constant 15 : i32
    %swap3A_964 = arith.index_cast %swap3A_963 : i32 to index
    %swap3A_965 = arith.constant 0 : index
    %swap3A_966 = tpu.vector_load %arg9[%swap3A_964, %swap3A_965] {strides = array<i32>} : memref<80x128xf32, #tpu.memory_space<vmem>>, vector<1x16xf32>,
    %swap3A_967 = vector.shape_cast %swap3A_966 : vector<1x16xf32> to vector<16xf32>
    %swap3A_968 = vector.shape_cast %broadcast_in_dim3A_962 : vector<16xf32> to vector<1x16xf32>
    tpu.vector_store %arg9[%swap3A_964, %swap3A_965], %swap3A_968 {strides = array<i32>} : memref<80x128xf32, #tpu.memory_space<vmem>>, vector<1x16xf32>,
    %broadcast_in_dim3A_969 = arith.constant 0.000000e+00 : f32
    %broadcast_in_dim3A_970 = vector.broadcast %broadcast_in_dim3A_969 : f32 to vector<16xf32>
    %swap3A_971 = arith.constant 15 : i32
    %swap3A_972 = arith.index_cast %swap3A_971 : i32 to index
    %swap3A_973 = arith.constant 16 : index
    %swap3A_974 = tpu.vector_load %arg9[%swap3A_972, %swap3A_973] {strides = array<i32>} : memref<80x128xf32, #tpu.memory_space<vmem>>, vector<1x16xf32>,
    %swap3A_975 = vector.shape_cast %swap3A_974 : vector<1x16xf32> to vector<16xf32>
    %swap3A_976 = vector.shape_cast %broadcast_in_dim3A_970 : vector<16xf32> to vector<1x16xf32>
    tpu.vector_store %arg9[%swap3A_972, %swap3A_973], %swap3A_976 {strides = array<i32>} : memref<80x128xf32, #tpu.memory_space<vmem>>, vector<1x16xf32>,
    %broadcast_in_dim3A_977 = arith.constant 0.000000e+00 : f32
    %broadcast_in_dim3A_978 = vector.broadcast %broadcast_in_dim3A_977 : f32 to vector<16xf32>
    %swap3A_979 = arith.constant 15 : i32
    %swap3A_980 = arith.index_cast %swap3A_979 : i32 to index
    %swap3A_981 = arith.constant 32 : index
    %swap3A_982 = tpu.vector_load %arg9[%swap3A_980, %swap3A_981] {strides = array<i32>} : memref<80x128xf32, #tpu.memory_space<vmem>>, vector<1x16xf32>,
    %swap3A_983 = vector.shape_cast %swap3A_982 : vector<1x16xf32> to vector<16xf32>
    %swap3A_984 = vector.shape_cast %broadcast_in_dim3A_978 : vector<16xf32> to vector<1x16xf32>
    tpu.vector_store %arg9[%swap3A_980, %swap3A_981], %swap3A_984 {strides = array<i32>} : memref<80x128xf32, #tpu.memory_space<vmem>>, vector<1x16xf32>,
    %broadcast_in_dim3A_985 = arith.constant 0.000000e+00 : f32
    %broadcast_in_dim3A_986 = vector.broadcast %broadcast_in_dim3A_985 : f32 to vector<16xf32>
    %swap3A_987 = arith.constant 15 : i32
    %swap3A_988 = arith.index_cast %swap3A_987 : i32 to index
    %swap3A_989 = arith.constant 48 : index
    %swap3A_990 = tpu.vector_load %arg9[%swap3A_988, %swap3A_989] {strides = array<i32>} : memref<80x128xf32, #tpu.memory_space<vmem>>, vector<1x16xf32>,
    %swap3A_991 = vector.shape_cast %swap3A_990 : vector<1x16xf32> to vector<16xf32>
    %swap3A_992 = vector.shape_cast %broadcast_in_dim3A_986 : vector<16xf32> to vector<1x16xf32>
    tpu.vector_store %arg9[%swap3A_988, %swap3A_989], %swap3A_992 {strides = array<i32>} : memref<80x128xf32, #tpu.memory_space<vmem>>, vector<1x16xf32>,
    %broadcast_in_dim3A_993 = arith.constant 0.000000e+00 : f32
    %broadcast_in_dim3A_994 = vector.broadcast %broadcast_in_dim3A_993 : f32 to vector<16xf32>
    %swap3A_995 = arith.constant 15 : i32
    %swap3A_996 = arith.index_cast %swap3A_995 : i32 to index
    %swap3A_997 = arith.constant 64 : index
    %swap3A_998 = tpu.vector_load %arg9[%swap3A_996, %swap3A_997] {strides = array<i32>} : memref<80x128xf32, #tpu.memory_space<vmem>>, vector<1x16xf32>,
    %swap3A_999 = vector.shape_cast %swap3A_998 : vector<1x16xf32> to vector<16xf32>
    %swap3A_1000 = vector.shape_cast %broadcast_in_dim3A_994 : vector<16xf32> to vector<1x16xf32>
    tpu.vector_store %arg9[%swap3A_996, %swap3A_997], %swap3A_1000 {strides = array<i32>} : memref<80x128xf32, #tpu.memory_space<vmem>>, vector<1x16xf32>,
    %broadcast_in_dim3A_1001 = arith.constant 0.000000e+00 : f32
    %broadcast_in_dim3A_1002 = vector.broadcast %broadcast_in_dim3A_1001 : f32 to vector<16xf32>
    %swap3A_1003 = arith.constant 15 : i32
    %swap3A_1004 = arith.index_cast %swap3A_1003 : i32 to index
    %swap3A_1005 = arith.constant 80 : index
    %swap3A_1006 = tpu.vector_load %arg9[%swap3A_1004, %swap3A_1005] {strides = array<i32>} : memref<80x128xf32, #tpu.memory_space<vmem>>, vector<1x16xf32>,
    %swap3A_1007 = vector.shape_cast %swap3A_1006 : vector<1x16xf32> to vector<16xf32>
    %swap3A_1008 = vector.shape_cast %broadcast_in_dim3A_1002 : vector<16xf32> to vector<1x16xf32>
    tpu.vector_store %arg9[%swap3A_1004, %swap3A_1005], %swap3A_1008 {strides = array<i32>} : memref<80x128xf32, #tpu.memory_space<vmem>>, vector<1x16xf32>,
    %broadcast_in_dim3A_1009 = arith.constant 0.000000e+00 : f32
    %broadcast_in_dim3A_1010 = vector.broadcast %broadcast_in_dim3A_1009 : f32 to vector<16xf32>
    %swap3A_1011 = arith.constant 15 : i32
    %swap3A_1012 = arith.index_cast %swap3A_1011 : i32 to index
    %swap3A_1013 = arith.constant 96 : index
    %swap3A_1014 = tpu.vector_load %arg9[%swap3A_1012, %swap3A_1013] {strides = array<i32>} : memref<80x128xf32, #tpu.memory_space<vmem>>, vector<1x16xf32>,
    %swap3A_1015 = vector.shape_cast %swap3A_1014 : vector<1x16xf32> to vector<16xf32>
    %swap3A_1016 = vector.shape_cast %broadcast_in_dim3A_1010 : vector<16xf32> to vector<1x16xf32>
    tpu.vector_store %arg9[%swap3A_1012, %swap3A_1013], %swap3A_1016 {strides = array<i32>} : memref<80x128xf32, #tpu.memory_space<vmem>>, vector<1x16xf32>,
    %broadcast_in_dim3A_1017 = arith.constant 0.000000e+00 : f32
    %broadcast_in_dim3A_1018 = vector.broadcast %broadcast_in_dim3A_1017 : f32 to vector<16xf32>
    %swap3A_1019 = arith.constant 15 : i32
    %swap3A_1020 = arith.index_cast %swap3A_1019 : i32 to index
    %swap3A_1021 = arith.constant 112 : index
    %swap3A_1022 = tpu.vector_load %arg9[%swap3A_1020, %swap3A_1021] {strides = array<i32>} : memref<80x128xf32, #tpu.memory_space<vmem>>, vector<1x16xf32>,
    %swap3A_1023 = vector.shape_cast %swap3A_1022 : vector<1x16xf32> to vector<16xf32>
    %swap3A_1024 = vector.shape_cast %broadcast_in_dim3A_1018 : vector<16xf32> to vector<1x16xf32>
    tpu.vector_store %arg9[%swap3A_1020, %swap3A_1021], %swap3A_1024 {strides = array<i32>} : memref<80x128xf32, #tpu.memory_space<vmem>>, vector<1x16xf32>,
    "tpu.region"() ({
      %run_scoped3A = tpu.sem_alloc : memref<!tpu.dma_semaphore, #tpu.memory_space<semaphore_mem>>
      %dma_start3A = arith.constant 0 : i32
      %dma_start3A_1035 = arith.constant 0 : i32
      %dma_start3A_1036 = tpu.memref_slice %arg9[%dma_start3A, %dma_start3A_1035] : memref<80x128xf32, #tpu.memory_space<vmem>> -> memref<16x128xf32, #tpu.memory_space<vmem>>
      %dma_start3A_1037 = arith.constant 0 : i32
      %dma_start3A_1038 = arith.constant 0 : i32
      %dma_start3A_1039 = tpu.memref_slice %arg9[%dma_start3A_1037, %dma_start3A_1038] : memref<80x128xf32, #tpu.memory_space<vmem>> -> memref<16x128xf32, #tpu.memory_space<vmem>>
      tpu.enqueue_dma source(%dma_start3A_1039 : memref<16x128xf32, #tpu.memory_space<vmem>>) target(%arg13 : memref<16x128xf32, #tpu.memory_space<vmem_shared>>) target_semaphore(%run_scoped3A : memref<!tpu.dma_semaphore, #tpu.memory_space<semaphore_mem>>)
      %dma_wait3A = arith.constant 0 : i32
      %dma_wait3A_1040 = arith.constant 0 : i32
      %dma_wait3A_1041 = tpu.memref_slice %arg9[%dma_wait3A, %dma_wait3A_1040] : memref<80x128xf32, #tpu.memory_space<vmem>> -> memref<16x128xf32, #tpu.memory_space<vmem>>
      %dma_wait3A_1042 = arith.constant 0 : i32
      %dma_wait3A_1043 = arith.constant 0 : i32
      %dma_wait3A_1044 = tpu.memref_slice %arg9[%dma_wait3A_1042, %dma_wait3A_1043] : memref<80x128xf32, #tpu.memory_space<vmem>> -> memref<16x128xf32, #tpu.memory_space<vmem>>
      tpu.wait_dma2 semaphore(%run_scoped3A : memref<!tpu.dma_semaphore, #tpu.memory_space<semaphore_mem>>) src(%dma_wait3A_1044 : memref<16x128xf32, #tpu.memory_space<vmem>>) dst(%arg13 : memref<16x128xf32, #tpu.memory_space<vmem_shared>>)
      tpu.yield
    }) : () -> ()
    "tpu.region"() ({
      %run_scoped3A = tpu.sem_alloc : memref<!tpu.dma_semaphore, #tpu.memory_space<semaphore_mem>>
      %dma_start3A = tpu.memref_slice %arg2[%mul3A_2] : memref<320000xi32, #tpu.memory_space<hbm>> -> memref<10000xi32, #tpu.memory_space<hbm>>
      %dma_start3A_1035 = tpu.memref_slice %arg2[%mul3A_2] : memref<320000xi32, #tpu.memory_space<hbm>> -> memref<10000xi32, #tpu.memory_space<hbm>>
      tpu.enqueue_dma source(%dma_start3A_1035 : memref<10000xi32, #tpu.memory_space<hbm>>) target(%arg8 : memref<10000xi32, #tpu.memory_space<vmem>>) target_semaphore(%run_scoped3A : memref<!tpu.dma_semaphore, #tpu.memory_space<semaphore_mem>>)
      %dma_wait3A = tpu.memref_slice %arg2[%mul3A_2] : memref<320000xi32, #tpu.memory_space<hbm>> -> memref<10000xi32, #tpu.memory_space<hbm>>
      %dma_wait3A_1036 = tpu.memref_slice %arg2[%mul3A_2] : memref<320000xi32, #tpu.memory_space<hbm>> -> memref<10000xi32, #tpu.memory_space<hbm>>
      tpu.wait_dma2 semaphore(%run_scoped3A : memref<!tpu.dma_semaphore, #tpu.memory_space<semaphore_mem>>) src(%dma_wait3A_1036 : memref<10000xi32, #tpu.memory_space<hbm>>) dst(%arg8 : memref<10000xi32, #tpu.memory_space<vmem>>)
      tpu.yield
    }) : () -> ()
    "tpu.region"() ({
      %run_scoped3A = tpu.sem_alloc : memref<!tpu.dma_semaphore, #tpu.memory_space<semaphore_mem>>
      %dma_start3A = tpu.memref_slice %arg3[%mul3A_2] : memref<320000xi32, #tpu.memory_space<hbm>> -> memref<10000xi32, #tpu.memory_space<hbm>>
      %dma_start3A_1035 = tpu.memref_slice %arg3[%mul3A_2] : memref<320000xi32, #tpu.memory_space<hbm>> -> memref<10000xi32, #tpu.memory_space<hbm>>
      tpu.enqueue_dma source(%dma_start3A_1035 : memref<10000xi32, #tpu.memory_space<hbm>>) target(%arg7 : memref<10000xi32, #tpu.memory_space<vmem>>) target_semaphore(%run_scoped3A : memref<!tpu.dma_semaphore, #tpu.memory_space<semaphore_mem>>)
      %dma_wait3A = tpu.memref_slice %arg3[%mul3A_2] : memref<320000xi32, #tpu.memory_space<hbm>> -> memref<10000xi32, #tpu.memory_space<hbm>>
      %dma_wait3A_1036 = tpu.memref_slice %arg3[%mul3A_2] : memref<320000xi32, #tpu.memory_space<hbm>> -> memref<10000xi32, #tpu.memory_space<hbm>>
      tpu.wait_dma2 semaphore(%run_scoped3A : memref<!tpu.dma_semaphore, #tpu.memory_space<semaphore_mem>>) src(%dma_wait3A_1036 : memref<10000xi32, #tpu.memory_space<hbm>>) dst(%arg7 : memref<10000xi32, #tpu.memory_space<vmem>>)
      tpu.yield
    }) : () -> ()
    %mul3A_1025 = arith.constant 128 : i32
    %mul3A_1026 = arith.muli %add3A, %mul3A_1025 : i32
    "tpu.region"() ({
      %run_scoped3A = tpu.sem_alloc : memref<!tpu.dma_semaphore, #tpu.memory_space<semaphore_mem>>
      %dma_start3A = arith.constant 0 : i32
      %dma_start3A_1035 = tpu.memref_slice %arg12[%dma_start3A] : memref<144xi32, #tpu.memory_space<vmem>> -> memref<128xi32, #tpu.memory_space<vmem>>
      %dma_start3A_1036 = tpu.memref_slice %arg5[%mul3A_1026] : memref<4096xi32, #tpu.memory_space<hbm>> -> memref<128xi32, #tpu.memory_space<hbm>>
      %dma_start3A_1037 = arith.constant 0 : i32
      %dma_start3A_1038 = tpu.memref_slice %arg12[%dma_start3A_1037] : memref<144xi32, #tpu.memory_space<vmem>> -> memref<128xi32, #tpu.memory_space<vmem>>
      %dma_start3A_1039 = tpu.memref_slice %arg5[%mul3A_1026] : memref<4096xi32, #tpu.memory_space<hbm>> -> memref<128xi32, #tpu.memory_space<hbm>>
      tpu.enqueue_dma source(%dma_start3A_1039 : memref<128xi32, #tpu.memory_space<hbm>>) target(%dma_start3A_1038 : memref<128xi32, #tpu.memory_space<vmem>>) target_semaphore(%run_scoped3A : memref<!tpu.dma_semaphore, #tpu.memory_space<semaphore_mem>>)
      %dma_wait3A = arith.constant 0 : i32
      %dma_wait3A_1040 = tpu.memref_slice %arg12[%dma_wait3A] : memref<144xi32, #tpu.memory_space<vmem>> -> memref<128xi32, #tpu.memory_space<vmem>>
      %dma_wait3A_1041 = tpu.memref_slice %arg5[%mul3A_1026] : memref<4096xi32, #tpu.memory_space<hbm>> -> memref<128xi32, #tpu.memory_space<hbm>>
      %dma_wait3A_1042 = arith.constant 0 : i32
      %dma_wait3A_1043 = tpu.memref_slice %arg12[%dma_wait3A_1042] : memref<144xi32, #tpu.memory_space<vmem>> -> memref<128xi32, #tpu.memory_space<vmem>>
      %dma_wait3A_1044 = tpu.memref_slice %arg5[%mul3A_1026] : memref<4096xi32, #tpu.memory_space<hbm>> -> memref<128xi32, #tpu.memory_space<hbm>>
      tpu.wait_dma2 semaphore(%run_scoped3A : memref<!tpu.dma_semaphore, #tpu.memory_space<semaphore_mem>>) src(%dma_wait3A_1044 : memref<128xi32, #tpu.memory_space<hbm>>) dst(%dma_wait3A_1043 : memref<128xi32, #tpu.memory_space<vmem>>)
      tpu.yield
    }) : () -> ()
    %barrier3A = arith.constant 0 : index
    tpu.barrier barrier_id(%barrier3A)
    %scan3A = arith.constant 0 : i32
    %scan3A_1027 = arith.constant 0 : i32
    %scan3A_1028 = arith.constant 125 : i32
    %scan3A_1029 = arith.addi %scan3A_1027, %scan3A_1028 : i32
    %scan3A_1030 = arith.constant 1 : i32
    scf.for %scan3A_1035 = %scan3A_1027 to %scan3A_1029 step %scan3A_1030  : i32 {
      %get3A = arith.index_cast %scan3A_1035 : i32 to index
      %get3A_1036 = tpu.vector_load %arg12[%get3A] {strides = array<i32>} : memref<144xi32, #tpu.memory_space<vmem>>, vector<16xi32>,
      %get3A_1037 = vector.shape_cast %get3A_1036 : vector<16xi32> to vector<16xi32>
      %slice3A = vector.extract_strided_slice %get3A_1037 {offsets = [0], sizes = [1], strides = [1]} : vector<16xi32> to vector<1xi32>
      %squeeze3A = vector.extract %slice3A[0] : i32 from vector<1xi32>
      %gt3A = arith.constant 0 : i32
      %gt3A_1038 = arith.cmpi sgt, %squeeze3A, %gt3A : i32
      %convert_element_type3A_1039 = arith.extui %gt3A_1038 : i1 to i32
      %cond3A_1040 = arith.constant 0 : i32
      %cond3A_1041 = arith.cmpi ne, %convert_element_type3A_1039, %cond3A_1040 : i32
      scf.if %cond3A_1041 {
        %mul3A_1042 = arith.constant 80 : i32
        %mul3A_1043 = arith.muli %scan3A_1035, %mul3A_1042 : i32
        %add3A_1044 = arith.constant 0 : i32
        %add3A_1045 = arith.addi %mul3A_1043, %add3A_1044 : i32
        %get3A_1046 = arith.index_cast %add3A_1045 : i32 to index
        %get3A_1047 = tpu.vector_load %arg7[%get3A_1046] {strides = array<i32>} : memref<10000xi32, #tpu.memory_space<vmem>>, vector<16xi32>,
        %get3A_1048 = vector.shape_cast %get3A_1047 : vector<16xi32> to vector<16xi32>
        %mul3A_1049 = arith.constant 80 : i32
        %mul3A_1050 = arith.muli %scan3A_1035, %mul3A_1049 : i32
        %add3A_1051 = arith.constant 0 : i32
        %add3A_1052 = arith.addi %mul3A_1050, %add3A_1051 : i32
        %get3A_1053 = arith.index_cast %add3A_1052 : i32 to index
        %get3A_1054 = tpu.vector_load %arg8[%get3A_1053] {strides = array<i32>} : memref<10000xi32, #tpu.memory_space<vmem>>, vector<16xi32>,
        %get3A_1055 = vector.shape_cast %get3A_1054 : vector<16xi32> to vector<16xi32>
        %jit3A = arith.constant 1250 : i32
        %eq3A_1056 = arith.constant 0 : i32
        %eq3A_1057 = arith.cmpi eq, %jit3A, %eq3A_1056 : i32
        %jit3A_1058 = arith.constant 1 : i32
        %select_n3A = arith.select %eq3A_1057, %jit3A_1058, %jit3A : i32
        %rem3A = vector.broadcast %select_n3A : i32 to vector<16xi32>
        %rem3A_1059 = arith.remsi %get3A_1048, %rem3A : vector<16xi32>
        %ne3A = arith.constant 0 : i32
        %ne3A_1060 = vector.broadcast %ne3A : i32 to vector<16xi32>
        %ne3A_1061 = arith.cmpi ne, %rem3A_1059, %ne3A_1060 : vector<16xi32>
        %lt3A = arith.constant 0 : i32
        %lt3A_1062 = vector.broadcast %lt3A : i32 to vector<16xi32>
        %lt3A_1063 = arith.cmpi slt, %rem3A_1059, %lt3A_1062 : vector<16xi32>
        %lt3A_1064 = arith.constant 0 : i32
        %lt3A_1065 = arith.cmpi slt, %select_n3A, %lt3A_1064 : i32
        %ne3A_1066 = vector.broadcast %lt3A_1065 : i1 to vector<16xi1>
        %ne3A_1067 = vector.broadcast %ne3A_1066 : vector<16xi1> to vector<16xi1>
        %ne3A_1068 = arith.xori %lt3A_1063, %ne3A_1067 : vector<16xi1>
        %and3A = arith.andi %ne3A_1068, %ne3A_1061 : vector<16xi1>
        %add3A_1069 = vector.broadcast %select_n3A : i32 to vector<16xi32>
        %add3A_1070 = arith.addi %rem3A_1059, %add3A_1069 : vector<16xi32>
        %select_n3A_1071 = arith.select %and3A, %add3A_1070, %rem3A_1059 : vector<16xi1>, vector<16xi32>
        %eq3A_1072 = arith.constant 0 : i32
        %eq3A_1073 = vector.broadcast %eq3A_1072 : i32 to vector<16xi32>
        %eq3A_1074 = arith.cmpi eq, %select_n3A_1071, %eq3A_1073 : vector<16xi32>
        %jit3A_1075 = arith.constant 0 : i32
        %broadcast_in_dim3A_1076 = vector.broadcast %jit3A_1075 : i32 to vector<16xi32>
        %select_n3A_1077 = arith.select %eq3A_1074, %get3A_1055, %broadcast_in_dim3A_1076 : vector<16xi1>, vector<16xi32>
        %swap3A_1078 = arith.constant 0 : index
        %swap3A_1079 = tpu.vector_load %arg10[%swap3A_1078] {strides = array<i32>} : memref<80xi32, #tpu.memory_space<vmem>>, vector<16xi32>,
        %swap3A_1080 = vector.shape_cast %swap3A_1079 : vector<16xi32> to vector<16xi32>
        %swap3A_1081 = vector.shape_cast %select_n3A_1077 : vector<16xi32> to vector<16xi32>
        tpu.vector_store %arg10[%swap3A_1078], %swap3A_1081 {strides = array<i32>} : memref<80xi32, #tpu.memory_space<vmem>>, vector<16xi32>,
        %convert_element_type3A_1082 = arith.sitofp %get3A_1048 : vector<16xi32> to vector<16xf32>
        %mul3A_1083 = arith.constant 8.000000e-04 : f32
        %mul3A_1084 = vector.broadcast %mul3A_1083 : f32 to vector<16xf32>
        %mul3A_1085 = arith.mulf %convert_element_type3A_1082, %mul3A_1084 : vector<16xf32>
        %add3A_1086 = arith.constant 5.000000e-01 : f32
        %add3A_1087 = vector.broadcast %add3A_1086 : f32 to vector<16xf32>
        %add3A_1088 = arith.addf %mul3A_1085, %add3A_1087 : vector<16xf32>
        %convert_element_type3A_1089 = arith.fptosi %add3A_1088 : vector<16xf32> to vector<16xi32>
        %jit3A_1090 = arith.constant 8 : i32
        %broadcast_in_dim3A_1091 = vector.broadcast %jit3A_1090 : i32 to vector<16xi32>
        %select_n3A_1092 = arith.select %eq3A_1074, %convert_element_type3A_1089, %broadcast_in_dim3A_1091 : vector<16xi1>, vector<16xi32>
        %swap3A_1093 = arith.constant 0 : index
        %swap3A_1094 = tpu.vector_load %arg11[%swap3A_1093] {strides = array<i32>} : memref<80xi32, #tpu.memory_space<vmem>>, vector<16xi32>,
        %swap3A_1095 = vector.shape_cast %swap3A_1094 : vector<16xi32> to vector<16xi32>
        %swap3A_1096 = vector.shape_cast %select_n3A_1092 : vector<16xi32> to vector<16xi32>
        tpu.vector_store %arg11[%swap3A_1093], %swap3A_1096 {strides = array<i32>} : memref<80xi32, #tpu.memory_space<vmem>>, vector<16xi32>,
        %mul3A_1097 = arith.constant 80 : i32
        %mul3A_1098 = arith.muli %scan3A_1035, %mul3A_1097 : i32
        %add3A_1099 = arith.constant 16 : i32
        %add3A_1100 = arith.addi %mul3A_1098, %add3A_1099 : i32
        %get3A_1101 = arith.index_cast %add3A_1100 : i32 to index
        %get3A_1102 = tpu.vector_load %arg7[%get3A_1101] {strides = array<i32>} : memref<10000xi32, #tpu.memory_space<vmem>>, vector<16xi32>,
        %get3A_1103 = vector.shape_cast %get3A_1102 : vector<16xi32> to vector<16xi32>
        %mul3A_1104 = arith.constant 80 : i32
        %mul3A_1105 = arith.muli %scan3A_1035, %mul3A_1104 : i32
        %add3A_1106 = arith.constant 16 : i32
        %add3A_1107 = arith.addi %mul3A_1105, %add3A_1106 : i32
        %get3A_1108 = arith.index_cast %add3A_1107 : i32 to index
        %get3A_1109 = tpu.vector_load %arg8[%get3A_1108] {strides = array<i32>} : memref<10000xi32, #tpu.memory_space<vmem>>, vector<16xi32>,
        %get3A_1110 = vector.shape_cast %get3A_1109 : vector<16xi32> to vector<16xi32>
        %jit3A_1111 = arith.constant 1250 : i32
        %eq3A_1112 = arith.constant 0 : i32
        %eq3A_1113 = arith.cmpi eq, %jit3A_1111, %eq3A_1112 : i32
        %jit3A_1114 = arith.constant 1 : i32
        %select_n3A_1115 = arith.select %eq3A_1113, %jit3A_1114, %jit3A_1111 : i32
        %rem3A_1116 = vector.broadcast %select_n3A_1115 : i32 to vector<16xi32>
        %rem3A_1117 = arith.remsi %get3A_1103, %rem3A_1116 : vector<16xi32>
        %ne3A_1118 = arith.constant 0 : i32
        %ne3A_1119 = vector.broadcast %ne3A_1118 : i32 to vector<16xi32>
        %ne3A_1120 = arith.cmpi ne, %rem3A_1117, %ne3A_1119 : vector<16xi32>
        %lt3A_1121 = arith.constant 0 : i32
        %lt3A_1122 = vector.broadcast %lt3A_1121 : i32 to vector<16xi32>
        %lt3A_1123 = arith.cmpi slt, %rem3A_1117, %lt3A_1122 : vector<16xi32>
        %lt3A_1124 = arith.constant 0 : i32
        %lt3A_1125 = arith.cmpi slt, %select_n3A_1115, %lt3A_1124 : i32
        %ne3A_1126 = vector.broadcast %lt3A_1125 : i1 to vector<16xi1>
        %ne3A_1127 = vector.broadcast %ne3A_1126 : vector<16xi1> to vector<16xi1>
        %ne3A_1128 = arith.xori %lt3A_1123, %ne3A_1127 : vector<16xi1>
        %and3A_1129 = arith.andi %ne3A_1128, %ne3A_1120 : vector<16xi1>
        %add3A_1130 = vector.broadcast %select_n3A_1115 : i32 to vector<16xi32>
        %add3A_1131 = arith.addi %rem3A_1117, %add3A_1130 : vector<16xi32>
        %select_n3A_1132 = arith.select %and3A_1129, %add3A_1131, %rem3A_1117 : vector<16xi1>, vector<16xi32>
        %eq3A_1133 = arith.constant 0 : i32
        %eq3A_1134 = vector.broadcast %eq3A_1133 : i32 to vector<16xi32>
        %eq3A_1135 = arith.cmpi eq, %select_n3A_1132, %eq3A_1134 : vector<16xi32>
        %jit3A_1136 = arith.constant 0 : i32
        %broadcast_in_dim3A_1137 = vector.broadcast %jit3A_1136 : i32 to vector<16xi32>
        %select_n3A_1138 = arith.select %eq3A_1135, %get3A_1110, %broadcast_in_dim3A_1137 : vector<16xi1>, vector<16xi32>
        %swap3A_1139 = arith.constant 16 : index
        %swap3A_1140 = tpu.vector_load %arg10[%swap3A_1139] {strides = array<i32>} : memref<80xi32, #tpu.memory_space<vmem>>, vector<16xi32>,
        %swap3A_1141 = vector.shape_cast %swap3A_1140 : vector<16xi32> to vector<16xi32>
        %swap3A_1142 = vector.shape_cast %select_n3A_1138 : vector<16xi32> to vector<16xi32>
        tpu.vector_store %arg10[%swap3A_1139], %swap3A_1142 {strides = array<i32>} : memref<80xi32, #tpu.memory_space<vmem>>, vector<16xi32>,
        %convert_element_type3A_1143 = arith.sitofp %get3A_1103 : vector<16xi32> to vector<16xf32>
        %mul3A_1144 = arith.constant 8.000000e-04 : f32
        %mul3A_1145 = vector.broadcast %mul3A_1144 : f32 to vector<16xf32>
        %mul3A_1146 = arith.mulf %convert_element_type3A_1143, %mul3A_1145 : vector<16xf32>
        %add3A_1147 = arith.constant 5.000000e-01 : f32
        %add3A_1148 = vector.broadcast %add3A_1147 : f32 to vector<16xf32>
        %add3A_1149 = arith.addf %mul3A_1146, %add3A_1148 : vector<16xf32>
        %convert_element_type3A_1150 = arith.fptosi %add3A_1149 : vector<16xf32> to vector<16xi32>
        %jit3A_1151 = arith.constant 8 : i32
        %broadcast_in_dim3A_1152 = vector.broadcast %jit3A_1151 : i32 to vector<16xi32>
        %select_n3A_1153 = arith.select %eq3A_1135, %convert_element_type3A_1150, %broadcast_in_dim3A_1152 : vector<16xi1>, vector<16xi32>
        %swap3A_1154 = arith.constant 16 : index
        %swap3A_1155 = tpu.vector_load %arg11[%swap3A_1154] {strides = array<i32>} : memref<80xi32, #tpu.memory_space<vmem>>, vector<16xi32>,
        %swap3A_1156 = vector.shape_cast %swap3A_1155 : vector<16xi32> to vector<16xi32>
        %swap3A_1157 = vector.shape_cast %select_n3A_1153 : vector<16xi32> to vector<16xi32>
        tpu.vector_store %arg11[%swap3A_1154], %swap3A_1157 {strides = array<i32>} : memref<80xi32, #tpu.memory_space<vmem>>, vector<16xi32>,
        %mul3A_1158 = arith.constant 80 : i32
        %mul3A_1159 = arith.muli %scan3A_1035, %mul3A_1158 : i32
        %add3A_1160 = arith.constant 32 : i32
        %add3A_1161 = arith.addi %mul3A_1159, %add3A_1160 : i32
        %get3A_1162 = arith.index_cast %add3A_1161 : i32 to index
        %get3A_1163 = tpu.vector_load %arg7[%get3A_1162] {strides = array<i32>} : memref<10000xi32, #tpu.memory_space<vmem>>, vector<16xi32>,
        %get3A_1164 = vector.shape_cast %get3A_1163 : vector<16xi32> to vector<16xi32>
        %mul3A_1165 = arith.constant 80 : i32
        %mul3A_1166 = arith.muli %scan3A_1035, %mul3A_1165 : i32
        %add3A_1167 = arith.constant 32 : i32
        %add3A_1168 = arith.addi %mul3A_1166, %add3A_1167 : i32
        %get3A_1169 = arith.index_cast %add3A_1168 : i32 to index
        %get3A_1170 = tpu.vector_load %arg8[%get3A_1169] {strides = array<i32>} : memref<10000xi32, #tpu.memory_space<vmem>>, vector<16xi32>,
        %get3A_1171 = vector.shape_cast %get3A_1170 : vector<16xi32> to vector<16xi32>
        %jit3A_1172 = arith.constant 1250 : i32
        %eq3A_1173 = arith.constant 0 : i32
        %eq3A_1174 = arith.cmpi eq, %jit3A_1172, %eq3A_1173 : i32
        %jit3A_1175 = arith.constant 1 : i32
        %select_n3A_1176 = arith.select %eq3A_1174, %jit3A_1175, %jit3A_1172 : i32
        %rem3A_1177 = vector.broadcast %select_n3A_1176 : i32 to vector<16xi32>
        %rem3A_1178 = arith.remsi %get3A_1164, %rem3A_1177 : vector<16xi32>
        %ne3A_1179 = arith.constant 0 : i32
        %ne3A_1180 = vector.broadcast %ne3A_1179 : i32 to vector<16xi32>
        %ne3A_1181 = arith.cmpi ne, %rem3A_1178, %ne3A_1180 : vector<16xi32>
        %lt3A_1182 = arith.constant 0 : i32
        %lt3A_1183 = vector.broadcast %lt3A_1182 : i32 to vector<16xi32>
        %lt3A_1184 = arith.cmpi slt, %rem3A_1178, %lt3A_1183 : vector<16xi32>
        %lt3A_1185 = arith.constant 0 : i32
        %lt3A_1186 = arith.cmpi slt, %select_n3A_1176, %lt3A_1185 : i32
        %ne3A_1187 = vector.broadcast %lt3A_1186 : i1 to vector<16xi1>
        %ne3A_1188 = vector.broadcast %ne3A_1187 : vector<16xi1> to vector<16xi1>
        %ne3A_1189 = arith.xori %lt3A_1184, %ne3A_1188 : vector<16xi1>
        %and3A_1190 = arith.andi %ne3A_1189, %ne3A_1181 : vector<16xi1>
        %add3A_1191 = vector.broadcast %select_n3A_1176 : i32 to vector<16xi32>
        %add3A_1192 = arith.addi %rem3A_1178, %add3A_1191 : vector<16xi32>
        %select_n3A_1193 = arith.select %and3A_1190, %add3A_1192, %rem3A_1178 : vector<16xi1>, vector<16xi32>
        %eq3A_1194 = arith.constant 0 : i32
        %eq3A_1195 = vector.broadcast %eq3A_1194 : i32 to vector<16xi32>
        %eq3A_1196 = arith.cmpi eq, %select_n3A_1193, %eq3A_1195 : vector<16xi32>
        %jit3A_1197 = arith.constant 0 : i32
        %broadcast_in_dim3A_1198 = vector.broadcast %jit3A_1197 : i32 to vector<16xi32>
        %select_n3A_1199 = arith.select %eq3A_1196, %get3A_1171, %broadcast_in_dim3A_1198 : vector<16xi1>, vector<16xi32>
        %swap3A_1200 = arith.constant 32 : index
        %swap3A_1201 = tpu.vector_load %arg10[%swap3A_1200] {strides = array<i32>} : memref<80xi32, #tpu.memory_space<vmem>>, vector<16xi32>,
        %swap3A_1202 = vector.shape_cast %swap3A_1201 : vector<16xi32> to vector<16xi32>
        %swap3A_1203 = vector.shape_cast %select_n3A_1199 : vector<16xi32> to vector<16xi32>
        tpu.vector_store %arg10[%swap3A_1200], %swap3A_1203 {strides = array<i32>} : memref<80xi32, #tpu.memory_space<vmem>>, vector<16xi32>,
        %convert_element_type3A_1204 = arith.sitofp %get3A_1164 : vector<16xi32> to vector<16xf32>
        %mul3A_1205 = arith.constant 8.000000e-04 : f32
        %mul3A_1206 = vector.broadcast %mul3A_1205 : f32 to vector<16xf32>
        %mul3A_1207 = arith.mulf %convert_element_type3A_1204, %mul3A_1206 : vector<16xf32>
        %add3A_1208 = arith.constant 5.000000e-01 : f32
        %add3A_1209 = vector.broadcast %add3A_1208 : f32 to vector<16xf32>
        %add3A_1210 = arith.addf %mul3A_1207, %add3A_1209 : vector<16xf32>
        %convert_element_type3A_1211 = arith.fptosi %add3A_1210 : vector<16xf32> to vector<16xi32>
        %jit3A_1212 = arith.constant 8 : i32
        %broadcast_in_dim3A_1213 = vector.broadcast %jit3A_1212 : i32 to vector<16xi32>
        %select_n3A_1214 = arith.select %eq3A_1196, %convert_element_type3A_1211, %broadcast_in_dim3A_1213 : vector<16xi1>, vector<16xi32>
        %swap3A_1215 = arith.constant 32 : index
        %swap3A_1216 = tpu.vector_load %arg11[%swap3A_1215] {strides = array<i32>} : memref<80xi32, #tpu.memory_space<vmem>>, vector<16xi32>,
        %swap3A_1217 = vector.shape_cast %swap3A_1216 : vector<16xi32> to vector<16xi32>
        %swap3A_1218 = vector.shape_cast %select_n3A_1214 : vector<16xi32> to vector<16xi32>
        tpu.vector_store %arg11[%swap3A_1215], %swap3A_1218 {strides = array<i32>} : memref<80xi32, #tpu.memory_space<vmem>>, vector<16xi32>,
        %mul3A_1219 = arith.constant 80 : i32
        %mul3A_1220 = arith.muli %scan3A_1035, %mul3A_1219 : i32
        %add3A_1221 = arith.constant 48 : i32
        %add3A_1222 = arith.addi %mul3A_1220, %add3A_1221 : i32
        %get3A_1223 = arith.index_cast %add3A_1222 : i32 to index
        %get3A_1224 = tpu.vector_load %arg7[%get3A_1223] {strides = array<i32>} : memref<10000xi32, #tpu.memory_space<vmem>>, vector<16xi32>,
        %get3A_1225 = vector.shape_cast %get3A_1224 : vector<16xi32> to vector<16xi32>
        %mul3A_1226 = arith.constant 80 : i32
        %mul3A_1227 = arith.muli %scan3A_1035, %mul3A_1226 : i32
        %add3A_1228 = arith.constant 48 : i32
        %add3A_1229 = arith.addi %mul3A_1227, %add3A_1228 : i32
        %get3A_1230 = arith.index_cast %add3A_1229 : i32 to index
        %get3A_1231 = tpu.vector_load %arg8[%get3A_1230] {strides = array<i32>} : memref<10000xi32, #tpu.memory_space<vmem>>, vector<16xi32>,
        %get3A_1232 = vector.shape_cast %get3A_1231 : vector<16xi32> to vector<16xi32>
        %jit3A_1233 = arith.constant 1250 : i32
        %eq3A_1234 = arith.constant 0 : i32
        %eq3A_1235 = arith.cmpi eq, %jit3A_1233, %eq3A_1234 : i32
        %jit3A_1236 = arith.constant 1 : i32
        %select_n3A_1237 = arith.select %eq3A_1235, %jit3A_1236, %jit3A_1233 : i32
        %rem3A_1238 = vector.broadcast %select_n3A_1237 : i32 to vector<16xi32>
        %rem3A_1239 = arith.remsi %get3A_1225, %rem3A_1238 : vector<16xi32>
        %ne3A_1240 = arith.constant 0 : i32
        %ne3A_1241 = vector.broadcast %ne3A_1240 : i32 to vector<16xi32>
        %ne3A_1242 = arith.cmpi ne, %rem3A_1239, %ne3A_1241 : vector<16xi32>
        %lt3A_1243 = arith.constant 0 : i32
        %lt3A_1244 = vector.broadcast %lt3A_1243 : i32 to vector<16xi32>
        %lt3A_1245 = arith.cmpi slt, %rem3A_1239, %lt3A_1244 : vector<16xi32>
        %lt3A_1246 = arith.constant 0 : i32
        %lt3A_1247 = arith.cmpi slt, %select_n3A_1237, %lt3A_1246 : i32
        %ne3A_1248 = vector.broadcast %lt3A_1247 : i1 to vector<16xi1>
        %ne3A_1249 = vector.broadcast %ne3A_1248 : vector<16xi1> to vector<16xi1>
        %ne3A_1250 = arith.xori %lt3A_1245, %ne3A_1249 : vector<16xi1>
        %and3A_1251 = arith.andi %ne3A_1250, %ne3A_1242 : vector<16xi1>
        %add3A_1252 = vector.broadcast %select_n3A_1237 : i32 to vector<16xi32>
        %add3A_1253 = arith.addi %rem3A_1239, %add3A_1252 : vector<16xi32>
        %select_n3A_1254 = arith.select %and3A_1251, %add3A_1253, %rem3A_1239 : vector<16xi1>, vector<16xi32>
        %eq3A_1255 = arith.constant 0 : i32
        %eq3A_1256 = vector.broadcast %eq3A_1255 : i32 to vector<16xi32>
        %eq3A_1257 = arith.cmpi eq, %select_n3A_1254, %eq3A_1256 : vector<16xi32>
        %jit3A_1258 = arith.constant 0 : i32
        %broadcast_in_dim3A_1259 = vector.broadcast %jit3A_1258 : i32 to vector<16xi32>
        %select_n3A_1260 = arith.select %eq3A_1257, %get3A_1232, %broadcast_in_dim3A_1259 : vector<16xi1>, vector<16xi32>
        %swap3A_1261 = arith.constant 48 : index
        %swap3A_1262 = tpu.vector_load %arg10[%swap3A_1261] {strides = array<i32>} : memref<80xi32, #tpu.memory_space<vmem>>, vector<16xi32>,
        %swap3A_1263 = vector.shape_cast %swap3A_1262 : vector<16xi32> to vector<16xi32>
        %swap3A_1264 = vector.shape_cast %select_n3A_1260 : vector<16xi32> to vector<16xi32>
        tpu.vector_store %arg10[%swap3A_1261], %swap3A_1264 {strides = array<i32>} : memref<80xi32, #tpu.memory_space<vmem>>, vector<16xi32>,
        %convert_element_type3A_1265 = arith.sitofp %get3A_1225 : vector<16xi32> to vector<16xf32>
        %mul3A_1266 = arith.constant 8.000000e-04 : f32
        %mul3A_1267 = vector.broadcast %mul3A_1266 : f32 to vector<16xf32>
        %mul3A_1268 = arith.mulf %convert_element_type3A_1265, %mul3A_1267 : vector<16xf32>
        %add3A_1269 = arith.constant 5.000000e-01 : f32
        %add3A_1270 = vector.broadcast %add3A_1269 : f32 to vector<16xf32>
        %add3A_1271 = arith.addf %mul3A_1268, %add3A_1270 : vector<16xf32>
        %convert_element_type3A_1272 = arith.fptosi %add3A_1271 : vector<16xf32> to vector<16xi32>
        %jit3A_1273 = arith.constant 8 : i32
        %broadcast_in_dim3A_1274 = vector.broadcast %jit3A_1273 : i32 to vector<16xi32>
        %select_n3A_1275 = arith.select %eq3A_1257, %convert_element_type3A_1272, %broadcast_in_dim3A_1274 : vector<16xi1>, vector<16xi32>
        %swap3A_1276 = arith.constant 48 : index
        %swap3A_1277 = tpu.vector_load %arg11[%swap3A_1276] {strides = array<i32>} : memref<80xi32, #tpu.memory_space<vmem>>, vector<16xi32>,
        %swap3A_1278 = vector.shape_cast %swap3A_1277 : vector<16xi32> to vector<16xi32>
        %swap3A_1279 = vector.shape_cast %select_n3A_1275 : vector<16xi32> to vector<16xi32>
        tpu.vector_store %arg11[%swap3A_1276], %swap3A_1279 {strides = array<i32>} : memref<80xi32, #tpu.memory_space<vmem>>, vector<16xi32>,
        %mul3A_1280 = arith.constant 80 : i32
        %mul3A_1281 = arith.muli %scan3A_1035, %mul3A_1280 : i32
        %add3A_1282 = arith.constant 64 : i32
        %add3A_1283 = arith.addi %mul3A_1281, %add3A_1282 : i32
        %get3A_1284 = arith.index_cast %add3A_1283 : i32 to index
        %get3A_1285 = tpu.vector_load %arg7[%get3A_1284] {strides = array<i32>} : memref<10000xi32, #tpu.memory_space<vmem>>, vector<16xi32>,
        %get3A_1286 = vector.shape_cast %get3A_1285 : vector<16xi32> to vector<16xi32>
        %mul3A_1287 = arith.constant 80 : i32
        %mul3A_1288 = arith.muli %scan3A_1035, %mul3A_1287 : i32
        %add3A_1289 = arith.constant 64 : i32
        %add3A_1290 = arith.addi %mul3A_1288, %add3A_1289 : i32
        %get3A_1291 = arith.index_cast %add3A_1290 : i32 to index
        %get3A_1292 = tpu.vector_load %arg8[%get3A_1291] {strides = array<i32>} : memref<10000xi32, #tpu.memory_space<vmem>>, vector<16xi32>,
        %get3A_1293 = vector.shape_cast %get3A_1292 : vector<16xi32> to vector<16xi32>
        %jit3A_1294 = arith.constant 1250 : i32
        %eq3A_1295 = arith.constant 0 : i32
        %eq3A_1296 = arith.cmpi eq, %jit3A_1294, %eq3A_1295 : i32
        %jit3A_1297 = arith.constant 1 : i32
        %select_n3A_1298 = arith.select %eq3A_1296, %jit3A_1297, %jit3A_1294 : i32
        %rem3A_1299 = vector.broadcast %select_n3A_1298 : i32 to vector<16xi32>
        %rem3A_1300 = arith.remsi %get3A_1286, %rem3A_1299 : vector<16xi32>
        %ne3A_1301 = arith.constant 0 : i32
        %ne3A_1302 = vector.broadcast %ne3A_1301 : i32 to vector<16xi32>
        %ne3A_1303 = arith.cmpi ne, %rem3A_1300, %ne3A_1302 : vector<16xi32>
        %lt3A_1304 = arith.constant 0 : i32
        %lt3A_1305 = vector.broadcast %lt3A_1304 : i32 to vector<16xi32>
        %lt3A_1306 = arith.cmpi slt, %rem3A_1300, %lt3A_1305 : vector<16xi32>
        %lt3A_1307 = arith.constant 0 : i32
        %lt3A_1308 = arith.cmpi slt, %select_n3A_1298, %lt3A_1307 : i32
        %ne3A_1309 = vector.broadcast %lt3A_1308 : i1 to vector<16xi1>
        %ne3A_1310 = vector.broadcast %ne3A_1309 : vector<16xi1> to vector<16xi1>
        %ne3A_1311 = arith.xori %lt3A_1306, %ne3A_1310 : vector<16xi1>
        %and3A_1312 = arith.andi %ne3A_1311, %ne3A_1303 : vector<16xi1>
        %add3A_1313 = vector.broadcast %select_n3A_1298 : i32 to vector<16xi32>
        %add3A_1314 = arith.addi %rem3A_1300, %add3A_1313 : vector<16xi32>
        %select_n3A_1315 = arith.select %and3A_1312, %add3A_1314, %rem3A_1300 : vector<16xi1>, vector<16xi32>
        %eq3A_1316 = arith.constant 0 : i32
        %eq3A_1317 = vector.broadcast %eq3A_1316 : i32 to vector<16xi32>
        %eq3A_1318 = arith.cmpi eq, %select_n3A_1315, %eq3A_1317 : vector<16xi32>
        %jit3A_1319 = arith.constant 0 : i32
        %broadcast_in_dim3A_1320 = vector.broadcast %jit3A_1319 : i32 to vector<16xi32>
        %select_n3A_1321 = arith.select %eq3A_1318, %get3A_1293, %broadcast_in_dim3A_1320 : vector<16xi1>, vector<16xi32>
        %swap3A_1322 = arith.constant 64 : index
        %swap3A_1323 = tpu.vector_load %arg10[%swap3A_1322] {strides = array<i32>} : memref<80xi32, #tpu.memory_space<vmem>>, vector<16xi32>,
        %swap3A_1324 = vector.shape_cast %swap3A_1323 : vector<16xi32> to vector<16xi32>
        %swap3A_1325 = vector.shape_cast %select_n3A_1321 : vector<16xi32> to vector<16xi32>
        tpu.vector_store %arg10[%swap3A_1322], %swap3A_1325 {strides = array<i32>} : memref<80xi32, #tpu.memory_space<vmem>>, vector<16xi32>,
        %convert_element_type3A_1326 = arith.sitofp %get3A_1286 : vector<16xi32> to vector<16xf32>
        %mul3A_1327 = arith.constant 8.000000e-04 : f32
        %mul3A_1328 = vector.broadcast %mul3A_1327 : f32 to vector<16xf32>
        %mul3A_1329 = arith.mulf %convert_element_type3A_1326, %mul3A_1328 : vector<16xf32>
        %add3A_1330 = arith.constant 5.000000e-01 : f32
        %add3A_1331 = vector.broadcast %add3A_1330 : f32 to vector<16xf32>
        %add3A_1332 = arith.addf %mul3A_1329, %add3A_1331 : vector<16xf32>
        %convert_element_type3A_1333 = arith.fptosi %add3A_1332 : vector<16xf32> to vector<16xi32>
        %jit3A_1334 = arith.constant 8 : i32
        %broadcast_in_dim3A_1335 = vector.broadcast %jit3A_1334 : i32 to vector<16xi32>
        %select_n3A_1336 = arith.select %eq3A_1318, %convert_element_type3A_1333, %broadcast_in_dim3A_1335 : vector<16xi1>, vector<16xi32>
        %swap3A_1337 = arith.constant 64 : index
        %swap3A_1338 = tpu.vector_load %arg11[%swap3A_1337] {strides = array<i32>} : memref<80xi32, #tpu.memory_space<vmem>>, vector<16xi32>,
        %swap3A_1339 = vector.shape_cast %swap3A_1338 : vector<16xi32> to vector<16xi32>
        %swap3A_1340 = vector.shape_cast %select_n3A_1336 : vector<16xi32> to vector<16xi32>
        tpu.vector_store %arg11[%swap3A_1337], %swap3A_1340 {strides = array<i32>} : memref<80xi32, #tpu.memory_space<vmem>>, vector<16xi32>,
        "tpu.region"() ({
          %run_scoped3A = tpu.sem_alloc : memref<!tpu.dma_semaphore, #tpu.memory_space<semaphore_mem>>
          %dma_start3A = arith.constant 0 : i32
          %dma_start3A_1341 = arith.constant 0 : i32
          %dma_start3A_1342 = tpu.memref_slice %arg4[%dma_start3A, %dma_start3A_1341] : memref<10000x128xf32, #tpu.memory_space<hbm>> -> memref<10000x128xf32, #tpu.memory_space<hbm>>
          tpu.enqueue_indirect_dma source(%dma_start3A_1342 : memref<10000x128xf32, #tpu.memory_space<hbm>>) target(%arg9 : memref<80x128xf32, #tpu.memory_space<vmem>>) offsets(%arg10 : memref<80xi32, #tpu.memory_space<vmem>>) semaphore(%run_scoped3A : memref<!tpu.dma_semaphore, #tpu.memory_space<semaphore_mem>>)
          %dma_wait3A = arith.constant 0 : i32
          %dma_wait3A_1343 = arith.constant 0 : i32
          %dma_wait3A_1344 = tpu.memref_slice %arg4[%dma_wait3A, %dma_wait3A_1343] : memref<10000x128xf32, #tpu.memory_space<hbm>> -> memref<10000x128xf32, #tpu.memory_space<hbm>>
          tpu.wait_indirect_dma semaphore(%run_scoped3A : memref<!tpu.dma_semaphore, #tpu.memory_space<semaphore_mem>>) src(%dma_wait3A_1344 : memref<10000x128xf32, #tpu.memory_space<hbm>>) dst(%arg9 : memref<80x128xf32, #tpu.memory_space<vmem>>)
          tpu.yield
        }) : () -> ()
        "tpu.region"() ({
          %run_scoped3A = tpu.sem_alloc : memref<!tpu.dma_semaphore, #tpu.memory_space<semaphore_mem>>
          %dma_start3A = arith.constant 0 : i32
          %dma_start3A_1341 = arith.constant 0 : i32
          %dma_start3A_1342 = tpu.memref_slice %arg13[%dma_start3A, %dma_start3A_1341] : memref<16x128xf32, #tpu.memory_space<vmem_shared>> -> memref<16x128xf32, #tpu.memory_space<vmem_shared>>
          tpu.enqueue_indirect_dma source(%arg9 : memref<80x128xf32, #tpu.memory_space<vmem>>) target(%dma_start3A_1342 : memref<16x128xf32, #tpu.memory_space<vmem_shared>>) offsets(%arg11 : memref<80xi32, #tpu.memory_space<vmem>>) semaphore(%run_scoped3A : memref<!tpu.dma_semaphore, #tpu.memory_space<semaphore_mem>>) {add = true}
          %dma_wait3A = arith.constant 0 : i32
          %dma_wait3A_1343 = arith.constant 0 : i32
          %dma_wait3A_1344 = tpu.memref_slice %arg13[%dma_wait3A, %dma_wait3A_1343] : memref<16x128xf32, #tpu.memory_space<vmem_shared>> -> memref<16x128xf32, #tpu.memory_space<vmem_shared>>
          tpu.wait_indirect_dma semaphore(%run_scoped3A : memref<!tpu.dma_semaphore, #tpu.memory_space<semaphore_mem>>) src(%arg9 : memref<80x128xf32, #tpu.memory_space<vmem>>) dst(%dma_wait3A_1344 : memref<16x128xf32, #tpu.memory_space<vmem_shared>>)
          tpu.yield
        }) : () -> ()
      } else {
      }
    }
    %scan3A_1031 = arith.constant 125 : i32
    %barrier3A_1032 = arith.constant 0 : index
    tpu.barrier barrier_id(%barrier3A_1032)
    %eq3A = arith.constant 0 : i32
    %eq3A_1033 = arith.cmpi eq, %arg1, %eq3A : i32
    %convert_element_type3A = arith.extui %eq3A_1033 : i1 to i32
    %cond3A = arith.constant 0 : i32
    %cond3A_1034 = arith.cmpi ne, %convert_element_type3A, %cond3A : i32
    scf.if %cond3A_1034 {
      "tpu.region"() ({
        %run_scoped3A = tpu.sem_alloc : memref<!tpu.dma_semaphore, #tpu.memory_space<semaphore_mem>>
        %dma_start3A = arith.constant 0 : i32
        %dma_start3A_1035 = arith.constant 0 : i32
        %dma_start3A_1036 = tpu.memref_slice %arg6[%arg0, %dma_start3A, %dma_start3A_1035] : memref<2x16x128xf32, #tpu.memory_space<hbm>> -> memref<1x16x128xf32, #tpu.memory_space<hbm>>
        %dma_start3A_1037 = tpu.memref_squeeze %dma_start3A_1036 : memref<1x16x128xf32, #tpu.memory_space<hbm>> -> memref<16x128xf32, #tpu.memory_space<hbm>>
        tpu.enqueue_dma source(%arg13 : memref<16x128xf32, #tpu.memory_space<vmem_shared>>) target(%dma_start3A_1037 : memref<16x128xf32, #tpu.memory_space<hbm>>) target_semaphore(%run_scoped3A : memref<!tpu.dma_semaphore, #tpu.memory_space<semaphore_mem>>)
        %dma_wait3A = arith.constant 0 : i32
        %dma_wait3A_1038 = arith.constant 0 : i32
        %dma_wait3A_1039 = tpu.memref_slice %arg6[%arg0, %dma_wait3A, %dma_wait3A_1038] : memref<2x16x128xf32, #tpu.memory_space<hbm>> -> memref<1x16x128xf32, #tpu.memory_space<hbm>>
        %dma_wait3A_1040 = tpu.memref_squeeze %dma_wait3A_1039 : memref<1x16x128xf32, #tpu.memory_space<hbm>> -> memref<16x128xf32, #tpu.memory_space<hbm>>
        tpu.wait_dma2 semaphore(%run_scoped3A : memref<!tpu.dma_semaphore, #tpu.memory_space<semaphore_mem>>) src(%arg13 : memref<16x128xf32, #tpu.memory_space<vmem_shared>>) dst(%dma_wait3A_1040 : memref<16x128xf32, #tpu.memory_space<hbm>>)
        tpu.yield
      }) : () -> ()
    } else {
    }
    return
  }
}

module attributes {stable_mosaic.version = 14 : i64} {
  func.func @_pre_body(%arg0: i32, %arg1: memref<2000x128xf32, #tpu.memory_space<vmem>>, %arg2: memref<128xf32, #tpu.memory_space<vmem>>, %arg3: memref<128xf32, #tpu.memory_space<vmem>>, %arg4: memref<128x128xf32, #tpu.memory_space<vmem>>, %arg5: memref<128xf32, #tpu.memory_space<vmem>>, %arg6: memref<800x80xi32, #tpu.memory_space<vmem>>, %arg7: memref<2000x128xf32, #tpu.memory_space<vmem>>, %arg8: memref<1x1x800xi32, #tpu.memory_space<vmem>>) attributes {dimension_semantics = [#tpu.dimension_semantics<arbitrary>], iteration_bounds = array<i64: 5>, scalar_prefetch = 0 : i64, scratch_operands = 0 : i64, tpu.core_type = #tpu.core_type<tc>, window_params = [{transform_indices = @transform_0, window_bounds = array<i64: 2000, 128>}, {pipeline_mode = #tpu.pipeline_mode<synchronous>, transform_indices = @transform_1, window_bounds = array<i64: 128>}, {pipeline_mode = #tpu.pipeline_mode<synchronous>, transform_indices = @transform_2, window_bounds = array<i64: 128>}, {pipeline_mode = #tpu.pipeline_mode<synchronous>, transform_indices = @transform_3, window_bounds = array<i64: 128, 128>}, {pipeline_mode = #tpu.pipeline_mode<synchronous>, transform_indices = @transform_4, window_bounds = array<i64: 128>}, {transform_indices = @transform_5, window_bounds = array<i64: 800, 80>}, {transform_indices = @transform_6, window_bounds = array<i64: 2000, 128>}, {transform_indices = @transform_7, window_bounds = array<i64: 1, 1, 800>}]} {
    %get3A = arith.constant 0 : index
    %get3A_0 = arith.constant 0 : index
    %get3A_1 = vector.load %arg1[%get3A, %get3A_0] : memref<2000x128xf32, #tpu.memory_space<vmem>>, vector<2000x128xf32>
    %get3A_2 = arith.constant 0 : index
    %get3A_3 = vector.load %arg2[%get3A_2] : memref<128xf32, #tpu.memory_space<vmem>>, vector<128xf32>
    %broadcast_in_dim3A = vector.shape_cast %get3A_3 : vector<128xf32> to vector<1x128xf32>
    %sub3A = vector.broadcast %broadcast_in_dim3A : vector<1x128xf32> to vector<2000x128xf32>
    %sub3A_4 = arith.subf %get3A_1, %sub3A : vector<2000x128xf32>
    %get3A_5 = arith.constant 0 : index
    %get3A_6 = vector.load %arg3[%get3A_5] : memref<128xf32, #tpu.memory_space<vmem>>, vector<128xf32>
    %broadcast_in_dim3A_7 = vector.shape_cast %get3A_6 : vector<128xf32> to vector<1x128xf32>
    %mul3A = vector.broadcast %broadcast_in_dim3A_7 : vector<1x128xf32> to vector<2000x128xf32>
    %mul3A_8 = arith.mulf %sub3A_4, %mul3A : vector<2000x128xf32>
    %get3A_9 = arith.constant 0 : index
    %get3A_10 = arith.constant 0 : index
    %get3A_11 = vector.load %arg4[%get3A_9, %get3A_10] : memref<128x128xf32, #tpu.memory_space<vmem>>, vector<128x128xf32>
    %dot_general3A = arith.constant dense<0.000000e+00> : vector<2000x128xf32>
    %dot_general3A_12 = tpu.matmul %mul3A_8, %get3A_11, %dot_general3A {dimension_numbers = #tpu.dot_dimension_numbers<[1], [0], [0], [1], [0, 0, 1, 1], [], []>, transpose_lhs_hint = false} : vector<2000x128xf32>, vector<128x128xf32>, vector<2000x128xf32> -> vector<2000x128xf32>
    %get3A_13 = arith.constant 0 : index
    %get3A_14 = vector.load %arg5[%get3A_13] : memref<128xf32, #tpu.memory_space<vmem>>, vector<128xf32>
    %broadcast_in_dim3A_15 = vector.shape_cast %get3A_14 : vector<128xf32> to vector<1x128xf32>
    %add3A = vector.broadcast %broadcast_in_dim3A_15 : vector<1x128xf32> to vector<2000x128xf32>
    %add3A_16 = arith.addf %dot_general3A_12, %add3A : vector<2000x128xf32>
    %tanh3A = math.tanh %add3A_16 : vector<2000x128xf32>
    %swap3A = arith.constant 0 : index
    %swap3A_17 = arith.constant 0 : index
    %swap3A_18 = vector.load %arg7[%swap3A, %swap3A_17] : memref<2000x128xf32, #tpu.memory_space<vmem>>, vector<2000x128xf32>
    tpu.vector_store %arg7[%swap3A, %swap3A_17], %tanh3A {strides = array<i32>} : memref<2000x128xf32, #tpu.memory_space<vmem>>, vector<2000x128xf32>,
    %get3A_19 = arith.constant 0 : index
    %get3A_20 = arith.constant 0 : index
    %get3A_21 = vector.load %arg6[%get3A_19, %get3A_20] : memref<800x80xi32, #tpu.memory_space<vmem>>, vector<800x80xi32>
    %jit3A = arith.constant 1250 : i32
    %eq3A = arith.constant 0 : i32
    %eq3A_22 = arith.cmpi eq, %jit3A, %eq3A : i32
    %jit3A_23 = arith.constant 1 : i32
    %select_n3A = arith.select %eq3A_22, %jit3A_23, %jit3A : i32
    %rem3A = vector.broadcast %select_n3A : i32 to vector<800x80xi32>
    %rem3A_24 = arith.remsi %get3A_21, %rem3A : vector<800x80xi32>
    %ne3A = arith.constant 0 : i32
    %ne3A_25 = vector.broadcast %ne3A : i32 to vector<800x80xi32>
    %ne3A_26 = arith.cmpi ne, %rem3A_24, %ne3A_25 : vector<800x80xi32>
    %lt3A = arith.constant 0 : i32
    %lt3A_27 = vector.broadcast %lt3A : i32 to vector<800x80xi32>
    %lt3A_28 = arith.cmpi slt, %rem3A_24, %lt3A_27 : vector<800x80xi32>
    %lt3A_29 = arith.constant 0 : i32
    %lt3A_30 = arith.cmpi slt, %select_n3A, %lt3A_29 : i32
    %ne3A_31 = vector.broadcast %lt3A_30 : i1 to vector<800x80xi1>
    %ne3A_32 = vector.broadcast %ne3A_31 : vector<800x80xi1> to vector<800x80xi1>
    %ne3A_33 = arith.xori %lt3A_28, %ne3A_32 : vector<800x80xi1>
    %and3A = arith.andi %ne3A_33, %ne3A_26 : vector<800x80xi1>
    %add3A_34 = vector.broadcast %select_n3A : i32 to vector<800x80xi32>
    %add3A_35 = arith.addi %rem3A_24, %add3A_34 : vector<800x80xi32>
    %select_n3A_36 = arith.select %and3A, %add3A_35, %rem3A_24 : vector<800x80xi1>, vector<800x80xi32>
    %eq3A_37 = arith.constant 0 : i32
    %eq3A_38 = vector.broadcast %eq3A_37 : i32 to vector<800x80xi32>
    %eq3A_39 = arith.cmpi eq, %select_n3A_36, %eq3A_38 : vector<800x80xi32>
    %convert_element_type3A = arith.extui %eq3A_39 : vector<800x80xi1> to vector<800x80xi32>
    %reduce_max3A = arith.constant dense<-2147483648> : vector<800xi32>
    %reduce_max3A_40 = vector.multi_reduction <maxsi>, %convert_element_type3A, %reduce_max3A [1] : vector<800x80xi32> to vector<800xi32>
    %swap3A_41 = arith.constant 0 : index
    %swap3A_42 = arith.constant 0 : index
    %swap3A_43 = arith.constant 0 : index
    %swap3A_44 = vector.load %arg8[%swap3A_41, %swap3A_42, %swap3A_43] : memref<1x1x800xi32, #tpu.memory_space<vmem>>, vector<1x1x800xi32>
    %swap3A_45 = vector.shape_cast %swap3A_44 : vector<1x1x800xi32> to vector<800xi32>
    %swap3A_46 = vector.shape_cast %reduce_max3A_40 : vector<800xi32> to vector<1x1x800xi32>
    tpu.vector_store %arg8[%swap3A_41, %swap3A_42, %swap3A_43], %swap3A_46 {strides = array<i32>} : memref<1x1x800xi32, #tpu.memory_space<vmem>>, vector<1x1x800xi32>,
    return
  }
  func.func @transform_0(%arg0: i32) -> (i32, i32) {
    %c0_i32 = arith.constant 0 : i32
    %c0_i32_0 = arith.constant 0 : i32
    return %arg0, %c0_i32 : i32, i32
  }
  func.func @transform_1(%arg0: i32) -> i32 {
    %c0_i32 = arith.constant 0 : i32
    %c0_i32_0 = arith.constant 0 : i32
    return %c0_i32 : i32
  }
  func.func @transform_2(%arg0: i32) -> i32 {
    %c0_i32 = arith.constant 0 : i32
    %c0_i32_0 = arith.constant 0 : i32
    return %c0_i32 : i32
  }
  func.func @transform_3(%arg0: i32) -> (i32, i32) {
    %c0_i32 = arith.constant 0 : i32
    %c0_i32_0 = arith.constant 0 : i32
    %c0_i32_1 = arith.constant 0 : i32
    return %c0_i32, %c0_i32_0 : i32, i32
  }
  func.func @transform_4(%arg0: i32) -> i32 {
    %c0_i32 = arith.constant 0 : i32
    %c0_i32_0 = arith.constant 0 : i32
    return %c0_i32 : i32
  }
  func.func @transform_5(%arg0: i32) -> (i32, i32) {
    %c0_i32 = arith.constant 0 : i32
    %c0_i32_0 = arith.constant 0 : i32
    return %arg0, %c0_i32 : i32, i32
  }
  func.func @transform_6(%arg0: i32) -> (i32, i32) {
    %c0_i32 = arith.constant 0 : i32
    %c0_i32_0 = arith.constant 0 : i32
    return %arg0, %c0_i32 : i32, i32
  }
  func.func @transform_7(%arg0: i32) -> (i32, i32, i32) {
    %c0_i32 = arith.constant 0 : i32
    %c0_i32_0 = arith.constant 0 : i32
    %c0_i32_1 = arith.constant 0 : i32
    return %arg0, %c0_i32, %c0_i32_0 : i32, i32, i32
  }
}

module attributes {stable_mosaic.version = 14 : i64} {
  func.func @_l1_body(%arg0: i32, %arg1: memref<2000x128xf32, #tpu.memory_space<vmem>>, %arg2: memref<2x2000x128xf32, #tpu.memory_space<vmem>>, %arg3: memref<128x128xf32, #tpu.memory_space<vmem>>, %arg4: memref<128x128xf32, #tpu.memory_space<vmem>>, %arg5: memref<128xf32, #tpu.memory_space<vmem>>, %arg6: memref<2000x128xf32, #tpu.memory_space<vmem>>) attributes {dimension_semantics = [#tpu.dimension_semantics<arbitrary>], iteration_bounds = array<i64: 5>, scalar_prefetch = 0 : i64, scratch_operands = 0 : i64, tpu.core_type = #tpu.core_type<tc>, window_params = [{transform_indices = @transform_0, window_bounds = array<i64: 2000, 128>}, {transform_indices = @transform_1, window_bounds = array<i64: 2, 2000, 128>}, {pipeline_mode = #tpu.pipeline_mode<synchronous>, transform_indices = @transform_2, window_bounds = array<i64: 128, 128>}, {pipeline_mode = #tpu.pipeline_mode<synchronous>, transform_indices = @transform_3, window_bounds = array<i64: 128, 128>}, {pipeline_mode = #tpu.pipeline_mode<synchronous>, transform_indices = @transform_4, window_bounds = array<i64: 128>}, {transform_indices = @transform_5, window_bounds = array<i64: 2000, 128>}]} {
    %get3A = arith.constant 0 : index
    %get3A_0 = arith.constant 0 : index
    %get3A_1 = arith.constant 0 : index
    %get3A_2 = vector.load %arg2[%get3A, %get3A_0, %get3A_1] : memref<2x2000x128xf32, #tpu.memory_space<vmem>>, vector<1x2000x128xf32>
    %get3A_3 = vector.shape_cast %get3A_2 : vector<1x2000x128xf32> to vector<2000x128xf32>
    %get3A_4 = arith.constant 1 : index
    %get3A_5 = arith.constant 0 : index
    %get3A_6 = arith.constant 0 : index
    %get3A_7 = vector.load %arg2[%get3A_4, %get3A_5, %get3A_6] : memref<2x2000x128xf32, #tpu.memory_space<vmem>>, vector<1x2000x128xf32>
    %get3A_8 = vector.shape_cast %get3A_7 : vector<1x2000x128xf32> to vector<2000x128xf32>
    %add3A = arith.addf %get3A_3, %get3A_8 : vector<2000x128xf32>
    %get3A_9 = arith.constant 0 : index
    %get3A_10 = arith.constant 0 : index
    %get3A_11 = vector.load %arg1[%get3A_9, %get3A_10] : memref<2000x128xf32, #tpu.memory_space<vmem>>, vector<2000x128xf32>
    %get3A_12 = arith.constant 0 : index
    %get3A_13 = arith.constant 0 : index
    %get3A_14 = vector.load %arg3[%get3A_12, %get3A_13] : memref<128x128xf32, #tpu.memory_space<vmem>>, vector<128x128xf32>
    %dot_general3A = arith.constant dense<0.000000e+00> : vector<2000x128xf32>
    %dot_general3A_15 = tpu.matmul %get3A_11, %get3A_14, %dot_general3A {dimension_numbers = #tpu.dot_dimension_numbers<[1], [0], [0], [1], [0, 0, 1, 1], [], []>, transpose_lhs_hint = false} : vector<2000x128xf32>, vector<128x128xf32>, vector<2000x128xf32> -> vector<2000x128xf32>
    %get3A_16 = arith.constant 0 : index
    %get3A_17 = arith.constant 0 : index
    %get3A_18 = vector.load %arg4[%get3A_16, %get3A_17] : memref<128x128xf32, #tpu.memory_space<vmem>>, vector<128x128xf32>
    %dot_general3A_19 = arith.constant dense<0.000000e+00> : vector<2000x128xf32>
    %dot_general3A_20 = tpu.matmul %add3A, %get3A_18, %dot_general3A_19 {dimension_numbers = #tpu.dot_dimension_numbers<[1], [0], [0], [1], [0, 0, 1, 1], [], []>, transpose_lhs_hint = false} : vector<2000x128xf32>, vector<128x128xf32>, vector<2000x128xf32> -> vector<2000x128xf32>
    %add3A_21 = arith.addf %dot_general3A_15, %dot_general3A_20 : vector<2000x128xf32>
    %get3A_22 = arith.constant 0 : index
    %get3A_23 = vector.load %arg5[%get3A_22] : memref<128xf32, #tpu.memory_space<vmem>>, vector<128xf32>
    %broadcast_in_dim3A = vector.shape_cast %get3A_23 : vector<128xf32> to vector<1x128xf32>
    %add3A_24 = vector.broadcast %broadcast_in_dim3A : vector<1x128xf32> to vector<2000x128xf32>
    %add3A_25 = arith.addf %add3A_21, %add3A_24 : vector<2000x128xf32>
    %tanh3A = math.tanh %add3A_25 : vector<2000x128xf32>
    %swap3A = arith.constant 0 : index
    %swap3A_26 = arith.constant 0 : index
    %swap3A_27 = vector.load %arg6[%swap3A, %swap3A_26] : memref<2000x128xf32, #tpu.memory_space<vmem>>, vector<2000x128xf32>
    tpu.vector_store %arg6[%swap3A, %swap3A_26], %tanh3A {strides = array<i32>} : memref<2000x128xf32, #tpu.memory_space<vmem>>, vector<2000x128xf32>,
    return
  }
  func.func @transform_0(%arg0: i32) -> (i32, i32) {
    %c0_i32 = arith.constant 0 : i32
    %c0_i32_0 = arith.constant 0 : i32
    return %arg0, %c0_i32 : i32, i32
  }
  func.func @transform_1(%arg0: i32) -> (i32, i32, i32) {
    %c0_i32 = arith.constant 0 : i32
    %c0_i32_0 = arith.constant 0 : i32
    %c0_i32_1 = arith.constant 0 : i32
    return %c0_i32, %arg0, %c0_i32_0 : i32, i32, i32
  }
  func.func @transform_2(%arg0: i32) -> (i32, i32) {
    %c0_i32 = arith.constant 0 : i32
    %c0_i32_0 = arith.constant 0 : i32
    %c0_i32_1 = arith.constant 0 : i32
    return %c0_i32, %c0_i32_0 : i32, i32
  }
  func.func @transform_3(%arg0: i32) -> (i32, i32) {
    %c0_i32 = arith.constant 0 : i32
    %c0_i32_0 = arith.constant 0 : i32
    %c0_i32_1 = arith.constant 0 : i32
    return %c0_i32, %c0_i32_0 : i32, i32
  }
  func.func @transform_4(%arg0: i32) -> i32 {
    %c0_i32 = arith.constant 0 : i32
    %c0_i32_0 = arith.constant 0 : i32
    return %c0_i32 : i32
  }
  func.func @transform_5(%arg0: i32) -> (i32, i32) {
    %c0_i32 = arith.constant 0 : i32
    %c0_i32_0 = arith.constant 0 : i32
    return %arg0, %c0_i32 : i32, i32
  }
}

module attributes {stable_mosaic.version = 14 : i64} {
  func.func @_tail_body(%arg0: memref<8x128xf32, #tpu.memory_space<vmem>>, %arg1: memref<2x16x128xf32, #tpu.memory_space<vmem>>, %arg2: memref<8x1024xf32, #tpu.memory_space<vmem>>, %arg3: memref<8x64xf32, #tpu.memory_space<vmem>>, %arg4: memref<8x32xf32, #tpu.memory_space<vmem>>, %arg5: memref<128x128xf32, #tpu.memory_space<vmem>>, %arg6: memref<128x128xf32, #tpu.memory_space<vmem>>, %arg7: memref<128xf32, #tpu.memory_space<vmem>>, %arg8: memref<128x128xf32, #tpu.memory_space<vmem>>, %arg9: memref<128xf32, #tpu.memory_space<vmem>>, %arg10: memref<1024x64xf32, #tpu.memory_space<vmem>>, %arg11: memref<64xf32, #tpu.memory_space<vmem>>, %arg12: memref<64x64xf32, #tpu.memory_space<vmem>>, %arg13: memref<64xf32, #tpu.memory_space<vmem>>, %arg14: memref<32x64xf32, #tpu.memory_space<vmem>>, %arg15: memref<64xf32, #tpu.memory_space<vmem>>, %arg16: memref<320x1xf32, #tpu.memory_space<vmem>>, %arg17: memref<1xf32, #tpu.memory_space<vmem>>, %arg18: memref<8x1xf32, #tpu.memory_space<vmem>>) attributes {dimension_semantics = [], scalar_prefetch = 0 : i64, scratch_operands = 0 : i64, tpu.core_type = #tpu.core_type<tc>} {
    %get3A = arith.constant 0 : index
    %get3A_0 = arith.constant 0 : index
    %get3A_1 = arith.constant 0 : index
    %get3A_2 = vector.load %arg1[%get3A, %get3A_0, %get3A_1] : memref<2x16x128xf32, #tpu.memory_space<vmem>>, vector<1x8x128xf32>
    %get3A_3 = vector.shape_cast %get3A_2 : vector<1x8x128xf32> to vector<8x128xf32>
    %get3A_4 = arith.constant 1 : index
    %get3A_5 = arith.constant 0 : index
    %get3A_6 = arith.constant 0 : index
    %get3A_7 = vector.load %arg1[%get3A_4, %get3A_5, %get3A_6] : memref<2x16x128xf32, #tpu.memory_space<vmem>>, vector<1x8x128xf32>
    %get3A_8 = vector.shape_cast %get3A_7 : vector<1x8x128xf32> to vector<8x128xf32>
    %add3A = arith.addf %get3A_3, %get3A_8 : vector<8x128xf32>
    %get3A_9 = arith.constant 0 : index
    %get3A_10 = arith.constant 0 : index
    %get3A_11 = vector.load %arg0[%get3A_9, %get3A_10] : memref<8x128xf32, #tpu.memory_space<vmem>>, vector<8x128xf32>
    %get3A_12 = arith.constant 0 : index
    %get3A_13 = arith.constant 0 : index
    %get3A_14 = vector.load %arg5[%get3A_12, %get3A_13] : memref<128x128xf32, #tpu.memory_space<vmem>>, vector<128x128xf32>
    %dot_general3A = arith.constant dense<0.000000e+00> : vector<8x128xf32>
    %dot_general3A_15 = tpu.matmul %get3A_11, %get3A_14, %dot_general3A {dimension_numbers = #tpu.dot_dimension_numbers<[1], [0], [0], [1], [0, 0, 1, 1], [], []>, transpose_lhs_hint = false} : vector<8x128xf32>, vector<128x128xf32>, vector<8x128xf32> -> vector<8x128xf32>
    %get3A_16 = arith.constant 0 : index
    %get3A_17 = arith.constant 0 : index
    %get3A_18 = vector.load %arg6[%get3A_16, %get3A_17] : memref<128x128xf32, #tpu.memory_space<vmem>>, vector<128x128xf32>
    %dot_general3A_19 = arith.constant dense<0.000000e+00> : vector<8x128xf32>
    %dot_general3A_20 = tpu.matmul %add3A, %get3A_18, %dot_general3A_19 {dimension_numbers = #tpu.dot_dimension_numbers<[1], [0], [0], [1], [0, 0, 1, 1], [], []>, transpose_lhs_hint = false} : vector<8x128xf32>, vector<128x128xf32>, vector<8x128xf32> -> vector<8x128xf32>
    %add3A_21 = arith.addf %dot_general3A_15, %dot_general3A_20 : vector<8x128xf32>
    %get3A_22 = arith.constant 0 : index
    %get3A_23 = vector.load %arg7[%get3A_22] : memref<128xf32, #tpu.memory_space<vmem>>, vector<128xf32>
    %broadcast_in_dim3A = vector.shape_cast %get3A_23 : vector<128xf32> to vector<1x128xf32>
    %add3A_24 = vector.broadcast %broadcast_in_dim3A : vector<1x128xf32> to vector<8x128xf32>
    %add3A_25 = arith.addf %add3A_21, %add3A_24 : vector<8x128xf32>
    %tanh3A = math.tanh %add3A_25 : vector<8x128xf32>
    %get3A_26 = arith.constant 0 : index
    %get3A_27 = arith.constant 0 : index
    %get3A_28 = vector.load %arg8[%get3A_26, %get3A_27] : memref<128x128xf32, #tpu.memory_space<vmem>>, vector<128x128xf32>
    %dot_general3A_29 = arith.constant dense<0.000000e+00> : vector<8x128xf32>
    %dot_general3A_30 = tpu.matmul %tanh3A, %get3A_28, %dot_general3A_29 {dimension_numbers = #tpu.dot_dimension_numbers<[1], [0], [0], [1], [0, 0, 1, 1], [], []>, transpose_lhs_hint = false} : vector<8x128xf32>, vector<128x128xf32>, vector<8x128xf32> -> vector<8x128xf32>
    %get3A_31 = arith.constant 0 : index
    %get3A_32 = vector.load %arg9[%get3A_31] : memref<128xf32, #tpu.memory_space<vmem>>, vector<128xf32>
    %broadcast_in_dim3A_33 = vector.shape_cast %get3A_32 : vector<128xf32> to vector<1x128xf32>
    %add3A_34 = vector.broadcast %broadcast_in_dim3A_33 : vector<1x128xf32> to vector<8x128xf32>
    %add3A_35 = arith.addf %dot_general3A_30, %add3A_34 : vector<8x128xf32>
    %tanh3A_36 = math.tanh %add3A_35 : vector<8x128xf32>
    %get3A_37 = arith.constant 0 : index
    %get3A_38 = arith.constant 0 : index
    %get3A_39 = vector.load %arg2[%get3A_37, %get3A_38] : memref<8x1024xf32, #tpu.memory_space<vmem>>, vector<8x1024xf32>
    %get3A_40 = arith.constant 0 : index
    %get3A_41 = arith.constant 0 : index
    %get3A_42 = vector.load %arg10[%get3A_40, %get3A_41] : memref<1024x64xf32, #tpu.memory_space<vmem>>, vector<1024x64xf32>
    %dot_general3A_43 = arith.constant dense<0.000000e+00> : vector<8x64xf32>
    %dot_general3A_44 = tpu.matmul %get3A_39, %get3A_42, %dot_general3A_43 {dimension_numbers = #tpu.dot_dimension_numbers<[1], [0], [0], [1], [0, 0, 1, 1], [], []>, transpose_lhs_hint = false} : vector<8x1024xf32>, vector<1024x64xf32>, vector<8x64xf32> -> vector<8x64xf32>
    %get3A_45 = arith.constant 0 : index
    %get3A_46 = vector.load %arg11[%get3A_45] : memref<64xf32, #tpu.memory_space<vmem>>, vector<64xf32>
    %broadcast_in_dim3A_47 = vector.shape_cast %get3A_46 : vector<64xf32> to vector<1x64xf32>
    %add3A_48 = vector.broadcast %broadcast_in_dim3A_47 : vector<1x64xf32> to vector<8x64xf32>
    %add3A_49 = arith.addf %dot_general3A_44, %add3A_48 : vector<8x64xf32>
    %tanh3A_50 = math.tanh %add3A_49 : vector<8x64xf32>
    %get3A_51 = arith.constant 0 : index
    %get3A_52 = arith.constant 0 : index
    %get3A_53 = vector.load %arg3[%get3A_51, %get3A_52] : memref<8x64xf32, #tpu.memory_space<vmem>>, vector<8x64xf32>
    %get3A_54 = arith.constant 0 : index
    %get3A_55 = arith.constant 0 : index
    %get3A_56 = vector.load %arg12[%get3A_54, %get3A_55] : memref<64x64xf32, #tpu.memory_space<vmem>>, vector<64x64xf32>
    %dot_general3A_57 = arith.constant dense<0.000000e+00> : vector<8x64xf32>
    %dot_general3A_58 = tpu.matmul %get3A_53, %get3A_56, %dot_general3A_57 {dimension_numbers = #tpu.dot_dimension_numbers<[1], [0], [0], [1], [0, 0, 1, 1], [], []>, transpose_lhs_hint = false} : vector<8x64xf32>, vector<64x64xf32>, vector<8x64xf32> -> vector<8x64xf32>
    %get3A_59 = arith.constant 0 : index
    %get3A_60 = vector.load %arg13[%get3A_59] : memref<64xf32, #tpu.memory_space<vmem>>, vector<64xf32>
    %broadcast_in_dim3A_61 = vector.shape_cast %get3A_60 : vector<64xf32> to vector<1x64xf32>
    %add3A_62 = vector.broadcast %broadcast_in_dim3A_61 : vector<1x64xf32> to vector<8x64xf32>
    %add3A_63 = arith.addf %dot_general3A_58, %add3A_62 : vector<8x64xf32>
    %tanh3A_64 = math.tanh %add3A_63 : vector<8x64xf32>
    %get3A_65 = arith.constant 0 : index
    %get3A_66 = arith.constant 0 : index
    %get3A_67 = vector.load %arg4[%get3A_65, %get3A_66] : memref<8x32xf32, #tpu.memory_space<vmem>>, vector<8x32xf32>
    %get3A_68 = arith.constant 0 : index
    %get3A_69 = arith.constant 0 : index
    %get3A_70 = vector.load %arg14[%get3A_68, %get3A_69] : memref<32x64xf32, #tpu.memory_space<vmem>>, vector<32x64xf32>
    %dot_general3A_71 = arith.constant dense<0.000000e+00> : vector<8x64xf32>
    %dot_general3A_72 = tpu.matmul %get3A_67, %get3A_70, %dot_general3A_71 {dimension_numbers = #tpu.dot_dimension_numbers<[1], [0], [0], [1], [0, 0, 1, 1], [], []>, transpose_lhs_hint = false} : vector<8x32xf32>, vector<32x64xf32>, vector<8x64xf32> -> vector<8x64xf32>
    %get3A_73 = arith.constant 0 : index
    %get3A_74 = vector.load %arg15[%get3A_73] : memref<64xf32, #tpu.memory_space<vmem>>, vector<64xf32>
    %broadcast_in_dim3A_75 = vector.shape_cast %get3A_74 : vector<64xf32> to vector<1x64xf32>
    %add3A_76 = vector.broadcast %broadcast_in_dim3A_75 : vector<1x64xf32> to vector<8x64xf32>
    %add3A_77 = arith.addf %dot_general3A_72, %add3A_76 : vector<8x64xf32>
    %tanh3A_78 = math.tanh %add3A_77 : vector<8x64xf32>
    %concatenate3A = tpu.concatenate %tanh3A_36, %tanh3A_50, %tanh3A_64, %tanh3A_78 in 1 : vector<8x128xf32>, vector<8x64xf32>, vector<8x64xf32>, vector<8x64xf32> -> vector<8x320xf32>
    %get3A_79 = arith.constant 0 : index
    %get3A_80 = arith.constant 0 : index
    %get3A_81 = vector.load %arg16[%get3A_79, %get3A_80] : memref<320x1xf32, #tpu.memory_space<vmem>>, vector<320x1xf32>
    %dot_general3A_82 = arith.constant dense<0.000000e+00> : vector<8x1xf32>
    %dot_general3A_83 = tpu.matmul %concatenate3A, %get3A_81, %dot_general3A_82 {dimension_numbers = #tpu.dot_dimension_numbers<[1], [0], [0], [1], [0, 0, 1, 1], [], []>, transpose_lhs_hint = false} : vector<8x320xf32>, vector<320x1xf32>, vector<8x1xf32> -> vector<8x1xf32>
    %get3A_84 = arith.constant 0 : index
    %get3A_85 = vector.load %arg17[%get3A_84] : memref<1xf32, #tpu.memory_space<vmem>>, vector<1xf32>
    %broadcast_in_dim3A_86 = vector.shape_cast %get3A_85 : vector<1xf32> to vector<1x1xf32>
    %add3A_87 = vector.broadcast %broadcast_in_dim3A_86 : vector<1x1xf32> to vector<8x1xf32>
    %add3A_88 = arith.addf %dot_general3A_83, %add3A_87 : vector<8x1xf32>
    %swap3A = arith.constant 0 : index
    %swap3A_89 = arith.constant 0 : index
    %swap3A_90 = vector.load %arg18[%swap3A, %swap3A_89] : memref<8x1xf32, #tpu.memory_space<vmem>>, vector<8x1xf32>
    tpu.vector_store %arg18[%swap3A, %swap3A_89], %add3A_88 {strides = array<i32>} : memref<8x1xf32, #tpu.memory_space<vmem>>, vector<8x1xf32>,
    return
  }
}

</mosaic_0001>

<sc_bundles>
// kernel: kernel.10.cloned.1.call-start
scs
__scs_entry_jumppad:
0x0: {  	(pc) =	sbr.rel $0x88, $3  }
0x1: {  	(tag) =	ssettag $0x0;
	lr =	simm.s32 $0x1  }
0x2: {  	[smem:$0x3F88] =	sst lr;
	_ =	strace $0xD0000000  }
0x3: {  	_ = 	snop  }
0x4: {  	_ = 	snop  }
0x5: {  	_ = 	snop  }
0x6: {  	_ = 	snop  }
0x7: {  	_ = 	snop  }
__scs_overlays_trampoline_lowered:
0x8: {  	[smem:$0x3F97] =	sst s0  }
0x9: {  	[smem:$0x3F98] =	sst s1  }
0xa: {  	[smem:$0x3F99] =	sst s2  }
0xb: {  	[smem:$0x3F9A] =	sst s3  }
0xc: {  	[smem:$0x3F9B] =	sst s4  }
0xd: {  	[smem:$0x3F9C] =	sst s5  }
0xe: {  	[smem:$0x3F9D] =	sst s6  }
0xf: {  	[smem:$0x3F9E] =	sst s7  }
0x10: {  	[smem:$0x3F9F] =	sst s8  }
0x11: {  	[smem:$0x3FA0] =	sst s9;
	s0 =	simm.s32 @!p0 $0x0  }
0x12: {  	s1 =	sld [smem:$0x3F86];
	s0 =	simm.s32 @p0 $0x1  }
0x13: {  	[smem:$0x3FA1] =	sst s0;
	s0 =	simm.s32 @!p1 $0x0  }
0x14: {  	s2 =	sld [smem:$0x3F85];
	s0 =	simm.s32 @p1 $0x1  }
0x15: {  	[smem:$0x3FA2] =	sst s0;
	s0 =	simm.s32 @!p2 $0x0  }
0x16: {  	s3 =	sld [smem:$0x3FDB];
	s0 =	simm.s32 @p2 $0x1  }
0x17: {  	s4 =	simm.s32 $0x1BF5;
	[smem:$0x3FA4] =	sst s0  }
0x18: {  	s0 =	sld [smem:$0x3F87];
	_ =	swait.ge [sflag:s4], $0x0  }
0x19: {  	s7 =	sld [smem:$0x3F88]  }
0x1a: {  	s8 =	sadd.s32 $0xFFFFE003, lr  }
0x1b: {  	s9 =	sadd.s32 $0xFFFFFEF7, lr;
	s5 =	simm.s32 $0xFFFFFFFF;
	p2 =	slt.u32 s8, $0xFFFFF086  }
0x1c: {  	p1 =	slt.u32 s9, $0xF7A;
	s5 =	simm.s32 @!p2 $0x0  }
0x1d: {  	s5 =	simm.s32 @p1 $0x1;
	p0 =	seq.s32 s7, s2  }
0x1e: {  	s7 =	smul.u32 @!p0 $0xF7A, s2;
	p2 =	seq.s32 @!p0 s5, $0x0  }
0x1f: {  	s9 =	smul.u32 $0xF7A, s1;
	s8 =	simm.s32 @!p0 $0x1BF5;
	p2 =	por !p2, p0  }
0x20: {  	[sflag:s8] =	ssyncset.s32 @!p0 $0xFFFFF086;
	s6 =	sadd.s32 @!p0 s3, s7;
	s7 =	simm.s32 @!p0 $0x108  }
0x21: {  	s3 =	sadd.s32 s3, s9;
	s6 =	sadd.s32 @!p0 $0x88, s6;
	s7 =	simm.s32 @p2 $0x1082  }
0x22: {  	[simem:s7], [sflag:s8] =	dma.local @!p0 [hbm:s6], $0xF7A  }
0x23: {  	s9 =	sor.u32 $0xD0000000, s2;
	s6 =	simm.s32 $0x108;
	_ =	swait.ge @!p0 [sflag:s8], $0x0  }
0x24: {  	s3 =	sadd.s32 $0x88, s3;
	s6 =	simm.s32 @!p1 $0x1082;
	[sflag:s4] =	ssyncset.s32 $0xFFFFF086  }
0x25: {  	[simem:s6], [sflag:s4] =	dma.local [hbm:s3], $0xF7A  }
0x26: {  	[smem:$0x3F88] =	sst s1;
	(tag) =	ssettag s2;
	_ =	strace s9  }
0x27: {  	s1 =	sld [smem:$0x3F98]  }
0x28: {  	s2 =	sld [smem:$0x3F99]  }
0x29: {  	s4 =	sld [smem:$0x3F9B]  }
0x2a: {  	p0 =	seq.s32 s5, $0x0;
	s5 =	sld [smem:$0x3F9C]  }
0x2b: {  	s6 =	sld [smem:$0x3F9D]  }
0x2c: {  	s7 =	sld [smem:$0x3F9E]  }
0x2d: {  	s3 =	simm.s32 $0x108;
	s8 =	sld [smem:$0x3F9F]  }
0x2e: {  	s3 =	simm.s32 @!p0 $0x1082;
	s9 =	sld [smem:$0x3FA0]  }
0x2f: {  	lr =	sadd.s32 s0, s3;
	s0 =	sld [smem:$0x3F97]  }
0x30: {  	s3 =	sld [smem:$0x3F9A]  }
0x31: {  	[smem:$0x3FA3] =	sst s10  }
0x32: {  	s10 =	sld [smem:$0x3FA1];
	_ =	sdelay $0x3  }
0x33: {  	p0 =	seq.s32 s10, $0x1;
	s10 =	sld [smem:$0x3FA3];
	_ =	sdelay $0x3  }
0x34: {  	[smem:$0x3FA3] =	sst s10  }
0x35: {  	s10 =	sld [smem:$0x3FA2];
	_ =	sdelay $0x3  }
0x36: {  	p1 =	seq.s32 s10, $0x1;
	s10 =	sld [smem:$0x3FA3];
	_ =	sdelay $0x3  }
0x37: {  	[smem:$0x3FA3] =	sst s10  }
0x38: {  	s10 =	sld [smem:$0x3FA4]  }
0x39: {  	_ = 	snop;
	(pc) =	sbr.ind lr, $3  }
0x3a: {  	_ = 	snop  }
0x3b: {  	_ = 	snop  }
0x3c: {  	p2 =	seq.s32 s10, $0x1;
	s10 =	sld [smem:$0x3FA3]  }
0x3d: {  	_ =	shalt  }
0x3e: {  	_ =	shalt  }
0x3f: {  	_ =	shalt  }
0x40: {  	_ =	shalt  }
0x41: {  	_ =	shalt  }
0x42: {  	_ =	shalt  }
0x43: {  	_ =	shalt  }
0x44: {  	_ =	shalt  }
0x45: {  	_ =	shalt  }
0x46: {  	_ =	shalt  }
0x47: {  	_ =	shalt  }
0x48: {  	_ =	shalt  }
0x49: {  	_ =	shalt  }
0x4a: {  	_ =	shalt  }
0x4b: {  	_ =	shalt  }
0x4c: {  	_ =	shalt  }
0x4d: {  	_ =	shalt  }
0x4e: {  	_ =	shalt  }
0x4f: {  	_ =	shalt  }
0x50: {  	_ =	shalt  }
0x51: {  	_ =	shalt  }
0x52: {  	_ =	shalt  }
0x53: {  	_ =	shalt  }
0x54: {  	_ =	shalt  }
0x55: {  	_ =	shalt  }
0x56: {  	_ =	shalt  }
0x57: {  	_ =	shalt  }
0x58: {  	_ =	shalt  }
0x59: {  	_ =	shalt  }
0x5a: {  	_ =	shalt  }
0x5b: {  	_ =	shalt  }
0x5c: {  	_ =	shalt  }
0x5d: {  	_ =	shalt  }
0x5e: {  	_ =	shalt  }
0x5f: {  	_ =	shalt  }
0x60: {  	_ =	shalt  }
0x61: {  	_ =	shalt  }
0x62: {  	_ =	shalt  }
0x63: {  	_ =	shalt  }
0x64: {  	_ =	shalt  }
0x65: {  	_ =	shalt  }
0x66: {  	_ =	shalt  }
0x67: {  	_ =	shalt  }
0x68: {  	_ =	shalt  }
0x69: {  	_ =	shalt  }
0x6a: {  	_ =	shalt  }
0x6b: {  	_ =	shalt  }
0x6c: {  	_ =	shalt  }
0x6d: {  	_ =	shalt  }
0x6e: {  	_ =	shalt  }
0x6f: {  	_ =	shalt  }
0x70: {  	_ =	shalt  }
0x71: {  	_ =	shalt  }
0x72: {  	_ =	shalt  }
0x73: {  	_ =	shalt  }
0x74: {  	_ =	shalt  }
0x75: {  	_ =	shalt  }
0x76: {  	_ =	shalt  }
0x77: {  	_ =	shalt  }
0x78: {  	_ =	shalt  }
0x79: {  	_ =	shalt  }
0x7a: {  	_ =	shalt  }
0x7b: {  	_ =	shalt  }
0x7c: {  	_ =	shalt  }
0x7d: {  	_ =	shalt  }
0x7e: {  	_ =	shalt  }
0x7f: {  	_ =	shalt  }
0x80: {  	_ =	shalt  }
0x81: {  	_ =	shalt  }
0x82: {  	_ =	shalt  }
0x83: {  	_ =	shalt  }
0x84: {  	_ =	shalt  }
0x85: {  	_ =	shalt  }
0x86: {  	_ =	shalt  }
0x87: {  	_ =	shalt  }
.Lfunc_end0:
.L_simem_size_0:
called_computation.1_lowered:
.L_overlay_start_0:
0x88: {  	s2 =	sld [smem:$0x3FD9]  }
0x89: {  	s3 =	sld [smem:$0x3FFE];
	_ =	sdelay $0x1  }
0x8a: {  	s1 =	srdreg.scid  }
0x8b: {  	s0 =	sand.u32 $0x1, s1  }
0x8c: {  	s16 =	sshll.u32 s0, $0xA;
	s2 =	sadd.s32 s3, s2  }
0x8d: {  	s2 =	sadd.s32 s2, s16  }
0x8e: {  	[smem:$0x3FAF] =	sst s2  }
0x8f: {  	_ = 	snop  }
0x90: {  	(tm) =	ssettm $0x1  }
0x91: {  	s17 =	sld [smem:$0x3FFB];
	_ =	sdelay $0x3  }
0x92: {  	_ =	strace s17  }
0x93: {  	s2 =	sld [smem:$0x3FFC];
	_ =	sdelay $0x3  }
0x94: {  	_ =	strace s2  }
0x95: {  	s2 =	sld [smem:$0x3FFD];
	_ =	sdelay $0x3  }
0x96: {  	_ =	strace s2  }
0x97: {  	_ =	strace $0x8FFFFFFF  }
0x98: {  	s18 =	sld [smem:$0x3FDB];
	_ =	sdelay $0x1  }
0x99: {  	s19 =	simm.s32 $_scs_section_size  }
0x9a: {  	s4 =	simm.s32 $_size__tile_overlayer_lowered;
	s5 =	simm.s32 $_tile_overlayer_lowered  }
0x9b: {  	s22 =	simm.s32 $0x1BFF;
	s21 =	sshll.u32 s5, $0x1;
	s2 =	sadd.s32 s19, s18  }
0x9c: {  	s6 =	simm.s32 $0x0;
	s20 =	sshll.u32 s4, $0x1;
	s4 =	sadd.s32 s21, s2  }
0x9d: {  	[timem:s6], [sflag:s22] =	dma.local [hbm:s4], s20  }
0x9e: {  	_ =	swait.ge [sflag:s22], s20  }
0x9f: {  	s3 =	ssub.s32 $0x0, s20;
	[sflag:s22] =	ssyncset.done $0x0  }
0xa0: {  	[sflag:s22] =	ssyncadd.s32 s3;
	_ =	sdelay $0x1  }
0xa1: {  	s23 =	simm.s32 $0x1B8B  }
0xa2: {  	_ =	swait.ge [sflag:s23], $0x1  }
0xa3: {  	[sflag:s23] =	ssyncset.done $0x0  }
0xa4: {  	s25 =	simm.s32 $0x1B8E;
	s24 =	sld [smem:$0x3FFE];
	[sflag:s23] =	ssyncadd.s32 $0xFFFFFFFF  }
0xa5: {  	s26 =	simm.s32 $execute0_lowered;
	[smem:$0x3FD2] =	sst s25  }
0xa6: {  	s4 =	sshll.u32 s26, $0x1;
	_ =	strace $0x80000049;
	[dreg:$0x1] =	wrdreg $0xFFFFFFFF  }
0xa7: {  	s28 =	simm.s32 $_size_execute0_lowered;
	s2 =	sadd.s32 s2, s4;
	[dreg:$0x0] =	wrdreg $0x0  }
0xa8: {  	s4 =	sshll.u32 s28, $0x1;
	[dreg:$0x2] =	wrdreg s2  }
0xa9: {  	[dreg:$0x3] =	wrdreg s4  }
0xaa: {  	[dreg:$0x4] =	wrdreg $0xC0  }
0xab: {  	_ =	task [dreg:s6], $0x5FFFF  }
0xac: {  	[dreg:$0x1] =	wrdreg $0xFFFFFFFF  }
0xad: {  	[dreg:$0x0] =	wrdreg $0x60  }
0xae: {  	[dreg:$0x2] =	wrdreg s24  }
0xaf: {  	[dreg:$0x3] =	wrdreg $0x79000  }
0xb0: {  	[dreg:$0x4] =	wrdreg $0x9  }
0xb1: {  	_ =	task.clear_ibuf [dreg:s6], $0x5FFFF;
	_ =	strace $0x90000049  }
0xb2: {  	s29 =	simm.s32 $0x9;
	_ =	strace $0x8000004B  }
0xb3: {  	_ =	swait.ge [sflag:s29], $0x1  }
0xb4: {  	[sflag:s29] =	ssyncadd.s32 $0xFFFFFFFF  }
0xb5: {  	_ =	strace $0x9000004B  }
0xb6: {  	_ =	sfence  }
0xb7: {  	s30 =	sld [smem:$0x0];
	_ =	sdelay $0x2  }
0xb8: {  	s31 =	sshll.u32 s1, $0xD;
	s1 =	sshrl.u32 s1, $0x2  }
0xb9: {  	s3 =	sand.u32 $0x4000, s31;
	s1 =	sadd.s32 s1, s30  }
0xba: {  	s0 =	sor.u32 s3, s0;
	s1 =	sshll.u32 s1, $0x11  }
0xbb: {  	s0 =	sor.u32 s1, s0  }
0xbc: {  	s0 =	sadd.s32 $0x8F2B, s0  }
0xbd: {  	[sflag:s0] =	ssyncadd.remote.s32 $0x1  }
0xbe: {  	_ =	sfence.sel $0xFFFF  }
0xbf: {  	[dreg:$0x0] =	wrdreg $0xFFFFFFFF;
	(pc) =	sbr.abs _section_cstart, $3  }
0xc0: {  	[dreg:$0x1] =	wrdreg $0xFFFFFFFF  }
0xc1: {  	_ =	task.clear_ibuf [dreg:s6], $0x2FFFF;
	_ =	strace $0x9FFFFFFF  }
0xc2: {  	(tm) =	ssettm $0x7FFFFFFF  }
0xc3: {  	_ =	shalt  }
tec
execute0_lowered:
.L_overlay_start_1:
0x0: {  	(tag) =	ssettag $0x1  }
0x1: {  	s0 =	srdreg.scid  }
0x2: {  	s5 =	rddreg [dreg:$0x0];
	s16 =	stileid.u32  }
0x3: {  	s2 =	rddreg [dreg:$0x1];
	s23 =	simm.s32 $0x0;
	s4 =	sand.u32 $0x1, s0  }
0x4: {  	[smem:$0x7FF] =	sst s23;
	s24 =	sadd.s32 $0x17800, s5;
	s0 =	sshll.u32 s4, $0x4  }
0x5: {  	_ =	strace $0x8000004A;
	[dreg:$0x3] =	wrdreg s24;
	s8 =	sshll.u32 s4, $0x8  }
0x6: {  	s4 =	ssub.s32 $0x2, s4;
	s6 =	sor.u32 s16, s0;
	s8 =	sadd.s32 s8, s5  }
0x7: {  	s25 =	sshrl.u32 s4, $0x1;
	s3 =	smul.u32 $0x4E2, s6;
	s6 =	sshll.u32 s6, $0x4  }
0x8: {  	s9 =	ssub.s32 s4, s25;
	s30 =	sadd.s32 $0x3EA00, s8;
	s6 =	sadd.s32 s6, s5  }
.Ltmp0:
0x9: {  	[dreg:$0x7] =	wrdreg s30;
	s31 =	smax.u32 s9, $0x1;
	(pc) =	sbr.rel .LBB2_1-.Ltmp0, $4  }
0xa: {  	v0 =	vimm.s32 $0xECA86420;
	s7 =	sadd.s32 s3, s5;
	s29 =	sadd.s32 $0x8EA00, s6;
	[dreg:$0x8] =	wrdreg s31  }
0xb: {  	vm0 =	vcmask $0xB08;
	vm1 =	vcmask $0x1310;
	v1 =	vunpack.c.l.s4.s8 v0;
	s26 =	sadd.s32 $0x3C00, s7;
	[dreg:$0x6] =	wrdreg s29  }
0xc: {  	vm2 =	vcmask $0x1B18;
	v2 =	vlaneseq.u32;
	vm8 =	vmmov $0xff;
	p0 =	sne.s32 s16, $0x0;
	s28 =	sadd.s32 $0xDA00, s7;
	[dreg:$0x4] =	wrdreg s26  }
0xd: {  	v0 =	vimm.f32 $0.0e+00;
	v2 =	vmul.u32 $0x2, v2;
	v1 =	vunpack.c.0.s8.s32 v1;
	s4 =	simm.s32 $0x4F00;
	s3 =	simm.s32 $0x0;
	[dreg:$0x5] =	wrdreg s28  }
.LBB2_5:
0xe: {  	[bflag:$0x0] =	sbarrier.arrive $0xFFFF  }
0xf: {  	s0 =	sshrl.u32 @!p0 s2, $0x3;
	s1 =	simm.s32 @!p0 $0x1C01;
	s3 =	rddreg [dreg:$0x7]  }
0x10: {  	[hbm:s3], [sflag:s1] =	dma.local @!p0 [spmem:s0], $0x100  }
0x11: {  	s0 =	simm.s32 @!p0 $0x1  }
0x12: {  	_ =	swait.ge @!p0 [sflag:s0], $0x100  }
0x13: {  	s30 =	rddreg [dreg:$0x9]  }
0x14: {  	s31 =	rddreg [dreg:$0x8];
	s3 =	sadd.s32 $0x1, s30  }
0x15: {  	p1 =	sne.s32 s3, s31  }
.Ltmp1:
0x16: {  	_ = 	snop;
	(pc) =	sbr.rel @!p1 .LBB2_6-.Ltmp1, $3  }
0x17: {  	_ =	sdelay $0x1  }
0x18: {  	[sflag:s0] =	ssyncset.done @!p0 $0x0  }
0x19: {  	[sflag:s0] =	ssyncadd.s32 @!p0 $0xFFFFFF00  }
.LBB2_1:
0x1a: {  	[tilespmem:$0x4F00] =	vst v0  }
0x1b: {  	[tilespmem:$0x4F10] =	vst v0  }
0x1c: {  	[tilespmem:$0x4F20] =	vst v0  }
0x1d: {  	[tilespmem:$0x4F30] =	vst v0  }
0x1e: {  	[tilespmem:$0x4F40] =	vst v0  }
0x1f: {  	[tilespmem:$0x4F50] =	vst v0  }
0x20: {  	[tilespmem:$0x4F60] =	vst v0  }
0x21: {  	[tilespmem:$0x4F70] =	vst v0  }
0x22: {  	[tilespmem:$0x4F80] =	vst v0  }
0x23: {  	[tilespmem:$0x4F90] =	vst v0  }
0x24: {  	[tilespmem:$0x4FA0] =	vst v0  }
0x25: {  	[tilespmem:$0x4FB0] =	vst v0  }
0x26: {  	[tilespmem:$0x4FC0] =	vst v0  }
0x27: {  	[tilespmem:$0x4FD0] =	vst v0  }
0x28: {  	[tilespmem:$0x4FE0] =	vst v0  }
0x29: {  	[tilespmem:$0x4FF0] =	vst v0  }
0x2a: {  	[tilespmem:$0x5000] =	vst v0  }
0x2b: {  	[tilespmem:$0x5010] =	vst v0  }
0x2c: {  	[tilespmem:$0x5020] =	vst v0  }
0x2d: {  	[tilespmem:$0x5030] =	vst v0  }
0x2e: {  	[tilespmem:$0x5040] =	vst v0  }
0x2f: {  	[tilespmem:$0x5050] =	vst v0  }
0x30: {  	[tilespmem:$0x5060] =	vst v0  }
0x31: {  	[tilespmem:$0x5070] =	vst v0  }
0x32: {  	[tilespmem:$0x5080] =	vst v0  }
0x33: {  	[tilespmem:$0x5090] =	vst v0  }
0x34: {  	[tilespmem:$0x50A0] =	vst v0  }
0x35: {  	[tilespmem:$0x50B0] =	vst v0  }
0x36: {  	[tilespmem:$0x50C0] =	vst v0  }
0x37: {  	[tilespmem:$0x50D0] =	vst v0  }
0x38: {  	[tilespmem:$0x50E0] =	vst v0  }
0x39: {  	[tilespmem:$0x50F0] =	vst v0  }
0x3a: {  	[tilespmem:$0x5100] =	vst v0  }
0x3b: {  	[tilespmem:$0x5110] =	vst v0  }
0x3c: {  	[tilespmem:$0x5120] =	vst v0  }
0x3d: {  	[tilespmem:$0x5130] =	vst v0  }
0x3e: {  	[tilespmem:$0x5140] =	vst v0  }
0x3f: {  	[tilespmem:$0x5150] =	vst v0  }
0x40: {  	[tilespmem:$0x5160] =	vst v0  }
0x41: {  	[tilespmem:$0x5170] =	vst v0  }
0x42: {  	[tilespmem:$0x5180] =	vst v0  }
0x43: {  	[tilespmem:$0x5190] =	vst v0  }
0x44: {  	[tilespmem:$0x51A0] =	vst v0  }
0x45: {  	[tilespmem:$0x51B0] =	vst v0  }
0x46: {  	[tilespmem:$0x51C0] =	vst v0  }
0x47: {  	[tilespmem:$0x51D0] =	vst v0  }
0x48: {  	[tilespmem:$0x51E0] =	vst v0  }
0x49: {  	[tilespmem:$0x51F0] =	vst v0  }
0x4a: {  	[tilespmem:$0x5200] =	vst v0  }
0x4b: {  	[tilespmem:$0x5210] =	vst v0  }
0x4c: {  	[tilespmem:$0x5220] =	vst v0  }
0x4d: {  	[tilespmem:$0x5230] =	vst v0  }
0x4e: {  	[tilespmem:$0x5240] =	vst v0  }
0x4f: {  	[tilespmem:$0x5250] =	vst v0  }
0x50: {  	[tilespmem:$0x5260] =	vst v0  }
0x51: {  	[tilespmem:$0x5270] =	vst v0  }
0x52: {  	[tilespmem:$0x5280] =	vst v0  }
0x53: {  	[tilespmem:$0x5290] =	vst v0  }
0x54: {  	[tilespmem:$0x52A0] =	vst v0  }
0x55: {  	[tilespmem:$0x52B0] =	vst v0  }
0x56: {  	[tilespmem:$0x52C0] =	vst v0  }
0x57: {  	[tilespmem:$0x52D0] =	vst v0  }
0x58: {  	[tilespmem:$0x52E0] =	vst v0  }
0x59: {  	[tilespmem:$0x52F0] =	vst v0  }
0x5a: {  	[tilespmem:$0x5300] =	vst v0  }
0x5b: {  	[tilespmem:$0x5310] =	vst v0  }
0x5c: {  	[tilespmem:$0x5320] =	vst v0  }
0x5d: {  	[tilespmem:$0x5330] =	vst v0  }
0x5e: {  	[tilespmem:$0x5340] =	vst v0  }
0x5f: {  	[tilespmem:$0x5350] =	vst v0  }
0x60: {  	[tilespmem:$0x5360] =	vst v0  }
0x61: {  	[tilespmem:$0x5370] =	vst v0  }
0x62: {  	[tilespmem:$0x5380] =	vst v0  }
0x63: {  	[tilespmem:$0x5390] =	vst v0  }
0x64: {  	[tilespmem:$0x53A0] =	vst v0  }
0x65: {  	[tilespmem:$0x53B0] =	vst v0  }
0x66: {  	[tilespmem:$0x53C0] =	vst v0  }
0x67: {  	[tilespmem:$0x53D0] =	vst v0  }
0x68: {  	[tilespmem:$0x53E0] =	vst v0  }
0x69: {  	[tilespmem:$0x53F0] =	vst v0  }
0x6a: {  	[tilespmem:$0x5400] =	vst v0  }
0x6b: {  	[tilespmem:$0x5410] =	vst v0  }
0x6c: {  	[tilespmem:$0x5420] =	vst v0  }
0x6d: {  	[tilespmem:$0x5430] =	vst v0  }
0x6e: {  	[tilespmem:$0x5440] =	vst v0  }
0x6f: {  	[tilespmem:$0x5450] =	vst v0  }
0x70: {  	[tilespmem:$0x5460] =	vst v0  }
0x71: {  	[tilespmem:$0x5470] =	vst v0  }
0x72: {  	[tilespmem:$0x5480] =	vst v0  }
0x73: {  	[tilespmem:$0x5490] =	vst v0  }
0x74: {  	[tilespmem:$0x54A0] =	vst v0  }
0x75: {  	[tilespmem:$0x54B0] =	vst v0  }
0x76: {  	[tilespmem:$0x54C0] =	vst v0  }
0x77: {  	[tilespmem:$0x54D0] =	vst v0  }
0x78: {  	[tilespmem:$0x54E0] =	vst v0  }
0x79: {  	[tilespmem:$0x54F0] =	vst v0  }
0x7a: {  	[tilespmem:$0x5500] =	vst v0  }
0x7b: {  	[tilespmem:$0x5510] =	vst v0  }
0x7c: {  	[tilespmem:$0x5520] =	vst v0  }
0x7d: {  	[tilespmem:$0x5530] =	vst v0  }
0x7e: {  	[tilespmem:$0x5540] =	vst v0  }
0x7f: {  	[tilespmem:$0x5550] =	vst v0  }
0x80: {  	[tilespmem:$0x5560] =	vst v0  }
0x81: {  	[tilespmem:$0x5570] =	vst v0  }
0x82: {  	[tilespmem:$0x5580] =	vst v0  }
0x83: {  	[tilespmem:$0x5590] =	vst v0  }
0x84: {  	[tilespmem:$0x55A0] =	vst v0  }
0x85: {  	[tilespmem:$0x55B0] =	vst v0  }
0x86: {  	[tilespmem:$0x55C0] =	vst v0  }
0x87: {  	[tilespmem:$0x55D0] =	vst v0  }
0x88: {  	[tilespmem:$0x55E0] =	vst v0  }
0x89: {  	[tilespmem:$0x55F0] =	vst v0  }
0x8a: {  	[tilespmem:$0x5600] =	vst v0  }
0x8b: {  	[tilespmem:$0x5610] =	vst v0  }
0x8c: {  	[tilespmem:$0x5620] =	vst v0  }
0x8d: {  	[tilespmem:$0x5630] =	vst v0  }
0x8e: {  	[tilespmem:$0x5640] =	vst v0  }
0x8f: {  	[tilespmem:$0x5650] =	vst v0  }
0x90: {  	[tilespmem:$0x5660] =	vst v0  }
0x91: {  	[tilespmem:$0x5670] =	vst v0  }
0x92: {  	[tilespmem:$0x5680] =	vst v0  }
0x93: {  	[tilespmem:$0x5690] =	vst v0  }
0x94: {  	[tilespmem:$0x56A0] =	vst v0  }
0x95: {  	[tilespmem:$0x56B0] =	vst v0  }
0x96: {  	[tilespmem:$0x56C0] =	vst v0  }
0x97: {  	[tilespmem:$0x56D0] =	vst v0  }
0x98: {  	[tilespmem:$0x56E0] =	vst v0  }
0x99: {  	[dreg:$0x9] =	wrdreg s3;
	[tilespmem:$0x56F0] =	vst v0;
	s29 =	simm.s32 $0x1  }
0x9a: {  	[spmem:s2] =	stream.linear.scatter [tilespmem:s4], [sflag:$0x1], $0x800, $0x38;
	[tilespmem:$0x7980] =	vst v63  }
0x9b: {  	_ =	swait.ge [sflag:s29], $0x800  }
0x9c: {  	s0 =	simm.s32 $0x0;
	[sflag:s29] =	ssyncset.done $0x0  }
0x9d: {  	s5 =	simm.s32 $0x2780;
	s1 =	rddreg [dreg:$0x4];
	[sflag:s29] =	ssyncadd.s32 $0xFFFFF800  }
0x9e: {  	[tilespmem:s5], [sflag:$0x1] =	stream.linear.gather [hbm4b:s1+s0], $0x2710, $0x38;
	[tilespmem:$0x7980] =	vst v63  }
0x9f: {  	_ =	swait.ge [sflag:s29], $0x2710  }
0xa0: {  	[sflag:s29] =	ssyncset.done $0x0  }
0xa1: {  	s30 =	rddreg [dreg:$0x5];
	[sflag:s29] =	ssyncadd.s32 $0xFFFFD8F0  }
0xa2: {  	[tilespmem:s0], [sflag:$0x1] =	stream.linear.gather [hbm4b:s30+s0], $0x2710, $0x38;
	[tilespmem:$0x7980] =	vst v63  }
0xa3: {  	_ =	swait.ge [sflag:s29], $0x2710  }
0xa4: {  	[sflag:s29] =	ssyncset.done $0x0  }
0xa5: {  	s17 =	simm.s32 $0x7800;
	s31 =	rddreg [dreg:$0x6];
	[sflag:s29] =	ssyncadd.s32 $0xFFFFD8F0  }
0xa6: {  	[tilespmem:s17], [sflag:$0x1] =	stream.linear.gather [hbm4b:s31+s0], $0x80, $0x38;
	[tilespmem:$0x7980] =	vst v63  }
.Ltmp2:
0xa7: {  	_ =	swait.ge [sflag:s29], $0x80;
	(pc) =	sbr.rel .LBB2_2-.Ltmp2, $4  }
0xa8: {  	[sflag:s29] =	ssyncset.done $0x0  }
0xa9: {  	[sflag:s29] =	ssyncadd.s32 $0xFFFFFF80  }
0xaa: {  	[bflag:$0x0] =	sbarrier.arrive $0xFFFF  }
0xab: {  	s18 =	simm.s32 $0x100  }
.LBB2_4:
0xac: {  	s18 =	sadd.s32 $0x140, s18  }
0xad: {  	p1 =	sne.s32 s18, $0x9D40  }
.Ltmp3:
0xae: {  	_ = 	snop;
	(pc) =	sbr.rel @!p1 .LBB2_5-.Ltmp3, $2  }
0xaf: {  	_ =	sdelay $0x2  }
0xb0: {  	s17 =	sadd.s32 $0x1, s17  }
.LBB2_2:
0xb1: {  	v3 =	vld [tilespmem:s17+$0x0];
	_ =	sdelay $0x4  }
0xb2: {  	(v2sf) =	vpush v3, $0x0;
	_ =	sdelay $0xe  }
0xb3: {  	s19 =	spop (v2sf)  }
0xb4: {  	p1 =	slt.s32 s19, $0x1  }
.Ltmp4:
0xb5: {  	_ = 	snop;
	(pc) =	sbr.rel @p1 .LBB2_4-.Ltmp4, $1  }
0xb6: {  	_ =	sdelay $0x3  }
0xb7: {  	s19 =	sshra.s32 s18, $0x2  }
0xb8: {  	v3 =	vld [tilespmem:s19+$0xFFFFFFC0];
	_ =	sdelay $0x4  }
0xb9: {  	(v2sf) =	vpush v3, $0xD;
	_ =	sdelay $0x1  }
0xba: {  	(v2sf) =	vpush v3, $0xC;
	_ =	sdelay $0x1  }
0xbb: {  	(v2sf) =	vpush v3, $0xE;
	_ =	sdelay $0x1  }
0xbc: {  	(v2sf) =	vpush v3, $0xF;
	_ =	sdelay $0x1  }
0xbd: {  	(v2sf) =	vpush v3, $0x9;
	_ =	sdelay $0x1  }
0xbe: {  	(v2sf) =	vpush v3, $0x8;
	_ =	sdelay $0x1  }
0xbf: {  	(v2sf) =	vpush v3, $0xA;
	_ =	sdelay $0x1  }
0xc0: {  	(v2sf) =	vpush v3, $0xB  }
0xc1: {  	s20 =	spop (v2sf)  }
0xc2: {  	(v2sf) =	vpush v3, $0x0;
	s21 =	smulhi.u32 $0x68DB8BAD, s20;
	s20 =	sshra.s32 s20, $0x1F  }
0xc3: {  	s22 =	spop (v2sf);
	s20 =	smul.u32 $0x68DB8BAD, s20  }
0xc4: {  	(v2sf) =	vpush v3, $0x1;
	s23 =	smulhi.u32 $0x68DB8BAD, s22;
	s22 =	sshra.s32 s22, $0x1F  }
0xc5: {  	s24 =	spop (v2sf);
	(v2sf) =	vpush v3, $0x2;
	s22 =	smul.u32 $0x68DB8BAD, s22  }
0xc6: {  	s25 =	smulhi.u32 $0x68DB8BAD, s24;
	s24 =	sshra.s32 s24, $0x1F;
	(v2sf) =	vpush v3, $0x3  }
0xc7: {  	s26 =	spop (v2sf);
	s24 =	smul.u32 $0x68DB8BAD, s24;
	(v2sf) =	vpush v3, $0x4  }
0xc8: {  	s28 =	smulhi.u32 $0x68DB8BAD, s26;
	s26 =	sshra.s32 s26, $0x1F;
	(v2sf) =	vpush v3, $0x5  }
0xc9: {  	s29 =	spop (v2sf);
	s26 =	smul.u32 $0x68DB8BAD, s26;
	(v2sf) =	vpush v3, $0x6  }
0xca: {  	s31 =	smulhi.u32 $0x68DB8BAD, s29;
	s29 =	sshra.s32 s29, $0x1F;
	(v2sf) =	vpush v3, $0x7  }
0xcb: {  	s14 =	spop (v2sf);
	s29 =	smul.u32 $0x68DB8BAD, s29  }
0xcc: {  	s20 =	sadd.s32 s20, s21;
	s0 =	smulhi.u32 $0x68DB8BAD, s14;
	s21 =	sshra.s32 s14, $0x1F  }
0xcd: {  	s30 =	sshrl.u32 s20, $0x1F;
	s15 =	spop (v2sf);
	s11 =	smul.u32 $0x68DB8BAD, s21  }
0xce: {  	s23 =	sadd.s32 s22, s23;
	s5 =	smulhi.u32 $0x68DB8BAD, s15;
	s16 =	sshra.s32 s15, $0x1F  }
0xcf: {  	s4 =	sshrl.u32 s23, $0x1F;
	s12 =	spop (v2sf);
	s1 =	smul.u32 $0x68DB8BAD, s16  }
0xd0: {  	s21 =	sadd.s32 s24, s25;
	s7 =	smulhi.u32 $0x68DB8BAD, s12;
	s13 =	sshra.s32 s12, $0x1F  }
0xd1: {  	s22 =	sadd.s32 s26, s28;
	s14 =	smul.u32 $0x68DB8BAD, s13;
	s10 =	spop (v2sf)  }
0xd2: {  	s6 =	sshrl.u32 s21, $0x1F;
	s12 =	smulhi.u32 $0x68DB8BAD, s10;
	s2 =	sshra.s32 s10, $0x1F  }
0xd3: {  	s24 =	sadd.s32 s29, s31;
	s3 =	spop (v2sf);
	s2 =	smul.u32 $0x68DB8BAD, s2  }
0xd4: {  	s31 =	smulhi.u32 $0x68DB8BAD, s3;
	s16 =	sshra.s32 s3, $0x1F;
	s13 =	spop (v2sf)  }
0xd5: {  	s29 =	sadd.s32 s11, s0;
	s0 =	smul.u32 $0x68DB8BAD, s16;
	s9 =	spop (v2sf)  }
0xd6: {  	s16 =	smulhi.u32 $0x68DB8BAD, s13;
	s13 =	sshra.s32 s13, $0x1F;
	s15 =	spop (v2sf)  }
0xd7: {  	s25 =	sadd.s32 s1, s5;
	s5 =	smul.u32 $0x68DB8BAD, s13;
	s13 =	spop (v2sf)  }
0xd8: {  	s1 =	smulhi.u32 $0x68DB8BAD, s9;
	s11 =	sshra.s32 s9, $0x1F;
	s3 =	spop (v2sf)  }
0xd9: {  	v5 =	vmov s4;
	s26 =	sadd.s32 s14, s7;
	s10 =	smul.u32 $0x68DB8BAD, s11;
	s14 =	spop (v2sf)  }
0xda: {  	s8 =	sshrl.u32 s22, $0x1F;
	v5 =	vsel vm0, s30, v5;
	s9 =	smulhi.u32 $0x68DB8BAD, s14;
	s11 =	sshra.s32 s14, $0x1F  }
0xdb: {  	v5 =	vsel vm1, s6, v5;
	s6 =	sshra.s32 s29, $0x9;
	s7 =	sshrl.u32 s26, $0x1F;
	s11 =	smul.u32 $0x68DB8BAD, s11  }
0xdc: {  	s2 =	sadd.s32 s2, s12;
	s12 =	sshrl.u32 s24, $0x1F;
	s0 =	sadd.s32 s0, s31  }
0xdd: {  	vm3 =	vcmask $0x300;
	vm10 =	vcmask $0x704;
	vm11 =	vcmask $0xF0C;
	s31 =	sshrl.u32 s29, $0x1F;
	s5 =	sadd.s32 s5, s16;
	s28 =	sadd.s32 s11, s9  }
0xde: {  	vm12 =	vcmask $0x1714;
	vm6 =	vcmask $0x2B28;
	vm13 =	vcmask $0x1F1C;
	s16 =	sshrl.u32 s25, $0x1F;
	s4 =	sshrl.u32 s0, $0x1F;
	s9 =	sshra.s32 s28, $0x1F  }
0xdf: {  	vm14 =	vcmask $0x3330;
	vm7 =	vcmask $0x2724;
	s1 =	sadd.s32 s10, s1;
	s10 =	sshrl.u32 s2, $0x1F;
	s14 =	sshra.s32 s2, $0x9;
	v4 =	vmov s9  }
0xe0: {  	vm15 =	vcmask $0x2F2C;
	vm4 =	vcmask $0x3B38;
	s30 =	smulhi.u32 $0x68DB8BAD, s3;
	s3 =	sshra.s32 s3, $0x1F;
	s2 =	sshra.s32 s2, $0x1F;
	v4 =	vsel vm3, s14, v4  }
0xe1: {  	v5 =	vsel vm2, s8, v5;
	v6 =	vmov s10;
	s10 =	sshra.s32 s0, $0x9;
	s11 =	smulhi.u32 $0x68DB8BAD, s15;
	s15 =	sshra.s32 s15, $0x1F;
	v4 =	vsel vm10, s2, v4  }
0xe2: {  	v7 =	vmov s31;
	s8 =	sshra.s32 s5, $0x9;
	s0 =	sshra.s32 s0, $0x1F;
	v6 =	vnsel vm3, $0x0, v6;
	s9 =	smul.u32 $0x68DB8BAD, s15;
	v4 =	vsel vm0, s10, v4  }
0xe3: {  	v7 =	vsel vm0, s12, v7;
	s12 =	sshra.s32 s25, $0x9;
	s3 =	smul.u32 $0x68DB8BAD, s3;
	v6 =	vsel vm0, s4, v6;
	s14 =	sshrl.u32 s5, $0x1F;
	v4 =	vsel vm11, s0, v4  }
0xe4: {  	v7 =	vsel vm1, s16, v7;
	s15 =	sshrl.u32 s1, $0x1F;
	v6 =	vsel vm1, s14, v6;
	s10 =	sadd.s32 s9, s11;
	s11 =	sshra.s32 s5, $0x1F;
	v4 =	vsel vm1, s8, v4  }
0xe5: {  	v7 =	vsel vm2, s7, v7;
	s2 =	smulhi.u32 $0x68DB8BAD, s13;
	s13 =	sshra.s32 s13, $0x1F;
	v6 =	vsel vm2, s15, v6;
	s15 =	sshra.s32 s1, $0x9;
	v4 =	vsel vm12, s11, v4  }
0xe6: {  	v8 =	vmov s6;
	s3 =	sadd.s32 s3, s30;
	s30 =	sshra.s32 s1, $0x1F;
	v5 =	vcombine.low v7, v5;
	s13 =	smul.u32 $0x68DB8BAD, s13;
	v4 =	vsel vm2, s15, v4  }
0xe7: {  	vm10 =	vcmask $0x3734;
	s5 =	sshra.s32 s23, $0x9;
	s9 =	sshra.s32 s24, $0x9;
	vm11 =	vcmask $0x2320;
	s4 =	sshra.s32 s10, $0x9;
	v4 =	vsel vm13, s30, v4  }
0xe8: {  	s14 =	sshrl.u32 s10, $0x1F;
	s7 =	sshra.s32 s10, $0x1F;
	v63 =	vmov s5;
	v8 =	vsel vm0, s9, v8;
	s2 =	sadd.s32 s13, s2;
	v4 =	vsel vm11, s4, v4  }
0xe9: {  	v6 =	vsel vm11, s14, v6;
	s8 =	sshra.s32 s20, $0x9;
	v8 =	vsel vm1, s12, v8;
	s16 =	sshrl.u32 s2, $0x1F;
	s10 =	sshra.s32 s2, $0x9;
	v4 =	vsel vm7, s7, v4  }
0xea: {  	s31 =	sshrl.u32 s3, $0x1F;
	v7 =	vsel vm0, s8, v63;
	s11 =	sshra.s32 s21, $0x9;
	s13 =	sshra.s32 s2, $0x1F;
	v6 =	vsel vm6, s16, v6;
	v4 =	vsel vm6, s10, v4  }
0xeb: {  	s14 =	sshra.s32 s22, $0x9;
	v7 =	vsel vm1, s11, v7;
	s15 =	sshra.s32 s26, $0x9;
	s16 =	sshra.s32 s3, $0x9;
	v6 =	vsel vm14, s31, v6;
	v4 =	vsel vm15, s13, v4  }
0xec: {  	s20 =	sshrl.u32 s28, $0x1F;
	s21 =	sshra.s32 s3, $0x1F;
	v7 =	vsel vm2, s14, v7;
	v8 =	vsel vm2, s15, v8;
	v4 =	vsel vm14, s16, v4  }
0xed: {  	s22 =	sshra.s32 s28, $0x9;
	v6 =	vsel vm4, s20, v6;
	v7 =	vcombine.low v8, v7;
	v4 =	vsel vm10, s21, v4  }
0xee: {  	v5 =	vperm.xlane v5, v1;
	v6 =	vperm.xlane v6, v2;
	v4 =	vsel vm4, s22, v4  }
0xef: {  	v7 =	vperm.xlane v7, v1;
	v4 =	vperm.xlane v4, v2;
	_ =	sdelay $0x1  }
0xf0: {  	v10 =	vcvt.s32.f32 v3;
	v5 =	vsel vm8, v6, v5;
	v4 =	vsel vm8, v4, v7  }
0xf1: {  	v4 =	vadd.s32 v5, v4  }
0xf2: {  	v11 =	vmul.f32 $7.999999800e-04, v10;
	v4 =	vmul.u32 $0x4E2, v4  }
0xf3: {  	v12 =	vld [tilespmem:s19+$0x2740]  }
0xf4: {  	v13 =	vadd.f32 $5.000000000e-01, v11;
	v3 =	vsub.s32 v3, v4  }
0xf5: {  	vm9 =	vlt.s32 v3, $0x0;
	v14 =	vadd.s32 $0x4E2, v3  }
0xf6: {  	v4 =	vtrunc.f32 v13;
	v3 =	vsel vm9, v14, v3  }
0xf7: {  	vm9 =	veq.s32 v3, $0x0;
	v3 =	vcvt.f32.s32 v4  }
0xf8: {  	v15 =	vnsel vm9, $0x0, v12  }
0xf9: {  	[tilespmem:$0x7700] =	vst v15;
	v3 =	vnsel vm9, $0x8, v3  }
0xfa: {  	[tilespmem:$0x7780] =	vst v3  }
0xfb: {  	v3 =	vld [tilespmem:s19+$0xFFFFFFD0];
	_ =	sdelay $0x4  }
0xfc: {  	(v2sf) =	vpush v3, $0xD;
	_ =	sdelay $0x1  }
0xfd: {  	(v2sf) =	vpush v3, $0xC;
	_ =	sdelay $0x1  }
0xfe: {  	(v2sf) =	vpush v3, $0xE;
	_ =	sdelay $0x1  }
0xff: {  	(v2sf) =	vpush v3, $0xF;
	_ =	sdelay $0x1  }
0x100: {  	(v2sf) =	vpush v3, $0x9;
	_ =	sdelay $0x1  }
0x101: {  	(v2sf) =	vpush v3, $0x8;
	_ =	sdelay $0x1  }
0x102: {  	(v2sf) =	vpush v3, $0xA;
	_ =	sdelay $0x1  }
0x103: {  	(v2sf) =	vpush v3, $0xB  }
0x104: {  	s23 =	spop (v2sf)  }
0x105: {  	(v2sf) =	vpush v3, $0x0;
	s24 =	smulhi.u32 $0x68DB8BAD, s23;
	s0 =	sshra.s32 s23, $0x1F  }
0x106: {  	s25 =	spop (v2sf);
	s0 =	smul.u32 $0x68DB8BAD, s0  }
0x107: {  	(v2sf) =	vpush v3, $0x1;
	s26 =	smulhi.u32 $0x68DB8BAD, s25;
	s2 =	sshra.s32 s25, $0x1F  }
0x108: {  	(v2sf) =	vpush v3, $0x2;
	s28 =	spop (v2sf);
	s2 =	smul.u32 $0x68DB8BAD, s2  }
0x109: {  	(v2sf) =	vpush v3, $0x3;
	s29 =	smulhi.u32 $0x68DB8BAD, s28;
	s4 =	sshra.s32 s28, $0x1F  }
0x10a: {  	s30 =	spop (v2sf);
	(v2sf) =	vpush v3, $0x4;
	s4 =	smul.u32 $0x68DB8BAD, s4  }
0x10b: {  	s31 =	smulhi.u32 $0x68DB8BAD, s30;
	s6 =	sshra.s32 s30, $0x1F;
	(v2sf) =	vpush v3, $0x5  }
0x10c: {  	s9 =	spop (v2sf);
	s6 =	smul.u32 $0x68DB8BAD, s6;
	(v2sf) =	vpush v3, $0x6  }
0x10d: {  	s10 =	smulhi.u32 $0x68DB8BAD, s9;
	s8 =	sshra.s32 s9, $0x1F;
	(v2sf) =	vpush v3, $0x7  }
0x10e: {  	s13 =	spop (v2sf);
	s11 =	smul.u32 $0x68DB8BAD, s8  }
0x10f: {  	s20 =	sadd.s32 s0, s24;
	s14 =	smulhi.u32 $0x68DB8BAD, s13;
	s1 =	sshra.s32 s13, $0x1F  }
0x110: {  	s30 =	sshrl.u32 s20, $0x1F;
	s15 =	spop (v2sf);
	s1 =	smul.u32 $0x68DB8BAD, s1  }
0x111: {  	s23 =	sadd.s32 s2, s26;
	s16 =	smulhi.u32 $0x68DB8BAD, s15;
	s2 =	sshra.s32 s15, $0x1F  }
0x112: {  	s3 =	sshrl.u32 s23, $0x1F;
	s24 =	spop (v2sf);
	s2 =	smul.u32 $0x68DB8BAD, s2  }
0x113: {  	s21 =	sadd.s32 s4, s29;
	s12 =	smulhi.u32 $0x68DB8BAD, s24;
	s4 =	sshra.s32 s24, $0x1F  }
0x114: {  	s5 =	sshrl.u32 s21, $0x1F;
	s25 =	spop (v2sf);
	s4 =	smul.u32 $0x68DB8BAD, s4  }
0x115: {  	s22 =	sadd.s32 s6, s31;
	s13 =	smulhi.u32 $0x68DB8BAD, s25;
	s6 =	sshra.s32 s25, $0x1F  }
0x116: {  	s24 =	sadd.s32 s11, s10;
	s26 =	spop (v2sf);
	s0 =	smul.u32 $0x68DB8BAD, s6  }
0x117: {  	s9 =	smulhi.u32 $0x68DB8BAD, s26;
	s6 =	sshra.s32 s26, $0x1F;
	s28 =	spop (v2sf)  }
0x118: {  	s29 =	sadd.s32 s1, s14;
	s1 =	smul.u32 $0x68DB8BAD, s6;
	s31 =	spop (v2sf)  }
0x119: {  	s8 =	smulhi.u32 $0x68DB8BAD, s28;
	s14 =	sshra.s32 s28, $0x1F;
	s15 =	spop (v2sf)  }
0x11a: {  	s25 =	sadd.s32 s2, s16;
	s14 =	smul.u32 $0x68DB8BAD, s14;
	s11 =	spop (v2sf)  }
0x11b: {  	s10 =	smulhi.u32 $0x68DB8BAD, s31;
	s6 =	sshra.s32 s31, $0x1F;
	s16 =	spop (v2sf)  }
0x11c: {  	v17 =	vmov s3;
	s26 =	sadd.s32 s4, s12;
	s12 =	smul.u32 $0x68DB8BAD, s6;
	s28 =	spop (v2sf)  }
0x11d: {  	s7 =	sshrl.u32 s22, $0x1F;
	v5 =	vsel vm0, s30, v17;
	s31 =	smulhi.u32 $0x68DB8BAD, s28;
	s6 =	sshra.s32 s28, $0x1F  }
0x11e: {  	v5 =	vsel vm1, s5, v5;
	s5 =	sshra.s32 s23, $0x9;
	s0 =	sadd.s32 s0, s13;
	s6 =	smul.u32 $0x68DB8BAD, s6  }
0x11f: {  	s13 =	sshrl.u32 s24, $0x1F;
	s1 =	sadd.s32 s1, s9;
	s9 =	sshrl.u32 s29, $0x1F  }
0x120: {  	s2 =	sadd.s32 s14, s8;
	s8 =	sshrl.u32 s25, $0x1F;
	s28 =	sadd.s32 s6, s31  }
0x121: {  	vm5 =	vcmask $0x1714;
	s4 =	sadd.s32 s12, s10;
	s10 =	sshra.s32 s15, $0x1F;
	s31 =	sshra.s32 s28, $0x1F  }
0x122: {  	vm13 =	vmmov vm3;
	vm10 =	vmmov vm4;
	s14 =	sshrl.u32 s26, $0x1F;
	s12 =	smul.u32 $0x68DB8BAD, s10;
	s10 =	sshra.s32 s0, $0x9;
	v16 =	vmov s31  }
0x123: {  	vm4 =	vcmask $0xF0C;
	s6 =	smulhi.u32 $0x68DB8BAD, s15;
	s15 =	sshrl.u32 s0, $0x1F;
	s0 =	sshra.s32 s0, $0x1F;
	v4 =	vsel vm3, s10, v16;
	vm3 =	vcmask $0x704  }
0x124: {  	v5 =	vsel vm2, s7, v5;
	s3 =	sshrl.u32 s1, $0x1F;
	s30 =	sshra.s32 s16, $0x1F;
	v18 =	vmov s15;
	s10 =	sshra.s32 s1, $0x9;
	v4 =	vsel vm3, s0, v4  }
0x125: {  	v19 =	vmov s9;
	s9 =	sshra.s32 s20, $0x9;
	s7 =	smul.u32 $0x68DB8BAD, s30;
	v6 =	vnsel vm13, $0x0, v18;
	s1 =	sshra.s32 s1, $0x1F;
	v4 =	vsel vm0, s10, v4  }
0x126: {  	vm12 =	vcmask $0x1F1C;
	s15 =	sshrl.u32 s4, $0x1F;
	s31 =	sshrl.u32 s2, $0x1F;
	v6 =	vsel vm0, s3, v6;
	s10 =	sshra.s32 s2, $0x9;
	v4 =	vsel vm4, s1, v4  }
0x127: {  	v7 =	vsel vm0, s13, v19;
	s6 =	sadd.s32 s12, s6;
	s12 =	sshra.s32 s2, $0x1F;
	s3 =	smulhi.u32 $0x68DB8BAD, s16;
	v6 =	vsel vm1, s31, v6;
	v4 =	vsel vm1, s10, v4  }
0x128: {  	v7 =	vsel vm1, s8, v7;
	s0 =	smulhi.u32 $0x68DB8BAD, s11;
	s11 =	sshra.s32 s11, $0x1F;
	v6 =	vsel vm2, s15, v6;
	s15 =	sshra.s32 s4, $0x9;
	v4 =	vsel vm5, s12, v4  }
0x129: {  	vm9 =	vcmask $0x3734;
	v7 =	vsel vm2, s14, v7;
	s30 =	sshra.s32 s4, $0x1F;
	s13 =	sshrl.u32 s6, $0x1F;
	s11 =	smul.u32 $0x68DB8BAD, s11;
	v4 =	vsel vm2, s15, v4  }
0x12a: {  	v20 =	vmov s5;
	v5 =	vcombine.low v7, v5;
	s3 =	sadd.s32 s7, s3;
	s4 =	sshra.s32 s6, $0x9;
	s7 =	sshra.s32 s29, $0x9;
	v4 =	vsel vm12, s30, v4  }
0x12b: {  	v7 =	vsel vm0, s9, v20;
	s8 =	sshra.s32 s6, $0x1F;
	v21 =	vmov s7;
	s0 =	sadd.s32 s11, s0;
	s10 =	sshra.s32 s24, $0x9;
	v4 =	vsel vm11, s4, v4  }
0x12c: {  	v6 =	vsel vm11, s13, v6;
	s16 =	sshrl.u32 s0, $0x1F;
	s11 =	sshra.s32 s0, $0x9;
	s12 =	sshra.s32 s21, $0x9;
	v8 =	vsel vm0, s10, v21;
	v4 =	vsel vm7, s8, v4  }
0x12d: {  	s31 =	sshrl.u32 s3, $0x1F;
	s13 =	sshra.s32 s25, $0x9;
	s0 =	sshra.s32 s0, $0x1F;
	v6 =	vsel vm6, s16, v6;
	v7 =	vsel vm1, s12, v7;
	v4 =	vsel vm6, s11, v4  }
0x12e: {  	s14 =	sshra.s32 s22, $0x9;
	v8 =	vsel vm1, s13, v8;
	s15 =	sshra.s32 s26, $0x9;
	s16 =	sshra.s32 s3, $0x9;
	v6 =	vsel vm14, s31, v6;
	v4 =	vsel vm15, s0, v4  }
0x12f: {  	s20 =	sshrl.u32 s28, $0x1F;
	s21 =	sshra.s32 s3, $0x1F;
	v7 =	vsel vm2, s14, v7;
	v8 =	vsel vm2, s15, v8;
	v4 =	vsel vm14, s16, v4  }
0x130: {  	s22 =	sshra.s32 s28, $0x9;
	v6 =	vsel vm10, s20, v6;
	v7 =	vcombine.low v8, v7;
	v4 =	vsel vm9, s21, v4  }
0x131: {  	v5 =	vperm.xlane v5, v1;
	v6 =	vperm.xlane v6, v2;
	v4 =	vsel vm10, s22, v4  }
0x132: {  	v7 =	vperm.xlane v7, v1;
	v4 =	vperm.xlane v4, v2;
	_ =	sdelay $0x1  }
0x133: {  	v22 =	vcvt.s32.f32 v3;
	v5 =	vsel vm8, v6, v5;
	v4 =	vsel vm8, v4, v7  }
0x134: {  	v4 =	vadd.s32 v5, v4  }
0x135: {  	v23 =	vmul.f32 $7.999999800e-04, v22;
	v4 =	vmul.u32 $0x4E2, v4  }
0x136: {  	v24 =	vld [tilespmem:s19+$0x2750]  }
0x137: {  	v25 =	vadd.f32 $5.000000000e-01, v23;
	v3 =	vsub.s32 v3, v4  }
0x138: {  	vm9 =	vlt.s32 v3, $0x0;
	v26 =	vadd.s32 $0x4E2, v3  }
0x139: {  	v4 =	vtrunc.f32 v25;
	v3 =	vsel vm9, v26, v3  }
0x13a: {  	vm9 =	veq.s32 v3, $0x0;
	v3 =	vcvt.f32.s32 v4  }
0x13b: {  	v27 =	vnsel vm9, $0x0, v24  }
0x13c: {  	[tilespmem:$0x7710] =	vst v27;
	v3 =	vnsel vm9, $0x8, v3  }
0x13d: {  	[tilespmem:$0x7790] =	vst v3  }
0x13e: {  	v3 =	vld [tilespmem:s19+$0xFFFFFFE0];
	_ =	sdelay $0x4  }
0x13f: {  	(v2sf) =	vpush v3, $0xD;
	_ =	sdelay $0x1  }
0x140: {  	(v2sf) =	vpush v3, $0xC;
	_ =	sdelay $0x1  }
0x141: {  	(v2sf) =	vpush v3, $0xE;
	_ =	sdelay $0x1  }
0x142: {  	(v2sf) =	vpush v3, $0xF;
	_ =	sdelay $0x1  }
0x143: {  	(v2sf) =	vpush v3, $0x9  }
0x144: {  	(v2sf) =	vpush v3, $0x8;
	_ =	sdelay $0x1  }
0x145: {  	(v2sf) =	vpush v3, $0xA;
	_ =	sdelay $0x1  }
0x146: {  	(v2sf) =	vpush v3, $0xB;
	_ =	sdelay $0x1  }
0x147: {  	(v2sf) =	vpush v3, $0x0;
	s23 =	spop (v2sf)  }
0x148: {  	s24 =	smulhi.u32 $0x68DB8BAD, s23;
	s0 =	sshra.s32 s23, $0x1F  }
0x149: {  	(v2sf) =	vpush v3, $0x1;
	s25 =	spop (v2sf);
	s0 =	smul.u32 $0x68DB8BAD, s0  }
0x14a: {  	s26 =	smulhi.u32 $0x68DB8BAD, s25;
	s2 =	sshra.s32 s25, $0x1F  }
0x14b: {  	(v2sf) =	vpush v3, $0x2;
	s28 =	spop (v2sf);
	s2 =	smul.u32 $0x68DB8BAD, s2  }
0x14c: {  	(v2sf) =	vpush v3, $0x3;
	s29 =	smulhi.u32 $0x68DB8BAD, s28;
	s4 =	sshra.s32 s28, $0x1F  }
0x14d: {  	s30 =	spop (v2sf);
	(v2sf) =	vpush v3, $0x4;
	s4 =	smul.u32 $0x68DB8BAD, s4  }
0x14e: {  	s31 =	smulhi.u32 $0x68DB8BAD, s30;
	s6 =	sshra.s32 s30, $0x1F;
	(v2sf) =	vpush v3, $0x5  }
0x14f: {  	s9 =	spop (v2sf);
	s20 =	sadd.s32 s0, s24;
	s6 =	smul.u32 $0x68DB8BAD, s6;
	(v2sf) =	vpush v3, $0x6  }
0x150: {  	s10 =	smulhi.u32 $0x68DB8BAD, s9;
	s8 =	sshra.s32 s9, $0x1F;
	s13 =	spop (v2sf);
	(v2sf) =	vpush v3, $0x7  }
0x151: {  	s30 =	sshrl.u32 s20, $0x1F;
	s23 =	sadd.s32 s2, s26;
	s11 =	smul.u32 $0x68DB8BAD, s8  }
0x152: {  	s14 =	smulhi.u32 $0x68DB8BAD, s13;
	s1 =	sshra.s32 s13, $0x1F;
	s15 =	spop (v2sf)  }
0x153: {  	s3 =	sshrl.u32 s23, $0x1F;
	s21 =	sadd.s32 s4, s29;
	s1 =	smul.u32 $0x68DB8BAD, s1  }
0x154: {  	s16 =	smulhi.u32 $0x68DB8BAD, s15;
	s2 =	sshra.s32 s15, $0x1F;
	s24 =	spop (v2sf)  }
0x155: {  	s5 =	sshrl.u32 s21, $0x1F;
	s22 =	sadd.s32 s6, s31;
	s2 =	smul.u32 $0x68DB8BAD, s2  }
0x156: {  	s12 =	smulhi.u32 $0x68DB8BAD, s24;
	s4 =	sshra.s32 s24, $0x1F;
	s25 =	spop (v2sf)  }
0x157: {  	v29 =	vmov s3;
	s7 =	sshrl.u32 s22, $0x1F;
	s24 =	sadd.s32 s11, s10;
	s4 =	smul.u32 $0x68DB8BAD, s4  }
0x158: {  	v5 =	vsel vm0, s30, v29;
	s13 =	smulhi.u32 $0x68DB8BAD, s25;
	s6 =	sshra.s32 s25, $0x1F;
	s26 =	spop (v2sf)  }
0x159: {  	s29 =	sadd.s32 s1, s14;
	v5 =	vsel vm1, s5, v5;
	s5 =	sshra.s32 s23, $0x9;
	s0 =	smul.u32 $0x68DB8BAD, s6  }
0x15a: {  	s9 =	smulhi.u32 $0x68DB8BAD, s26;
	s6 =	sshra.s32 s26, $0x1F;
	s28 =	spop (v2sf)  }
0x15b: {  	s25 =	sadd.s32 s2, s16;
	s1 =	smul.u32 $0x68DB8BAD, s6;
	s31 =	spop (v2sf)  }
0x15c: {  	s8 =	smulhi.u32 $0x68DB8BAD, s28;
	s14 =	sshra.s32 s28, $0x1F;
	s15 =	spop (v2sf)  }
0x15d: {  	s26 =	sadd.s32 s4, s12;
	s14 =	smul.u32 $0x68DB8BAD, s14;
	s11 =	spop (v2sf)  }
0x15e: {  	s10 =	smulhi.u32 $0x68DB8BAD, s31;
	s6 =	sshra.s32 s31, $0x1F;
	s16 =	spop (v2sf)  }
0x15f: {  	s0 =	sadd.s32 s0, s13;
	s12 =	smul.u32 $0x68DB8BAD, s6;
	s28 =	spop (v2sf)  }
0x160: {  	s13 =	sshrl.u32 s24, $0x1F;
	s31 =	smulhi.u32 $0x68DB8BAD, s28;
	s6 =	sshra.s32 s28, $0x1F  }
0x161: {  	s1 =	sadd.s32 s1, s9;
	s9 =	sshrl.u32 s29, $0x1F;
	s6 =	smul.u32 $0x68DB8BAD, s6  }
0x162: {  	s2 =	sadd.s32 s14, s8;
	s8 =	sshrl.u32 s25, $0x1F;
	s14 =	sshrl.u32 s26, $0x1F  }
0x163: {  	vm11 =	vmmov vm3;
	s4 =	sadd.s32 s12, s10;
	s10 =	sshra.s32 s15, $0x1F;
	s28 =	sadd.s32 s6, s31  }
0x164: {  	vm6 =	vcmask $0x2B28;
	vm15 =	vmmov vm4;
	vm9 =	vmmov vm14;
	s3 =	sshrl.u32 s1, $0x1F;
	s12 =	smul.u32 $0x68DB8BAD, s10;
	s31 =	sshra.s32 s28, $0x1F  }
0x165: {  	v5 =	vsel vm2, s7, v5;
	v31 =	vmov s9;
	s10 =	sshra.s32 s0, $0x9;
	s6 =	smulhi.u32 $0x68DB8BAD, s15;
	s15 =	sshrl.u32 s0, $0x1F;
	v28 =	vmov s31  }
0x166: {  	s9 =	sshra.s32 s20, $0x9;
	v7 =	vsel vm0, s13, v31;
	s30 =	sshra.s32 s16, $0x1F;
	s0 =	sshra.s32 s0, $0x1F;
	v30 =	vmov s15;
	v4 =	vsel vm13, s10, v28  }
0x167: {  	v7 =	vsel vm1, s8, v7;
	s7 =	smul.u32 $0x68DB8BAD, s30;
	s15 =	sshrl.u32 s4, $0x1F;
	v6 =	vnsel vm13, $0x0, v30;
	s10 =	sshra.s32 s1, $0x9;
	v4 =	vsel vm3, s0, v4  }
0x168: {  	v7 =	vsel vm2, s14, v7;
	s31 =	sshrl.u32 s2, $0x1F;
	s1 =	sshra.s32 s1, $0x1F;
	v6 =	vsel vm0, s3, v6;
	s3 =	smulhi.u32 $0x68DB8BAD, s16;
	v4 =	vsel vm0, s10, v4  }
0x169: {  	v32 =	vmov s5;
	v5 =	vcombine.low v7, v5;
	s0 =	smulhi.u32 $0x68DB8BAD, s11;
	s11 =	sshra.s32 s11, $0x1F;
	s10 =	sshra.s32 s2, $0x9;
	v4 =	vsel vm4, s1, v4  }
0x16a: {  	v7 =	vsel vm0, s9, v32;
	s6 =	sadd.s32 s12, s6;
	s12 =	sshra.s32 s2, $0x1F;
	v6 =	vsel vm1, s31, v6;
	s11 =	smul.u32 $0x68DB8BAD, s11;
	v4 =	vsel vm1, s10, v4  }
0x16b: {  	s30 =	sshra.s32 s4, $0x1F;
	s13 =	sshrl.u32 s6, $0x1F;
	vm3 =	vmmov vm13;
	v6 =	vsel vm2, s15, v6;
	s15 =	sshra.s32 s4, $0x9;
	v4 =	vsel vm5, s12, v4  }
0x16c: {  	vm13 =	vmmov vm5;
	s3 =	sadd.s32 s7, s3;
	s7 =	sshra.s32 s29, $0x9;
	s0 =	sadd.s32 s11, s0;
	vm5 =	vcmask $0x2320;
	v4 =	vsel vm2, s15, v4  }
0x16d: {  	s4 =	sshra.s32 s6, $0x9;
	v33 =	vmov s7;
	s16 =	sshrl.u32 s0, $0x1F;
	v6 =	vsel vm5, s13, v6;
	v4 =	vsel vm12, s30, v4  }
0x16e: {  	s8 =	sshra.s32 s6, $0x1F;
	s31 =	sshrl.u32 s3, $0x1F;
	vm4 =	vcmask $0x3734;
	s10 =	sshra.s32 s24, $0x9;
	v6 =	vsel vm6, s16, v6;
	v4 =	vsel vm5, s4, v4  }
0x16f: {  	s11 =	sshra.s32 s0, $0x9;
	v8 =	vsel vm0, s10, v33;
	v6 =	vsel vm14, s31, v6;
	v4 =	vsel vm7, s8, v4  }
0x170: {  	s12 =	sshra.s32 s21, $0x9;
	s0 =	sshra.s32 s0, $0x1F;
	s13 =	sshra.s32 s25, $0x9;
	vm14 =	vmmov vm7;
	vm7 =	vcmask $0x2F2C;
	v4 =	vsel vm6, s11, v4  }
0x171: {  	s14 =	sshra.s32 s22, $0x9;
	v7 =	vsel vm1, s12, v7;
	s15 =	sshra.s32 s26, $0x9;
	v8 =	vsel vm1, s13, v8;
	s16 =	sshra.s32 s3, $0x9;
	v4 =	vsel vm7, s0, v4  }
0x172: {  	s20 =	sshrl.u32 s28, $0x1F;
	s21 =	sshra.s32 s3, $0x1F;
	v7 =	vsel vm2, s14, v7;
	v8 =	vsel vm2, s15, v8;
	v4 =	vsel vm9, s16, v4  }
0x173: {  	s22 =	sshra.s32 s28, $0x9;
	v6 =	vsel vm10, s20, v6;
	v7 =	vcombine.low v8, v7;
	v4 =	vsel vm4, s21, v4  }
0x174: {  	v5 =	vperm.xlane v5, v1;
	v6 =	vperm.xlane v6, v2;
	v4 =	vsel vm10, s22, v4  }
0x175: {  	v7 =	vperm.xlane v7, v1;
	v4 =	vperm.xlane v4, v2;
	_ =	sdelay $0x1  }
0x176: {  	v34 =	vcvt.s32.f32 v3;
	v5 =	vsel vm8, v6, v5;
	v4 =	vsel vm8, v4, v7  }
0x177: {  	v4 =	vadd.s32 v5, v4  }
0x178: {  	v35 =	vmul.f32 $7.999999800e-04, v34;
	v4 =	vmul.u32 $0x4E2, v4  }
0x179: {  	v36 =	vld [tilespmem:s19+$0x2760]  }
0x17a: {  	v37 =	vadd.f32 $5.000000000e-01, v35;
	v3 =	vsub.s32 v3, v4  }
0x17b: {  	vm5 =	vmmov vm9;
	vm9 =	vlt.s32 v3, $0x0;
	v38 =	vadd.s32 $0x4E2, v3  }
0x17c: {  	v4 =	vtrunc.f32 v37;
	v3 =	vsel vm9, v38, v3  }
0x17d: {  	vm9 =	veq.s32 v3, $0x0;
	v3 =	vcvt.f32.s32 v4  }
0x17e: {  	v39 =	vnsel vm9, $0x0, v36  }
0x17f: {  	[tilespmem:$0x7720] =	vst v39;
	v3 =	vnsel vm9, $0x8, v3  }
0x180: {  	[tilespmem:$0x77A0] =	vst v3  }
0x181: {  	v3 =	vld [tilespmem:s19+$0xFFFFFFF0];
	_ =	sdelay $0x4  }
0x182: {  	(v2sf) =	vpush v3, $0xD;
	_ =	sdelay $0x1  }
0x183: {  	(v2sf) =	vpush v3, $0xC;
	_ =	sdelay $0x1  }
0x184: {  	(v2sf) =	vpush v3, $0xE;
	_ =	sdelay $0x1  }
0x185: {  	(v2sf) =	vpush v3, $0xF;
	_ =	sdelay $0x1  }
0x186: {  	(v2sf) =	vpush v3, $0x9;
	_ =	sdelay $0x1  }
0x187: {  	(v2sf) =	vpush v3, $0x8;
	_ =	sdelay $0x1  }
0x188: {  	(v2sf) =	vpush v3, $0xA;
	_ =	sdelay $0x1  }
0x189: {  	(v2sf) =	vpush v3, $0xB  }
0x18a: {  	s23 =	spop (v2sf)  }
0x18b: {  	(v2sf) =	vpush v3, $0x0;
	s24 =	smulhi.u32 $0x68DB8BAD, s23;
	s0 =	sshra.s32 s23, $0x1F  }
0x18c: {  	s25 =	spop (v2sf);
	s0 =	smul.u32 $0x68DB8BAD, s0  }
0x18d: {  	(v2sf) =	vpush v3, $0x1;
	s26 =	smulhi.u32 $0x68DB8BAD, s25;
	s2 =	sshra.s32 s25, $0x1F  }
0x18e: {  	(v2sf) =	vpush v3, $0x2;
	s28 =	spop (v2sf);
	s2 =	smul.u32 $0x68DB8BAD, s2  }
0x18f: {  	(v2sf) =	vpush v3, $0x3;
	s29 =	smulhi.u32 $0x68DB8BAD, s28;
	s4 =	sshra.s32 s28, $0x1F  }
0x190: {  	s30 =	spop (v2sf);
	(v2sf) =	vpush v3, $0x4;
	s4 =	smul.u32 $0x68DB8BAD, s4  }
0x191: {  	s31 =	smulhi.u32 $0x68DB8BAD, s30;
	s6 =	sshra.s32 s30, $0x1F;
	(v2sf) =	vpush v3, $0x5  }
0x192: {  	s9 =	spop (v2sf);
	s6 =	smul.u32 $0x68DB8BAD, s6;
	(v2sf) =	vpush v3, $0x6  }
0x193: {  	s10 =	smulhi.u32 $0x68DB8BAD, s9;
	s8 =	sshra.s32 s9, $0x1F;
	(v2sf) =	vpush v3, $0x7  }
0x194: {  	s13 =	spop (v2sf);
	s11 =	smul.u32 $0x68DB8BAD, s8  }
0x195: {  	s20 =	sadd.s32 s0, s24;
	s14 =	smulhi.u32 $0x68DB8BAD, s13;
	s1 =	sshra.s32 s13, $0x1F  }
0x196: {  	s30 =	sshrl.u32 s20, $0x1F;
	s15 =	spop (v2sf);
	s1 =	smul.u32 $0x68DB8BAD, s1  }
0x197: {  	s23 =	sadd.s32 s2, s26;
	s16 =	smulhi.u32 $0x68DB8BAD, s15;
	s2 =	sshra.s32 s15, $0x1F  }
0x198: {  	s20 =	sshra.s32 s20, $0x9;
	s24 =	spop (v2sf);
	s2 =	smul.u32 $0x68DB8BAD, s2  }
0x199: {  	s21 =	sadd.s32 s4, s29;
	s12 =	smulhi.u32 $0x68DB8BAD, s24;
	s4 =	sshra.s32 s24, $0x1F  }
0x19a: {  	s3 =	sshrl.u32 s23, $0x1F;
	s25 =	spop (v2sf);
	s4 =	smul.u32 $0x68DB8BAD, s4  }
0x19b: {  	s22 =	sadd.s32 s6, s31;
	s13 =	smulhi.u32 $0x68DB8BAD, s25;
	s6 =	sshra.s32 s25, $0x1F  }
0x19c: {  	s24 =	sadd.s32 s11, s10;
	s26 =	spop (v2sf);
	s0 =	smul.u32 $0x68DB8BAD, s6  }
0x19d: {  	s9 =	smulhi.u32 $0x68DB8BAD, s26;
	s6 =	sshra.s32 s26, $0x1F;
	s28 =	spop (v2sf)  }
0x19e: {  	s29 =	sadd.s32 s1, s14;
	s1 =	smul.u32 $0x68DB8BAD, s6;
	s31 =	spop (v2sf)  }
0x19f: {  	s8 =	smulhi.u32 $0x68DB8BAD, s28;
	s14 =	sshra.s32 s28, $0x1F;
	s15 =	spop (v2sf)  }
0x1a0: {  	s25 =	sadd.s32 s2, s16;
	s14 =	smul.u32 $0x68DB8BAD, s14;
	s11 =	spop (v2sf)  }
0x1a1: {  	s10 =	smulhi.u32 $0x68DB8BAD, s31;
	s6 =	sshra.s32 s31, $0x1F;
	s16 =	spop (v2sf)  }
0x1a2: {  	s26 =	sadd.s32 s4, s12;
	s12 =	smul.u32 $0x68DB8BAD, s6;
	s28 =	spop (v2sf)  }
0x1a3: {  	s5 =	sshrl.u32 s21, $0x1F;
	s31 =	smulhi.u32 $0x68DB8BAD, s28;
	s6 =	sshra.s32 s28, $0x1F  }
0x1a4: {  	s7 =	sshrl.u32 s22, $0x1F;
	s0 =	sadd.s32 s0, s13;
	s6 =	smul.u32 $0x68DB8BAD, s6  }
0x1a5: {  	s13 =	sshrl.u32 s24, $0x1F;
	s1 =	sadd.s32 s1, s9;
	s9 =	sshrl.u32 s29, $0x1F  }
0x1a6: {  	s2 =	sadd.s32 s14, s8;
	s8 =	sshrl.u32 s25, $0x1F;
	s28 =	sadd.s32 s6, s31  }
0x1a7: {  	s4 =	sadd.s32 s12, s10;
	s10 =	sshra.s32 s15, $0x1F;
	s31 =	sshra.s32 s28, $0x1F  }
0x1a8: {  	v41 =	vmov s3;
	s14 =	sshrl.u32 s26, $0x1F;
	v43 =	vmov s9;
	s12 =	smul.u32 $0x68DB8BAD, s10;
	s10 =	sshra.s32 s0, $0x9;
	v40 =	vmov s31  }
0x1a9: {  	v5 =	vsel vm0, s30, v41;
	v7 =	vsel vm0, s13, v43;
	s6 =	smulhi.u32 $0x68DB8BAD, s15;
	s15 =	sshrl.u32 s0, $0x1F;
	s0 =	sshra.s32 s0, $0x1F;
	v4 =	vsel vm3, s10, v40  }
0x1aa: {  	v5 =	vsel vm1, s5, v5;
	s3 =	sshrl.u32 s1, $0x1F;
	s30 =	sshra.s32 s1, $0x9;
	s1 =	sshra.s32 s1, $0x1F;
	v7 =	vsel vm1, s8, v7;
	v4 =	vsel vm11, s0, v4  }
0x1ab: {  	v7 =	vsel vm2, s14, v7;
	s14 =	sshra.s32 s23, $0x9;
	v42 =	vmov s15;
	s15 =	smulhi.u32 $0x68DB8BAD, s16;
	s16 =	sshra.s32 s16, $0x1F;
	v4 =	vsel vm0, s30, v4  }
0x1ac: {  	vm10 =	vcmask $0x2320;
	v5 =	vsel vm2, s7, v5;
	s0 =	smulhi.u32 $0x68DB8BAD, s11;
	s11 =	sshra.s32 s11, $0x1F;
	s30 =	sshra.s32 s2, $0x9;
	v4 =	vsel vm15, s1, v4  }
0x1ad: {  	v5 =	vcombine.low v7, v5;
	v44 =	vmov s14;
	s31 =	sshrl.u32 s2, $0x1F;
	s11 =	smul.u32 $0x68DB8BAD, s11;
	s2 =	sshra.s32 s2, $0x1F;
	v4 =	vsel vm1, s30, v4  }
0x1ae: {  	v7 =	vsel vm0, s20, v44;
	s9 =	sshra.s32 s4, $0x9;
	v6 =	vnsel vm3, $0x0, v42;
	s6 =	sadd.s32 s12, s6;
	s7 =	smul.u32 $0x68DB8BAD, s16;
	v4 =	vsel vm13, s2, v4  }
0x1af: {  	s10 =	sshrl.u32 s4, $0x1F;
	v6 =	vsel vm0, s3, v6;
	vm11 =	vmmov vm3;
	s0 =	sadd.s32 s11, s0;
	s11 =	sshra.s32 s4, $0x1F;
	v4 =	vsel vm2, s9, v4  }
0x1b0: {  	s13 =	sshra.s32 s6, $0x9;
	v6 =	vsel vm1, s31, v6;
	s3 =	sadd.s32 s7, s15;
	s15 =	sshra.s32 s29, $0x9;
	vm3 =	vcmask $0x3B38;
	v4 =	vsel vm12, s11, v4  }
0x1b1: {  	s5 =	sshrl.u32 s6, $0x1F;
	s16 =	sshra.s32 s6, $0x1F;
	s29 =	sshra.s32 s21, $0x9;
	v6 =	vsel vm2, s10, v6;
	v45 =	vmov s15;
	v4 =	vsel vm10, s13, v4  }
0x1b2: {  	s23 =	sshra.s32 s24, $0x9;
	s31 =	sshra.s32 s22, $0x9;
	v7 =	vsel vm1, s29, v7;
	v6 =	vsel vm10, s5, v6;
	s24 =	sshra.s32 s0, $0x9;
	v4 =	vsel vm14, s16, v4  }
0x1b3: {  	v8 =	vsel vm0, s23, v45;
	v7 =	vsel vm2, s31, v7;
	s30 =	sshra.s32 s25, $0x9;
	s10 =	sshrl.u32 s0, $0x1F;
	s0 =	sshra.s32 s0, $0x1F;
	v4 =	vsel vm6, s24, v4  }
0x1b4: {  	s12 =	sshrl.u32 s3, $0x1F;
	s5 =	sshra.s32 s3, $0x9;
	s4 =	sshra.s32 s26, $0x9;
	v8 =	vsel vm1, s30, v8;
	v6 =	vsel vm6, s10, v6;
	v4 =	vsel vm7, s0, v4  }
0x1b5: {  	s6 =	sshrl.u32 s28, $0x1F;
	s7 =	sshra.s32 s3, $0x1F;
	v8 =	vsel vm2, s4, v8;
	v6 =	vsel vm5, s12, v6;
	v4 =	vsel vm5, s5, v4  }
0x1b6: {  	s8 =	sshra.s32 s28, $0x9;
	v7 =	vcombine.low v8, v7;
	v6 =	vsel vm3, s6, v6;
	v4 =	vsel vm4, s7, v4  }
0x1b7: {  	v5 =	vperm.xlane v5, v1;
	v6 =	vperm.xlane v6, v2;
	v4 =	vsel vm3, s8, v4  }
0x1b8: {  	v7 =	vperm.xlane v7, v1;
	v4 =	vperm.xlane v4, v2;
	_ =	sdelay $0x1  }
0x1b9: {  	v46 =	vcvt.s32.f32 v3;
	v5 =	vsel vm8, v6, v5;
	v4 =	vsel vm8, v4, v7  }
0x1ba: {  	v4 =	vadd.s32 v5, v4  }
0x1bb: {  	v47 =	vmul.f32 $7.999999800e-04, v46;
	v4 =	vmul.u32 $0x4E2, v4  }
0x1bc: {  	v48 =	vld [tilespmem:s19+$0x2770]  }
0x1bd: {  	v49 =	vadd.f32 $5.000000000e-01, v47;
	v3 =	vsub.s32 v3, v4  }
0x1be: {  	vm9 =	vlt.s32 v3, $0x0;
	v50 =	vadd.s32 $0x4E2, v3  }
0x1bf: {  	v4 =	vtrunc.f32 v49;
	v3 =	vsel vm9, v50, v3  }
0x1c0: {  	vm9 =	veq.s32 v3, $0x0;
	v3 =	vcvt.f32.s32 v4  }
0x1c1: {  	v51 =	vnsel vm9, $0x0, v48  }
0x1c2: {  	[tilespmem:$0x7730] =	vst v51;
	v3 =	vnsel vm9, $0x8, v3  }
0x1c3: {  	[tilespmem:$0x77B0] =	vst v3  }
0x1c4: {  	v3 =	vld [tilespmem:s19+$0x0];
	_ =	sdelay $0x4  }
0x1c5: {  	(v2sf) =	vpush v3, $0xD;
	_ =	sdelay $0x1  }
0x1c6: {  	(v2sf) =	vpush v3, $0xC;
	_ =	sdelay $0x1  }
0x1c7: {  	(v2sf) =	vpush v3, $0xE;
	_ =	sdelay $0x1  }
0x1c8: {  	(v2sf) =	vpush v3, $0xF;
	_ =	sdelay $0x1  }
0x1c9: {  	(v2sf) =	vpush v3, $0x9;
	_ =	sdelay $0x1  }
0x1ca: {  	(v2sf) =	vpush v3, $0x8;
	_ =	sdelay $0x1  }
0x1cb: {  	(v2sf) =	vpush v3, $0xA;
	_ =	sdelay $0x1  }
0x1cc: {  	(v2sf) =	vpush v3, $0xB  }
0x1cd: {  	s9 =	spop (v2sf)  }
0x1ce: {  	(v2sf) =	vpush v3, $0x0;
	s10 =	smulhi.u32 $0x68DB8BAD, s9;
	s0 =	sshra.s32 s9, $0x1F  }
0x1cf: {  	s26 =	spop (v2sf);
	s0 =	smul.u32 $0x68DB8BAD, s0  }
0x1d0: {  	(v2sf) =	vpush v3, $0x1;
	s28 =	smulhi.u32 $0x68DB8BAD, s26;
	s2 =	sshra.s32 s26, $0x1F  }
0x1d1: {  	s13 =	spop (v2sf);
	s2 =	smul.u32 $0x68DB8BAD, s2  }
0x1d2: {  	(v2sf) =	vpush v3, $0x2;
	s5 =	smulhi.u32 $0x68DB8BAD, s13;
	s4 =	sshra.s32 s13, $0x1F  }
0x1d3: {  	s14 =	spop (v2sf);
	s4 =	smul.u32 $0x68DB8BAD, s4  }
0x1d4: {  	(v2sf) =	vpush v3, $0x3;
	s7 =	smulhi.u32 $0x68DB8BAD, s14;
	s6 =	sshra.s32 s14, $0x1F  }
0x1d5: {  	(v2sf) =	vpush v3, $0x4;
	s15 =	spop (v2sf);
	s6 =	smul.u32 $0x68DB8BAD, s6  }
0x1d6: {  	(v2sf) =	vpush v3, $0x5;
	s9 =	smulhi.u32 $0x68DB8BAD, s15;
	s8 =	sshra.s32 s15, $0x1F  }
0x1d7: {  	(v2sf) =	vpush v3, $0x6;
	s16 =	spop (v2sf);
	s8 =	smul.u32 $0x68DB8BAD, s8  }
0x1d8: {  	(v2sf) =	vpush v3, $0x7;
	s12 =	smulhi.u32 $0x68DB8BAD, s16;
	s11 =	sshra.s32 s16, $0x1F  }
0x1d9: {  	s20 =	spop (v2sf);
	s11 =	smul.u32 $0x68DB8BAD, s11  }
0x1da: {  	s15 =	smulhi.u32 $0x68DB8BAD, s20;
	s13 =	sshra.s32 s20, $0x1F  }
0x1db: {  	s21 =	spop (v2sf);
	s13 =	smul.u32 $0x68DB8BAD, s13  }
0x1dc: {  	s23 =	smulhi.u32 $0x68DB8BAD, s21;
	s14 =	sshra.s32 s21, $0x1F  }
0x1dd: {  	s28 =	sadd.s32 s2, s28;
	s22 =	spop (v2sf);
	s14 =	smul.u32 $0x68DB8BAD, s14  }
0x1de: {  	s20 =	sadd.s32 s6, s7;
	s30 =	smulhi.u32 $0x68DB8BAD, s22;
	s16 =	sshra.s32 s22, $0x1F  }
0x1df: {  	s21 =	sadd.s32 s0, s10;
	s24 =	spop (v2sf);
	s16 =	smul.u32 $0x68DB8BAD, s16  }
0x1e0: {  	s22 =	sadd.s32 s4, s5;
	s0 =	smulhi.u32 $0x68DB8BAD, s24;
	s29 =	sshra.s32 s24, $0x1F  }
0x1e1: {  	s7 =	sshrl.u32 s21, $0x1F;
	s1 =	smul.u32 $0x68DB8BAD, s29;
	s25 =	spop (v2sf)  }
0x1e2: {  	s24 =	sadd.s32 s13, s15;
	s2 =	smulhi.u32 $0x68DB8BAD, s25;
	s5 =	sshra.s32 s25, $0x1F  }
0x1e3: {  	s26 =	spop (v2sf);
	s25 =	sadd.s32 s8, s9;
	s3 =	smul.u32 $0x68DB8BAD, s5  }
0x1e4: {  	s31 =	spop (v2sf);
	s8 =	smulhi.u32 $0x68DB8BAD, s26;
	s9 =	sshra.s32 s26, $0x1F  }
0x1e5: {  	s29 =	sadd.s32 s11, s12;
	s10 =	spop (v2sf);
	s6 =	smul.u32 $0x68DB8BAD, s9  }
0x1e6: {  	s13 =	smulhi.u32 $0x68DB8BAD, s31;
	s15 =	sshra.s32 s31, $0x1F;
	s4 =	spop (v2sf)  }
0x1e7: {  	s23 =	sadd.s32 s14, s23;
	s9 =	smul.u32 $0x68DB8BAD, s15;
	s26 =	spop (v2sf)  }
0x1e8: {  	s14 =	sshrl.u32 s28, $0x1F;
	s31 =	smulhi.u32 $0x68DB8BAD, s26;
	s11 =	sshra.s32 s26, $0x1F  }
0x1e9: {  	s12 =	sadd.s32 s16, s30;
	v53 =	vmov s14;
	s14 =	sshrl.u32 s29, $0x1F;
	s15 =	smul.u32 $0x68DB8BAD, s11  }
0x1ea: {  	s0 =	sadd.s32 s1, s0;
	v5 =	vsel vm0, s7, v53;
	s7 =	sshra.s32 s28, $0x9;
	s2 =	sadd.s32 s3, s2  }
0x1eb: {  	s3 =	sshrl.u32 s20, $0x1F;
	s16 =	smulhi.u32 $0x68DB8BAD, s10;
	s26 =	sadd.s32 s15, s31  }
0x1ec: {  	s30 =	sshra.s32 s10, $0x1F;
	s10 =	sshrl.u32 s25, $0x1F;
	s31 =	sshra.s32 s26, $0x1F  }
0x1ed: {  	s5 =	sadd.s32 s6, s8;
	s6 =	sadd.s32 s9, s13;
	s13 =	sshra.s32 s12, $0x9;
	v52 =	vmov s31  }
0x1ee: {  	vm9 =	vcmask $0x704;
	v55 =	vmov s14;
	s8 =	smul.u32 $0x68DB8BAD, s30;
	s15 =	sshrl.u32 s12, $0x1F;
	s12 =	sshra.s32 s12, $0x1F;
	v4 =	vsel vm11, s13, v52  }
0x1ef: {  	s30 =	sshra.s32 s0, $0x9;
	v7 =	vsel vm0, s10, v55;
	s10 =	sshra.s32 s29, $0x9;
	s11 =	sshrl.u32 s22, $0x1F;
	v4 =	vsel vm9, s12, v4  }
0x1f0: {  	s1 =	sadd.s32 s8, s16;
	s16 =	sshrl.u32 s0, $0x1F;
	s0 =	sshra.s32 s0, $0x1F;
	v54 =	vmov s15;
	v4 =	vsel vm0, s30, v4  }
0x1f1: {  	v5 =	vsel vm1, s11, v5;
	s11 =	sshra.s32 s2, $0x9;
	v6 =	vnsel vm11, $0x0, v54;
	s31 =	smulhi.u32 $0x68DB8BAD, s4;
	s4 =	sshra.s32 s4, $0x1F;
	v4 =	vsel vm15, s0, v4  }
0x1f2: {  	v56 =	vmov s7;
	s9 =	sshrl.u32 s2, $0x1F;
	s2 =	sshra.s32 s2, $0x1F;
	v6 =	vsel vm0, s16, v6;
	s4 =	smul.u32 $0x68DB8BAD, s4;
	v4 =	vsel vm1, s11, v4  }
0x1f3: {  	v9 =	vmov s10;
	s15 =	sshra.s32 s5, $0x9;
	s13 =	sshrl.u32 s5, $0x1F;
	v6 =	vsel vm1, s9, v6;
	s12 =	sshrl.u32 s24, $0x1F;
	v4 =	vsel vm13, s2, v4  }
0x1f4: {  	v5 =	vsel vm2, s3, v5;
	s9 =	sshra.s32 s21, $0x9;
	v6 =	vsel vm2, s13, v6;
	s0 =	sadd.s32 s4, s31;
	s31 =	sshra.s32 s5, $0x1F;
	v4 =	vsel vm2, s15, v4  }
0x1f5: {  	s14 =	sshrl.u32 s6, $0x1F;
	s8 =	sshra.s32 s6, $0x9;
	s16 =	sshrl.u32 s23, $0x1F;
	v7 =	vsel vm1, s12, v7;
	v8 =	vsel vm0, s9, v56;
	v4 =	vsel vm12, s31, v4  }
0x1f6: {  	s12 =	sshra.s32 s22, $0x9;
	s13 =	sshra.s32 s25, $0x9;
	v6 =	vsel vm10, s14, v6;
	v7 =	vsel vm2, s16, v7;
	s11 =	sshra.s32 s6, $0x1F;
	v4 =	vsel vm10, s8, v4  }
0x1f7: {  	s30 =	sshrl.u32 s1, $0x1F;
	s14 =	sshra.s32 s1, $0x9;
	v8 =	vsel vm1, s12, v8;
	v9 =	vsel vm0, s13, v9;
	s16 =	sshra.s32 s24, $0x9;
	v4 =	vsel vm14, s11, v4  }
0x1f8: {  	s1 =	sshra.s32 s1, $0x1F;
	v6 =	vsel vm6, s30, v6;
	s5 =	sshrl.u32 s0, $0x1F;
	v9 =	vsel vm1, s16, v9;
	v4 =	vsel vm6, s14, v4  }
0x1f9: {  	s21 =	sshra.s32 s0, $0x9;
	v5 =	vcombine.low v7, v5;
	v6 =	vsel vm5, s5, v6;
	s15 =	sshra.s32 s20, $0x9;
	s20 =	sshra.s32 s23, $0x9;
	v4 =	vsel vm7, s1, v4  }
0x1fa: {  	s22 =	sshrl.u32 s26, $0x1F;
	s0 =	sshra.s32 s0, $0x1F;
	v8 =	vsel vm2, s15, v8;
	v9 =	vsel vm2, s20, v9;
	v4 =	vsel vm5, s21, v4  }
0x1fb: {  	v6 =	vsel vm3, s22, v6;
	s23 =	sshra.s32 s26, $0x9;
	v57 =	vcombine.low v9, v8;
	v4 =	vsel vm4, s0, v4  }
0x1fc: {  	v5 =	vperm.xlane v5, v1;
	v6 =	vperm.xlane v6, v2;
	v4 =	vsel vm3, s23, v4  }
0x1fd: {  	v7 =	vperm.xlane v57, v1;
	v4 =	vperm.xlane v4, v2;
	_ =	sdelay $0x1  }
0x1fe: {  	v58 =	vcvt.s32.f32 v3;
	v5 =	vsel vm8, v6, v5;
	v4 =	vsel vm8, v4, v7  }
0x1ff: {  	v4 =	vadd.s32 v5, v4  }
0x200: {  	v59 =	vmul.f32 $7.999999800e-04, v58;
	v4 =	vmul.u32 $0x4E2, v4  }
0x201: {  	v60 =	vld [tilespmem:s19+$0x2780]  }
0x202: {  	v61 =	vadd.f32 $5.000000000e-01, v59;
	v3 =	vsub.s32 v3, v4  }
0x203: {  	vm9 =	vlt.s32 v3, $0x0;
	v62 =	vadd.s32 $0x4E2, v3  }
0x204: {  	v4 =	vtrunc.f32 v61;
	v3 =	vsel vm9, v62, v3  }
0x205: {  	vm9 =	veq.s32 v3, $0x0;
	v3 =	vcvt.f32.s32 v4  }
0x206: {  	v63 =	vnsel vm9, $0x0, v60  }
0x207: {  	s28 =	simm.s32 $0x7700;
	s29 =	simm.s32 $0x2;
	v3 =	vnsel vm9, $0x8, v3;
	[tilespmem:$0x7740] =	vst v63  }
0x208: {  	s25 =	simm.s32 $0x4F00;
	s24 =	rddreg [dreg:$0x3];
	s26 =	simm.s32 $0x50;
	[tilespmem:$0x77C0] =	vst v3  }
0x209: {  	[tilespmem:s25], [sflag:$0x2] =	stream.indirect.gather [hbm4b:s24+s26], $0x80, s28, s26, $0xb8;
	[tilespmem:$0x7980] =	vst v63  }
0x20a: {  	s2 =	rddreg [dreg:$0x1];
	_ =	swait.ge [sflag:s29], $0x2800  }
0x20b: {  	s30 =	simm.s32 $0x7780;
	[sflag:s29] =	ssyncset.done $0x0  }
.Ltmp5:
0x20c: {  	s31 =	simm.s32 $0x1;
	[sflag:s29] =	ssyncadd.s32 $0xFFFFD800;
	(pc) =	sbr.rel .LBB2_4-.Ltmp5, $4  }
0x20d: {  	[spmem:s2] =	stream.indirect.scatter.add.f32 [tilespmem:s25], [sflag:$0x1], $0x80, s30, s26, $0xb8;
	[tilespmem:$0x7980] =	vst v63  }
0x20e: {  	_ =	swait.ge [sflag:s31], $0x2800  }
0x20f: {  	[sflag:s31] =	ssyncset.done $0x0  }
0x210: {  	s4 =	simm.s32 $0x4F00;
	[sflag:s31] =	ssyncadd.s32 $0xFFFFD800  }
.LBB2_6:
0x211: {  	_ =	sfence.sel $0x180000  }
0x212: {  	[bflag:$0x0] =	sbarrier.arrive $0xFFFF  }
0x213: {  	_ =	strace $0x9000004A  }
0x214: {  	[bflag:$0x2] =	sbarrier.arrive $0xFFFF  }
0x215: {  	s0 =	rddreg [dreg:$0x2]  }
0x216: {  	s0 =	sadd.s32 @!p0 $0x100000, s0  }
0x217: {  	[sflag:s0] =	ssyncadd.tile.s32 @!p0 $0x1;
	_ =	shalt  }
.Lfunc_end2:
_tile_overlayer_lowered:
.L_overlay_start_2:
0x218: {  	(tag) =	ssettag $0x2  }
0x219: {  	s0 =	rddreg [dreg:$0x0];
	s2 =	stileid.u32  }
0x21a: {  	s1 =	rddreg [dreg:$0x1];
	p0 =	sne.s32 s2, $0x0  }
0x21b: {  	s3 =	rddreg [dreg:$0x2];
	[bflag:$0x3] =	sbarrier.arrive $0xFFFF;
	s2 =	simm.s32 @!p0 $0x1C01  }
0x21c: {  	[timem:s3], [sflag:s2] =	dma.local @!p0 [hbm:s0], s1  }
0x21d: {  	s0 =	simm.s32 @!p0 $0x1  }
0x21e: {  	_ =	swait.ge @!p0 [sflag:s0], s1  }
0x21f: {  	s1 =	ssub.s32 @!p0 $0x0, s1;
	[sflag:s0] =	ssyncset.done @!p0 $0x0  }
0x220: {  	[sflag:s0] =	ssyncadd.s32 @!p0 s1  }
0x221: {  	[bflag:$0x3] =	sbarrier.arrive $0xFFFF  }
0x222: {  	_ =	shalt  }

// kernel: kernel.7.cloned.1.call-start
scs
__scs_entry_jumppad:
0x0: {  	(pc) =	sbr.rel $0x88, $3  }
0x1: {  	(tag) =	ssettag $0x0;
	lr =	simm.s32 $0x1  }
0x2: {  	[smem:$0x3F88] =	sst lr;
	_ =	strace $0xD0000000  }
0x3: {  	_ = 	snop  }
0x4: {  	_ = 	snop  }
0x5: {  	_ = 	snop  }
0x6: {  	_ = 	snop  }
0x7: {  	_ = 	snop  }
__scs_overlays_trampoline_lowered:
0x8: {  	[smem:$0x3F97] =	sst s0  }
0x9: {  	[smem:$0x3F98] =	sst s1  }
0xa: {  	[smem:$0x3F99] =	sst s2  }
0xb: {  	[smem:$0x3F9A] =	sst s3  }
0xc: {  	[smem:$0x3F9B] =	sst s4  }
0xd: {  	[smem:$0x3F9C] =	sst s5  }
0xe: {  	[smem:$0x3F9D] =	sst s6  }
0xf: {  	[smem:$0x3F9E] =	sst s7  }
0x10: {  	[smem:$0x3F9F] =	sst s8  }
0x11: {  	[smem:$0x3FA0] =	sst s9;
	s0 =	simm.s32 @!p0 $0x0  }
0x12: {  	s1 =	sld [smem:$0x3F86];
	s0 =	simm.s32 @p0 $0x1  }
0x13: {  	[smem:$0x3FA1] =	sst s0;
	s0 =	simm.s32 @!p1 $0x0  }
0x14: {  	s2 =	sld [smem:$0x3F85];
	s0 =	simm.s32 @p1 $0x1  }
0x15: {  	[smem:$0x3FA2] =	sst s0;
	s0 =	simm.s32 @!p2 $0x0  }
0x16: {  	s3 =	sld [smem:$0x3FDB];
	s0 =	simm.s32 @p2 $0x1  }
0x17: {  	s4 =	simm.s32 $0x1BF5;
	[smem:$0x3FA4] =	sst s0  }
0x18: {  	s0 =	sld [smem:$0x3F87];
	_ =	swait.ge [sflag:s4], $0x0  }
0x19: {  	s7 =	sld [smem:$0x3F88]  }
0x1a: {  	s8 =	sadd.s32 $0xFFFFE003, lr  }
0x1b: {  	s9 =	sadd.s32 $0xFFFFFEF7, lr;
	s5 =	simm.s32 $0xFFFFFFFF;
	p2 =	slt.u32 s8, $0xFFFFF086  }
0x1c: {  	p1 =	slt.u32 s9, $0xF7A;
	s5 =	simm.s32 @!p2 $0x0  }
0x1d: {  	s5 =	simm.s32 @p1 $0x1;
	p0 =	seq.s32 s7, s2  }
0x1e: {  	s7 =	smul.u32 @!p0 $0xF7A, s2;
	p2 =	seq.s32 @!p0 s5, $0x0  }
0x1f: {  	s9 =	smul.u32 $0xF7A, s1;
	s8 =	simm.s32 @!p0 $0x1BF5;
	p2 =	por !p2, p0  }
0x20: {  	[sflag:s8] =	ssyncset.s32 @!p0 $0xFFFFF086;
	s6 =	sadd.s32 @!p0 s3, s7;
	s7 =	simm.s32 @!p0 $0x108  }
0x21: {  	s3 =	sadd.s32 s3, s9;
	s6 =	sadd.s32 @!p0 $0x88, s6;
	s7 =	simm.s32 @p2 $0x1082  }
0x22: {  	[simem:s7], [sflag:s8] =	dma.local @!p0 [hbm:s6], $0xF7A  }
0x23: {  	s9 =	sor.u32 $0xD0000000, s2;
	s6 =	simm.s32 $0x108;
	_ =	swait.ge @!p0 [sflag:s8], $0x0  }
0x24: {  	s3 =	sadd.s32 $0x88, s3;
	s6 =	simm.s32 @!p1 $0x1082;
	[sflag:s4] =	ssyncset.s32 $0xFFFFF086  }
0x25: {  	[simem:s6], [sflag:s4] =	dma.local [hbm:s3], $0xF7A  }
0x26: {  	[smem:$0x3F88] =	sst s1;
	(tag) =	ssettag s2;
	_ =	strace s9  }
0x27: {  	s1 =	sld [smem:$0x3F98]  }
0x28: {  	s2 =	sld [smem:$0x3F99]  }
0x29: {  	s4 =	sld [smem:$0x3F9B]  }
0x2a: {  	p0 =	seq.s32 s5, $0x0;
	s5 =	sld [smem:$0x3F9C]  }
0x2b: {  	s6 =	sld [smem:$0x3F9D]  }
0x2c: {  	s7 =	sld [smem:$0x3F9E]  }
0x2d: {  	s3 =	simm.s32 $0x108;
	s8 =	sld [smem:$0x3F9F]  }
0x2e: {  	s3 =	simm.s32 @!p0 $0x1082;
	s9 =	sld [smem:$0x3FA0]  }
0x2f: {  	lr =	sadd.s32 s0, s3;
	s0 =	sld [smem:$0x3F97]  }
0x30: {  	s3 =	sld [smem:$0x3F9A]  }
0x31: {  	[smem:$0x3FA3] =	sst s10  }
0x32: {  	s10 =	sld [smem:$0x3FA1];
	_ =	sdelay $0x3  }
0x33: {  	p0 =	seq.s32 s10, $0x1;
	s10 =	sld [smem:$0x3FA3];
	_ =	sdelay $0x3  }
0x34: {  	[smem:$0x3FA3] =	sst s10  }
0x35: {  	s10 =	sld [smem:$0x3FA2];
	_ =	sdelay $0x3  }
0x36: {  	p1 =	seq.s32 s10, $0x1;
	s10 =	sld [smem:$0x3FA3];
	_ =	sdelay $0x3  }
0x37: {  	[smem:$0x3FA3] =	sst s10  }
0x38: {  	s10 =	sld [smem:$0x3FA4]  }
0x39: {  	_ = 	snop;
	(pc) =	sbr.ind lr, $3  }
0x3a: {  	_ = 	snop  }
0x3b: {  	_ = 	snop  }
0x3c: {  	p2 =	seq.s32 s10, $0x1;
	s10 =	sld [smem:$0x3FA3]  }
0x3d: {  	_ =	shalt  }
0x3e: {  	_ =	shalt  }
0x3f: {  	_ =	shalt  }
0x40: {  	_ =	shalt  }
0x41: {  	_ =	shalt  }
0x42: {  	_ =	shalt  }
0x43: {  	_ =	shalt  }
0x44: {  	_ =	shalt  }
0x45: {  	_ =	shalt  }
0x46: {  	_ =	shalt  }
0x47: {  	_ =	shalt  }
0x48: {  	_ =	shalt  }
0x49: {  	_ =	shalt  }
0x4a: {  	_ =	shalt  }
0x4b: {  	_ =	shalt  }
0x4c: {  	_ =	shalt  }
0x4d: {  	_ =	shalt  }
0x4e: {  	_ =	shalt  }
0x4f: {  	_ =	shalt  }
0x50: {  	_ =	shalt  }
0x51: {  	_ =	shalt  }
0x52: {  	_ =	shalt  }
0x53: {  	_ =	shalt  }
0x54: {  	_ =	shalt  }
0x55: {  	_ =	shalt  }
0x56: {  	_ =	shalt  }
0x57: {  	_ =	shalt  }
0x58: {  	_ =	shalt  }
0x59: {  	_ =	shalt  }
0x5a: {  	_ =	shalt  }
0x5b: {  	_ =	shalt  }
0x5c: {  	_ =	shalt  }
0x5d: {  	_ =	shalt  }
0x5e: {  	_ =	shalt  }
0x5f: {  	_ =	shalt  }
0x60: {  	_ =	shalt  }
0x61: {  	_ =	shalt  }
0x62: {  	_ =	shalt  }
0x63: {  	_ =	shalt  }
0x64: {  	_ =	shalt  }
0x65: {  	_ =	shalt  }
0x66: {  	_ =	shalt  }
0x67: {  	_ =	shalt  }
0x68: {  	_ =	shalt  }
0x69: {  	_ =	shalt  }
0x6a: {  	_ =	shalt  }
0x6b: {  	_ =	shalt  }
0x6c: {  	_ =	shalt  }
0x6d: {  	_ =	shalt  }
0x6e: {  	_ =	shalt  }
0x6f: {  	_ =	shalt  }
0x70: {  	_ =	shalt  }
0x71: {  	_ =	shalt  }
0x72: {  	_ =	shalt  }
0x73: {  	_ =	shalt  }
0x74: {  	_ =	shalt  }
0x75: {  	_ =	shalt  }
0x76: {  	_ =	shalt  }
0x77: {  	_ =	shalt  }
0x78: {  	_ =	shalt  }
0x79: {  	_ =	shalt  }
0x7a: {  	_ =	shalt  }
0x7b: {  	_ =	shalt  }
0x7c: {  	_ =	shalt  }
0x7d: {  	_ =	shalt  }
0x7e: {  	_ =	shalt  }
0x7f: {  	_ =	shalt  }
0x80: {  	_ =	shalt  }
0x81: {  	_ =	shalt  }
0x82: {  	_ =	shalt  }
0x83: {  	_ =	shalt  }
0x84: {  	_ =	shalt  }
0x85: {  	_ =	shalt  }
0x86: {  	_ =	shalt  }
0x87: {  	_ =	shalt  }
.Lfunc_end0:
.L_simem_size_0:
called_computation_lowered:
.L_overlay_start_0:
0x88: {  	s2 =	sld [smem:$0x3FD9]  }
0x89: {  	s3 =	sld [smem:$0x3FFE];
	_ =	sdelay $0x1  }
0x8a: {  	s1 =	srdreg.scid  }
0x8b: {  	s0 =	sand.u32 $0x1, s1  }
0x8c: {  	s16 =	sshll.u32 s0, $0xA;
	s2 =	sadd.s32 s3, s2  }
0x8d: {  	s2 =	sadd.s32 s2, s16  }
0x8e: {  	[smem:$0x3FAF] =	sst s2  }
0x8f: {  	_ = 	snop  }
0x90: {  	(tm) =	ssettm $0x1  }
0x91: {  	s17 =	sld [smem:$0x3FFB];
	_ =	sdelay $0x3  }
0x92: {  	_ =	strace s17  }
0x93: {  	s2 =	sld [smem:$0x3FFC];
	_ =	sdelay $0x3  }
0x94: {  	_ =	strace s2  }
0x95: {  	s2 =	sld [smem:$0x3FFD];
	_ =	sdelay $0x3  }
0x96: {  	_ =	strace s2  }
0x97: {  	_ =	strace $0x8FFFFFFF  }
0x98: {  	s18 =	sld [smem:$0x3FDB];
	_ =	sdelay $0x1  }
0x99: {  	s19 =	simm.s32 $_scs_section_size  }
0x9a: {  	s4 =	simm.s32 $_size__tile_overlayer_lowered;
	s5 =	simm.s32 $_tile_overlayer_lowered  }
0x9b: {  	s22 =	simm.s32 $0x1BFF;
	s21 =	sshll.u32 s5, $0x1;
	s2 =	sadd.s32 s19, s18  }
0x9c: {  	s6 =	simm.s32 $0x0;
	s20 =	sshll.u32 s4, $0x1;
	s4 =	sadd.s32 s21, s2  }
0x9d: {  	[timem:s6], [sflag:s22] =	dma.local [hbm:s4], s20  }
0x9e: {  	_ =	swait.ge [sflag:s22], s20  }
0x9f: {  	s3 =	ssub.s32 $0x0, s20;
	[sflag:s22] =	ssyncset.done $0x0  }
0xa0: {  	[sflag:s22] =	ssyncadd.s32 s3;
	_ =	sdelay $0x1  }
0xa1: {  	s23 =	simm.s32 $0x1B8B  }
0xa2: {  	_ =	swait.ge [sflag:s23], $0x1  }
0xa3: {  	[sflag:s23] =	ssyncset.done $0x0  }
0xa4: {  	s25 =	simm.s32 $0x1B8E;
	s24 =	sld [smem:$0x3FFE];
	[sflag:s23] =	ssyncadd.s32 $0xFFFFFFFF  }
0xa5: {  	s26 =	simm.s32 $execute0_lowered;
	[smem:$0x3FD2] =	sst s25  }
0xa6: {  	s4 =	sshll.u32 s26, $0x1;
	_ =	strace $0x80000046;
	[dreg:$0x1] =	wrdreg $0xFFFFFFFF  }
0xa7: {  	s28 =	simm.s32 $_size_execute0_lowered;
	s2 =	sadd.s32 s2, s4;
	[dreg:$0x0] =	wrdreg $0x0  }
0xa8: {  	s4 =	sshll.u32 s28, $0x1;
	[dreg:$0x2] =	wrdreg s2  }
0xa9: {  	[dreg:$0x3] =	wrdreg s4  }
0xaa: {  	[dreg:$0x4] =	wrdreg $0xC0  }
0xab: {  	_ =	task [dreg:s6], $0x5FFFF  }
0xac: {  	[dreg:$0x1] =	wrdreg $0xFFFFFFFF  }
0xad: {  	[dreg:$0x0] =	wrdreg $0x60  }
0xae: {  	[dreg:$0x2] =	wrdreg s24  }
0xaf: {  	[dreg:$0x3] =	wrdreg $0x0  }
0xb0: {  	[dreg:$0x4] =	wrdreg $0x9  }
0xb1: {  	_ =	task.clear_ibuf [dreg:s6], $0x5FFFF;
	_ =	strace $0x90000046  }
0xb2: {  	s29 =	simm.s32 $0x9;
	_ =	strace $0x80000048  }
0xb3: {  	_ =	swait.ge [sflag:s29], $0x1  }
0xb4: {  	[sflag:s29] =	ssyncadd.s32 $0xFFFFFFFF  }
0xb5: {  	_ =	strace $0x90000048  }
0xb6: {  	_ =	sfence  }
0xb7: {  	s30 =	sld [smem:$0x0];
	_ =	sdelay $0x2  }
0xb8: {  	s31 =	sshll.u32 s1, $0xD;
	s1 =	sshrl.u32 s1, $0x2  }
0xb9: {  	s3 =	sand.u32 $0x4000, s31;
	s1 =	sadd.s32 s1, s30  }
0xba: {  	s0 =	sor.u32 s3, s0;
	s1 =	sshll.u32 s1, $0x11  }
0xbb: {  	s0 =	sor.u32 s1, s0  }
0xbc: {  	s0 =	sadd.s32 $0x8F2B, s0  }
0xbd: {  	[sflag:s0] =	ssyncadd.remote.s32 $0x1  }
0xbe: {  	_ =	sfence.sel $0xFFFF  }
0xbf: {  	[dreg:$0x0] =	wrdreg $0xFFFFFFFF;
	(pc) =	sbr.abs _section_cstart, $3  }
0xc0: {  	[dreg:$0x1] =	wrdreg $0xFFFFFFFF  }
0xc1: {  	_ =	task.clear_ibuf [dreg:s6], $0x2FFFF;
	_ =	strace $0x9FFFFFFF  }
0xc2: {  	(tm) =	ssettm $0x7FFFFFFF  }
0xc3: {  	_ =	shalt  }
tec
execute0_lowered:
.L_overlay_start_1:
0x0: {  	(tag) =	ssettag $0x1  }
0x1: {  	s0 =	srdreg.scid  }
0x2: {  	s1 =	rddreg [dreg:$0x0];
	s13 =	stileid.u32  }
0x3: {  	s2 =	rddreg [dreg:$0x1];
	s28 =	simm.s32 $0x16900;
	s6 =	smul.u32 $0x50000, s13  }
0x4: {  	s29 =	simm.s32 $0x7;
	s30 =	simm.s32 $0x14000;
	s11 =	smul.u32 $0x14000, s13  }
0x5: {  	s31 =	simm.s32 $0x16780;
	s0 =	sand.u32 $0x1, s0;
	s14 =	smul.u32 $0x2710, s13  }
0x6: {  	s5 =	sadd.s32 $0x17800, s1;
	s3 =	sshll.u32 s0, $0x4;
	s9 =	smul.u32 $0x140000, s0  }
0x7: {  	s10 =	ssub.s32 $0x2, s0;
	s0 =	smul.u32 $0x27100, s0;
	s4 =	sor.u32 s13, s3  }
0x8: {  	s3 =	simm.s32 $0x0;
	s12 =	sshrl.u32 s10, $0x1;
	s6 =	sshrl.u32 s6, $0x2  }
0x9: {  	s22 =	sadd.s32 $0x4000, s11;
	s26 =	sadd.s32 $0x8000, s11;
	s15 =	sadd.s32 $0xC000, s11  }
0xa: {  	s13 =	simm.s32 $0x6;
	s4 =	smul.u32 $0x2710, s4;
	[smem:$0x7FF] =	sst s3  }
0xb: {  	s10 =	ssub.s32 s10, s12;
	s6 =	sadd.s32 s6, s2;
	s16 =	sadd.s32 s9, s11  }
0xc: {  	s25 =	sadd.s32 s9, s22;
	s12 =	sadd.s32 s9, s26;
	s11 =	sadd.s32 $0x10000, s11  }
0xd: {  	s0 =	sadd.s32 s14, s0;
	s14 =	simm.s32 $0x4;
	_ =	strace $0x80000047  }
0xe: {  	s18 =	sshrl.u32 s16, $0x3;
	s20 =	smax.u32 s10, $0x1;
	s21 =	sadd.s32 $0x4000, s6  }
0xf: {  	s23 =	sadd.s32 $0x8000, s6;
	s24 =	sadd.s32 $0xC000, s6;
	[dreg:$0x8] =	wrdreg s20  }
0x10: {  	s16 =	sadd.s32 s9, s15;
	s9 =	sadd.s32 s9, s11;
	[dreg:$0x9] =	wrdreg s21  }
0x11: {  	s10 =	simm.s32 $0x5;
	s7 =	sshrl.u32 s4, $0x3;
	[dreg:$0xa] =	wrdreg s23  }
0x12: {  	s4 =	sadd.s32 $0xDA00, s1;
	[dreg:$0xb] =	wrdreg s24;
	s9 =	sshrl.u32 s9, $0x3  }
0x13: {  	s23 =	sadd.s32 s11, s2;
	s21 =	sadd.s32 $0x100, s0;
	s11 =	simm.s32 $0x3  }
0x14: {  	s8 =	sadd.s32 s7, s1;
	s1 =	sadd.s32 $0x3EA00, s1;
	s17 =	sadd.s32 s4, s7  }
0x15: {  	s8 =	sadd.s32 $0x3C00, s8;
	s19 =	sadd.s32 $0x10, s17;
	[dreg:$0x4] =	wrdreg s17  }
0x16: {  	s7 =	sadd.s32 s1, s18;
	s18 =	sadd.s32 $0x180, s0;
	[dreg:$0x3] =	wrdreg s8  }
0x17: {  	s0 =	simm.s32 $0x80;
	[dreg:$0x5] =	wrdreg s19;
	s8 =	sadd.s32 $0x4E0, s17  }
0x18: {  	[dreg:$0x7] =	wrdreg s7;
	s17 =	sshrl.u32 s16, $0x3;
	s7 =	sadd.s32 s22, s2  }
0x19: {  	s19 =	sadd.s32 s26, s2;
	s22 =	sadd.s32 s15, s2;
	s15 =	simm.s32 $0x16880  }
0x1a: {  	s16 =	simm.s32 $0x10;
	[dreg:$0x6] =	wrdreg s8;
	s24 =	sshrl.u32 s7, $0x3  }
0x1b: {  	s8 =	sshrl.u32 s25, $0x3;
	s25 =	sshrl.u32 s19, $0x3;
	[dreg:$0x10] =	wrdreg s24  }
0x1c: {  	s26 =	sshrl.u32 s22, $0x3;
	s8 =	sadd.s32 s1, s8;
	[dreg:$0x11] =	wrdreg s25  }
0x1d: {  	s7 =	simm.s32 $0x1A900;
	[dreg:$0xc] =	wrdreg s8;
	s8 =	sshrl.u32 s12, $0x3  }
0x1e: {  	[dreg:$0x12] =	wrdreg s26;
	s25 =	sshrl.u32 s23, $0x3;
	s8 =	sadd.s32 s1, s8  }
0x1f: {  	s26 =	sadd.s32 $0x10000, s6;
	[dreg:$0xd] =	wrdreg s8;
	s8 =	sadd.s32 s1, s17  }
0x20: {  	s12 =	simm.s32 $0x2;
	s1 =	sadd.s32 s1, s9;
	[dreg:$0xe] =	wrdreg s8  }
0x21: {  	s9 =	simm.s32 $0x1;
	[dreg:$0xf] =	wrdreg s1;
	s1 =	sshrl.u32 s18, $0x3  }
0x22: {  	v0 =	vimm.f32 $0.0e+00;
	s8 =	simm.s32 $0x0;
	s20 =	sadd.s32 s1, s4;
	s1 =	simm.s32 $0x16800  }
.LBB2_1:
0x23: {  	s17 =	simm.s32 $0x0;
	s18 =	simm.s32 $0x200  }
.LBB2_2:
0x24: {  	p0 =	sne.s32 s18, $0xFE00;
	[tilespmem:s17+$0x16970] =	vst v0  }
0x25: {  	[tilespmem:s17+$0x16900] =	vst v0  }
0x26: {  	[tilespmem:s17+$0x16910] =	vst v0  }
.Ltmp0:
0x27: {  	[tilespmem:s17+$0x16920] =	vst v0;
	(pc) =	sbr.rel @p0 .LBB2_2-.Ltmp0, $4  }
0x28: {  	[tilespmem:s17+$0x16930] =	vst v0  }
0x29: {  	[tilespmem:s17+$0x16940] =	vst v0  }
0x2a: {  	[tilespmem:s17+$0x16950] =	vst v0  }
0x2b: {  	[tilespmem:s17+$0x16960] =	vst v0;
	s17 =	sshra.s32 s18, $0x2;
	s18 =	sadd.s32 $0x200, s18  }
0x2c: {  	[tilespmem:s17+$0x16970] =	vst v0  }
0x2d: {  	[tilespmem:s17+$0x16900] =	vst v0  }
0x2e: {  	[tilespmem:s17+$0x16910] =	vst v0  }
0x2f: {  	[tilespmem:s17+$0x16920] =	vst v0  }
0x30: {  	[tilespmem:s17+$0x16930] =	vst v0  }
0x31: {  	[tilespmem:s17+$0x16940] =	vst v0  }
0x32: {  	[tilespmem:s17+$0x16950] =	vst v0  }
0x33: {  	[tilespmem:s17+$0x16960] =	vst v0  }
0x34: {  	[spmem:s6] =	stream.linear.scatter [tilespmem:s28], [sflag:$0x7], $0x4000, $0x38;
	[tilespmem:$0x1E900] =	vst v63  }
0x35: {  	_ =	swait.ge [sflag:s29], $0x4000  }
0x36: {  	[sflag:s29] =	ssyncset.done $0x0  }
0x37: {  	s24 =	rddreg [dreg:$0x9];
	[sflag:s29] =	ssyncadd.s32 $0xFFFFC000  }
0x38: {  	[spmem:s24] =	stream.linear.scatter [tilespmem:s28], [sflag:$0x7], $0x4000, $0x38;
	[tilespmem:$0x1E900] =	vst v63  }
0x39: {  	_ =	swait.ge [sflag:s29], $0x4000  }
0x3a: {  	[sflag:s29] =	ssyncset.done $0x0  }
0x3b: {  	s18 =	rddreg [dreg:$0xa];
	[sflag:s29] =	ssyncadd.s32 $0xFFFFC000  }
0x3c: {  	[spmem:s18] =	stream.linear.scatter [tilespmem:s28], [sflag:$0x7], $0x4000, $0x38;
	[tilespmem:$0x1E900] =	vst v63  }
0x3d: {  	_ =	swait.ge [sflag:s29], $0x4000  }
0x3e: {  	[sflag:s29] =	ssyncset.done $0x0  }
0x3f: {  	s19 =	rddreg [dreg:$0xb];
	[sflag:s29] =	ssyncadd.s32 $0xFFFFC000  }
0x40: {  	[spmem:s19] =	stream.linear.scatter [tilespmem:s28], [sflag:$0x7], $0x4000, $0x38;
	[tilespmem:$0x1E900] =	vst v63  }
0x41: {  	_ =	swait.ge [sflag:s29], $0x4000  }
0x42: {  	[sflag:s29] =	ssyncset.done $0x0  }
0x43: {  	[sflag:s29] =	ssyncadd.s32 $0xFFFFC000  }
0x44: {  	[spmem:s26] =	stream.linear.scatter [tilespmem:s28], [sflag:$0x7], $0x4000, $0x38;
	[tilespmem:$0x1E900] =	vst v63  }
0x45: {  	_ =	swait.ge [sflag:s29], $0x4000  }
0x46: {  	[sflag:s29] =	ssyncset.done $0x0  }
0x47: {  	s22 =	simm.s32 $0x0;
	s18 =	rddreg [dreg:$0x3];
	[sflag:s29] =	ssyncadd.s32 $0xFFFFC000  }
0x48: {  	[tilespmem:s30], [sflag:$0x7] =	stream.linear.gather [hbm4b:s18+s22], $0x2710, $0x38;
	[tilespmem:$0x1E900] =	vst v63  }
0x49: {  	_ =	swait.ge [sflag:s29], $0x2710  }
0x4a: {  	[sflag:s29] =	ssyncset.done $0x0  }
0x4b: {  	[sflag:s29] =	ssyncadd.s32 $0xFFFFD8F0  }
0x4c: {  	[bflag:$0x0] =	sbarrier.arrive $0xFFFF  }
0x4d: {  	s23 =	rddreg [dreg:$0x4]  }
0x4e: {  	[tilespmem:s31], [sflag:$0x5] =	stream.linear.gather [hbm4b:s23+s22], $0x80, $0x38;
	[tilespmem:$0x1E900] =	vst v63  }
0x4f: {  	s24 =	rddreg [dreg:$0x5]  }
0x50: {  	[tilespmem:s1], [sflag:$0x6] =	stream.linear.gather [hbm4b:s24+s22], $0x80, $0x38;
	[tilespmem:$0x1E900] =	vst v63  }
0x51: {  	_ = 	snop  }
0x52: {  	[tilespmem:s28], [sflag:$0x1] =	stream.indirect.gather [hbm4b:s5+s0], $0x80, s30, s0, $0xb8;
	[tilespmem:$0x1E900] =	vst v63  }
0x53: {  	s18 =	simm.s32 $0x14080  }
0x54: {  	[tilespmem:s7], [sflag:$0x2] =	stream.indirect.gather [hbm4b:s5+s0], $0x80, s18, s0, $0xb8;
	[tilespmem:$0x1E900] =	vst v63  }
0x55: {  	_ =	swait.ge [sflag:s9], $0x4000  }
0x56: {  	[sflag:s9] =	ssyncset.done $0x0  }
0x57: {  	[sflag:s9] =	ssyncadd.s32 $0xFFFFC000  }
0x58: {  	_ =	swait.ge [sflag:s10], $0x80  }
0x59: {  	[sflag:s10] =	ssyncset.done $0x0  }
0x5a: {  	[sflag:s10] =	ssyncadd.s32 $0xFFFFFF80  }
0x5b: {  	[spmem:s2] =	stream.indirect.scatter.add.f32 [tilespmem:s28], [sflag:$0x3], $0x80, s31, s0, $0xb8;
	[tilespmem:$0x1E900] =	vst v63  }
0x5c: {  	_ =	swait.ge [sflag:s11], $0x4000  }
0x5d: {  	[sflag:s11] =	ssyncset.done $0x0  }
0x5e: {  	s19 =	simm.s32 $0x14100;
	s22 =	sshrl.u32 s21, $0x3;
	[sflag:s11] =	ssyncadd.s32 $0xFFFFC000  }
0x5f: {  	[tilespmem:s28], [sflag:$0x1] =	stream.indirect.gather [hbm4b:s5+s0], $0x80, s19, s0, $0xb8;
	[tilespmem:$0x1E900] =	vst v63  }
0x60: {  	s23 =	sadd.s32 s4, s22  }
0x61: {  	[tilespmem:s31], [sflag:$0x5] =	stream.linear.gather [hbm4b:s23+s3], $0x80, $0x38;
	[tilespmem:$0x1E900] =	vst v63  }
0x62: {  	_ =	swait.ge [sflag:s12], $0x4000  }
0x63: {  	[sflag:s12] =	ssyncset.done $0x0  }
0x64: {  	[sflag:s12] =	ssyncadd.s32 $0xFFFFC000  }
0x65: {  	_ =	swait.ge [sflag:s13], $0x80  }
0x66: {  	[sflag:s13] =	ssyncset.done $0x0  }
0x67: {  	[sflag:s13] =	ssyncadd.s32 $0xFFFFFF80  }
0x68: {  	[spmem:s2] =	stream.indirect.scatter.add.f32 [tilespmem:s7], [sflag:$0x4], $0x80, s1, s0, $0xb8;
	[tilespmem:$0x1E900] =	vst v63  }
0x69: {  	s17 =	simm.s32 $0x20;
	_ =	swait.ge [sflag:s14], $0x4000  }
0x6a: {  	s24 =	simm.s32 $0x14180;
	s22 =	sadd.s32 $0x0, s20;
	[sflag:s14] =	ssyncset.done $0x0  }
0x6b: {  	s18 =	simm.s32 $0x14280;
	s19 =	sadd.s32 $0x100, s21;
	[sflag:s14] =	ssyncadd.s32 $0xFFFFC000  }
0x6c: {  	[tilespmem:s7], [sflag:$0x2] =	stream.indirect.gather [hbm4b:s5+s0], $0x80, s24, s0, $0xb8;
	[tilespmem:$0x1E900] =	vst v63  }
.LBB2_4:
0x6d: {  	[tilespmem:s1], [sflag:$0x6] =	stream.linear.gather [hbm4b:s22+s3], $0x80, $0x38;
	[tilespmem:$0x1E900] =	vst v63  }
0x6e: {  	s22 =	smov.u32 s17  }
0x6f: {  	p0 =	sne.s32 s17, $0x4A0;
	s17 =	sadd.s32 $0x20, s17;
	_ =	swait.ge [sflag:s9], $0x4000  }
0x70: {  	[sflag:s9] =	ssyncset.done $0x0  }
0x71: {  	[sflag:s9] =	ssyncadd.s32 $0xFFFFC000  }
0x72: {  	_ =	swait.ge [sflag:s10], $0x80  }
0x73: {  	[sflag:s10] =	ssyncset.done $0x0  }
0x74: {  	[sflag:s10] =	ssyncadd.s32 $0xFFFFFF80  }
0x75: {  	[spmem:s2] =	stream.indirect.scatter.add.f32 [tilespmem:s28], [sflag:$0x3], $0x80, s31, s0, $0xb8;
	[tilespmem:$0x1E900] =	vst v63  }
0x76: {  	_ =	swait.ge [sflag:s11], $0x4000  }
0x77: {  	[sflag:s11] =	ssyncset.done $0x0  }
0x78: {  	s23 =	sadd.s32 $0xFFFFFF80, s18;
	s24 =	sshrl.u32 s19, $0x3;
	[sflag:s11] =	ssyncadd.s32 $0xFFFFC000  }
0x79: {  	[tilespmem:s28], [sflag:$0x1] =	stream.indirect.gather [hbm4b:s5+s0], $0x80, s23, s0, $0xb8;
	[tilespmem:$0x1E900] =	vst v63  }
0x7a: {  	s23 =	sadd.s32 s4, s24  }
0x7b: {  	[tilespmem:s31], [sflag:$0x5] =	stream.linear.gather [hbm4b:s23+s3], $0x80, $0x38;
	[tilespmem:$0x1E900] =	vst v63  }
0x7c: {  	_ =	swait.ge [sflag:s12], $0x4000  }
0x7d: {  	[sflag:s12] =	ssyncset.done $0x0  }
0x7e: {  	[sflag:s12] =	ssyncadd.s32 $0xFFFFC000  }
0x7f: {  	_ =	swait.ge [sflag:s13], $0x80  }
0x80: {  	[sflag:s13] =	ssyncset.done $0x0  }
0x81: {  	[sflag:s13] =	ssyncadd.s32 $0xFFFFFF80  }
0x82: {  	[spmem:s2] =	stream.indirect.scatter.add.f32 [tilespmem:s7], [sflag:$0x4], $0x80, s1, s0, $0xb8;
	[tilespmem:$0x1E900] =	vst v63  }
.Ltmp1:
0x83: {  	_ =	swait.ge [sflag:s14], $0x4000;
	(pc) =	sbr.rel @p0 .LBB2_4-.Ltmp1, $4  }
0x84: {  	[sflag:s14] =	ssyncset.done $0x0  }
0x85: {  	[sflag:s14] =	ssyncadd.s32 $0xFFFFC000  }
0x86: {  	[tilespmem:s7], [sflag:$0x2] =	stream.indirect.gather [hbm4b:s5+s0], $0x80, s18, s0, $0xb8;
	[tilespmem:$0x1E900] =	vst v63  }
0x87: {  	s19 =	sadd.s32 $0x100, s19;
	s22 =	sadd.s32 s22, s20;
	s18 =	sadd.s32 $0x100, s18  }
0x88: {  	[tilespmem:s1], [sflag:$0x6] =	stream.linear.gather [hbm4b:s22+s3], $0x80, $0x38;
	[tilespmem:$0x1E900] =	vst v63  }
0x89: {  	_ =	swait.ge [sflag:s9], $0x4000  }
0x8a: {  	[sflag:s9] =	ssyncset.done $0x0  }
0x8b: {  	[sflag:s9] =	ssyncadd.s32 $0xFFFFC000  }
0x8c: {  	_ =	swait.ge [sflag:s10], $0x80  }
0x8d: {  	[sflag:s10] =	ssyncset.done $0x0  }
0x8e: {  	[sflag:s10] =	ssyncadd.s32 $0xFFFFFF80  }
0x8f: {  	[spmem:s2] =	stream.indirect.scatter.add.f32 [tilespmem:s28], [sflag:$0x3], $0x80, s31, s0, $0xb8;
	[tilespmem:$0x1E900] =	vst v63  }
0x90: {  	_ =	swait.ge [sflag:s11], $0x4000  }
0x91: {  	[sflag:s11] =	ssyncset.done $0x0  }
0x92: {  	[sflag:s11] =	ssyncadd.s32 $0xFFFFC000  }
0x93: {  	_ =	swait.ge [sflag:s12], $0x4000  }
0x94: {  	[sflag:s12] =	ssyncset.done $0x0  }
0x95: {  	[sflag:s12] =	ssyncadd.s32 $0xFFFFC000  }
0x96: {  	_ =	swait.ge [sflag:s13], $0x80  }
0x97: {  	[sflag:s13] =	ssyncset.done $0x0  }
0x98: {  	[sflag:s13] =	ssyncadd.s32 $0xFFFFFF80  }
0x99: {  	[spmem:s2] =	stream.indirect.scatter.add.f32 [tilespmem:s7], [sflag:$0x4], $0x80, s1, s0, $0xb8;
	[tilespmem:$0x1E900] =	vst v63  }
0x9a: {  	_ =	swait.ge [sflag:s14], $0x4000  }
0x9b: {  	[sflag:s14] =	ssyncset.done $0x0  }
0x9c: {  	s17 =	rddreg [dreg:$0x6];
	[sflag:s14] =	ssyncadd.s32 $0xFFFFC000  }
0x9d: {  	[tilespmem:s15], [sflag:$0x7] =	stream.linear.gather [hbm4b:s17+s3], $0x10, $0x38;
	[tilespmem:$0x1E900] =	vst v63  }
0x9e: {  	_ =	swait.ge [sflag:s29], $0x10  }
0x9f: {  	[sflag:s29] =	ssyncset.done $0x0  }
0xa0: {  	s24 =	simm.s32 $0x16700;
	[sflag:s29] =	ssyncadd.s32 $0xFFFFFFF0  }
0xa1: {  	[tilespmem:s28], [sflag:$0x7] =	stream.indirect.gather [hbm4b:s5+s16], $0x80, s24, s16, $0xb8;
	[tilespmem:$0x1E900] =	vst v63  }
0xa2: {  	_ =	swait.ge [sflag:s29], $0x800  }
0xa3: {  	[sflag:s29] =	ssyncset.done $0x0  }
0xa4: {  	[sflag:s29] =	ssyncadd.s32 $0xFFFFF800  }
0xa5: {  	[spmem:s2] =	stream.indirect.scatter.add.f32 [tilespmem:s28], [sflag:$0x7], $0x80, s15, s16, $0xb8;
	[tilespmem:$0x1E900] =	vst v63  }
0xa6: {  	_ =	swait.ge [sflag:s29], $0x800  }
0xa7: {  	[sflag:s29] =	ssyncset.done $0x0  }
0xa8: {  	s18 =	stileid.u32;
	[sflag:s29] =	ssyncadd.s32 $0xFFFFF800  }
0xa9: {  	s17 =	sshll.u32 s18, $0x6;
	[bflag:$0x0] =	sbarrier.arrive $0xFFFF  }
0xaa: {  	s18 =	sshrl.u32 s6, $0x3;
	s17 =	sor.u32 $0x1C07, s17;
	s19 =	rddreg [dreg:$0x7]  }
0xab: {  	[hbm:s19], [sflag:s17] =	dma.local [spmem:s18], $0x800  }
0xac: {  	_ =	swait.ge [sflag:s29], $0x800  }
0xad: {  	[sflag:s29] =	ssyncset.done $0x0;
	s19 =	rddreg [dreg:$0xc]  }
0xae: {  	s22 =	rddreg [dreg:$0x10];
	[sflag:s29] =	ssyncadd.s32 $0xFFFFF800  }
0xaf: {  	[hbm:s19], [sflag:s17] =	dma.local [spmem:s22], $0x800  }
0xb0: {  	_ =	swait.ge [sflag:s29], $0x800  }
0xb1: {  	[sflag:s29] =	ssyncset.done $0x0;
	s23 =	rddreg [dreg:$0xd]  }
0xb2: {  	s24 =	rddreg [dreg:$0x11];
	[sflag:s29] =	ssyncadd.s32 $0xFFFFF800  }
0xb3: {  	[hbm:s23], [sflag:s17] =	dma.local [spmem:s24], $0x800  }
0xb4: {  	_ =	swait.ge [sflag:s29], $0x800  }
0xb5: {  	[sflag:s29] =	ssyncset.done $0x0;
	s19 =	rddreg [dreg:$0xe]  }
0xb6: {  	s22 =	rddreg [dreg:$0x12];
	[sflag:s29] =	ssyncadd.s32 $0xFFFFF800  }
0xb7: {  	[hbm:s19], [sflag:s17] =	dma.local [spmem:s22], $0x800  }
0xb8: {  	_ =	swait.ge [sflag:s29], $0x800  }
0xb9: {  	[sflag:s29] =	ssyncset.done $0x0  }
0xba: {  	s23 =	rddreg [dreg:$0xf];
	[sflag:s29] =	ssyncadd.s32 $0xFFFFF800  }
0xbb: {  	[hbm:s23], [sflag:s17] =	dma.local [spmem:s25], $0x800  }
0xbc: {  	_ =	swait.ge [sflag:s29], $0x800  }
0xbd: {  	s8 =	sadd.s32 $0x1, s8;
	s24 =	rddreg [dreg:$0x8]  }
0xbe: {  	p0 =	sne.s32 s8, s24  }
.Ltmp2:
0xbf: {  	_ = 	snop;
	(pc) =	sbr.rel @p0 .LBB2_1-.Ltmp2, $3  }
0xc0: {  	_ =	sdelay $0x1  }
0xc1: {  	[sflag:s29] =	ssyncset.done $0x0  }
0xc2: {  	[sflag:s29] =	ssyncadd.s32 $0xFFFFF800  }
0xc3: {  	_ =	sfence.sel $0x180000  }
0xc4: {  	[bflag:$0x0] =	sbarrier.arrive $0xFFFF  }
0xc5: {  	_ =	strace $0x90000047  }
0xc6: {  	s0 =	stileid.u32;
	[bflag:$0x2] =	sbarrier.arrive $0xFFFF  }
0xc7: {  	p0 =	sne.s32 s0, $0x0;
	s0 =	rddreg [dreg:$0x2]  }
0xc8: {  	s0 =	sadd.s32 @!p0 $0x100000, s0  }
0xc9: {  	[sflag:s0] =	ssyncadd.tile.s32 @!p0 $0x1;
	_ =	shalt  }
.Lfunc_end2:
_tile_overlayer_lowered:
.L_overlay_start_2:
0xca: {  	(tag) =	ssettag $0x2  }
0xcb: {  	s0 =	rddreg [dreg:$0x0];
	s2 =	stileid.u32  }
0xcc: {  	s1 =	rddreg [dreg:$0x1];
	p0 =	sne.s32 s2, $0x0  }
0xcd: {  	s3 =	rddreg [dreg:$0x2];
	[bflag:$0x3] =	sbarrier.arrive $0xFFFF;
	s2 =	simm.s32 @!p0 $0x1C07  }
0xce: {  	[timem:s3], [sflag:s2] =	dma.local @!p0 [hbm:s0], s1  }
0xcf: {  	s0 =	simm.s32 @!p0 $0x7  }
0xd0: {  	_ =	swait.ge @!p0 [sflag:s0], s1  }
0xd1: {  	s1 =	ssub.s32 @!p0 $0x0, s1;
	[sflag:s0] =	ssyncset.done @!p0 $0x0  }
0xd2: {  	[sflag:s0] =	ssyncadd.s32 @!p0 s1  }
0xd3: {  	[bflag:$0x3] =	sbarrier.arrive $0xFFFF  }
0xd4: {  	_ =	shalt  }

</sc_bundles>
